<compile_context>
chip_gen: v7x
topology: tpu7x:2x2x1
jax: 0.10.2.dev20260603
libtpu: 0.0.44.dev20260713+nightly
codegen_flags: <defaults>
</compile_context>

<pallas_src>
import functools

import jax
import jax.numpy as jnp
from jax import lax
from jax.experimental import pallas as pl
from jax.experimental.pallas import tpu as pltpu
from jax.experimental.pallas import tpu_sc as plsc

F = 128
CUTOFF = 5.0


def _silu(x):
    return x * jax.nn.sigmoid(x)


def _cutoff(d):
    return 0.5 * (jnp.cos(jnp.pi * d / CUTOFF) + 1.0) * (d < CUTOFF).astype(jnp.float32)



def _edge_kernel_body(ns_src, ns_dst, nv_src, es, ev, dist, vctr,
                      W_nn, b_nn, W_ep, b_ep, gm_W1, gm_b1, gm_Wo, gm_bo,
                      gm_Wg, gm_bg, W_ev, b_ev,
                      es_aug_o, ev_upd_o, es_out_o, ev_out_o):
    x_es = es[...]
    x_ev = ev[...]
    x_nv = nv_src[...]
    w_nn = W_nn[...]
    nn = (jnp.dot(ns_src[...], w_nn[:F, :], preferred_element_type=jnp.float32)
          + jnp.dot(ns_dst[...], w_nn[F:, :], preferred_element_type=jnp.float32)
          + b_nn[...])
    em = nn * (jnp.dot(x_es, W_ep[...], preferred_element_type=jnp.float32) + b_ep[...])
    h = _silu(jnp.dot(em, gm_W1[...], preferred_element_type=jnp.float32) + gm_b1[...])
    es_upd = ((jnp.dot(h, gm_Wo[...], preferred_element_type=jnp.float32) + gm_bo[...])
              * jax.nn.sigmoid(jnp.dot(h, gm_Wg[...], preferred_element_type=jnp.float32)
                               + gm_bg[...]))
    cut = _cutoff(dist[...])
    es_upd = es_upd * cut
    vc = jnp.dot(es_upd, W_ev[...], preferred_element_type=jnp.float32) + b_ev[...]
    node_ch = vc[:, :F]
    edge_ch = vc[:, F:2 * F]
    rel_ch = vc[:, 2 * F:]
    B = x_es.shape[0]
    x_vc = vctr[...]
    evs = []
    for c in range(3):
        ev_c = (x_nv[:, c * F:(c + 1) * F] * node_ch
                + x_ev[:, c * F:(c + 1) * F] * edge_ch
                + x_vc[:, c:c + 1] * rel_ch) * cut
        evs.append(ev_c)
    ev_upd = jnp.concatenate(evs, axis=1)
    ones_col = jnp.ones((B, 1), jnp.float32)
    zeros_pad = jnp.zeros((B, 127), jnp.float32)
    es_aug_o[...] = jnp.concatenate([es_upd, ones_col, zeros_pad], axis=1)
    ev_upd_o[...] = ev_upd
    es_out_o[...] = es_upd + x_es
    ev_out_o[...] = ev_upd + x_ev


def _edge_tc(ns_src, ns_dst, nv_src, es2, ev2, dist, vctr, params,
             interpret=False):
    E = es2.shape[0]
    B = 640
    grid = E // B
    (W_nn, b_nn, W_ep, b_ep, gm_W1, gm_b1, gm_Wo, gm_bo, gm_Wg, gm_bg,
     W_ev, b_ev) = params
    row = lambda n: pl.BlockSpec((B, n), lambda i: (i, 0))
    full = lambda a: pl.BlockSpec(a.shape, lambda i: (0,) * a.ndim)
    in_specs = [row(F), row(F), row(3 * F), row(F), row(3 * F), row(1), row(3)] + \
               [full(w) for w in params]
    out_specs = [row(F + 128), row(3 * F), row(F), row(3 * F)]
    out_shape = [
        jax.ShapeDtypeStruct((E, F + 128), jnp.float32),
        jax.ShapeDtypeStruct((E, 3 * F), jnp.float32),
        jax.ShapeDtypeStruct((E, F), jnp.float32),
        jax.ShapeDtypeStruct((E, 3 * F), jnp.float32),
    ]
    return pl.pallas_call(
        _edge_kernel_body,
        grid=(grid,),
        in_specs=in_specs,
        out_specs=out_specs,
        out_shape=out_shape,
        interpret=interpret,
    )(ns_src, ns_dst, nv_src, es2, ev2, dist, vctr, *params)



def _node_kernel_body(ev_p0, ev_p1, es_p0, es_p1, ns, nv,
                      W_nvout, W_nvch, b_nvch, W_nvproj, W_nsproj, b_nsproj,
                      ln_g, ln_b, cn_scale,
                      ns_out_o, nv_out_o):
    x_es_aug = es_p0[...] + es_p1[...]
    es_sum = x_es_aug[:, :F]
    deg = x_es_aug[:, F:F + 1]
    denom = jnp.maximum(deg, 1.0)
    inv = 1.0 / denom
    n_es = es_sum * inv
    x_ev = ev_p0[...] + ev_p1[...]
    w_out = W_nvout[...]
    nvo = [jnp.dot(x_ev[:, c * F:(c + 1) * F] * inv, w_out,
                   preferred_element_type=jnp.float32) for c in range(3)]
    o3sq = sum(o[:, 2 * F:] ** 2 for o in nvo)
    o3_norm = jnp.sqrt(o3sq)
    w_ch = W_nvch[...]
    v_channel = (jnp.dot(n_es, w_ch[:F, :], preferred_element_type=jnp.float32)
                 + jnp.dot(o3_norm, w_ch[F:, :], preferred_element_type=jnp.float32)
                 + b_nvch[...])
    nvu = [o[:, :F] * v_channel + o[:, F:2 * F] for o in nvo]
    w_proj = W_nvproj[...]
    nvp = [jnp.dot(u, w_proj, preferred_element_type=jnp.float32) for u in nvu]
    ns_proj = _silu(jnp.dot(n_es, W_nsproj[...], preferred_element_type=jnp.float32)
                    + b_nsproj[...])
    nv_dot = sum(p[:, :F] * p[:, F:] for p in nvp)
    n_s_update = nv_dot * ns_proj[:, :F] + ns_proj[:, F:]
    ns_res = n_s_update + ns[...]
    mu = jnp.mean(ns_res, axis=1, keepdims=True)
    var = jnp.mean((ns_res - mu) ** 2, axis=1, keepdims=True)
    ns_out_o[...] = (ns_res - mu) / jnp.sqrt(var + 1e-5) * ln_g[...] + ln_b[...]
    x_nv = nv[...]
    nv_res = [nvu[c] + x_nv[:, c * F:(c + 1) * F] for c in range(3)]
    vnorm = jnp.sqrt(sum(r ** 2 for r in nv_res))
    scale = cn_scale[...] / (vnorm + 1e-8)
    nv_out_o[...] = jnp.concatenate([r * scale for r in nv_res], axis=1)


def _node_tc(ev_part, es_part, ns2, nv2, params, interpret=False):
    N = ns2.shape[0]
    B = 400
    grid = N // B
    off = _RPAD // B
    row = lambda n: pl.BlockSpec((B, n), lambda i: (i, 0))
    row_off = lambda n: pl.BlockSpec((B, n), lambda i: (i + off, 0))
    full = lambda a: pl.BlockSpec(a.shape, lambda i: (0,) * a.ndim)
    in_specs = [row(3 * F), row_off(3 * F), row(F + 128), row_off(F + 128),
                row(F), row(3 * F)] + [full(w) for w in params]
    out_specs = [row(F), row(3 * F)]
    out_shape = [
        jax.ShapeDtypeStruct((N, F), jnp.float32),
        jax.ShapeDtypeStruct((N, 3 * F), jnp.float32),
    ]
    return pl.pallas_call(
        _node_kernel_body,
        grid=(grid,),
        in_specs=in_specs,
        out_specs=out_specs,
        out_shape=out_shape,
        interpret=interpret,
    )(ev_part, ev_part, es_part, es_part, ns2, nv2, *params)



_NC = 2
_NS = 16
_NW = _NC * _NS


def _sc_mesh():
    return plsc.VectorSubcoreMesh(core_axis_name="c", subcore_axis_name="s")


def _sc_gather(ns2, nv2, src, dst):
    E = src.shape[0]
    EW = E // _NW
    C = 128
    nfull = EW // C
    rem = EW - nfull * C

    @functools.partial(
        pl.kernel,
        mesh=_sc_mesh(),
        out_type=[
            jax.ShapeDtypeStruct((E, F), jnp.float32),
            jax.ShapeDtypeStruct((E, F), jnp.float32),
            jax.ShapeDtypeStruct((E, 3 * F), jnp.float32),
        ],
        scratch_types=[
            pltpu.VMEM((C,), jnp.int32),
            pltpu.VMEM((C, F), jnp.float32),
            pltpu.VMEM((C, 3 * F), jnp.float32),
            pltpu.SemaphoreType.DMA,
        ],
    )
    def gather_k(ns_hbm, nv_hbm, src_hbm, dst_hbm, o_ns_src, o_ns_dst,
                 o_nv_src, idx_v, r1, r3, sem):
        wid = lax.axis_index("s") * _NC + lax.axis_index("c")
        base = wid * EW

        def do_chunk(st):
            pltpu.sync_copy(src_hbm.at[pl.ds(st, C)], idx_v)
            pltpu.async_copy(ns_hbm.at[idx_v], r1, sem).wait()
            pltpu.sync_copy(r1, o_ns_src.at[pl.ds(st, C)])
            pltpu.async_copy(nv_hbm.at[idx_v], r3, sem).wait()
            pltpu.sync_copy(r3, o_nv_src.at[pl.ds(st, C)])
            pltpu.sync_copy(dst_hbm.at[pl.ds(st, C)], idx_v)
            pltpu.async_copy(ns_hbm.at[idx_v], r1, sem).wait()
            pltpu.sync_copy(r1, o_ns_dst.at[pl.ds(st, C)])

        def chunk(i, _):
            do_chunk(base + i * C)
            return 0

        lax.fori_loop(0, nfull, chunk, 0)
        if rem:
            do_chunk(base + EW - C)

    return gather_k(ns2, nv2, src, dst)


_RPAD = 10400


def _gather_jnp(node_s2, node_v2, src, dst):
    return node_s2[src], node_s2[dst], node_v2[src]


def _scatter_jnp(es_aug, ev_upd, dst, N):
    sum_es_aug = jax.ops.segment_sum(es_aug, dst, num_segments=N)
    sum_ev = jax.ops.segment_sum(ev_upd, dst, num_segments=N)
    pad = lambda x: jnp.concatenate(
        [x, jnp.zeros((2 * _RPAD - N, x.shape[1]), jnp.float32)], axis=0)
    return pad(sum_ev), pad(sum_es_aug)


def kernel(node_s, node_v, edge_s, edge_v, dist, vctr_norm, edge_index,
           W_nn, b_nn, W_ep, b_ep, gm_W1, gm_b1, gm_Wo, gm_bo, gm_Wg, gm_bg,
           W_ev, b_ev, W_nvout, W_nvch, b_nvch, W_nvproj, W_nsproj, b_nsproj,
           ln_g, ln_b, cn_scale):
    N = node_s.shape[0]
    E = edge_s.shape[0]
    src = edge_index[0]
    dst = edge_index[1]
    ns2 = node_s.reshape(N, F)
    nv2 = node_v.reshape(N, 3 * F)
    es2 = edge_s.reshape(E, F)
    ev2 = edge_v.reshape(E, 3 * F)

    ns_src, ns_dst, nv_src = _sc_gather(ns2, nv2, src, dst)

    edge_params = (W_nn, b_nn.reshape(1, F), W_ep, b_ep.reshape(1, F),
                   gm_W1, gm_b1.reshape(1, F), gm_Wo, gm_bo.reshape(1, F),
                   gm_Wg, gm_bg.reshape(1, F), W_ev, b_ev.reshape(1, 3 * F))
    es_aug, ev_upd, edge_s_out, edge_v_out = _edge_tc(
        ns_src, ns_dst, nv_src, es2, ev2, dist, vctr_norm, edge_params)

    ev_part, es_part = _scatter_jnp(es_aug, ev_upd, dst, N)

    node_params = (W_nvout, W_nvch, b_nvch.reshape(1, F), W_nvproj,
                   W_nsproj, b_nsproj.reshape(1, 2 * F),
                   ln_g.reshape(1, F), ln_b.reshape(1, F),
                   cn_scale.reshape(1, F))
    ns_out, nv_out = _node_tc(ev_part, es_part, ns2, nv2, node_params)

    return (ns_out.reshape(N, 1, F), nv_out.reshape(N, 3, F),
            edge_s_out.reshape(E, 1, F), edge_v_out.reshape(E, 3, F))

# --- scband reference (transcript-rebuilt; emitter-appended) ---
"""Pipeline reference for scband-two-body-equi-graph-conv-31499290149199 (READ-ONLY COPY).

The authoritative reference and input builder live on the scoring server;
editing this copy changes nothing except your own understanding.
"""

import jax, jax.numpy as jnp
import numpy as np

N = 10000
E = 160000
F = 128
CUTOFF = 5.0


def _xavier(key, shape):
    lim = float(np.sqrt(6.0 / (shape[0] + shape[1])))
    return jax.random.uniform(key, shape, minval=-lim, maxval=lim, dtype=jnp.float32)


def setup_inputs(seed: int = 0) -> dict:
    key = jax.random.key(seed)
    ks = jax.random.split(key, 30)
    inp = {}
    # forward args (DGL graph replaced by edge_index + required edge data dist/vctr_norm)
    inp["node_s"] = jax.random.normal(ks[0], (N, 1, F), dtype=jnp.float32)
    inp["node_v"] = jax.random.normal(ks[1], (N, 3, F), dtype=jnp.float32)
    inp["edge_s"] = jax.random.normal(ks[2], (E, 1, F), dtype=jnp.float32)
    inp["edge_v"] = jax.random.normal(ks[3], (E, 3, F), dtype=jnp.float32)
    inp["dist"] = jax.random.uniform(ks[4], (E, 1), dtype=jnp.float32)
    inp["vctr_norm"] = jax.random.normal(ks[5], (E, 3), dtype=jnp.float32)
    inp["edge_index"] = jax.random.randint(ks[6], (2, E), 0, N, dtype=jnp.int32)
    # parameters
    inp["W_nn"] = _xavier(ks[7], (2 * F, F)); inp["b_nn"] = jnp.zeros((F,), jnp.float32)
    inp["W_ep"] = _xavier(ks[8], (F, F)); inp["b_ep"] = jnp.zeros((F,), jnp.float32)
    inp["gm_W1"] = _xavier(ks[9], (F, F)); inp["gm_b1"] = jnp.zeros((F,), jnp.float32)
    inp["gm_Wo"] = _xavier(ks[10], (F, F)); inp["gm_bo"] = jnp.zeros((F,), jnp.float32)
    inp["gm_Wg"] = _xavier(ks[11], (F, F)); inp["gm_bg"] = jnp.zeros((F,), jnp.float32)
    inp["W_ev"] = _xavier(ks[12], (F, 3 * F)); inp["b_ev"] = jnp.zeros((3 * F,), jnp.float32)
    inp["W_nvout"] = _xavier(ks[13], (F, 3 * F))
    inp["W_nvch"] = _xavier(ks[14], (2 * F, F)); inp["b_nvch"] = jnp.zeros((F,), jnp.float32)
    inp["W_nvproj"] = _xavier(ks[15], (F, 2 * F))
    inp["W_nsproj"] = _xavier(ks[16], (F, 2 * F)); inp["b_nsproj"] = jnp.zeros((2 * F,), jnp.float32)
    inp["ln_g"] = jnp.ones((F,), jnp.float32); inp["ln_b"] = jnp.zeros((F,), jnp.float32)
    inp["cn_scale"] = jnp.ones((F,), jnp.float32)
    return inp


def _silu(x):
    return x * jax.nn.sigmoid(x)


def _cutoff(d):
    return 0.5 * (jnp.cos(jnp.pi * d / CUTOFF) + 1.0) * (d < CUTOFF).astype(jnp.float32)


def reference(node_s, node_v, edge_s, edge_v, dist, vctr_norm, edge_index,
              W_nn, b_nn, W_ep, b_ep, gm_W1, gm_b1, gm_Wo, gm_bo, gm_Wg, gm_bg,
              W_ev, b_ev, W_nvout, W_nvch, b_nvch, W_nvproj, W_nsproj, b_nsproj,
              ln_g, ln_b, cn_scale):
    src = edge_index[0]
    dst = edge_index[1]
    cut = _cutoff(dist)[..., None]  # [E,1,1]

    # _update_edge_s
    nn_feat = jnp.concatenate([node_s[src], node_s[dst]], axis=-1) @ W_nn + b_nn  # [E,1,F]
    edge_message = nn_feat * (edge_s @ W_ep + b_ep)
    h = _silu(edge_message @ gm_W1 + gm_b1)
    es_update = (h @ gm_Wo + gm_bo) * jax.nn.sigmoid(h @ gm_Wg + gm_bg)  # GateMLP
    es_update = es_update * cut  # [E,1,F]

    # _update_edge_v
    vec_channels = es_update @ W_ev + b_ev  # [E,1,3F]
    node_ch, edge_ch, rel_ch = jnp.split(vec_channels, 3, axis=-1)  # [E,1,F] each
    ev_update = node_v[src] * node_ch + edge_v * edge_ch + vctr_norm[..., None] * rel_ch
    ev_update = ev_update * cut  # [E,3,F]

    # mean aggregation to destination nodes
    deg = jnp.zeros((N,), jnp.float32).at[dst].add(1.0)
    denom = jnp.maximum(deg, 1.0)[:, None, None]
    n_ev = jax.ops.segment_sum(ev_update, dst, num_segments=N) / denom  # [N,3,F]
    n_es = jax.ops.segment_sum(es_update, dst, num_segments=N) / denom  # [N,1,F]

    # _update_node_v
    nv_out = n_ev @ W_nvout  # [N,3,3F]
    nv_o1, nv_o2, nv_o3 = jnp.split(nv_out, 3, axis=-1)
    nv_o3_norm = jnp.linalg.norm(nv_o3, axis=1, keepdims=True)  # [N,1,F]
    v_channel = jnp.concatenate([n_es, nv_o3_norm], axis=-1) @ W_nvch + b_nvch  # [N,1,F]
    n_v_update = nv_o1 * v_channel + nv_o2  # [N,3,F]

    # _update_node_s
    nv_proj = n_v_update @ W_nvproj  # [N,3,2F]
    ns_proj = _silu(n_es @ W_nsproj + b_nsproj)  # [N,1,2F]
    nv_p1, nv_p2 = jnp.split(nv_proj, 2, axis=-1)
    ns_p1, ns_p2 = jnp.split(ns_proj, 2, axis=-1)
    nv_dot = jnp.sum(nv_p1 * nv_p2, axis=1, keepdims=True)  # [N,1,F]
    n_s_update = nv_dot * ns_p1 + ns_p2  # [N,1,F]

    # residuals + norms
    ns_res = n_s_update + node_s
    mu = jnp.mean(ns_res, axis=-1, keepdims=True)
    var = jnp.var(ns_res, axis=-1, keepdims=True)
    node_s_out = (ns_res - mu) / jnp.sqrt(var + 1e-5) * ln_g + ln_b

    nv_res = n_v_update + node_v
    vnorm = jnp.linalg.norm(nv_res, axis=1, keepdims=True)
    node_v_out = nv_res / (vnorm + 1e-8) * cn_scale  # CoorsNorm

    edge_s_out = es_update + edge_s
    edge_v_out = ev_update + edge_v
    return (node_s_out, node_v_out, edge_s_out, edge_v_out)

if __name__ == "__main__":
    import jax
    _d = setup_inputs()
    print(jax.jit(kernel)(*tuple(_d.values())))

</pallas_src>

<mosaic_0001>
#map = affine_map<(d0, d1) -> (0, 0)>
#map1 = affine_map<(d0, d1) -> (0)>
module attributes {stable_mosaic.version = 14 : i64} {
  func.func @gather_k(%arg0: i32, %arg1: i32, %arg2: memref<10000x128xf32, #tpu.memory_space<hbm>>, %arg3: memref<10000x384xf32, #tpu.memory_space<hbm>>, %arg4: memref<160000xi32, #tpu.memory_space<hbm>>, %arg5: memref<160000xi32, #tpu.memory_space<hbm>>, %arg6: memref<160000x128xf32, #tpu.memory_space<hbm>>, %arg7: memref<160000x128xf32, #tpu.memory_space<hbm>>, %arg8: memref<160000x384xf32, #tpu.memory_space<hbm>>, %arg9: memref<128xi32, #tpu.memory_space<vmem>>, %arg10: memref<128x128xf32, #tpu.memory_space<vmem>>, %arg11: memref<128x384xf32, #tpu.memory_space<vmem>>, %arg12: memref<!tpu.dma_semaphore, #tpu.memory_space<semaphore_mem>>) attributes {dimension_semantics = [#tpu.dimension_semantics<core_parallel>, #tpu.dimension_semantics<subcore_parallel>], iteration_bounds = array<i64: 2, 16>, scalar_prefetch = 0 : i64, scratch_operands = 4 : i64, tpu.core_type = #tpu.core_type<sc_vector_subcore>, window_params = [{transform_indices = #map}, {transform_indices = #map}, {transform_indices = #map1}, {transform_indices = #map1}, {transform_indices = #map}, {transform_indices = #map}, {transform_indices = #map}]} {
    %mul3A = arith.constant 2 : i32
    %mul3A_0 = arith.muli %arg1, %mul3A : i32
    %add3A = arith.addi %mul3A_0, %arg0 : i32
    %mul3A_1 = arith.constant 5000 : i32
    %mul3A_2 = arith.muli %add3A, %mul3A_1 : i32
    %scan3A = arith.constant 0 : i32
    %scan3A_3 = arith.constant 0 : i32
    %scan3A_4 = arith.constant 39 : i32
    %scan3A_5 = arith.addi %scan3A_3, %scan3A_4 : i32
    %scan3A_6 = arith.constant 1 : i32
    %scan3A_7 = scf.for %scan3A_28 = %scan3A_3 to %scan3A_5 step %scan3A_6 iter_args(%scan3A_29 = %scan3A) -> (i32)  : i32 {
      %mul3A_30 = arith.constant 128 : i32
      %mul3A_31 = arith.muli %scan3A_28, %mul3A_30 : i32
      %add3A_32 = arith.addi %mul3A_2, %mul3A_31 : i32
      "tpu.region"() ({
        %run_scoped3A = tpu.sem_alloc : memref<!tpu.dma_semaphore, #tpu.memory_space<semaphore_mem>>
        %dma_start3A_52 = tpu.memref_slice %arg4[%add3A_32] : memref<160000xi32, #tpu.memory_space<hbm>> -> memref<128xi32, #tpu.memory_space<hbm>>
        %dma_start3A_53 = tpu.memref_slice %arg4[%add3A_32] : memref<160000xi32, #tpu.memory_space<hbm>> -> memref<128xi32, #tpu.memory_space<hbm>>
        tpu.enqueue_dma source(%dma_start3A_53 : memref<128xi32, #tpu.memory_space<hbm>>) target(%arg9 : memref<128xi32, #tpu.memory_space<vmem>>) target_semaphore(%run_scoped3A : memref<!tpu.dma_semaphore, #tpu.memory_space<semaphore_mem>>)
        %dma_wait3A_54 = tpu.memref_slice %arg4[%add3A_32] : memref<160000xi32, #tpu.memory_space<hbm>> -> memref<128xi32, #tpu.memory_space<hbm>>
        %dma_wait3A_55 = tpu.memref_slice %arg4[%add3A_32] : memref<160000xi32, #tpu.memory_space<hbm>> -> memref<128xi32, #tpu.memory_space<hbm>>
        tpu.wait_dma2 semaphore(%run_scoped3A : memref<!tpu.dma_semaphore, #tpu.memory_space<semaphore_mem>>) src(%dma_wait3A_55 : memref<128xi32, #tpu.memory_space<hbm>>) dst(%arg9 : memref<128xi32, #tpu.memory_space<vmem>>)
        tpu.yield
      }) : () -> ()
      %dma_start3A_33 = arith.constant 0 : i32
      %dma_start3A_34 = arith.constant 0 : i32
      %dma_start3A_35 = tpu.memref_slice %arg2[%dma_start3A_33, %dma_start3A_34] : memref<10000x128xf32, #tpu.memory_space<hbm>> -> memref<10000x128xf32, #tpu.memory_space<hbm>>
      tpu.enqueue_indirect_dma source(%dma_start3A_35 : memref<10000x128xf32, #tpu.memory_space<hbm>>) target(%arg10 : memref<128x128xf32, #tpu.memory_space<vmem>>) offsets(%arg9 : memref<128xi32, #tpu.memory_space<vmem>>) semaphore(%arg12 : memref<!tpu.dma_semaphore, #tpu.memory_space<semaphore_mem>>)
      %dma_wait3A_36 = arith.constant 0 : i32
      %dma_wait3A_37 = arith.constant 0 : i32
      %dma_wait3A_38 = tpu.memref_slice %arg2[%dma_wait3A_36, %dma_wait3A_37] : memref<10000x128xf32, #tpu.memory_space<hbm>> -> memref<10000x128xf32, #tpu.memory_space<hbm>>
      tpu.wait_indirect_dma semaphore(%arg12 : memref<!tpu.dma_semaphore, #tpu.memory_space<semaphore_mem>>) src(%dma_wait3A_38 : memref<10000x128xf32, #tpu.memory_space<hbm>>) dst(%arg10 : memref<128x128xf32, #tpu.memory_space<vmem>>)
      "tpu.region"() ({
        %run_scoped3A = tpu.sem_alloc : memref<!tpu.dma_semaphore, #tpu.memory_space<semaphore_mem>>
        %dma_start3A_52 = arith.constant 0 : i32
        %dma_start3A_53 = tpu.memref_slice %arg6[%add3A_32, %dma_start3A_52] : memref<160000x128xf32, #tpu.memory_space<hbm>> -> memref<128x128xf32, #tpu.memory_space<hbm>>
        %dma_start3A_54 = arith.constant 0 : i32
        %dma_start3A_55 = tpu.memref_slice %arg6[%add3A_32, %dma_start3A_54] : memref<160000x128xf32, #tpu.memory_space<hbm>> -> memref<128x128xf32, #tpu.memory_space<hbm>>
        tpu.enqueue_dma source(%arg10 : memref<128x128xf32, #tpu.memory_space<vmem>>) target(%dma_start3A_55 : memref<128x128xf32, #tpu.memory_space<hbm>>) target_semaphore(%run_scoped3A : memref<!tpu.dma_semaphore, #tpu.memory_space<semaphore_mem>>)
        %dma_wait3A_56 = arith.constant 0 : i32
        %dma_wait3A_57 = tpu.memref_slice %arg6[%add3A_32, %dma_wait3A_56] : memref<160000x128xf32, #tpu.memory_space<hbm>> -> memref<128x128xf32, #tpu.memory_space<hbm>>
        %dma_wait3A_58 = arith.constant 0 : i32
        %dma_wait3A_59 = tpu.memref_slice %arg6[%add3A_32, %dma_wait3A_58] : memref<160000x128xf32, #tpu.memory_space<hbm>> -> memref<128x128xf32, #tpu.memory_space<hbm>>
        tpu.wait_dma2 semaphore(%run_scoped3A : memref<!tpu.dma_semaphore, #tpu.memory_space<semaphore_mem>>) src(%arg10 : memref<128x128xf32, #tpu.memory_space<vmem>>) dst(%dma_wait3A_59 : memref<128x128xf32, #tpu.memory_space<hbm>>)
        tpu.yield
      }) : () -> ()
      %dma_start3A_39 = arith.constant 0 : i32
      %dma_start3A_40 = arith.constant 0 : i32
      %dma_start3A_41 = tpu.memref_slice %arg3[%dma_start3A_39, %dma_start3A_40] : memref<10000x384xf32, #tpu.memory_space<hbm>> -> memref<10000x384xf32, #tpu.memory_space<hbm>>
      tpu.enqueue_indirect_dma source(%dma_start3A_41 : memref<10000x384xf32, #tpu.memory_space<hbm>>) target(%arg11 : memref<128x384xf32, #tpu.memory_space<vmem>>) offsets(%arg9 : memref<128xi32, #tpu.memory_space<vmem>>) semaphore(%arg12 : memref<!tpu.dma_semaphore, #tpu.memory_space<semaphore_mem>>)
      %dma_wait3A_42 = arith.constant 0 : i32
      %dma_wait3A_43 = arith.constant 0 : i32
      %dma_wait3A_44 = tpu.memref_slice %arg3[%dma_wait3A_42, %dma_wait3A_43] : memref<10000x384xf32, #tpu.memory_space<hbm>> -> memref<10000x384xf32, #tpu.memory_space<hbm>>
      tpu.wait_indirect_dma semaphore(%arg12 : memref<!tpu.dma_semaphore, #tpu.memory_space<semaphore_mem>>) src(%dma_wait3A_44 : memref<10000x384xf32, #tpu.memory_space<hbm>>) dst(%arg11 : memref<128x384xf32, #tpu.memory_space<vmem>>)
      "tpu.region"() ({
        %run_scoped3A = tpu.sem_alloc : memref<!tpu.dma_semaphore, #tpu.memory_space<semaphore_mem>>
        %dma_start3A_52 = arith.constant 0 : i32
        %dma_start3A_53 = tpu.memref_slice %arg8[%add3A_32, %dma_start3A_52] : memref<160000x384xf32, #tpu.memory_space<hbm>> -> memref<128x384xf32, #tpu.memory_space<hbm>>
        %dma_start3A_54 = arith.constant 0 : i32
        %dma_start3A_55 = tpu.memref_slice %arg8[%add3A_32, %dma_start3A_54] : memref<160000x384xf32, #tpu.memory_space<hbm>> -> memref<128x384xf32, #tpu.memory_space<hbm>>
        tpu.enqueue_dma source(%arg11 : memref<128x384xf32, #tpu.memory_space<vmem>>) target(%dma_start3A_55 : memref<128x384xf32, #tpu.memory_space<hbm>>) target_semaphore(%run_scoped3A : memref<!tpu.dma_semaphore, #tpu.memory_space<semaphore_mem>>)
        %dma_wait3A_56 = arith.constant 0 : i32
        %dma_wait3A_57 = tpu.memref_slice %arg8[%add3A_32, %dma_wait3A_56] : memref<160000x384xf32, #tpu.memory_space<hbm>> -> memref<128x384xf32, #tpu.memory_space<hbm>>
        %dma_wait3A_58 = arith.constant 0 : i32
        %dma_wait3A_59 = tpu.memref_slice %arg8[%add3A_32, %dma_wait3A_58] : memref<160000x384xf32, #tpu.memory_space<hbm>> -> memref<128x384xf32, #tpu.memory_space<hbm>>
        tpu.wait_dma2 semaphore(%run_scoped3A : memref<!tpu.dma_semaphore, #tpu.memory_space<semaphore_mem>>) src(%arg11 : memref<128x384xf32, #tpu.memory_space<vmem>>) dst(%dma_wait3A_59 : memref<128x384xf32, #tpu.memory_space<hbm>>)
        tpu.yield
      }) : () -> ()
      "tpu.region"() ({
        %run_scoped3A = tpu.sem_alloc : memref<!tpu.dma_semaphore, #tpu.memory_space<semaphore_mem>>
        %dma_start3A_52 = tpu.memref_slice %arg5[%add3A_32] : memref<160000xi32, #tpu.memory_space<hbm>> -> memref<128xi32, #tpu.memory_space<hbm>>
        %dma_start3A_53 = tpu.memref_slice %arg5[%add3A_32] : memref<160000xi32, #tpu.memory_space<hbm>> -> memref<128xi32, #tpu.memory_space<hbm>>
        tpu.enqueue_dma source(%dma_start3A_53 : memref<128xi32, #tpu.memory_space<hbm>>) target(%arg9 : memref<128xi32, #tpu.memory_space<vmem>>) target_semaphore(%run_scoped3A : memref<!tpu.dma_semaphore, #tpu.memory_space<semaphore_mem>>)
        %dma_wait3A_54 = tpu.memref_slice %arg5[%add3A_32] : memref<160000xi32, #tpu.memory_space<hbm>> -> memref<128xi32, #tpu.memory_space<hbm>>
        %dma_wait3A_55 = tpu.memref_slice %arg5[%add3A_32] : memref<160000xi32, #tpu.memory_space<hbm>> -> memref<128xi32, #tpu.memory_space<hbm>>
        tpu.wait_dma2 semaphore(%run_scoped3A : memref<!tpu.dma_semaphore, #tpu.memory_space<semaphore_mem>>) src(%dma_wait3A_55 : memref<128xi32, #tpu.memory_space<hbm>>) dst(%arg9 : memref<128xi32, #tpu.memory_space<vmem>>)
        tpu.yield
      }) : () -> ()
      %dma_start3A_45 = arith.constant 0 : i32
      %dma_start3A_46 = arith.constant 0 : i32
      %dma_start3A_47 = tpu.memref_slice %arg2[%dma_start3A_45, %dma_start3A_46] : memref<10000x128xf32, #tpu.memory_space<hbm>> -> memref<10000x128xf32, #tpu.memory_space<hbm>>
      tpu.enqueue_indirect_dma source(%dma_start3A_47 : memref<10000x128xf32, #tpu.memory_space<hbm>>) target(%arg10 : memref<128x128xf32, #tpu.memory_space<vmem>>) offsets(%arg9 : memref<128xi32, #tpu.memory_space<vmem>>) semaphore(%arg12 : memref<!tpu.dma_semaphore, #tpu.memory_space<semaphore_mem>>)
      %dma_wait3A_48 = arith.constant 0 : i32
      %dma_wait3A_49 = arith.constant 0 : i32
      %dma_wait3A_50 = tpu.memref_slice %arg2[%dma_wait3A_48, %dma_wait3A_49] : memref<10000x128xf32, #tpu.memory_space<hbm>> -> memref<10000x128xf32, #tpu.memory_space<hbm>>
      tpu.wait_indirect_dma semaphore(%arg12 : memref<!tpu.dma_semaphore, #tpu.memory_space<semaphore_mem>>) src(%dma_wait3A_50 : memref<10000x128xf32, #tpu.memory_space<hbm>>) dst(%arg10 : memref<128x128xf32, #tpu.memory_space<vmem>>)
      "tpu.region"() ({
        %run_scoped3A = tpu.sem_alloc : memref<!tpu.dma_semaphore, #tpu.memory_space<semaphore_mem>>
        %dma_start3A_52 = arith.constant 0 : i32
        %dma_start3A_53 = tpu.memref_slice %arg7[%add3A_32, %dma_start3A_52] : memref<160000x128xf32, #tpu.memory_space<hbm>> -> memref<128x128xf32, #tpu.memory_space<hbm>>
        %dma_start3A_54 = arith.constant 0 : i32
        %dma_start3A_55 = tpu.memref_slice %arg7[%add3A_32, %dma_start3A_54] : memref<160000x128xf32, #tpu.memory_space<hbm>> -> memref<128x128xf32, #tpu.memory_space<hbm>>
        tpu.enqueue_dma source(%arg10 : memref<128x128xf32, #tpu.memory_space<vmem>>) target(%dma_start3A_55 : memref<128x128xf32, #tpu.memory_space<hbm>>) target_semaphore(%run_scoped3A : memref<!tpu.dma_semaphore, #tpu.memory_space<semaphore_mem>>)
        %dma_wait3A_56 = arith.constant 0 : i32
        %dma_wait3A_57 = tpu.memref_slice %arg7[%add3A_32, %dma_wait3A_56] : memref<160000x128xf32, #tpu.memory_space<hbm>> -> memref<128x128xf32, #tpu.memory_space<hbm>>
        %dma_wait3A_58 = arith.constant 0 : i32
        %dma_wait3A_59 = tpu.memref_slice %arg7[%add3A_32, %dma_wait3A_58] : memref<160000x128xf32, #tpu.memory_space<hbm>> -> memref<128x128xf32, #tpu.memory_space<hbm>>
        tpu.wait_dma2 semaphore(%run_scoped3A : memref<!tpu.dma_semaphore, #tpu.memory_space<semaphore_mem>>) src(%arg10 : memref<128x128xf32, #tpu.memory_space<vmem>>) dst(%dma_wait3A_59 : memref<128x128xf32, #tpu.memory_space<hbm>>)
        tpu.yield
      }) : () -> ()
      %scan3A_51 = arith.constant 0 : i32
      scf.yield %scan3A_51 : i32
    }
    %scan3A_8 = arith.constant 39 : i32
    %add3A_9 = arith.constant 5000 : i32
    %add3A_10 = arith.addi %mul3A_2, %add3A_9 : i32
    %sub3A = arith.constant 128 : i32
    %sub3A_11 = arith.subi %add3A_10, %sub3A : i32
    "tpu.region"() ({
      %run_scoped3A = tpu.sem_alloc : memref<!tpu.dma_semaphore, #tpu.memory_space<semaphore_mem>>
      %dma_start3A_28 = tpu.memref_slice %arg4[%sub3A_11] : memref<160000xi32, #tpu.memory_space<hbm>> -> memref<128xi32, #tpu.memory_space<hbm>>
      %dma_start3A_29 = tpu.memref_slice %arg4[%sub3A_11] : memref<160000xi32, #tpu.memory_space<hbm>> -> memref<128xi32, #tpu.memory_space<hbm>>
      tpu.enqueue_dma source(%dma_start3A_29 : memref<128xi32, #tpu.memory_space<hbm>>) target(%arg9 : memref<128xi32, #tpu.memory_space<vmem>>) target_semaphore(%run_scoped3A : memref<!tpu.dma_semaphore, #tpu.memory_space<semaphore_mem>>)
      %dma_wait3A_30 = tpu.memref_slice %arg4[%sub3A_11] : memref<160000xi32, #tpu.memory_space<hbm>> -> memref<128xi32, #tpu.memory_space<hbm>>
      %dma_wait3A_31 = tpu.memref_slice %arg4[%sub3A_11] : memref<160000xi32, #tpu.memory_space<hbm>> -> memref<128xi32, #tpu.memory_space<hbm>>
      tpu.wait_dma2 semaphore(%run_scoped3A : memref<!tpu.dma_semaphore, #tpu.memory_space<semaphore_mem>>) src(%dma_wait3A_31 : memref<128xi32, #tpu.memory_space<hbm>>) dst(%arg9 : memref<128xi32, #tpu.memory_space<vmem>>)
      tpu.yield
    }) : () -> ()
    %dma_start3A = arith.constant 0 : i32
    %dma_start3A_12 = arith.constant 0 : i32
    %dma_start3A_13 = tpu.memref_slice %arg2[%dma_start3A, %dma_start3A_12] : memref<10000x128xf32, #tpu.memory_space<hbm>> -> memref<10000x128xf32, #tpu.memory_space<hbm>>
    tpu.enqueue_indirect_dma source(%dma_start3A_13 : memref<10000x128xf32, #tpu.memory_space<hbm>>) target(%arg10 : memref<128x128xf32, #tpu.memory_space<vmem>>) offsets(%arg9 : memref<128xi32, #tpu.memory_space<vmem>>) semaphore(%arg12 : memref<!tpu.dma_semaphore, #tpu.memory_space<semaphore_mem>>)
    %dma_wait3A = arith.constant 0 : i32
    %dma_wait3A_14 = arith.constant 0 : i32
    %dma_wait3A_15 = tpu.memref_slice %arg2[%dma_wait3A, %dma_wait3A_14] : memref<10000x128xf32, #tpu.memory_space<hbm>> -> memref<10000x128xf32, #tpu.memory_space<hbm>>
    tpu.wait_indirect_dma semaphore(%arg12 : memref<!tpu.dma_semaphore, #tpu.memory_space<semaphore_mem>>) src(%dma_wait3A_15 : memref<10000x128xf32, #tpu.memory_space<hbm>>) dst(%arg10 : memref<128x128xf32, #tpu.memory_space<vmem>>)
    "tpu.region"() ({
      %run_scoped3A = tpu.sem_alloc : memref<!tpu.dma_semaphore, #tpu.memory_space<semaphore_mem>>
      %dma_start3A_28 = arith.constant 0 : i32
      %dma_start3A_29 = tpu.memref_slice %arg6[%sub3A_11, %dma_start3A_28] : memref<160000x128xf32, #tpu.memory_space<hbm>> -> memref<128x128xf32, #tpu.memory_space<hbm>>
      %dma_start3A_30 = arith.constant 0 : i32
      %dma_start3A_31 = tpu.memref_slice %arg6[%sub3A_11, %dma_start3A_30] : memref<160000x128xf32, #tpu.memory_space<hbm>> -> memref<128x128xf32, #tpu.memory_space<hbm>>
      tpu.enqueue_dma source(%arg10 : memref<128x128xf32, #tpu.memory_space<vmem>>) target(%dma_start3A_31 : memref<128x128xf32, #tpu.memory_space<hbm>>) target_semaphore(%run_scoped3A : memref<!tpu.dma_semaphore, #tpu.memory_space<semaphore_mem>>)
      %dma_wait3A_32 = arith.constant 0 : i32
      %dma_wait3A_33 = tpu.memref_slice %arg6[%sub3A_11, %dma_wait3A_32] : memref<160000x128xf32, #tpu.memory_space<hbm>> -> memref<128x128xf32, #tpu.memory_space<hbm>>
      %dma_wait3A_34 = arith.constant 0 : i32
      %dma_wait3A_35 = tpu.memref_slice %arg6[%sub3A_11, %dma_wait3A_34] : memref<160000x128xf32, #tpu.memory_space<hbm>> -> memref<128x128xf32, #tpu.memory_space<hbm>>
      tpu.wait_dma2 semaphore(%run_scoped3A : memref<!tpu.dma_semaphore, #tpu.memory_space<semaphore_mem>>) src(%arg10 : memref<128x128xf32, #tpu.memory_space<vmem>>) dst(%dma_wait3A_35 : memref<128x128xf32, #tpu.memory_space<hbm>>)
      tpu.yield
    }) : () -> ()
    %dma_start3A_16 = arith.constant 0 : i32
    %dma_start3A_17 = arith.constant 0 : i32
    %dma_start3A_18 = tpu.memref_slice %arg3[%dma_start3A_16, %dma_start3A_17] : memref<10000x384xf32, #tpu.memory_space<hbm>> -> memref<10000x384xf32, #tpu.memory_space<hbm>>
    tpu.enqueue_indirect_dma source(%dma_start3A_18 : memref<10000x384xf32, #tpu.memory_space<hbm>>) target(%arg11 : memref<128x384xf32, #tpu.memory_space<vmem>>) offsets(%arg9 : memref<128xi32, #tpu.memory_space<vmem>>) semaphore(%arg12 : memref<!tpu.dma_semaphore, #tpu.memory_space<semaphore_mem>>)
    %dma_wait3A_19 = arith.constant 0 : i32
    %dma_wait3A_20 = arith.constant 0 : i32
    %dma_wait3A_21 = tpu.memref_slice %arg3[%dma_wait3A_19, %dma_wait3A_20] : memref<10000x384xf32, #tpu.memory_space<hbm>> -> memref<10000x384xf32, #tpu.memory_space<hbm>>
    tpu.wait_indirect_dma semaphore(%arg12 : memref<!tpu.dma_semaphore, #tpu.memory_space<semaphore_mem>>) src(%dma_wait3A_21 : memref<10000x384xf32, #tpu.memory_space<hbm>>) dst(%arg11 : memref<128x384xf32, #tpu.memory_space<vmem>>)
    "tpu.region"() ({
      %run_scoped3A = tpu.sem_alloc : memref<!tpu.dma_semaphore, #tpu.memory_space<semaphore_mem>>
      %dma_start3A_28 = arith.constant 0 : i32
      %dma_start3A_29 = tpu.memref_slice %arg8[%sub3A_11, %dma_start3A_28] : memref<160000x384xf32, #tpu.memory_space<hbm>> -> memref<128x384xf32, #tpu.memory_space<hbm>>
      %dma_start3A_30 = arith.constant 0 : i32
      %dma_start3A_31 = tpu.memref_slice %arg8[%sub3A_11, %dma_start3A_30] : memref<160000x384xf32, #tpu.memory_space<hbm>> -> memref<128x384xf32, #tpu.memory_space<hbm>>
      tpu.enqueue_dma source(%arg11 : memref<128x384xf32, #tpu.memory_space<vmem>>) target(%dma_start3A_31 : memref<128x384xf32, #tpu.memory_space<hbm>>) target_semaphore(%run_scoped3A : memref<!tpu.dma_semaphore, #tpu.memory_space<semaphore_mem>>)
      %dma_wait3A_32 = arith.constant 0 : i32
      %dma_wait3A_33 = tpu.memref_slice %arg8[%sub3A_11, %dma_wait3A_32] : memref<160000x384xf32, #tpu.memory_space<hbm>> -> memref<128x384xf32, #tpu.memory_space<hbm>>
      %dma_wait3A_34 = arith.constant 0 : i32
      %dma_wait3A_35 = tpu.memref_slice %arg8[%sub3A_11, %dma_wait3A_34] : memref<160000x384xf32, #tpu.memory_space<hbm>> -> memref<128x384xf32, #tpu.memory_space<hbm>>
      tpu.wait_dma2 semaphore(%run_scoped3A : memref<!tpu.dma_semaphore, #tpu.memory_space<semaphore_mem>>) src(%arg11 : memref<128x384xf32, #tpu.memory_space<vmem>>) dst(%dma_wait3A_35 : memref<128x384xf32, #tpu.memory_space<hbm>>)
      tpu.yield
    }) : () -> ()
    "tpu.region"() ({
      %run_scoped3A = tpu.sem_alloc : memref<!tpu.dma_semaphore, #tpu.memory_space<semaphore_mem>>
      %dma_start3A_28 = tpu.memref_slice %arg5[%sub3A_11] : memref<160000xi32, #tpu.memory_space<hbm>> -> memref<128xi32, #tpu.memory_space<hbm>>
      %dma_start3A_29 = tpu.memref_slice %arg5[%sub3A_11] : memref<160000xi32, #tpu.memory_space<hbm>> -> memref<128xi32, #tpu.memory_space<hbm>>
      tpu.enqueue_dma source(%dma_start3A_29 : memref<128xi32, #tpu.memory_space<hbm>>) target(%arg9 : memref<128xi32, #tpu.memory_space<vmem>>) target_semaphore(%run_scoped3A : memref<!tpu.dma_semaphore, #tpu.memory_space<semaphore_mem>>)
      %dma_wait3A_30 = tpu.memref_slice %arg5[%sub3A_11] : memref<160000xi32, #tpu.memory_space<hbm>> -> memref<128xi32, #tpu.memory_space<hbm>>
      %dma_wait3A_31 = tpu.memref_slice %arg5[%sub3A_11] : memref<160000xi32, #tpu.memory_space<hbm>> -> memref<128xi32, #tpu.memory_space<hbm>>
      tpu.wait_dma2 semaphore(%run_scoped3A : memref<!tpu.dma_semaphore, #tpu.memory_space<semaphore_mem>>) src(%dma_wait3A_31 : memref<128xi32, #tpu.memory_space<hbm>>) dst(%arg9 : memref<128xi32, #tpu.memory_space<vmem>>)
      tpu.yield
    }) : () -> ()
    %dma_start3A_22 = arith.constant 0 : i32
    %dma_start3A_23 = arith.constant 0 : i32
    %dma_start3A_24 = tpu.memref_slice %arg2[%dma_start3A_22, %dma_start3A_23] : memref<10000x128xf32, #tpu.memory_space<hbm>> -> memref<10000x128xf32, #tpu.memory_space<hbm>>
    tpu.enqueue_indirect_dma source(%dma_start3A_24 : memref<10000x128xf32, #tpu.memory_space<hbm>>) target(%arg10 : memref<128x128xf32, #tpu.memory_space<vmem>>) offsets(%arg9 : memref<128xi32, #tpu.memory_space<vmem>>) semaphore(%arg12 : memref<!tpu.dma_semaphore, #tpu.memory_space<semaphore_mem>>)
    %dma_wait3A_25 = arith.constant 0 : i32
    %dma_wait3A_26 = arith.constant 0 : i32
    %dma_wait3A_27 = tpu.memref_slice %arg2[%dma_wait3A_25, %dma_wait3A_26] : memref<10000x128xf32, #tpu.memory_space<hbm>> -> memref<10000x128xf32, #tpu.memory_space<hbm>>
    tpu.wait_indirect_dma semaphore(%arg12 : memref<!tpu.dma_semaphore, #tpu.memory_space<semaphore_mem>>) src(%dma_wait3A_27 : memref<10000x128xf32, #tpu.memory_space<hbm>>) dst(%arg10 : memref<128x128xf32, #tpu.memory_space<vmem>>)
    "tpu.region"() ({
      %run_scoped3A = tpu.sem_alloc : memref<!tpu.dma_semaphore, #tpu.memory_space<semaphore_mem>>
      %dma_start3A_28 = arith.constant 0 : i32
      %dma_start3A_29 = tpu.memref_slice %arg7[%sub3A_11, %dma_start3A_28] : memref<160000x128xf32, #tpu.memory_space<hbm>> -> memref<128x128xf32, #tpu.memory_space<hbm>>
      %dma_start3A_30 = arith.constant 0 : i32
      %dma_start3A_31 = tpu.memref_slice %arg7[%sub3A_11, %dma_start3A_30] : memref<160000x128xf32, #tpu.memory_space<hbm>> -> memref<128x128xf32, #tpu.memory_space<hbm>>
      tpu.enqueue_dma source(%arg10 : memref<128x128xf32, #tpu.memory_space<vmem>>) target(%dma_start3A_31 : memref<128x128xf32, #tpu.memory_space<hbm>>) target_semaphore(%run_scoped3A : memref<!tpu.dma_semaphore, #tpu.memory_space<semaphore_mem>>)
      %dma_wait3A_32 = arith.constant 0 : i32
      %dma_wait3A_33 = tpu.memref_slice %arg7[%sub3A_11, %dma_wait3A_32] : memref<160000x128xf32, #tpu.memory_space<hbm>> -> memref<128x128xf32, #tpu.memory_space<hbm>>
      %dma_wait3A_34 = arith.constant 0 : i32
      %dma_wait3A_35 = tpu.memref_slice %arg7[%sub3A_11, %dma_wait3A_34] : memref<160000x128xf32, #tpu.memory_space<hbm>> -> memref<128x128xf32, #tpu.memory_space<hbm>>
      tpu.wait_dma2 semaphore(%run_scoped3A : memref<!tpu.dma_semaphore, #tpu.memory_space<semaphore_mem>>) src(%arg10 : memref<128x128xf32, #tpu.memory_space<vmem>>) dst(%dma_wait3A_35 : memref<128x128xf32, #tpu.memory_space<hbm>>)
      tpu.yield
    }) : () -> ()
    return
  }
}

module attributes {stable_mosaic.version = 14 : i64} {
  func.func @_edge_kernel_body(%arg0: i32, %arg1: memref<640x128xf32, #tpu.memory_space<vmem>>, %arg2: memref<640x128xf32, #tpu.memory_space<vmem>>, %arg3: memref<640x384xf32, #tpu.memory_space<vmem>>, %arg4: memref<640x128xf32, #tpu.memory_space<vmem>>, %arg5: memref<640x384xf32, #tpu.memory_space<vmem>>, %arg6: memref<640x1xf32, #tpu.memory_space<vmem>>, %arg7: memref<640x3xf32, #tpu.memory_space<vmem>>, %arg8: memref<256x128xf32, #tpu.memory_space<vmem>>, %arg9: memref<1x128xf32, #tpu.memory_space<vmem>>, %arg10: memref<128x128xf32, #tpu.memory_space<vmem>>, %arg11: memref<1x128xf32, #tpu.memory_space<vmem>>, %arg12: memref<128x128xf32, #tpu.memory_space<vmem>>, %arg13: memref<1x128xf32, #tpu.memory_space<vmem>>, %arg14: memref<128x128xf32, #tpu.memory_space<vmem>>, %arg15: memref<1x128xf32, #tpu.memory_space<vmem>>, %arg16: memref<128x128xf32, #tpu.memory_space<vmem>>, %arg17: memref<1x128xf32, #tpu.memory_space<vmem>>, %arg18: memref<128x384xf32, #tpu.memory_space<vmem>>, %arg19: memref<1x384xf32, #tpu.memory_space<vmem>>, %arg20: memref<640x256xf32, #tpu.memory_space<vmem>>, %arg21: memref<640x384xf32, #tpu.memory_space<vmem>>, %arg22: memref<640x128xf32, #tpu.memory_space<vmem>>, %arg23: memref<640x384xf32, #tpu.memory_space<vmem>>) attributes {dimension_semantics = [#tpu.dimension_semantics<arbitrary>], iteration_bounds = array<i64: 250>, scalar_prefetch = 0 : i64, scratch_operands = 0 : i64, tpu.core_type = #tpu.core_type<tc>, window_params = [{transform_indices = @transform_0, window_bounds = array<i64: 640, 128>}, {transform_indices = @transform_1, window_bounds = array<i64: 640, 128>}, {transform_indices = @transform_2, window_bounds = array<i64: 640, 384>}, {transform_indices = @transform_3, window_bounds = array<i64: 640, 128>}, {transform_indices = @transform_4, window_bounds = array<i64: 640, 384>}, {transform_indices = @transform_5, window_bounds = array<i64: 640, 1>}, {transform_indices = @transform_6, window_bounds = array<i64: 640, 3>}, {pipeline_mode = #tpu.pipeline_mode<synchronous>, transform_indices = @transform_7, window_bounds = array<i64: 256, 128>}, {pipeline_mode = #tpu.pipeline_mode<synchronous>, transform_indices = @transform_8, window_bounds = array<i64: 1, 128>}, {pipeline_mode = #tpu.pipeline_mode<synchronous>, transform_indices = @transform_9, window_bounds = array<i64: 128, 128>}, {pipeline_mode = #tpu.pipeline_mode<synchronous>, transform_indices = @transform_10, window_bounds = array<i64: 1, 128>}, {pipeline_mode = #tpu.pipeline_mode<synchronous>, transform_indices = @transform_11, window_bounds = array<i64: 128, 128>}, {pipeline_mode = #tpu.pipeline_mode<synchronous>, transform_indices = @transform_12, window_bounds = array<i64: 1, 128>}, {pipeline_mode = #tpu.pipeline_mode<synchronous>, transform_indices = @transform_13, window_bounds = array<i64: 128, 128>}, {pipeline_mode = #tpu.pipeline_mode<synchronous>, transform_indices = @transform_14, window_bounds = array<i64: 1, 128>}, {pipeline_mode = #tpu.pipeline_mode<synchronous>, transform_indices = @transform_15, window_bounds = array<i64: 128, 128>}, {pipeline_mode = #tpu.pipeline_mode<synchronous>, transform_indices = @transform_16, window_bounds = array<i64: 1, 128>}, {pipeline_mode = #tpu.pipeline_mode<synchronous>, transform_indices = @transform_17, window_bounds = array<i64: 128, 384>}, {pipeline_mode = #tpu.pipeline_mode<synchronous>, transform_indices = @transform_18, window_bounds = array<i64: 1, 384>}, {transform_indices = @transform_19, window_bounds = array<i64: 640, 256>}, {transform_indices = @transform_20, window_bounds = array<i64: 640, 384>}, {transform_indices = @transform_21, window_bounds = array<i64: 640, 128>}, {transform_indices = @transform_22, window_bounds = array<i64: 640, 384>}]} {
    %get3A = arith.constant 0 : index
    %get3A_0 = arith.constant 0 : index
    %get3A_1 = vector.load %arg4[%get3A, %get3A_0] : memref<640x128xf32, #tpu.memory_space<vmem>>, vector<640x128xf32>
    %get3A_2 = arith.constant 0 : index
    %get3A_3 = arith.constant 0 : index
    %get3A_4 = vector.load %arg5[%get3A_2, %get3A_3] : memref<640x384xf32, #tpu.memory_space<vmem>>, vector<640x384xf32>
    %get3A_5 = arith.constant 0 : index
    %get3A_6 = arith.constant 0 : index
    %get3A_7 = vector.load %arg3[%get3A_5, %get3A_6] : memref<640x384xf32, #tpu.memory_space<vmem>>, vector<640x384xf32>
    %get3A_8 = arith.constant 0 : index
    %get3A_9 = arith.constant 0 : index
    %get3A_10 = vector.load %arg8[%get3A_8, %get3A_9] : memref<256x128xf32, #tpu.memory_space<vmem>>, vector<256x128xf32>
    %get3A_11 = arith.constant 0 : index
    %get3A_12 = arith.constant 0 : index
    %get3A_13 = vector.load %arg1[%get3A_11, %get3A_12] : memref<640x128xf32, #tpu.memory_space<vmem>>, vector<640x128xf32>
    %slice3A = vector.extract_strided_slice %get3A_10 {offsets = [0, 0], sizes = [128, 128], strides = [1, 1]} : vector<256x128xf32> to vector<128x128xf32>
    %dot_general3A = arith.constant dense<0.000000e+00> : vector<640x128xf32>
    %dot_general3A_14 = tpu.matmul %get3A_13, %slice3A, %dot_general3A {dimension_numbers = #tpu.dot_dimension_numbers<[1], [0], [0], [1], [0, 0, 1, 1], [], []>, transpose_lhs_hint = false} : vector<640x128xf32>, vector<128x128xf32>, vector<640x128xf32> -> vector<640x128xf32>
    %get3A_15 = arith.constant 0 : index
    %get3A_16 = arith.constant 0 : index
    %get3A_17 = vector.load %arg2[%get3A_15, %get3A_16] : memref<640x128xf32, #tpu.memory_space<vmem>>, vector<640x128xf32>
    %slice3A_18 = vector.extract_strided_slice %get3A_10 {offsets = [128, 0], sizes = [128, 128], strides = [1, 1]} : vector<256x128xf32> to vector<128x128xf32>
    %dot_general3A_19 = arith.constant dense<0.000000e+00> : vector<640x128xf32>
    %dot_general3A_20 = tpu.matmul %get3A_17, %slice3A_18, %dot_general3A_19 {dimension_numbers = #tpu.dot_dimension_numbers<[1], [0], [0], [1], [0, 0, 1, 1], [], []>, transpose_lhs_hint = false} : vector<640x128xf32>, vector<128x128xf32>, vector<640x128xf32> -> vector<640x128xf32>
    %add3A = arith.addf %dot_general3A_14, %dot_general3A_20 : vector<640x128xf32>
    %get3A_21 = arith.constant 0 : index
    %get3A_22 = arith.constant 0 : index
    %get3A_23 = vector.load %arg9[%get3A_21, %get3A_22] : memref<1x128xf32, #tpu.memory_space<vmem>>, vector<1x128xf32>
    %add3A_24 = vector.broadcast %get3A_23 : vector<1x128xf32> to vector<640x128xf32>
    %add3A_25 = arith.addf %add3A, %add3A_24 : vector<640x128xf32>
    %get3A_26 = arith.constant 0 : index
    %get3A_27 = arith.constant 0 : index
    %get3A_28 = vector.load %arg10[%get3A_26, %get3A_27] : memref<128x128xf32, #tpu.memory_space<vmem>>, vector<128x128xf32>
    %dot_general3A_29 = arith.constant dense<0.000000e+00> : vector<640x128xf32>
    %dot_general3A_30 = tpu.matmul %get3A_1, %get3A_28, %dot_general3A_29 {dimension_numbers = #tpu.dot_dimension_numbers<[1], [0], [0], [1], [0, 0, 1, 1], [], []>, transpose_lhs_hint = false} : vector<640x128xf32>, vector<128x128xf32>, vector<640x128xf32> -> vector<640x128xf32>
    %get3A_31 = arith.constant 0 : index
    %get3A_32 = arith.constant 0 : index
    %get3A_33 = vector.load %arg11[%get3A_31, %get3A_32] : memref<1x128xf32, #tpu.memory_space<vmem>>, vector<1x128xf32>
    %add3A_34 = vector.broadcast %get3A_33 : vector<1x128xf32> to vector<640x128xf32>
    %add3A_35 = arith.addf %dot_general3A_30, %add3A_34 : vector<640x128xf32>
    %mul3A = arith.mulf %add3A_25, %add3A_35 : vector<640x128xf32>
    %get3A_36 = arith.constant 0 : index
    %get3A_37 = arith.constant 0 : index
    %get3A_38 = vector.load %arg12[%get3A_36, %get3A_37] : memref<128x128xf32, #tpu.memory_space<vmem>>, vector<128x128xf32>
    %dot_general3A_39 = arith.constant dense<0.000000e+00> : vector<640x128xf32>
    %dot_general3A_40 = tpu.matmul %mul3A, %get3A_38, %dot_general3A_39 {dimension_numbers = #tpu.dot_dimension_numbers<[1], [0], [0], [1], [0, 0, 1, 1], [], []>, transpose_lhs_hint = false} : vector<640x128xf32>, vector<128x128xf32>, vector<640x128xf32> -> vector<640x128xf32>
    %get3A_41 = arith.constant 0 : index
    %get3A_42 = arith.constant 0 : index
    %get3A_43 = vector.load %arg13[%get3A_41, %get3A_42] : memref<1x128xf32, #tpu.memory_space<vmem>>, vector<1x128xf32>
    %add3A_44 = vector.broadcast %get3A_43 : vector<1x128xf32> to vector<640x128xf32>
    %add3A_45 = arith.addf %dot_general3A_40, %add3A_44 : vector<640x128xf32>
    %logistic3A = arith.negf %add3A_45 : vector<640x128xf32>
    %logistic3A_46 = math.exp %logistic3A : vector<640x128xf32>
    %logistic3A_47 = arith.constant 1.000000e+00 : f32
    %logistic3A_48 = vector.broadcast %logistic3A_47 : f32 to vector<640x128xf32>
    %logistic3A_49 = arith.addf %logistic3A_48, %logistic3A_46 : vector<640x128xf32>
    %logistic3A_50 = arith.divf %logistic3A_48, %logistic3A_49 : vector<640x128xf32>
    %mul3A_51 = arith.mulf %add3A_45, %logistic3A_50 : vector<640x128xf32>
    %get3A_52 = arith.constant 0 : index
    %get3A_53 = arith.constant 0 : index
    %get3A_54 = vector.load %arg14[%get3A_52, %get3A_53] : memref<128x128xf32, #tpu.memory_space<vmem>>, vector<128x128xf32>
    %dot_general3A_55 = arith.constant dense<0.000000e+00> : vector<640x128xf32>
    %dot_general3A_56 = tpu.matmul %mul3A_51, %get3A_54, %dot_general3A_55 {dimension_numbers = #tpu.dot_dimension_numbers<[1], [0], [0], [1], [0, 0, 1, 1], [], []>, transpose_lhs_hint = false} : vector<640x128xf32>, vector<128x128xf32>, vector<640x128xf32> -> vector<640x128xf32>
    %get3A_57 = arith.constant 0 : index
    %get3A_58 = arith.constant 0 : index
    %get3A_59 = vector.load %arg15[%get3A_57, %get3A_58] : memref<1x128xf32, #tpu.memory_space<vmem>>, vector<1x128xf32>
    %add3A_60 = vector.broadcast %get3A_59 : vector<1x128xf32> to vector<640x128xf32>
    %add3A_61 = arith.addf %dot_general3A_56, %add3A_60 : vector<640x128xf32>
    %get3A_62 = arith.constant 0 : index
    %get3A_63 = arith.constant 0 : index
    %get3A_64 = vector.load %arg16[%get3A_62, %get3A_63] : memref<128x128xf32, #tpu.memory_space<vmem>>, vector<128x128xf32>
    %dot_general3A_65 = arith.constant dense<0.000000e+00> : vector<640x128xf32>
    %dot_general3A_66 = tpu.matmul %mul3A_51, %get3A_64, %dot_general3A_65 {dimension_numbers = #tpu.dot_dimension_numbers<[1], [0], [0], [1], [0, 0, 1, 1], [], []>, transpose_lhs_hint = false} : vector<640x128xf32>, vector<128x128xf32>, vector<640x128xf32> -> vector<640x128xf32>
    %get3A_67 = arith.constant 0 : index
    %get3A_68 = arith.constant 0 : index
    %get3A_69 = vector.load %arg17[%get3A_67, %get3A_68] : memref<1x128xf32, #tpu.memory_space<vmem>>, vector<1x128xf32>
    %add3A_70 = vector.broadcast %get3A_69 : vector<1x128xf32> to vector<640x128xf32>
    %add3A_71 = arith.addf %dot_general3A_66, %add3A_70 : vector<640x128xf32>
    %logistic3A_72 = arith.negf %add3A_71 : vector<640x128xf32>
    %logistic3A_73 = math.exp %logistic3A_72 : vector<640x128xf32>
    %logistic3A_74 = arith.constant 1.000000e+00 : f32
    %logistic3A_75 = vector.broadcast %logistic3A_74 : f32 to vector<640x128xf32>
    %logistic3A_76 = arith.addf %logistic3A_75, %logistic3A_73 : vector<640x128xf32>
    %logistic3A_77 = arith.divf %logistic3A_75, %logistic3A_76 : vector<640x128xf32>
    %mul3A_78 = arith.mulf %add3A_61, %logistic3A_77 : vector<640x128xf32>
    %get3A_79 = arith.constant 0 : index
    %get3A_80 = arith.constant 0 : index
    %get3A_81 = vector.load %arg6[%get3A_79, %get3A_80] : memref<640x1xf32, #tpu.memory_space<vmem>>, vector<640x1xf32>
    %mul3A_82 = arith.constant 3.14159274 : f32
    %mul3A_83 = vector.broadcast %mul3A_82 : f32 to vector<640x1xf32>
    %mul3A_84 = arith.mulf %mul3A_83, %get3A_81 : vector<640x1xf32>
    %div3A = arith.constant 5.000000e+00 : f32
    %div3A_85 = vector.broadcast %div3A : f32 to vector<640x1xf32>
    %div3A_86 = arith.divf %mul3A_84, %div3A_85 : vector<640x1xf32>
    %cos3A = math.cos %div3A_86 : vector<640x1xf32>
    %add3A_87 = arith.constant 1.000000e+00 : f32
    %add3A_88 = vector.broadcast %add3A_87 : f32 to vector<640x1xf32>
    %add3A_89 = arith.addf %cos3A, %add3A_88 : vector<640x1xf32>
    %mul3A_90 = arith.constant 5.000000e-01 : f32
    %mul3A_91 = vector.broadcast %mul3A_90 : f32 to vector<640x1xf32>
    %mul3A_92 = arith.mulf %mul3A_91, %add3A_89 : vector<640x1xf32>
    %lt3A = arith.constant 5.000000e+00 : f32
    %lt3A_93 = vector.broadcast %lt3A : f32 to vector<640x1xf32>
    %lt3A_94 = arith.cmpf olt, %get3A_81, %lt3A_93 : vector<640x1xf32>
    %convert_element_type3A = arith.extui %lt3A_94 : vector<640x1xi1> to vector<640x1xi32>
    %convert_element_type3A_95 = arith.sitofp %convert_element_type3A : vector<640x1xi32> to vector<640x1xf32>
    %mul3A_96 = arith.mulf %mul3A_92, %convert_element_type3A_95 : vector<640x1xf32>
    %mul3A_97 = vector.broadcast %mul3A_96 : vector<640x1xf32> to vector<640x128xf32>
    %mul3A_98 = arith.mulf %mul3A_78, %mul3A_97 : vector<640x128xf32>
    %get3A_99 = arith.constant 0 : index
    %get3A_100 = arith.constant 0 : index
    %get3A_101 = vector.load %arg18[%get3A_99, %get3A_100] : memref<128x384xf32, #tpu.memory_space<vmem>>, vector<128x384xf32>
    %dot_general3A_102 = arith.constant dense<0.000000e+00> : vector<640x384xf32>
    %dot_general3A_103 = tpu.matmul %mul3A_98, %get3A_101, %dot_general3A_102 {dimension_numbers = #tpu.dot_dimension_numbers<[1], [0], [0], [1], [0, 0, 1, 1], [], []>, transpose_lhs_hint = false} : vector<640x128xf32>, vector<128x384xf32>, vector<640x384xf32> -> vector<640x384xf32>
    %get3A_104 = arith.constant 0 : index
    %get3A_105 = arith.constant 0 : index
    %get3A_106 = vector.load %arg19[%get3A_104, %get3A_105] : memref<1x384xf32, #tpu.memory_space<vmem>>, vector<1x384xf32>
    %add3A_107 = vector.broadcast %get3A_106 : vector<1x384xf32> to vector<640x384xf32>
    %add3A_108 = arith.addf %dot_general3A_103, %add3A_107 : vector<640x384xf32>
    %slice3A_109 = vector.extract_strided_slice %add3A_108 {offsets = [0, 0], sizes = [640, 128], strides = [1, 1]} : vector<640x384xf32> to vector<640x128xf32>
    %slice3A_110 = vector.extract_strided_slice %add3A_108 {offsets = [0, 128], sizes = [640, 128], strides = [1, 1]} : vector<640x384xf32> to vector<640x128xf32>
    %slice3A_111 = vector.extract_strided_slice %add3A_108 {offsets = [0, 256], sizes = [640, 128], strides = [1, 1]} : vector<640x384xf32> to vector<640x128xf32>
    %get3A_112 = arith.constant 0 : index
    %get3A_113 = arith.constant 0 : index
    %get3A_114 = vector.load %arg7[%get3A_112, %get3A_113] : memref<640x3xf32, #tpu.memory_space<vmem>>, vector<640x3xf32>
    %slice3A_115 = vector.extract_strided_slice %get3A_7 {offsets = [0, 0], sizes = [640, 128], strides = [1, 1]} : vector<640x384xf32> to vector<640x128xf32>
    %mul3A_116 = arith.mulf %slice3A_115, %slice3A_109 : vector<640x128xf32>
    %slice3A_117 = vector.extract_strided_slice %get3A_4 {offsets = [0, 0], sizes = [640, 128], strides = [1, 1]} : vector<640x384xf32> to vector<640x128xf32>
    %mul3A_118 = arith.mulf %slice3A_117, %slice3A_110 : vector<640x128xf32>
    %add3A_119 = arith.addf %mul3A_116, %mul3A_118 : vector<640x128xf32>
    %slice3A_120 = vector.extract_strided_slice %get3A_114 {offsets = [0, 0], sizes = [640, 1], strides = [1, 1]} : vector<640x3xf32> to vector<640x1xf32>
    %mul3A_121 = vector.broadcast %slice3A_120 : vector<640x1xf32> to vector<640x128xf32>
    %mul3A_122 = arith.mulf %mul3A_121, %slice3A_111 : vector<640x128xf32>
    %add3A_123 = arith.addf %add3A_119, %mul3A_122 : vector<640x128xf32>
    %mul3A_124 = vector.broadcast %mul3A_96 : vector<640x1xf32> to vector<640x128xf32>
    %mul3A_125 = arith.mulf %add3A_123, %mul3A_124 : vector<640x128xf32>
    %slice3A_126 = vector.extract_strided_slice %get3A_7 {offsets = [0, 128], sizes = [640, 128], strides = [1, 1]} : vector<640x384xf32> to vector<640x128xf32>
    %mul3A_127 = arith.mulf %slice3A_126, %slice3A_109 : vector<640x128xf32>
    %slice3A_128 = vector.extract_strided_slice %get3A_4 {offsets = [0, 128], sizes = [640, 128], strides = [1, 1]} : vector<640x384xf32> to vector<640x128xf32>
    %mul3A_129 = arith.mulf %slice3A_128, %slice3A_110 : vector<640x128xf32>
    %add3A_130 = arith.addf %mul3A_127, %mul3A_129 : vector<640x128xf32>
    %slice3A_131 = vector.extract_strided_slice %get3A_114 {offsets = [0, 1], sizes = [640, 1], strides = [1, 1]} : vector<640x3xf32> to vector<640x1xf32>
    %mul3A_132 = vector.broadcast %slice3A_131 : vector<640x1xf32> to vector<640x128xf32>
    %mul3A_133 = arith.mulf %mul3A_132, %slice3A_111 : vector<640x128xf32>
    %add3A_134 = arith.addf %add3A_130, %mul3A_133 : vector<640x128xf32>
    %mul3A_135 = vector.broadcast %mul3A_96 : vector<640x1xf32> to vector<640x128xf32>
    %mul3A_136 = arith.mulf %add3A_134, %mul3A_135 : vector<640x128xf32>
    %slice3A_137 = vector.extract_strided_slice %get3A_7 {offsets = [0, 256], sizes = [640, 128], strides = [1, 1]} : vector<640x384xf32> to vector<640x128xf32>
    %mul3A_138 = arith.mulf %slice3A_137, %slice3A_109 : vector<640x128xf32>
    %slice3A_139 = vector.extract_strided_slice %get3A_4 {offsets = [0, 256], sizes = [640, 128], strides = [1, 1]} : vector<640x384xf32> to vector<640x128xf32>
    %mul3A_140 = arith.mulf %slice3A_139, %slice3A_110 : vector<640x128xf32>
    %add3A_141 = arith.addf %mul3A_138, %mul3A_140 : vector<640x128xf32>
    %slice3A_142 = vector.extract_strided_slice %get3A_114 {offsets = [0, 2], sizes = [640, 1], strides = [1, 1]} : vector<640x3xf32> to vector<640x1xf32>
    %mul3A_143 = vector.broadcast %slice3A_142 : vector<640x1xf32> to vector<640x128xf32>
    %mul3A_144 = arith.mulf %mul3A_143, %slice3A_111 : vector<640x128xf32>
    %add3A_145 = arith.addf %add3A_141, %mul3A_144 : vector<640x128xf32>
    %mul3A_146 = vector.broadcast %mul3A_96 : vector<640x1xf32> to vector<640x128xf32>
    %mul3A_147 = arith.mulf %add3A_145, %mul3A_146 : vector<640x128xf32>
    %concatenate3A = tpu.concatenate %mul3A_125, %mul3A_136, %mul3A_147 in 1 : vector<640x128xf32>, vector<640x128xf32>, vector<640x128xf32> -> vector<640x384xf32>
    %broadcast_in_dim3A = arith.constant 1.000000e+00 : f32
    %broadcast_in_dim3A_148 = vector.broadcast %broadcast_in_dim3A : f32 to vector<640x1xf32>
    %broadcast_in_dim3A_149 = arith.constant 0.000000e+00 : f32
    %broadcast_in_dim3A_150 = vector.broadcast %broadcast_in_dim3A_149 : f32 to vector<640x127xf32>
    %concatenate3A_151 = tpu.concatenate %mul3A_98, %broadcast_in_dim3A_148, %broadcast_in_dim3A_150 in 1 : vector<640x128xf32>, vector<640x1xf32>, vector<640x127xf32> -> vector<640x256xf32>
    %swap3A = arith.constant 0 : index
    %swap3A_152 = arith.constant 0 : index
    %swap3A_153 = vector.load %arg20[%swap3A, %swap3A_152] : memref<640x256xf32, #tpu.memory_space<vmem>>, vector<640x256xf32>
    tpu.vector_store %arg20[%swap3A, %swap3A_152], %concatenate3A_151 {strides = array<i32>} : memref<640x256xf32, #tpu.memory_space<vmem>>, vector<640x256xf32>,
    %swap3A_154 = arith.constant 0 : index
    %swap3A_155 = arith.constant 0 : index
    %swap3A_156 = vector.load %arg21[%swap3A_154, %swap3A_155] : memref<640x384xf32, #tpu.memory_space<vmem>>, vector<640x384xf32>
    tpu.vector_store %arg21[%swap3A_154, %swap3A_155], %concatenate3A {strides = array<i32>} : memref<640x384xf32, #tpu.memory_space<vmem>>, vector<640x384xf32>,
    %add3A_157 = arith.addf %mul3A_98, %get3A_1 : vector<640x128xf32>
    %swap3A_158 = arith.constant 0 : index
    %swap3A_159 = arith.constant 0 : index
    %swap3A_160 = vector.load %arg22[%swap3A_158, %swap3A_159] : memref<640x128xf32, #tpu.memory_space<vmem>>, vector<640x128xf32>
    tpu.vector_store %arg22[%swap3A_158, %swap3A_159], %add3A_157 {strides = array<i32>} : memref<640x128xf32, #tpu.memory_space<vmem>>, vector<640x128xf32>,
    %add3A_161 = arith.addf %concatenate3A, %get3A_4 : vector<640x384xf32>
    %swap3A_162 = arith.constant 0 : index
    %swap3A_163 = arith.constant 0 : index
    %swap3A_164 = vector.load %arg23[%swap3A_162, %swap3A_163] : memref<640x384xf32, #tpu.memory_space<vmem>>, vector<640x384xf32>
    tpu.vector_store %arg23[%swap3A_162, %swap3A_163], %add3A_161 {strides = array<i32>} : memref<640x384xf32, #tpu.memory_space<vmem>>, vector<640x384xf32>,
    return
  }
  func.func @transform_0(%arg0: i32) -> (i32, i32) {
    %c0_i32 = arith.constant 0 : i32
    %c0_i32_0 = arith.constant 0 : i32
    return %arg0, %c0_i32 : i32, i32
  }
  func.func @transform_1(%arg0: i32) -> (i32, i32) {
    %c0_i32 = arith.constant 0 : i32
    %c0_i32_0 = arith.constant 0 : i32
    return %arg0, %c0_i32 : i32, i32
  }
  func.func @transform_2(%arg0: i32) -> (i32, i32) {
    %c0_i32 = arith.constant 0 : i32
    %c0_i32_0 = arith.constant 0 : i32
    return %arg0, %c0_i32 : i32, i32
  }
  func.func @transform_3(%arg0: i32) -> (i32, i32) {
    %c0_i32 = arith.constant 0 : i32
    %c0_i32_0 = arith.constant 0 : i32
    return %arg0, %c0_i32 : i32, i32
  }
  func.func @transform_4(%arg0: i32) -> (i32, i32) {
    %c0_i32 = arith.constant 0 : i32
    %c0_i32_0 = arith.constant 0 : i32
    return %arg0, %c0_i32 : i32, i32
  }
  func.func @transform_5(%arg0: i32) -> (i32, i32) {
    %c0_i32 = arith.constant 0 : i32
    %c0_i32_0 = arith.constant 0 : i32
    return %arg0, %c0_i32 : i32, i32
  }
  func.func @transform_6(%arg0: i32) -> (i32, i32) {
    %c0_i32 = arith.constant 0 : i32
    %c0_i32_0 = arith.constant 0 : i32
    return %arg0, %c0_i32 : i32, i32
  }
  func.func @transform_7(%arg0: i32) -> (i32, i32) {
    %c0_i32 = arith.constant 0 : i32
    %c0_i32_0 = arith.constant 0 : i32
    %c0_i32_1 = arith.constant 0 : i32
    return %c0_i32, %c0_i32_0 : i32, i32
  }
  func.func @transform_8(%arg0: i32) -> (i32, i32) {
    %c0_i32 = arith.constant 0 : i32
    %c0_i32_0 = arith.constant 0 : i32
    %c0_i32_1 = arith.constant 0 : i32
    return %c0_i32, %c0_i32_0 : i32, i32
  }
  func.func @transform_9(%arg0: i32) -> (i32, i32) {
    %c0_i32 = arith.constant 0 : i32
    %c0_i32_0 = arith.constant 0 : i32
    %c0_i32_1 = arith.constant 0 : i32
    return %c0_i32, %c0_i32_0 : i32, i32
  }
  func.func @transform_10(%arg0: i32) -> (i32, i32) {
    %c0_i32 = arith.constant 0 : i32
    %c0_i32_0 = arith.constant 0 : i32
    %c0_i32_1 = arith.constant 0 : i32
    return %c0_i32, %c0_i32_0 : i32, i32
  }
  func.func @transform_11(%arg0: i32) -> (i32, i32) {
    %c0_i32 = arith.constant 0 : i32
    %c0_i32_0 = arith.constant 0 : i32
    %c0_i32_1 = arith.constant 0 : i32
    return %c0_i32, %c0_i32_0 : i32, i32
  }
  func.func @transform_12(%arg0: i32) -> (i32, i32) {
    %c0_i32 = arith.constant 0 : i32
    %c0_i32_0 = arith.constant 0 : i32
    %c0_i32_1 = arith.constant 0 : i32
    return %c0_i32, %c0_i32_0 : i32, i32
  }
  func.func @transform_13(%arg0: i32) -> (i32, i32) {
    %c0_i32 = arith.constant 0 : i32
    %c0_i32_0 = arith.constant 0 : i32
    %c0_i32_1 = arith.constant 0 : i32
    return %c0_i32, %c0_i32_0 : i32, i32
  }
  func.func @transform_14(%arg0: i32) -> (i32, i32) {
    %c0_i32 = arith.constant 0 : i32
    %c0_i32_0 = arith.constant 0 : i32
    %c0_i32_1 = arith.constant 0 : i32
    return %c0_i32, %c0_i32_0 : i32, i32
  }
  func.func @transform_15(%arg0: i32) -> (i32, i32) {
    %c0_i32 = arith.constant 0 : i32
    %c0_i32_0 = arith.constant 0 : i32
    %c0_i32_1 = arith.constant 0 : i32
    return %c0_i32, %c0_i32_0 : i32, i32
  }
  func.func @transform_16(%arg0: i32) -> (i32, i32) {
    %c0_i32 = arith.constant 0 : i32
    %c0_i32_0 = arith.constant 0 : i32
    %c0_i32_1 = arith.constant 0 : i32
    return %c0_i32, %c0_i32_0 : i32, i32
  }
  func.func @transform_17(%arg0: i32) -> (i32, i32) {
    %c0_i32 = arith.constant 0 : i32
    %c0_i32_0 = arith.constant 0 : i32
    %c0_i32_1 = arith.constant 0 : i32
    return %c0_i32, %c0_i32_0 : i32, i32
  }
  func.func @transform_18(%arg0: i32) -> (i32, i32) {
    %c0_i32 = arith.constant 0 : i32
    %c0_i32_0 = arith.constant 0 : i32
    %c0_i32_1 = arith.constant 0 : i32
    return %c0_i32, %c0_i32_0 : i32, i32
  }
  func.func @transform_19(%arg0: i32) -> (i32, i32) {
    %c0_i32 = arith.constant 0 : i32
    %c0_i32_0 = arith.constant 0 : i32
    return %arg0, %c0_i32 : i32, i32
  }
  func.func @transform_20(%arg0: i32) -> (i32, i32) {
    %c0_i32 = arith.constant 0 : i32
    %c0_i32_0 = arith.constant 0 : i32
    return %arg0, %c0_i32 : i32, i32
  }
  func.func @transform_21(%arg0: i32) -> (i32, i32) {
    %c0_i32 = arith.constant 0 : i32
    %c0_i32_0 = arith.constant 0 : i32
    return %arg0, %c0_i32 : i32, i32
  }
  func.func @transform_22(%arg0: i32) -> (i32, i32) {
    %c0_i32 = arith.constant 0 : i32
    %c0_i32_0 = arith.constant 0 : i32
    return %arg0, %c0_i32 : i32, i32
  }
}

module attributes {stable_mosaic.version = 14 : i64} {
  func.func @_node_kernel_body(%arg0: i32, %arg1: memref<400x384xf32, #tpu.memory_space<vmem>>, %arg2: memref<400x384xf32, #tpu.memory_space<vmem>>, %arg3: memref<400x256xf32, #tpu.memory_space<vmem>>, %arg4: memref<400x256xf32, #tpu.memory_space<vmem>>, %arg5: memref<400x128xf32, #tpu.memory_space<vmem>>, %arg6: memref<400x384xf32, #tpu.memory_space<vmem>>, %arg7: memref<128x384xf32, #tpu.memory_space<vmem>>, %arg8: memref<256x128xf32, #tpu.memory_space<vmem>>, %arg9: memref<1x128xf32, #tpu.memory_space<vmem>>, %arg10: memref<128x256xf32, #tpu.memory_space<vmem>>, %arg11: memref<128x256xf32, #tpu.memory_space<vmem>>, %arg12: memref<1x256xf32, #tpu.memory_space<vmem>>, %arg13: memref<1x128xf32, #tpu.memory_space<vmem>>, %arg14: memref<1x128xf32, #tpu.memory_space<vmem>>, %arg15: memref<1x128xf32, #tpu.memory_space<vmem>>, %arg16: memref<400x128xf32, #tpu.memory_space<vmem>>, %arg17: memref<400x384xf32, #tpu.memory_space<vmem>>) attributes {dimension_semantics = [#tpu.dimension_semantics<arbitrary>], iteration_bounds = array<i64: 25>, scalar_prefetch = 0 : i64, scratch_operands = 0 : i64, tpu.core_type = #tpu.core_type<tc>, window_params = [{transform_indices = @transform_0, window_bounds = array<i64: 400, 384>}, {transform_indices = @transform_1, window_bounds = array<i64: 400, 384>}, {transform_indices = @transform_2, window_bounds = array<i64: 400, 256>}, {transform_indices = @transform_3, window_bounds = array<i64: 400, 256>}, {transform_indices = @transform_4, window_bounds = array<i64: 400, 128>}, {transform_indices = @transform_5, window_bounds = array<i64: 400, 384>}, {pipeline_mode = #tpu.pipeline_mode<synchronous>, transform_indices = @transform_6, window_bounds = array<i64: 128, 384>}, {pipeline_mode = #tpu.pipeline_mode<synchronous>, transform_indices = @transform_7, window_bounds = array<i64: 256, 128>}, {pipeline_mode = #tpu.pipeline_mode<synchronous>, transform_indices = @transform_8, window_bounds = array<i64: 1, 128>}, {pipeline_mode = #tpu.pipeline_mode<synchronous>, transform_indices = @transform_9, window_bounds = array<i64: 128, 256>}, {pipeline_mode = #tpu.pipeline_mode<synchronous>, transform_indices = @transform_10, window_bounds = array<i64: 128, 256>}, {pipeline_mode = #tpu.pipeline_mode<synchronous>, transform_indices = @transform_11, window_bounds = array<i64: 1, 256>}, {pipeline_mode = #tpu.pipeline_mode<synchronous>, transform_indices = @transform_12, window_bounds = array<i64: 1, 128>}, {pipeline_mode = #tpu.pipeline_mode<synchronous>, transform_indices = @transform_13, window_bounds = array<i64: 1, 128>}, {pipeline_mode = #tpu.pipeline_mode<synchronous>, transform_indices = @transform_14, window_bounds = array<i64: 1, 128>}, {transform_indices = @transform_15, window_bounds = array<i64: 400, 128>}, {transform_indices = @transform_16, window_bounds = array<i64: 400, 384>}]} {
    %get3A = arith.constant 0 : index
    %get3A_0 = arith.constant 0 : index
    %get3A_1 = vector.load %arg3[%get3A, %get3A_0] : memref<400x256xf32, #tpu.memory_space<vmem>>, vector<400x256xf32>
    %get3A_2 = arith.constant 0 : index
    %get3A_3 = arith.constant 0 : index
    %get3A_4 = vector.load %arg4[%get3A_2, %get3A_3] : memref<400x256xf32, #tpu.memory_space<vmem>>, vector<400x256xf32>
    %add3A = arith.addf %get3A_1, %get3A_4 : vector<400x256xf32>
    %slice3A = vector.extract_strided_slice %add3A {offsets = [0, 0], sizes = [400, 128], strides = [1, 1]} : vector<400x256xf32> to vector<400x128xf32>
    %slice3A_5 = vector.extract_strided_slice %add3A {offsets = [0, 128], sizes = [400, 1], strides = [1, 1]} : vector<400x256xf32> to vector<400x1xf32>
    %max3A = arith.constant 1.000000e+00 : f32
    %max3A_6 = vector.broadcast %max3A : f32 to vector<400x1xf32>
    %max3A_7 = arith.maximumf %slice3A_5, %max3A_6 : vector<400x1xf32>
    %div3A = arith.constant 1.000000e+00 : f32
    %div3A_8 = vector.broadcast %div3A : f32 to vector<400x1xf32>
    %div3A_9 = arith.divf %div3A_8, %max3A_7 : vector<400x1xf32>
    %mul3A = vector.broadcast %div3A_9 : vector<400x1xf32> to vector<400x128xf32>
    %mul3A_10 = arith.mulf %slice3A, %mul3A : vector<400x128xf32>
    %get3A_11 = arith.constant 0 : index
    %get3A_12 = arith.constant 0 : index
    %get3A_13 = vector.load %arg1[%get3A_11, %get3A_12] : memref<400x384xf32, #tpu.memory_space<vmem>>, vector<400x384xf32>
    %get3A_14 = arith.constant 0 : index
    %get3A_15 = arith.constant 0 : index
    %get3A_16 = vector.load %arg2[%get3A_14, %get3A_15] : memref<400x384xf32, #tpu.memory_space<vmem>>, vector<400x384xf32>
    %add3A_17 = arith.addf %get3A_13, %get3A_16 : vector<400x384xf32>
    %get3A_18 = arith.constant 0 : index
    %get3A_19 = arith.constant 0 : index
    %get3A_20 = vector.load %arg7[%get3A_18, %get3A_19] : memref<128x384xf32, #tpu.memory_space<vmem>>, vector<128x384xf32>
    %slice3A_21 = vector.extract_strided_slice %add3A_17 {offsets = [0, 0], sizes = [400, 128], strides = [1, 1]} : vector<400x384xf32> to vector<400x128xf32>
    %mul3A_22 = vector.broadcast %div3A_9 : vector<400x1xf32> to vector<400x128xf32>
    %mul3A_23 = arith.mulf %slice3A_21, %mul3A_22 : vector<400x128xf32>
    %dot_general3A = arith.constant dense<0.000000e+00> : vector<400x384xf32>
    %dot_general3A_24 = tpu.matmul %mul3A_23, %get3A_20, %dot_general3A {dimension_numbers = #tpu.dot_dimension_numbers<[1], [0], [0], [1], [0, 0, 1, 1], [], []>, transpose_lhs_hint = false} : vector<400x128xf32>, vector<128x384xf32>, vector<400x384xf32> -> vector<400x384xf32>
    %slice3A_25 = vector.extract_strided_slice %add3A_17 {offsets = [0, 128], sizes = [400, 128], strides = [1, 1]} : vector<400x384xf32> to vector<400x128xf32>
    %mul3A_26 = vector.broadcast %div3A_9 : vector<400x1xf32> to vector<400x128xf32>
    %mul3A_27 = arith.mulf %slice3A_25, %mul3A_26 : vector<400x128xf32>
    %dot_general3A_28 = arith.constant dense<0.000000e+00> : vector<400x384xf32>
    %dot_general3A_29 = tpu.matmul %mul3A_27, %get3A_20, %dot_general3A_28 {dimension_numbers = #tpu.dot_dimension_numbers<[1], [0], [0], [1], [0, 0, 1, 1], [], []>, transpose_lhs_hint = false} : vector<400x128xf32>, vector<128x384xf32>, vector<400x384xf32> -> vector<400x384xf32>
    %slice3A_30 = vector.extract_strided_slice %add3A_17 {offsets = [0, 256], sizes = [400, 128], strides = [1, 1]} : vector<400x384xf32> to vector<400x128xf32>
    %mul3A_31 = vector.broadcast %div3A_9 : vector<400x1xf32> to vector<400x128xf32>
    %mul3A_32 = arith.mulf %slice3A_30, %mul3A_31 : vector<400x128xf32>
    %dot_general3A_33 = arith.constant dense<0.000000e+00> : vector<400x384xf32>
    %dot_general3A_34 = tpu.matmul %mul3A_32, %get3A_20, %dot_general3A_33 {dimension_numbers = #tpu.dot_dimension_numbers<[1], [0], [0], [1], [0, 0, 1, 1], [], []>, transpose_lhs_hint = false} : vector<400x128xf32>, vector<128x384xf32>, vector<400x384xf32> -> vector<400x384xf32>
    %slice3A_35 = vector.extract_strided_slice %dot_general3A_24 {offsets = [0, 256], sizes = [400, 128], strides = [1, 1]} : vector<400x384xf32> to vector<400x128xf32>
    %integer_pow3A = arith.mulf %slice3A_35, %slice3A_35 : vector<400x128xf32>
    %add3A_36 = arith.constant 0.000000e+00 : f32
    %add3A_37 = vector.broadcast %add3A_36 : f32 to vector<400x128xf32>
    %add3A_38 = arith.addf %add3A_37, %integer_pow3A : vector<400x128xf32>
    %slice3A_39 = vector.extract_strided_slice %dot_general3A_29 {offsets = [0, 256], sizes = [400, 128], strides = [1, 1]} : vector<400x384xf32> to vector<400x128xf32>
    %integer_pow3A_40 = arith.mulf %slice3A_39, %slice3A_39 : vector<400x128xf32>
    %add3A_41 = arith.addf %add3A_38, %integer_pow3A_40 : vector<400x128xf32>
    %slice3A_42 = vector.extract_strided_slice %dot_general3A_34 {offsets = [0, 256], sizes = [400, 128], strides = [1, 1]} : vector<400x384xf32> to vector<400x128xf32>
    %integer_pow3A_43 = arith.mulf %slice3A_42, %slice3A_42 : vector<400x128xf32>
    %add3A_44 = arith.addf %add3A_41, %integer_pow3A_43 : vector<400x128xf32>
    %sqrt3A = math.sqrt %add3A_44 : vector<400x128xf32>
    %get3A_45 = arith.constant 0 : index
    %get3A_46 = arith.constant 0 : index
    %get3A_47 = vector.load %arg8[%get3A_45, %get3A_46] : memref<256x128xf32, #tpu.memory_space<vmem>>, vector<256x128xf32>
    %slice3A_48 = vector.extract_strided_slice %get3A_47 {offsets = [0, 0], sizes = [128, 128], strides = [1, 1]} : vector<256x128xf32> to vector<128x128xf32>
    %dot_general3A_49 = arith.constant dense<0.000000e+00> : vector<400x128xf32>
    %dot_general3A_50 = tpu.matmul %mul3A_10, %slice3A_48, %dot_general3A_49 {dimension_numbers = #tpu.dot_dimension_numbers<[1], [0], [0], [1], [0, 0, 1, 1], [], []>, transpose_lhs_hint = false} : vector<400x128xf32>, vector<128x128xf32>, vector<400x128xf32> -> vector<400x128xf32>
    %slice3A_51 = vector.extract_strided_slice %get3A_47 {offsets = [128, 0], sizes = [128, 128], strides = [1, 1]} : vector<256x128xf32> to vector<128x128xf32>
    %dot_general3A_52 = arith.constant dense<0.000000e+00> : vector<400x128xf32>
    %dot_general3A_53 = tpu.matmul %sqrt3A, %slice3A_51, %dot_general3A_52 {dimension_numbers = #tpu.dot_dimension_numbers<[1], [0], [0], [1], [0, 0, 1, 1], [], []>, transpose_lhs_hint = false} : vector<400x128xf32>, vector<128x128xf32>, vector<400x128xf32> -> vector<400x128xf32>
    %add3A_54 = arith.addf %dot_general3A_50, %dot_general3A_53 : vector<400x128xf32>
    %get3A_55 = arith.constant 0 : index
    %get3A_56 = arith.constant 0 : index
    %get3A_57 = vector.load %arg9[%get3A_55, %get3A_56] : memref<1x128xf32, #tpu.memory_space<vmem>>, vector<1x128xf32>
    %add3A_58 = vector.broadcast %get3A_57 : vector<1x128xf32> to vector<400x128xf32>
    %add3A_59 = arith.addf %add3A_54, %add3A_58 : vector<400x128xf32>
    %slice3A_60 = vector.extract_strided_slice %dot_general3A_24 {offsets = [0, 0], sizes = [400, 128], strides = [1, 1]} : vector<400x384xf32> to vector<400x128xf32>
    %mul3A_61 = arith.mulf %slice3A_60, %add3A_59 : vector<400x128xf32>
    %slice3A_62 = vector.extract_strided_slice %dot_general3A_24 {offsets = [0, 128], sizes = [400, 128], strides = [1, 1]} : vector<400x384xf32> to vector<400x128xf32>
    %add3A_63 = arith.addf %mul3A_61, %slice3A_62 : vector<400x128xf32>
    %slice3A_64 = vector.extract_strided_slice %dot_general3A_29 {offsets = [0, 0], sizes = [400, 128], strides = [1, 1]} : vector<400x384xf32> to vector<400x128xf32>
    %mul3A_65 = arith.mulf %slice3A_64, %add3A_59 : vector<400x128xf32>
    %slice3A_66 = vector.extract_strided_slice %dot_general3A_29 {offsets = [0, 128], sizes = [400, 128], strides = [1, 1]} : vector<400x384xf32> to vector<400x128xf32>
    %add3A_67 = arith.addf %mul3A_65, %slice3A_66 : vector<400x128xf32>
    %slice3A_68 = vector.extract_strided_slice %dot_general3A_34 {offsets = [0, 0], sizes = [400, 128], strides = [1, 1]} : vector<400x384xf32> to vector<400x128xf32>
    %mul3A_69 = arith.mulf %slice3A_68, %add3A_59 : vector<400x128xf32>
    %slice3A_70 = vector.extract_strided_slice %dot_general3A_34 {offsets = [0, 128], sizes = [400, 128], strides = [1, 1]} : vector<400x384xf32> to vector<400x128xf32>
    %add3A_71 = arith.addf %mul3A_69, %slice3A_70 : vector<400x128xf32>
    %get3A_72 = arith.constant 0 : index
    %get3A_73 = arith.constant 0 : index
    %get3A_74 = vector.load %arg10[%get3A_72, %get3A_73] : memref<128x256xf32, #tpu.memory_space<vmem>>, vector<128x256xf32>
    %dot_general3A_75 = arith.constant dense<0.000000e+00> : vector<400x256xf32>
    %dot_general3A_76 = tpu.matmul %add3A_63, %get3A_74, %dot_general3A_75 {dimension_numbers = #tpu.dot_dimension_numbers<[1], [0], [0], [1], [0, 0, 1, 1], [], []>, transpose_lhs_hint = false} : vector<400x128xf32>, vector<128x256xf32>, vector<400x256xf32> -> vector<400x256xf32>
    %dot_general3A_77 = arith.constant dense<0.000000e+00> : vector<400x256xf32>
    %dot_general3A_78 = tpu.matmul %add3A_67, %get3A_74, %dot_general3A_77 {dimension_numbers = #tpu.dot_dimension_numbers<[1], [0], [0], [1], [0, 0, 1, 1], [], []>, transpose_lhs_hint = false} : vector<400x128xf32>, vector<128x256xf32>, vector<400x256xf32> -> vector<400x256xf32>
    %dot_general3A_79 = arith.constant dense<0.000000e+00> : vector<400x256xf32>
    %dot_general3A_80 = tpu.matmul %add3A_71, %get3A_74, %dot_general3A_79 {dimension_numbers = #tpu.dot_dimension_numbers<[1], [0], [0], [1], [0, 0, 1, 1], [], []>, transpose_lhs_hint = false} : vector<400x128xf32>, vector<128x256xf32>, vector<400x256xf32> -> vector<400x256xf32>
    %get3A_81 = arith.constant 0 : index
    %get3A_82 = arith.constant 0 : index
    %get3A_83 = vector.load %arg11[%get3A_81, %get3A_82] : memref<128x256xf32, #tpu.memory_space<vmem>>, vector<128x256xf32>
    %dot_general3A_84 = arith.constant dense<0.000000e+00> : vector<400x256xf32>
    %dot_general3A_85 = tpu.matmul %mul3A_10, %get3A_83, %dot_general3A_84 {dimension_numbers = #tpu.dot_dimension_numbers<[1], [0], [0], [1], [0, 0, 1, 1], [], []>, transpose_lhs_hint = false} : vector<400x128xf32>, vector<128x256xf32>, vector<400x256xf32> -> vector<400x256xf32>
    %get3A_86 = arith.constant 0 : index
    %get3A_87 = arith.constant 0 : index
    %get3A_88 = vector.load %arg12[%get3A_86, %get3A_87] : memref<1x256xf32, #tpu.memory_space<vmem>>, vector<1x256xf32>
    %add3A_89 = vector.broadcast %get3A_88 : vector<1x256xf32> to vector<400x256xf32>
    %add3A_90 = arith.addf %dot_general3A_85, %add3A_89 : vector<400x256xf32>
    %logistic3A = arith.negf %add3A_90 : vector<400x256xf32>
    %logistic3A_91 = math.exp %logistic3A : vector<400x256xf32>
    %logistic3A_92 = arith.constant 1.000000e+00 : f32
    %logistic3A_93 = vector.broadcast %logistic3A_92 : f32 to vector<400x256xf32>
    %logistic3A_94 = arith.addf %logistic3A_93, %logistic3A_91 : vector<400x256xf32>
    %logistic3A_95 = arith.divf %logistic3A_93, %logistic3A_94 : vector<400x256xf32>
    %mul3A_96 = arith.mulf %add3A_90, %logistic3A_95 : vector<400x256xf32>
    %slice3A_97 = vector.extract_strided_slice %dot_general3A_76 {offsets = [0, 0], sizes = [400, 128], strides = [1, 1]} : vector<400x256xf32> to vector<400x128xf32>
    %slice3A_98 = vector.extract_strided_slice %dot_general3A_76 {offsets = [0, 128], sizes = [400, 128], strides = [1, 1]} : vector<400x256xf32> to vector<400x128xf32>
    %mul3A_99 = arith.mulf %slice3A_97, %slice3A_98 : vector<400x128xf32>
    %add3A_100 = arith.constant 0.000000e+00 : f32
    %add3A_101 = vector.broadcast %add3A_100 : f32 to vector<400x128xf32>
    %add3A_102 = arith.addf %add3A_101, %mul3A_99 : vector<400x128xf32>
    %slice3A_103 = vector.extract_strided_slice %dot_general3A_78 {offsets = [0, 0], sizes = [400, 128], strides = [1, 1]} : vector<400x256xf32> to vector<400x128xf32>
    %slice3A_104 = vector.extract_strided_slice %dot_general3A_78 {offsets = [0, 128], sizes = [400, 128], strides = [1, 1]} : vector<400x256xf32> to vector<400x128xf32>
    %mul3A_105 = arith.mulf %slice3A_103, %slice3A_104 : vector<400x128xf32>
    %add3A_106 = arith.addf %add3A_102, %mul3A_105 : vector<400x128xf32>
    %slice3A_107 = vector.extract_strided_slice %dot_general3A_80 {offsets = [0, 0], sizes = [400, 128], strides = [1, 1]} : vector<400x256xf32> to vector<400x128xf32>
    %slice3A_108 = vector.extract_strided_slice %dot_general3A_80 {offsets = [0, 128], sizes = [400, 128], strides = [1, 1]} : vector<400x256xf32> to vector<400x128xf32>
    %mul3A_109 = arith.mulf %slice3A_107, %slice3A_108 : vector<400x128xf32>
    %add3A_110 = arith.addf %add3A_106, %mul3A_109 : vector<400x128xf32>
    %slice3A_111 = vector.extract_strided_slice %mul3A_96 {offsets = [0, 0], sizes = [400, 128], strides = [1, 1]} : vector<400x256xf32> to vector<400x128xf32>
    %mul3A_112 = arith.mulf %add3A_110, %slice3A_111 : vector<400x128xf32>
    %slice3A_113 = vector.extract_strided_slice %mul3A_96 {offsets = [0, 128], sizes = [400, 128], strides = [1, 1]} : vector<400x256xf32> to vector<400x128xf32>
    %add3A_114 = arith.addf %mul3A_112, %slice3A_113 : vector<400x128xf32>
    %get3A_115 = arith.constant 0 : index
    %get3A_116 = arith.constant 0 : index
    %get3A_117 = vector.load %arg5[%get3A_115, %get3A_116] : memref<400x128xf32, #tpu.memory_space<vmem>>, vector<400x128xf32>
    %add3A_118 = arith.addf %add3A_114, %get3A_117 : vector<400x128xf32>
    %reduce_sum3A = arith.constant dense<0.000000e+00> : vector<400xf32>
    %reduce_sum3A_119 = vector.multi_reduction <add>, %add3A_118, %reduce_sum3A [1] : vector<400x128xf32> to vector<400xf32>
    %broadcast_in_dim3A = vector.shape_cast %reduce_sum3A_119 : vector<400xf32> to vector<400x1xf32>
    %div3A_120 = arith.constant 1.280000e+02 : f32
    %div3A_121 = vector.broadcast %div3A_120 : f32 to vector<400x1xf32>
    %div3A_122 = arith.divf %broadcast_in_dim3A, %div3A_121 : vector<400x1xf32>
    %sub3A = vector.broadcast %div3A_122 : vector<400x1xf32> to vector<400x128xf32>
    %sub3A_123 = arith.subf %add3A_118, %sub3A : vector<400x128xf32>
    %integer_pow3A_124 = arith.mulf %sub3A_123, %sub3A_123 : vector<400x128xf32>
    %reduce_sum3A_125 = arith.constant dense<0.000000e+00> : vector<400xf32>
    %reduce_sum3A_126 = vector.multi_reduction <add>, %integer_pow3A_124, %reduce_sum3A_125 [1] : vector<400x128xf32> to vector<400xf32>
    %broadcast_in_dim3A_127 = vector.shape_cast %reduce_sum3A_126 : vector<400xf32> to vector<400x1xf32>
    %div3A_128 = arith.constant 1.280000e+02 : f32
    %div3A_129 = vector.broadcast %div3A_128 : f32 to vector<400x1xf32>
    %div3A_130 = arith.divf %broadcast_in_dim3A_127, %div3A_129 : vector<400x1xf32>
    %sub3A_131 = vector.broadcast %div3A_122 : vector<400x1xf32> to vector<400x128xf32>
    %sub3A_132 = arith.subf %add3A_118, %sub3A_131 : vector<400x128xf32>
    %add3A_133 = arith.constant 9.99999974E-6 : f32
    %add3A_134 = vector.broadcast %add3A_133 : f32 to vector<400x1xf32>
    %add3A_135 = arith.addf %div3A_130, %add3A_134 : vector<400x1xf32>
    %sqrt3A_136 = math.sqrt %add3A_135 : vector<400x1xf32>
    %div3A_137 = vector.broadcast %sqrt3A_136 : vector<400x1xf32> to vector<400x128xf32>
    %div3A_138 = arith.divf %sub3A_132, %div3A_137 : vector<400x128xf32>
    %get3A_139 = arith.constant 0 : index
    %get3A_140 = arith.constant 0 : index
    %get3A_141 = vector.load %arg13[%get3A_139, %get3A_140] : memref<1x128xf32, #tpu.memory_space<vmem>>, vector<1x128xf32>
    %mul3A_142 = vector.broadcast %get3A_141 : vector<1x128xf32> to vector<400x128xf32>
    %mul3A_143 = arith.mulf %div3A_138, %mul3A_142 : vector<400x128xf32>
    %get3A_144 = arith.constant 0 : index
    %get3A_145 = arith.constant 0 : index
    %get3A_146 = vector.load %arg14[%get3A_144, %get3A_145] : memref<1x128xf32, #tpu.memory_space<vmem>>, vector<1x128xf32>
    %add3A_147 = vector.broadcast %get3A_146 : vector<1x128xf32> to vector<400x128xf32>
    %add3A_148 = arith.addf %mul3A_143, %add3A_147 : vector<400x128xf32>
    %swap3A = arith.constant 0 : index
    %swap3A_149 = arith.constant 0 : index
    %swap3A_150 = vector.load %arg16[%swap3A, %swap3A_149] : memref<400x128xf32, #tpu.memory_space<vmem>>, vector<400x128xf32>
    tpu.vector_store %arg16[%swap3A, %swap3A_149], %add3A_148 {strides = array<i32>} : memref<400x128xf32, #tpu.memory_space<vmem>>, vector<400x128xf32>,
    %get3A_151 = arith.constant 0 : index
    %get3A_152 = arith.constant 0 : index
    %get3A_153 = vector.load %arg6[%get3A_151, %get3A_152] : memref<400x384xf32, #tpu.memory_space<vmem>>, vector<400x384xf32>
    %slice3A_154 = vector.extract_strided_slice %get3A_153 {offsets = [0, 0], sizes = [400, 128], strides = [1, 1]} : vector<400x384xf32> to vector<400x128xf32>
    %add3A_155 = arith.addf %add3A_63, %slice3A_154 : vector<400x128xf32>
    %slice3A_156 = vector.extract_strided_slice %get3A_153 {offsets = [0, 128], sizes = [400, 128], strides = [1, 1]} : vector<400x384xf32> to vector<400x128xf32>
    %add3A_157 = arith.addf %add3A_67, %slice3A_156 : vector<400x128xf32>
    %slice3A_158 = vector.extract_strided_slice %get3A_153 {offsets = [0, 256], sizes = [400, 128], strides = [1, 1]} : vector<400x384xf32> to vector<400x128xf32>
    %add3A_159 = arith.addf %add3A_71, %slice3A_158 : vector<400x128xf32>
    %integer_pow3A_160 = arith.mulf %add3A_155, %add3A_155 : vector<400x128xf32>
    %add3A_161 = arith.constant 0.000000e+00 : f32
    %add3A_162 = vector.broadcast %add3A_161 : f32 to vector<400x128xf32>
    %add3A_163 = arith.addf %add3A_162, %integer_pow3A_160 : vector<400x128xf32>
    %integer_pow3A_164 = arith.mulf %add3A_157, %add3A_157 : vector<400x128xf32>
    %add3A_165 = arith.addf %add3A_163, %integer_pow3A_164 : vector<400x128xf32>
    %integer_pow3A_166 = arith.mulf %add3A_159, %add3A_159 : vector<400x128xf32>
    %add3A_167 = arith.addf %add3A_165, %integer_pow3A_166 : vector<400x128xf32>
    %sqrt3A_168 = math.sqrt %add3A_167 : vector<400x128xf32>
    %get3A_169 = arith.constant 0 : index
    %get3A_170 = arith.constant 0 : index
    %get3A_171 = vector.load %arg15[%get3A_169, %get3A_170] : memref<1x128xf32, #tpu.memory_space<vmem>>, vector<1x128xf32>
    %add3A_172 = arith.constant 9.99999993E-9 : f32
    %add3A_173 = vector.broadcast %add3A_172 : f32 to vector<400x128xf32>
    %add3A_174 = arith.addf %sqrt3A_168, %add3A_173 : vector<400x128xf32>
    %div3A_175 = vector.broadcast %get3A_171 : vector<1x128xf32> to vector<400x128xf32>
    %div3A_176 = arith.divf %div3A_175, %add3A_174 : vector<400x128xf32>
    %mul3A_177 = arith.mulf %add3A_155, %div3A_176 : vector<400x128xf32>
    %mul3A_178 = arith.mulf %add3A_157, %div3A_176 : vector<400x128xf32>
    %mul3A_179 = arith.mulf %add3A_159, %div3A_176 : vector<400x128xf32>
    %concatenate3A = tpu.concatenate %mul3A_177, %mul3A_178, %mul3A_179 in 1 : vector<400x128xf32>, vector<400x128xf32>, vector<400x128xf32> -> vector<400x384xf32>
    %swap3A_180 = arith.constant 0 : index
    %swap3A_181 = arith.constant 0 : index
    %swap3A_182 = vector.load %arg17[%swap3A_180, %swap3A_181] : memref<400x384xf32, #tpu.memory_space<vmem>>, vector<400x384xf32>
    tpu.vector_store %arg17[%swap3A_180, %swap3A_181], %concatenate3A {strides = array<i32>} : memref<400x384xf32, #tpu.memory_space<vmem>>, vector<400x384xf32>,
    return
  }
  func.func @transform_0(%arg0: i32) -> (i32, i32) {
    %c0_i32 = arith.constant 0 : i32
    %c0_i32_0 = arith.constant 0 : i32
    return %arg0, %c0_i32 : i32, i32
  }
  func.func @transform_1(%arg0: i32) -> (i32, i32) {
    %add3A = arith.constant 26 : i32
    %add3A_0 = arith.addi %arg0, %add3A : i32
    %c0_i32 = arith.constant 0 : i32
    %c0_i32_1 = arith.constant 0 : i32
    return %add3A_0, %c0_i32 : i32, i32
  }
  func.func @transform_2(%arg0: i32) -> (i32, i32) {
    %c0_i32 = arith.constant 0 : i32
    %c0_i32_0 = arith.constant 0 : i32
    return %arg0, %c0_i32 : i32, i32
  }
  func.func @transform_3(%arg0: i32) -> (i32, i32) {
    %add3A = arith.constant 26 : i32
    %add3A_0 = arith.addi %arg0, %add3A : i32
    %c0_i32 = arith.constant 0 : i32
    %c0_i32_1 = arith.constant 0 : i32
    return %add3A_0, %c0_i32 : i32, i32
  }
  func.func @transform_4(%arg0: i32) -> (i32, i32) {
    %c0_i32 = arith.constant 0 : i32
    %c0_i32_0 = arith.constant 0 : i32
    return %arg0, %c0_i32 : i32, i32
  }
  func.func @transform_5(%arg0: i32) -> (i32, i32) {
    %c0_i32 = arith.constant 0 : i32
    %c0_i32_0 = arith.constant 0 : i32
    return %arg0, %c0_i32 : i32, i32
  }
  func.func @transform_6(%arg0: i32) -> (i32, i32) {
    %c0_i32 = arith.constant 0 : i32
    %c0_i32_0 = arith.constant 0 : i32
    %c0_i32_1 = arith.constant 0 : i32
    return %c0_i32, %c0_i32_0 : i32, i32
  }
  func.func @transform_7(%arg0: i32) -> (i32, i32) {
    %c0_i32 = arith.constant 0 : i32
    %c0_i32_0 = arith.constant 0 : i32
    %c0_i32_1 = arith.constant 0 : i32
    return %c0_i32, %c0_i32_0 : i32, i32
  }
  func.func @transform_8(%arg0: i32) -> (i32, i32) {
    %c0_i32 = arith.constant 0 : i32
    %c0_i32_0 = arith.constant 0 : i32
    %c0_i32_1 = arith.constant 0 : i32
    return %c0_i32, %c0_i32_0 : i32, i32
  }
  func.func @transform_9(%arg0: i32) -> (i32, i32) {
    %c0_i32 = arith.constant 0 : i32
    %c0_i32_0 = arith.constant 0 : i32
    %c0_i32_1 = arith.constant 0 : i32
    return %c0_i32, %c0_i32_0 : i32, i32
  }
  func.func @transform_10(%arg0: i32) -> (i32, i32) {
    %c0_i32 = arith.constant 0 : i32
    %c0_i32_0 = arith.constant 0 : i32
    %c0_i32_1 = arith.constant 0 : i32
    return %c0_i32, %c0_i32_0 : i32, i32
  }
  func.func @transform_11(%arg0: i32) -> (i32, i32) {
    %c0_i32 = arith.constant 0 : i32
    %c0_i32_0 = arith.constant 0 : i32
    %c0_i32_1 = arith.constant 0 : i32
    return %c0_i32, %c0_i32_0 : i32, i32
  }
  func.func @transform_12(%arg0: i32) -> (i32, i32) {
    %c0_i32 = arith.constant 0 : i32
    %c0_i32_0 = arith.constant 0 : i32
    %c0_i32_1 = arith.constant 0 : i32
    return %c0_i32, %c0_i32_0 : i32, i32
  }
  func.func @transform_13(%arg0: i32) -> (i32, i32) {
    %c0_i32 = arith.constant 0 : i32
    %c0_i32_0 = arith.constant 0 : i32
    %c0_i32_1 = arith.constant 0 : i32
    return %c0_i32, %c0_i32_0 : i32, i32
  }
  func.func @transform_14(%arg0: i32) -> (i32, i32) {
    %c0_i32 = arith.constant 0 : i32
    %c0_i32_0 = arith.constant 0 : i32
    %c0_i32_1 = arith.constant 0 : i32
    return %c0_i32, %c0_i32_0 : i32, i32
  }
  func.func @transform_15(%arg0: i32) -> (i32, i32) {
    %c0_i32 = arith.constant 0 : i32
    %c0_i32_0 = arith.constant 0 : i32
    return %arg0, %c0_i32 : i32, i32
  }
  func.func @transform_16(%arg0: i32) -> (i32, i32) {
    %c0_i32 = arith.constant 0 : i32
    %c0_i32_0 = arith.constant 0 : i32
    return %arg0, %c0_i32 : i32, i32
  }
}

</mosaic_0001>

<sc_bundles>
// kernel: kernel.5.cloned.1.call-start
scs
__scs_entry_jumppad:
0x0: {  	(pc) =	sbr.rel $0x88, $3  }
0x1: {  	(tag) =	ssettag $0x0;
	lr =	simm.s32 $0x1  }
0x2: {  	[smem:$0x3F85] =	sst lr;
	_ =	strace $0xD0000000  }
0x3: {  	_ = 	snop  }
0x4: {  	_ = 	snop  }
0x5: {  	_ = 	snop  }
0x6: {  	_ = 	snop  }
0x7: {  	_ = 	snop  }
__scs_overlays_trampoline_lowered:
0x8: {  	[smem:$0x3F94] =	sst s0  }
0x9: {  	[smem:$0x3F95] =	sst s1  }
0xa: {  	[smem:$0x3F96] =	sst s2  }
0xb: {  	[smem:$0x3F97] =	sst s3  }
0xc: {  	[smem:$0x3F98] =	sst s4  }
0xd: {  	[smem:$0x3F99] =	sst s5  }
0xe: {  	[smem:$0x3F9A] =	sst s6  }
0xf: {  	[smem:$0x3F9B] =	sst s7  }
0x10: {  	[smem:$0x3F9C] =	sst s8  }
0x11: {  	[smem:$0x3F9D] =	sst s9;
	s0 =	simm.s32 @!p0 $0x0  }
0x12: {  	s1 =	sld [smem:$0x3F83];
	s0 =	simm.s32 @p0 $0x1  }
0x13: {  	[smem:$0x3F9E] =	sst s0;
	s0 =	simm.s32 @!p1 $0x0  }
0x14: {  	s2 =	sld [smem:$0x3F82];
	s0 =	simm.s32 @p1 $0x1  }
0x15: {  	[smem:$0x3F9F] =	sst s0;
	s0 =	simm.s32 @!p2 $0x0  }
0x16: {  	s3 =	sld [smem:$0x3FDB];
	s0 =	simm.s32 @p2 $0x1  }
0x17: {  	s4 =	simm.s32 $0x1BF5;
	[smem:$0x3FA1] =	sst s0  }
0x18: {  	s0 =	sld [smem:$0x3F84];
	_ =	swait.ge [sflag:s4], $0x0  }
0x19: {  	s7 =	sld [smem:$0x3F85]  }
0x1a: {  	s8 =	sadd.s32 $0xFFFFE003, lr  }
0x1b: {  	s9 =	sadd.s32 $0xFFFFFEF7, lr;
	s5 =	simm.s32 $0xFFFFFFFF;
	p2 =	slt.u32 s8, $0xFFFFF086  }
0x1c: {  	p1 =	slt.u32 s9, $0xF7A;
	s5 =	simm.s32 @!p2 $0x0  }
0x1d: {  	s5 =	simm.s32 @p1 $0x1;
	p0 =	seq.s32 s7, s2  }
0x1e: {  	s7 =	smul.u32 @!p0 $0xF7A, s2;
	p2 =	seq.s32 @!p0 s5, $0x0  }
0x1f: {  	s9 =	smul.u32 $0xF7A, s1;
	s8 =	simm.s32 @!p0 $0x1BF5;
	p2 =	por !p2, p0  }
0x20: {  	[sflag:s8] =	ssyncset.s32 @!p0 $0xFFFFF086;
	s6 =	sadd.s32 @!p0 s3, s7;
	s7 =	simm.s32 @!p0 $0x108  }
0x21: {  	s3 =	sadd.s32 s3, s9;
	s6 =	sadd.s32 @!p0 $0x88, s6;
	s7 =	simm.s32 @p2 $0x1082  }
0x22: {  	[simem:s7], [sflag:s8] =	dma.local @!p0 [hbm:s6], $0xF7A  }
0x23: {  	s9 =	sor.u32 $0xD0000000, s2;
	s6 =	simm.s32 $0x108;
	_ =	swait.ge @!p0 [sflag:s8], $0x0  }
0x24: {  	s3 =	sadd.s32 $0x88, s3;
	s6 =	simm.s32 @!p1 $0x1082;
	[sflag:s4] =	ssyncset.s32 $0xFFFFF086  }
0x25: {  	[simem:s6], [sflag:s4] =	dma.local [hbm:s3], $0xF7A  }
0x26: {  	[smem:$0x3F85] =	sst s1;
	(tag) =	ssettag s2;
	_ =	strace s9  }
0x27: {  	s1 =	sld [smem:$0x3F95]  }
0x28: {  	s2 =	sld [smem:$0x3F96]  }
0x29: {  	s4 =	sld [smem:$0x3F98]  }
0x2a: {  	p0 =	seq.s32 s5, $0x0;
	s5 =	sld [smem:$0x3F99]  }
0x2b: {  	s6 =	sld [smem:$0x3F9A]  }
0x2c: {  	s7 =	sld [smem:$0x3F9B]  }
0x2d: {  	s3 =	simm.s32 $0x108;
	s8 =	sld [smem:$0x3F9C]  }
0x2e: {  	s3 =	simm.s32 @!p0 $0x1082;
	s9 =	sld [smem:$0x3F9D]  }
0x2f: {  	lr =	sadd.s32 s0, s3;
	s0 =	sld [smem:$0x3F94]  }
0x30: {  	s3 =	sld [smem:$0x3F97]  }
0x31: {  	[smem:$0x3FA0] =	sst s10  }
0x32: {  	s10 =	sld [smem:$0x3F9E];
	_ =	sdelay $0x3  }
0x33: {  	p0 =	seq.s32 s10, $0x1;
	s10 =	sld [smem:$0x3FA0];
	_ =	sdelay $0x3  }
0x34: {  	[smem:$0x3FA0] =	sst s10  }
0x35: {  	s10 =	sld [smem:$0x3F9F];
	_ =	sdelay $0x3  }
0x36: {  	p1 =	seq.s32 s10, $0x1;
	s10 =	sld [smem:$0x3FA0];
	_ =	sdelay $0x3  }
0x37: {  	[smem:$0x3FA0] =	sst s10  }
0x38: {  	s10 =	sld [smem:$0x3FA1]  }
0x39: {  	_ = 	snop;
	(pc) =	sbr.ind lr, $3  }
0x3a: {  	_ = 	snop  }
0x3b: {  	_ = 	snop  }
0x3c: {  	p2 =	seq.s32 s10, $0x1;
	s10 =	sld [smem:$0x3FA0]  }
0x3d: {  	_ =	shalt  }
0x3e: {  	_ =	shalt  }
0x3f: {  	_ =	shalt  }
0x40: {  	_ =	shalt  }
0x41: {  	_ =	shalt  }
0x42: {  	_ =	shalt  }
0x43: {  	_ =	shalt  }
0x44: {  	_ =	shalt  }
0x45: {  	_ =	shalt  }
0x46: {  	_ =	shalt  }
0x47: {  	_ =	shalt  }
0x48: {  	_ =	shalt  }
0x49: {  	_ =	shalt  }
0x4a: {  	_ =	shalt  }
0x4b: {  	_ =	shalt  }
0x4c: {  	_ =	shalt  }
0x4d: {  	_ =	shalt  }
0x4e: {  	_ =	shalt  }
0x4f: {  	_ =	shalt  }
0x50: {  	_ =	shalt  }
0x51: {  	_ =	shalt  }
0x52: {  	_ =	shalt  }
0x53: {  	_ =	shalt  }
0x54: {  	_ =	shalt  }
0x55: {  	_ =	shalt  }
0x56: {  	_ =	shalt  }
0x57: {  	_ =	shalt  }
0x58: {  	_ =	shalt  }
0x59: {  	_ =	shalt  }
0x5a: {  	_ =	shalt  }
0x5b: {  	_ =	shalt  }
0x5c: {  	_ =	shalt  }
0x5d: {  	_ =	shalt  }
0x5e: {  	_ =	shalt  }
0x5f: {  	_ =	shalt  }
0x60: {  	_ =	shalt  }
0x61: {  	_ =	shalt  }
0x62: {  	_ =	shalt  }
0x63: {  	_ =	shalt  }
0x64: {  	_ =	shalt  }
0x65: {  	_ =	shalt  }
0x66: {  	_ =	shalt  }
0x67: {  	_ =	shalt  }
0x68: {  	_ =	shalt  }
0x69: {  	_ =	shalt  }
0x6a: {  	_ =	shalt  }
0x6b: {  	_ =	shalt  }
0x6c: {  	_ =	shalt  }
0x6d: {  	_ =	shalt  }
0x6e: {  	_ =	shalt  }
0x6f: {  	_ =	shalt  }
0x70: {  	_ =	shalt  }
0x71: {  	_ =	shalt  }
0x72: {  	_ =	shalt  }
0x73: {  	_ =	shalt  }
0x74: {  	_ =	shalt  }
0x75: {  	_ =	shalt  }
0x76: {  	_ =	shalt  }
0x77: {  	_ =	shalt  }
0x78: {  	_ =	shalt  }
0x79: {  	_ =	shalt  }
0x7a: {  	_ =	shalt  }
0x7b: {  	_ =	shalt  }
0x7c: {  	_ =	shalt  }
0x7d: {  	_ =	shalt  }
0x7e: {  	_ =	shalt  }
0x7f: {  	_ =	shalt  }
0x80: {  	_ =	shalt  }
0x81: {  	_ =	shalt  }
0x82: {  	_ =	shalt  }
0x83: {  	_ =	shalt  }
0x84: {  	_ =	shalt  }
0x85: {  	_ =	shalt  }
0x86: {  	_ =	shalt  }
0x87: {  	_ =	shalt  }
.Lfunc_end0:
.L_simem_size_0:
called_computation.3_lowered:
.L_overlay_start_0:
0x88: {  	s2 =	sld [smem:$0x3FD9]  }
0x89: {  	s3 =	sld [smem:$0x3FFE];
	_ =	sdelay $0x1  }
0x8a: {  	s1 =	srdreg.scid  }
0x8b: {  	s0 =	sand.u32 $0x1, s1  }
0x8c: {  	s14 =	sshll.u32 s0, $0xA;
	s2 =	sadd.s32 s3, s2  }
0x8d: {  	s2 =	sadd.s32 s2, s14  }
0x8e: {  	[smem:$0x3FAC] =	sst s2  }
0x8f: {  	_ = 	snop  }
0x90: {  	s2 =	sld [smem:$0x3FD0];
	_ =	sdelay $0x2  }
0x91: {  	s4 =	simm.s32 $0xC;
	s5 =	simm.s32 $0x10;
	s15 =	sld [smem:$0x3FC9]  }
0x92: {  	[smem:s5], [sflag:s4] =	dma.local [hbm:s2], $0x1  }
0x93: {  	_ =	swait.eq [sflag:s4], $0x1  }
0x94: {  	[sflag:s4] =	ssyncset.done $0x0  }
0x95: {  	s16 =	sld [smem:$0x10];
	[sflag:s4] =	ssyncadd.s32 $0xFFFFFFFF  }
0x96: {  	s17 =	sld [smem:$0x11];
	(tm) =	ssettm $0x1  }
0x97: {  	s18 =	sld [smem:$0x3FFB];
	_ =	sdelay $0x3  }
0x98: {  	_ =	strace s18  }
0x99: {  	s5 =	sld [smem:$0x3FFC];
	_ =	sdelay $0x3  }
0x9a: {  	_ =	strace s5  }
0x9b: {  	s5 =	sld [smem:$0x3FFD];
	_ =	sdelay $0x3  }
0x9c: {  	_ =	strace s5  }
0x9d: {  	_ =	strace $0x8FFFFFFF  }
0x9e: {  	s19 =	sld [smem:$0x3FDB];
	_ =	sdelay $0x1  }
0x9f: {  	s6 =	simm.s32 $_scs_section_size  }
0xa0: {  	s7 =	simm.s32 $_size__tile_overlayer_lowered;
	s8 =	simm.s32 $_tile_overlayer_lowered  }
0xa1: {  	s22 =	simm.s32 $0x1BFF;
	s21 =	sshll.u32 s8, $0x1;
	s5 =	sadd.s32 s6, s19  }
0xa2: {  	s9 =	simm.s32 $0x0;
	s20 =	sshll.u32 s7, $0x1;
	s7 =	sadd.s32 s21, s5  }
0xa3: {  	[timem:s9], [sflag:s22] =	dma.local [hbm:s7], s20  }
0xa4: {  	_ =	swait.ge [sflag:s22], s20  }
0xa5: {  	s6 =	ssub.s32 $0x0, s20;
	[sflag:s22] =	ssyncset.done $0x0  }
0xa6: {  	[sflag:s22] =	ssyncadd.s32 s6;
	_ =	sdelay $0x1  }
0xa7: {  	s23 =	simm.s32 $0x1B8B  }
0xa8: {  	_ =	swait.ge [sflag:s23], $0x1  }
0xa9: {  	[sflag:s23] =	ssyncset.done $0x0  }
0xaa: {  	s25 =	simm.s32 $0x1B8E;
	s24 =	sld [smem:$0x3FFE];
	[sflag:s23] =	ssyncadd.s32 $0xFFFFFFFF  }
0xab: {  	s26 =	simm.s32 $execute0_lowered;
	[smem:$0x3FD2] =	sst s25  }
0xac: {  	s7 =	sshll.u32 s26, $0x1;
	_ =	strace $0x80000046;
	[dreg:$0x1] =	wrdreg $0xFFFFFFFF  }
0xad: {  	s28 =	simm.s32 $_size_execute0_lowered;
	s5 =	sadd.s32 s5, s7;
	[dreg:$0x0] =	wrdreg $0x0  }
0xae: {  	s7 =	sshll.u32 s28, $0x1;
	[dreg:$0x2] =	wrdreg s5  }
0xaf: {  	[dreg:$0x3] =	wrdreg s7  }
0xb0: {  	[dreg:$0x4] =	wrdreg $0xC0  }
0xb1: {  	_ =	task [dreg:s9], $0x5FFFF  }
0xb2: {  	[dreg:$0x1] =	wrdreg $0xFFFFFFFF  }
0xb3: {  	[dreg:$0x0] =	wrdreg $0x60  }
0xb4: {  	[dreg:$0x2] =	wrdreg s15  }
0xb5: {  	[dreg:$0x3] =	wrdreg s24  }
0xb6: {  	[dreg:$0x4] =	wrdreg s16  }
0xb7: {  	[dreg:$0x5] =	wrdreg s17  }
0xb8: {  	[dreg:$0x6] =	wrdreg $0x9  }
0xb9: {  	_ =	task.clear_ibuf [dreg:s9], $0x7FFFF;
	_ =	strace $0x90000046  }
0xba: {  	s29 =	simm.s32 $0x9;
	_ =	strace $0x80000048  }
0xbb: {  	_ =	swait.ge [sflag:s29], $0x1  }
0xbc: {  	[sflag:s29] =	ssyncadd.s32 $0xFFFFFFFF  }
0xbd: {  	_ =	strace $0x90000048  }
0xbe: {  	_ =	sfence  }
0xbf: {  	s30 =	sld [smem:$0x0];
	_ =	sdelay $0x2  }
0xc0: {  	s31 =	sshll.u32 s1, $0xD;
	s1 =	sshrl.u32 s1, $0x2  }
0xc1: {  	s3 =	sand.u32 $0x4000, s31;
	s1 =	sadd.s32 s1, s30  }
0xc2: {  	s0 =	sor.u32 s3, s0;
	s1 =	sshll.u32 s1, $0x11  }
0xc3: {  	s0 =	sor.u32 s1, s0  }
0xc4: {  	s0 =	sadd.s32 $0x8F2B, s0  }
0xc5: {  	[sflag:s0] =	ssyncadd.remote.s32 $0x1  }
0xc6: {  	_ =	sfence.sel $0xFFFF  }
0xc7: {  	[dreg:$0x0] =	wrdreg $0xFFFFFFFF;
	(pc) =	sbr.abs _section_cstart, $3  }
0xc8: {  	[dreg:$0x1] =	wrdreg $0xFFFFFFFF  }
0xc9: {  	_ =	task.clear_ibuf [dreg:s9], $0x2FFFF;
	_ =	strace $0x9FFFFFFF  }
0xca: {  	(tm) =	ssettm $0x7FFFFFFF  }
0xcb: {  	_ =	shalt  }
tec
execute0_lowered:
.L_overlay_start_1:
0x0: {  	(tag) =	ssettag $0x1  }
0x1: {  	s1 =	rddreg [dreg:$0x0]  }
0x2: {  	s0 =	rddreg [dreg:$0x1]  }
0x3: {  	s2 =	rddreg [dreg:$0x2];
	s3 =	srdreg.scid  }
0x4: {  	s16 =	stileid.u32;
	s6 =	rddreg [dreg:$0x3]  }
0x5: {  	s17 =	simm.s32 $0x1;
	s18 =	simm.s32 $0x4080;
	s19 =	simm.s32 $0x8480  }
0x6: {  	s7 =	sand.u32 $0x1, s3;
	s4 =	sshll.u32 s16, $0x1;
	s22 =	smul.u32 $0x2710, s16  }
0x7: {  	s3 =	simm.s32 $0x0;
	s11 =	sadd.s32 $0x2E9200, s0;
	s25 =	smul.u32 $0x27100, s16  }
0x8: {  	s8 =	sadd.s32 $0x78200, s0;
	s13 =	sadd.s32 $0x55A200, s0;
	s24 =	smul.u32 $0x1388, s7  }
0x9: {  	s16 =	simm.s32 $0x80;
	s4 =	sor.u32 s7, s4;
	s26 =	smul.u32 $0x13880, s7  }
0xa: {  	[smem:$0x7FF] =	sst s3;
	s9 =	ssub.s32 $0x2, s7;
	s5 =	smul.u32 $0x1388, s4  }
0xb: {  	_ =	strace $0x80000047;
	s4 =	sadd.s32 $0x2E00, s0;
	s20 =	sshrl.u32 s9, $0x1  }
0xc: {  	s30 =	sadd.s32 s25, s11;
	s9 =	ssub.s32 s9, s20;
	s28 =	sadd.s32 s24, s22  }
0xd: {  	s20 =	simm.s32 $0x8880;
	s22 =	simm.s32 $0x9480;
	s24 =	simm.s32 $0xA080  }
0xe: {  	s10 =	sadd.s32 $0x1308, s5;
	s5 =	sadd.s32 $0x2F00, s0;
	s9 =	smax.u32 s9, $0x1  }
0xf: {  	s7 =	sshrl.u32 s28, $0x3;
	s12 =	sshrl.u32 s10, $0x3;
	s21 =	sshll.u32 s10, $0x4  }
0x10: {  	[dreg:$0xc] =	wrdreg s9;
	s29 =	smul.u32 $0x180, s7;
	s9 =	simm.s32 $0x6080  }
0x11: {  	s10 =	simm.s32 $0x6480;
	s14 =	smul.u32 $0x180, s12;
	s15 =	sadd.s32 s2, s12  }
0x12: {  	s23 =	sadd.s32 s8, s21;
	s12 =	sadd.s32 s6, s12;
	s0 =	sadd.s32 s11, s21  }
0x13: {  	s8 =	sadd.s32 s25, s8;
	s6 =	sadd.s32 s7, s6;
	[dreg:$0x7] =	wrdreg s15  }
0x14: {  	s2 =	sadd.s32 s7, s2;
	s7 =	simm.s32 $0x5480;
	[dreg:$0x8] =	wrdreg s23  }
0x15: {  	s11 =	simm.s32 $0x6C80;
	s21 =	simm.s32 $0x9080;
	[dreg:$0xa] =	wrdreg s12  }
0x16: {  	s25 =	simm.s32 $0xA880;
	[dreg:$0xb] =	wrdreg s0;
	s8 =	sadd.s32 s26, s8  }
0x17: {  	[dreg:$0x5] =	wrdreg s6;
	s0 =	sadd.s32 s26, s30;
	s31 =	sadd.s32 s29, s13  }
0x18: {  	[dreg:$0x6] =	wrdreg s2;
	s15 =	simm.s32 $0x2;
	s6 =	simm.s32 $0x4C80  }
0x19: {  	s12 =	simm.s32 $0x7080;
	s23 =	simm.s32 $0x9C80;
	[dreg:$0xd] =	wrdreg s8  }
0x1a: {  	v2 =	vlaneseq.u32;
	s26 =	simm.s32 $0xAC80;
	s14 =	sadd.s32 s13, s14;
	[dreg:$0xe] =	wrdreg s0  }
0x1b: {  	vm0 =	vmmov $0xffff;
	vm1 =	vmmov $0xff;
	v1 =	vshrl.u32 v2, $0x3;
	[dreg:$0xf] =	wrdreg s31;
	s0 =	simm.s32 $0x0;
	s8 =	simm.s32 $0x5880  }
0x1c: {  	v0 =	vand.u32 $0x7, v2;
	v2 =	vor.u32 $0x8, v2;
	v1 =	vmul.u32 $0x8, v1;
	s13 =	simm.s32 $0x7880;
	[dreg:$0x9] =	wrdreg s14;
	s14 =	simm.s32 $0x7C80  }
.LBB2_1:
0x1d: {  	[dreg:$0x10] =	wrdreg s0  }
0x1e: {  	s28 =	rddreg [dreg:$0xf]  }
0x1f: {  	s29 =	rddreg [dreg:$0xe]  }
0x20: {  	s0 =	simm.s32 $0x4880;
	s30 =	rddreg [dreg:$0xd];
	s31 =	simm.s32 $0x0  }
.LBB2_2:
0x21: {  	s2 =	rddreg [dreg:$0x6]  }
0x22: {  	s2 =	sadd.s32 s31, s2  }
0x23: {  	[tilespmem:s3], [sflag:$0x2] =	stream.linear.gather [hbm4b:s2+s3], $0x80, $0x38;
	[tilespmem:$0x10080] =	vst v63  }
0x24: {  	_ =	swait.ge [sflag:s15], $0x80  }
0x25: {  	[sflag:s15] =	ssyncset.done $0x0  }
0x26: {  	[sflag:s15] =	ssyncadd.s32 $0xFFFFFF80  }
0x27: {  	[tilespmem:s16], [sflag:$0x1] =	stream.indirect.gather [hbm4b:s1+s16], $0x80, s3, s16, $0xb8;
	[tilespmem:$0x10080] =	vst v63  }
0x28: {  	_ =	swait.ge [sflag:s17], $0x4000  }
0x29: {  	[sflag:s17] =	ssyncset.done $0x0  }
0x2a: {  	[sflag:s17] =	ssyncadd.s32 $0xFFFFC000  }
0x2b: {  	[hbm4b:s30+s3] =	stream.linear.scatter [tilespmem:s16], [sflag:$0x2], $0x4000, $0x38;
	[tilespmem:$0x10080] =	vst v63  }
0x2c: {  	_ =	swait.ge [sflag:s15], $0x4000  }
0x2d: {  	[sflag:s15] =	ssyncset.done $0x0  }
0x2e: {  	[sflag:s15] =	ssyncadd.s32 $0xFFFFC000  }
0x2f: {  	v3 =	vld [tilespmem:$0x0];
	_ =	sdelay $0x4  }
0x30: {  	v4 =	vshrl.u32 v3, $0x3  }
0x31: {  	v4 =	vmul.u32 $0x18, v4  }
0x32: {  	v3 =	vand.u32 $0x7, v3  }
0x33: {  	v3 =	vor.u32 v3, v4  }
0x34: {  	v4 =	vperm.xlane v3, v0;
	_ =	sdelay $0x1  }
0x35: {  	v4 =	vadd.s32 v1, v4;
	_ =	sdelay $0x1  }
0x36: {  	v3 =	vperm.xlane v3, v2;
	_ =	sdelay $0x1  }
0x37: {  	v3 =	vadd.s32 v1, v3  }
0x38: {  	[tilespmem:s18], [sflag:$0x1] =	stream.indirect_vreg.gather [hbm4b:s4+s3], $0x80, v4, vm0, $0xb8;
	[tilespmem:$0x10080] =	vst v63  }
0x39: {  	_ = 	snop  }
0x3a: {  	[tilespmem:s0], [sflag:$0x1] =	stream.indirect_vreg.gather [hbm4b:s5+s3], $0x80, v4, vm1, $0xb8;
	[tilespmem:$0x10080] =	vst v63  }
0x3b: {  	_ = 	snop  }
0x3c: {  	[tilespmem:s6], [sflag:$0x1] =	stream.indirect_vreg.gather [hbm4b:s4+s3], $0x80, v3, vm0, $0xb8;
	[tilespmem:$0x10080] =	vst v63  }
0x3d: {  	_ = 	snop  }
0x3e: {  	[tilespmem:s7], [sflag:$0x1] =	stream.indirect_vreg.gather [hbm4b:s5+s3], $0x80, v3, vm1, $0xb8;
	[tilespmem:$0x10080] =	vst v63  }
0x3f: {  	v3 =	vld [tilespmem:$0x10];
	_ =	sdelay $0x4  }
0x40: {  	v57 =	vshrl.u32 v3, $0x3  }
0x41: {  	v4 =	vmul.u32 $0x18, v57  }
0x42: {  	v3 =	vand.u32 $0x7, v3  }
0x43: {  	v3 =	vor.u32 v3, v4  }
0x44: {  	v4 =	vperm.xlane v3, v0;
	_ =	sdelay $0x1  }
0x45: {  	v4 =	vadd.s32 v1, v4;
	_ =	sdelay $0x1  }
0x46: {  	v3 =	vperm.xlane v3, v2;
	_ =	sdelay $0x1  }
0x47: {  	v3 =	vadd.s32 v1, v3  }
0x48: {  	[tilespmem:s8], [sflag:$0x1] =	stream.indirect_vreg.gather [hbm4b:s4+s3], $0x80, v4, vm0, $0xb8;
	[tilespmem:$0x10080] =	vst v63  }
0x49: {  	_ = 	snop  }
0x4a: {  	[tilespmem:s9], [sflag:$0x1] =	stream.indirect_vreg.gather [hbm4b:s5+s3], $0x80, v4, vm1, $0xb8;
	[tilespmem:$0x10080] =	vst v63  }
0x4b: {  	_ = 	snop  }
0x4c: {  	[tilespmem:s10], [sflag:$0x1] =	stream.indirect_vreg.gather [hbm4b:s4+s3], $0x80, v3, vm0, $0xb8;
	[tilespmem:$0x10080] =	vst v63  }
0x4d: {  	_ = 	snop  }
0x4e: {  	[tilespmem:s11], [sflag:$0x1] =	stream.indirect_vreg.gather [hbm4b:s5+s3], $0x80, v3, vm1, $0xb8;
	[tilespmem:$0x10080] =	vst v63  }
0x4f: {  	v3 =	vld [tilespmem:$0x20];
	_ =	sdelay $0x4  }
0x50: {  	v58 =	vshrl.u32 v3, $0x3  }
0x51: {  	v4 =	vmul.u32 $0x18, v58  }
0x52: {  	v3 =	vand.u32 $0x7, v3  }
0x53: {  	v3 =	vor.u32 v3, v4  }
0x54: {  	v4 =	vperm.xlane v3, v0;
	_ =	sdelay $0x1  }
0x55: {  	v4 =	vadd.s32 v1, v4;
	_ =	sdelay $0x1  }
0x56: {  	v3 =	vperm.xlane v3, v2;
	_ =	sdelay $0x1  }
0x57: {  	v3 =	vadd.s32 v1, v3  }
0x58: {  	[tilespmem:s12], [sflag:$0x1] =	stream.indirect_vreg.gather [hbm4b:s4+s3], $0x80, v4, vm0, $0xb8;
	[tilespmem:$0x10080] =	vst v63  }
0x59: {  	_ = 	snop  }
0x5a: {  	[tilespmem:s13], [sflag:$0x1] =	stream.indirect_vreg.gather [hbm4b:s5+s3], $0x80, v4, vm1, $0xb8;
	[tilespmem:$0x10080] =	vst v63  }
0x5b: {  	_ = 	snop  }
0x5c: {  	[tilespmem:s14], [sflag:$0x1] =	stream.indirect_vreg.gather [hbm4b:s4+s3], $0x80, v3, vm0, $0xb8;
	[tilespmem:$0x10080] =	vst v63  }
0x5d: {  	_ = 	snop  }
0x5e: {  	[tilespmem:s19], [sflag:$0x1] =	stream.indirect_vreg.gather [hbm4b:s5+s3], $0x80, v3, vm1, $0xb8;
	[tilespmem:$0x10080] =	vst v63  }
0x5f: {  	v3 =	vld [tilespmem:$0x30];
	_ =	sdelay $0x4  }
0x60: {  	v59 =	vshrl.u32 v3, $0x3  }
0x61: {  	v4 =	vmul.u32 $0x18, v59  }
0x62: {  	v3 =	vand.u32 $0x7, v3  }
0x63: {  	v3 =	vor.u32 v3, v4  }
0x64: {  	v4 =	vperm.xlane v3, v0;
	_ =	sdelay $0x1  }
0x65: {  	v4 =	vadd.s32 v1, v4;
	_ =	sdelay $0x1  }
0x66: {  	v3 =	vperm.xlane v3, v2;
	_ =	sdelay $0x1  }
0x67: {  	v3 =	vadd.s32 v1, v3  }
0x68: {  	[tilespmem:s20], [sflag:$0x1] =	stream.indirect_vreg.gather [hbm4b:s4+s3], $0x80, v4, vm0, $0xb8;
	[tilespmem:$0x10080] =	vst v63  }
0x69: {  	_ = 	snop  }
0x6a: {  	[tilespmem:s21], [sflag:$0x1] =	stream.indirect_vreg.gather [hbm4b:s5+s3], $0x80, v4, vm1, $0xb8;
	[tilespmem:$0x10080] =	vst v63  }
0x6b: {  	_ = 	snop  }
0x6c: {  	[tilespmem:s22], [sflag:$0x1] =	stream.indirect_vreg.gather [hbm4b:s4+s3], $0x80, v3, vm0, $0xb8;
	[tilespmem:$0x10080] =	vst v63  }
0x6d: {  	_ = 	snop  }
0x6e: {  	[tilespmem:s23], [sflag:$0x1] =	stream.indirect_vreg.gather [hbm4b:s5+s3], $0x80, v3, vm1, $0xb8;
	[tilespmem:$0x10080] =	vst v63  }
0x6f: {  	v3 =	vld [tilespmem:$0x40];
	_ =	sdelay $0x4  }
0x70: {  	v60 =	vshrl.u32 v3, $0x3  }
0x71: {  	v4 =	vmul.u32 $0x18, v60  }
0x72: {  	v3 =	vand.u32 $0x7, v3  }
0x73: {  	v3 =	vor.u32 v3, v4  }
0x74: {  	v4 =	vperm.xlane v3, v0;
	_ =	sdelay $0x1  }
0x75: {  	v4 =	vadd.s32 v1, v4;
	_ =	sdelay $0x1  }
0x76: {  	v3 =	vperm.xlane v3, v2;
	_ =	sdelay $0x1  }
0x77: {  	v3 =	vadd.s32 v1, v3  }
0x78: {  	[tilespmem:s24], [sflag:$0x1] =	stream.indirect_vreg.gather [hbm4b:s4+s3], $0x80, v4, vm0, $0xb8;
	[tilespmem:$0x10080] =	vst v63  }
0x79: {  	_ = 	snop  }
0x7a: {  	[tilespmem:s25], [sflag:$0x1] =	stream.indirect_vreg.gather [hbm4b:s5+s3], $0x80, v4, vm1, $0xb8;
	[tilespmem:$0x10080] =	vst v63  }
0x7b: {  	_ = 	snop  }
0x7c: {  	[tilespmem:s26], [sflag:$0x1] =	stream.indirect_vreg.gather [hbm4b:s4+s3], $0x80, v3, vm0, $0xb8;
	[tilespmem:$0x10080] =	vst v63  }
0x7d: {  	s2 =	simm.s32 $0xB480  }
0x7e: {  	[tilespmem:s2], [sflag:$0x1] =	stream.indirect_vreg.gather [hbm4b:s5+s3], $0x80, v3, vm1, $0xb8;
	[tilespmem:$0x10080] =	vst v63  }
0x7f: {  	v3 =	vld [tilespmem:$0x50];
	_ =	sdelay $0x4  }
0x80: {  	v61 =	vshrl.u32 v3, $0x3  }
0x81: {  	v4 =	vmul.u32 $0x18, v61  }
0x82: {  	v3 =	vand.u32 $0x7, v3  }
0x83: {  	v3 =	vor.u32 v3, v4  }
0x84: {  	v4 =	vperm.xlane v3, v0;
	_ =	sdelay $0x1  }
0x85: {  	v4 =	vadd.s32 v1, v4;
	_ =	sdelay $0x1  }
0x86: {  	v3 =	vperm.xlane v3, v2;
	_ =	sdelay $0x1  }
0x87: {  	s2 =	simm.s32 $0xB880;
	v3 =	vadd.s32 v1, v3  }
0x88: {  	[tilespmem:s2], [sflag:$0x1] =	stream.indirect_vreg.gather [hbm4b:s4+s3], $0x80, v4, vm0, $0xb8;
	[tilespmem:$0x10080] =	vst v63  }
0x89: {  	s2 =	simm.s32 $0xC080  }
0x8a: {  	[tilespmem:s2], [sflag:$0x1] =	stream.indirect_vreg.gather [hbm4b:s5+s3], $0x80, v4, vm1, $0xb8;
	[tilespmem:$0x10080] =	vst v63  }
0x8b: {  	s2 =	simm.s32 $0xC480  }
0x8c: {  	[tilespmem:s2], [sflag:$0x1] =	stream.indirect_vreg.gather [hbm4b:s4+s3], $0x80, v3, vm0, $0xb8;
	[tilespmem:$0x10080] =	vst v63  }
0x8d: {  	s2 =	simm.s32 $0xCC80  }
0x8e: {  	[tilespmem:s2], [sflag:$0x1] =	stream.indirect_vreg.gather [hbm4b:s5+s3], $0x80, v3, vm1, $0xb8;
	[tilespmem:$0x10080] =	vst v63  }
0x8f: {  	v3 =	vld [tilespmem:$0x60];
	_ =	sdelay $0x4  }
0x90: {  	v62 =	vshrl.u32 v3, $0x3  }
0x91: {  	v4 =	vmul.u32 $0x18, v62  }
0x92: {  	v3 =	vand.u32 $0x7, v3  }
0x93: {  	v3 =	vor.u32 v3, v4  }
0x94: {  	v4 =	vperm.xlane v3, v0;
	_ =	sdelay $0x1  }
0x95: {  	v4 =	vadd.s32 v1, v4;
	_ =	sdelay $0x1  }
0x96: {  	v3 =	vperm.xlane v3, v2;
	_ =	sdelay $0x1  }
0x97: {  	s2 =	simm.s32 $0xD080;
	v3 =	vadd.s32 v1, v3  }
0x98: {  	[tilespmem:s2], [sflag:$0x1] =	stream.indirect_vreg.gather [hbm4b:s4+s3], $0x80, v4, vm0, $0xb8;
	[tilespmem:$0x10080] =	vst v63  }
0x99: {  	s2 =	simm.s32 $0xD880  }
0x9a: {  	[tilespmem:s2], [sflag:$0x1] =	stream.indirect_vreg.gather [hbm4b:s5+s3], $0x80, v4, vm1, $0xb8;
	[tilespmem:$0x10080] =	vst v63  }
0x9b: {  	s2 =	simm.s32 $0xDC80  }
0x9c: {  	[tilespmem:s2], [sflag:$0x1] =	stream.indirect_vreg.gather [hbm4b:s4+s3], $0x80, v3, vm0, $0xb8;
	[tilespmem:$0x10080] =	vst v63  }
0x9d: {  	s2 =	simm.s32 $0xE480  }
0x9e: {  	[tilespmem:s2], [sflag:$0x1] =	stream.indirect_vreg.gather [hbm4b:s5+s3], $0x80, v3, vm1, $0xb8;
	[tilespmem:$0x10080] =	vst v63  }
0x9f: {  	v3 =	vld [tilespmem:$0x70];
	_ =	sdelay $0x4  }
0xa0: {  	v63 =	vshrl.u32 v3, $0x3  }
0xa1: {  	v4 =	vmul.u32 $0x18, v63  }
0xa2: {  	v3 =	vand.u32 $0x7, v3  }
0xa3: {  	v3 =	vor.u32 v3, v4  }
0xa4: {  	v4 =	vperm.xlane v3, v0;
	_ =	sdelay $0x1  }
0xa5: {  	v4 =	vadd.s32 v1, v4;
	_ =	sdelay $0x1  }
0xa6: {  	v3 =	vperm.xlane v3, v2;
	_ =	sdelay $0x1  }
0xa7: {  	s2 =	simm.s32 $0xE880;
	v3 =	vadd.s32 v1, v3  }
0xa8: {  	[tilespmem:s2], [sflag:$0x1] =	stream.indirect_vreg.gather [hbm4b:s4+s3], $0x80, v4, vm0, $0xb8;
	[tilespmem:$0x10080] =	vst v63  }
0xa9: {  	s2 =	simm.s32 $0xF080  }
0xaa: {  	[tilespmem:s2], [sflag:$0x1] =	stream.indirect_vreg.gather [hbm4b:s5+s3], $0x80, v4, vm1, $0xb8;
	[tilespmem:$0x10080] =	vst v63  }
0xab: {  	s2 =	simm.s32 $0xF480  }
0xac: {  	[tilespmem:s2], [sflag:$0x1] =	stream.indirect_vreg.gather [hbm4b:s4+s3], $0x80, v3, vm0, $0xb8;
	[tilespmem:$0x10080] =	vst v63  }
0xad: {  	s2 =	simm.s32 $0xFC80  }
0xae: {  	[tilespmem:s2], [sflag:$0x1] =	stream.indirect_vreg.gather [hbm4b:s5+s3], $0x80, v3, vm1, $0xb8;
	[tilespmem:$0x10080] =	vst v63  }
0xaf: {  	_ =	swait.ge [sflag:s17], $0xC000  }
0xb0: {  	[sflag:s17] =	ssyncset.done $0x0  }
0xb1: {  	[sflag:s17] =	ssyncadd.s32 $0xFFFF4000  }
0xb2: {  	[hbm4b:s28+s3] =	stream.linear.scatter [tilespmem:s18], [sflag:$0x2], $0xC000, $0x38;
	[tilespmem:$0x10080] =	vst v63  }
0xb3: {  	_ =	swait.ge [sflag:s15], $0xC000  }
0xb4: {  	s2 =	rddreg [dreg:$0x5];
	[sflag:s15] =	ssyncset.done $0x0  }
0xb5: {  	[sflag:s15] =	ssyncadd.s32 $0xFFFF4000;
	s2 =	sadd.s32 s31, s2  }
0xb6: {  	[tilespmem:s3], [sflag:$0x2] =	stream.linear.gather [hbm4b:s2+s3], $0x80, $0x38;
	[tilespmem:$0x10080] =	vst v63  }
0xb7: {  	_ =	swait.ge [sflag:s15], $0x80  }
0xb8: {  	[sflag:s15] =	ssyncset.done $0x0  }
0xb9: {  	[sflag:s15] =	ssyncadd.s32 $0xFFFFFF80  }
0xba: {  	[tilespmem:s16], [sflag:$0x1] =	stream.indirect.gather [hbm4b:s1+s16], $0x80, s3, s16, $0xb8;
	[tilespmem:$0x10080] =	vst v63  }
0xbb: {  	_ =	swait.ge [sflag:s17], $0x4000  }
0xbc: {  	p0 =	sne.s32 s31, $0x260;
	[sflag:s17] =	ssyncset.done $0x0  }
.Ltmp0:
0xbd: {  	[sflag:s17] =	ssyncadd.s32 $0xFFFFC000;
	(pc) =	sbr.rel @p0 .LBB2_2-.Ltmp0, $4  }
0xbe: {  	[hbm4b:s29+s3] =	stream.linear.scatter [tilespmem:s16], [sflag:$0x2], $0x4000, $0x38;
	[tilespmem:$0x10080] =	vst v63  }
0xbf: {  	_ =	swait.ge [sflag:s15], $0x4000  }
0xc0: {  	s30 =	sadd.s32 $0x800, s30;
	s28 =	sadd.s32 $0x1800, s28;
	[sflag:s15] =	ssyncset.done $0x0  }
0xc1: {  	s31 =	sadd.s32 $0x10, s31;
	s29 =	sadd.s32 $0x800, s29;
	[sflag:s15] =	ssyncadd.s32 $0xFFFFC000  }
0xc2: {  	s2 =	rddreg [dreg:$0x7]  }
0xc3: {  	[tilespmem:s3], [sflag:$0x2] =	stream.linear.gather [hbm4b:s2+s3], $0x80, $0x38;
	[tilespmem:$0x10080] =	vst v63  }
0xc4: {  	_ =	swait.ge [sflag:s15], $0x80  }
0xc5: {  	[sflag:s15] =	ssyncset.done $0x0  }
0xc6: {  	[sflag:s15] =	ssyncadd.s32 $0xFFFFFF80  }
0xc7: {  	[tilespmem:s16], [sflag:$0x1] =	stream.indirect.gather [hbm4b:s1+s16], $0x80, s3, s16, $0xb8;
	[tilespmem:$0x10080] =	vst v63  }
0xc8: {  	_ =	swait.ge [sflag:s17], $0x4000  }
0xc9: {  	[sflag:s17] =	ssyncset.done $0x0  }
0xca: {  	s28 =	rddreg [dreg:$0x8];
	[sflag:s17] =	ssyncadd.s32 $0xFFFFC000  }
0xcb: {  	[hbm4b:s28+s3] =	stream.linear.scatter [tilespmem:s16], [sflag:$0x2], $0x4000, $0x38;
	[tilespmem:$0x10080] =	vst v63  }
0xcc: {  	_ =	swait.ge [sflag:s15], $0x4000  }
0xcd: {  	[sflag:s15] =	ssyncset.done $0x0  }
0xce: {  	[sflag:s15] =	ssyncadd.s32 $0xFFFFC000  }
0xcf: {  	v3 =	vld [tilespmem:$0x0];
	_ =	sdelay $0x4  }
0xd0: {  	v4 =	vshrl.u32 v3, $0x3  }
0xd1: {  	v4 =	vmul.u32 $0x18, v4  }
0xd2: {  	v3 =	vand.u32 $0x7, v3  }
0xd3: {  	v3 =	vor.u32 v3, v4  }
0xd4: {  	v4 =	vperm.xlane v3, v0;
	_ =	sdelay $0x1  }
0xd5: {  	v4 =	vadd.s32 v1, v4;
	_ =	sdelay $0x1  }
0xd6: {  	v3 =	vperm.xlane v3, v2;
	_ =	sdelay $0x1  }
0xd7: {  	v3 =	vadd.s32 v1, v3  }
0xd8: {  	[tilespmem:s18], [sflag:$0x1] =	stream.indirect_vreg.gather [hbm4b:s4+s3], $0x80, v4, vm0, $0xb8;
	[tilespmem:$0x10080] =	vst v63  }
0xd9: {  	_ = 	snop  }
0xda: {  	[tilespmem:s0], [sflag:$0x1] =	stream.indirect_vreg.gather [hbm4b:s5+s3], $0x80, v4, vm1, $0xb8;
	[tilespmem:$0x10080] =	vst v63  }
0xdb: {  	_ = 	snop  }
0xdc: {  	[tilespmem:s6], [sflag:$0x1] =	stream.indirect_vreg.gather [hbm4b:s4+s3], $0x80, v3, vm0, $0xb8;
	[tilespmem:$0x10080] =	vst v63  }
0xdd: {  	_ = 	snop  }
0xde: {  	[tilespmem:s7], [sflag:$0x1] =	stream.indirect_vreg.gather [hbm4b:s5+s3], $0x80, v3, vm1, $0xb8;
	[tilespmem:$0x10080] =	vst v63  }
0xdf: {  	v3 =	vld [tilespmem:$0x10];
	_ =	sdelay $0x4  }
0xe0: {  	v57 =	vshrl.u32 v3, $0x3  }
0xe1: {  	v4 =	vmul.u32 $0x18, v57  }
0xe2: {  	v3 =	vand.u32 $0x7, v3  }
0xe3: {  	v3 =	vor.u32 v3, v4  }
0xe4: {  	v4 =	vperm.xlane v3, v0;
	_ =	sdelay $0x1  }
0xe5: {  	v4 =	vadd.s32 v1, v4;
	_ =	sdelay $0x1  }
0xe6: {  	v3 =	vperm.xlane v3, v2;
	_ =	sdelay $0x1  }
0xe7: {  	v3 =	vadd.s32 v1, v3  }
0xe8: {  	[tilespmem:s8], [sflag:$0x1] =	stream.indirect_vreg.gather [hbm4b:s4+s3], $0x80, v4, vm0, $0xb8;
	[tilespmem:$0x10080] =	vst v63  }
0xe9: {  	_ = 	snop  }
0xea: {  	[tilespmem:s9], [sflag:$0x1] =	stream.indirect_vreg.gather [hbm4b:s5+s3], $0x80, v4, vm1, $0xb8;
	[tilespmem:$0x10080] =	vst v63  }
0xeb: {  	_ = 	snop  }
0xec: {  	[tilespmem:s10], [sflag:$0x1] =	stream.indirect_vreg.gather [hbm4b:s4+s3], $0x80, v3, vm0, $0xb8;
	[tilespmem:$0x10080] =	vst v63  }
0xed: {  	_ = 	snop  }
0xee: {  	[tilespmem:s11], [sflag:$0x1] =	stream.indirect_vreg.gather [hbm4b:s5+s3], $0x80, v3, vm1, $0xb8;
	[tilespmem:$0x10080] =	vst v63  }
0xef: {  	v3 =	vld [tilespmem:$0x20];
	_ =	sdelay $0x4  }
0xf0: {  	v58 =	vshrl.u32 v3, $0x3  }
0xf1: {  	v4 =	vmul.u32 $0x18, v58  }
0xf2: {  	v3 =	vand.u32 $0x7, v3  }
0xf3: {  	v3 =	vor.u32 v3, v4  }
0xf4: {  	v4 =	vperm.xlane v3, v0;
	_ =	sdelay $0x1  }
0xf5: {  	v4 =	vadd.s32 v1, v4;
	_ =	sdelay $0x1  }
0xf6: {  	v3 =	vperm.xlane v3, v2;
	_ =	sdelay $0x1  }
0xf7: {  	v3 =	vadd.s32 v1, v3  }
0xf8: {  	[tilespmem:s12], [sflag:$0x1] =	stream.indirect_vreg.gather [hbm4b:s4+s3], $0x80, v4, vm0, $0xb8;
	[tilespmem:$0x10080] =	vst v63  }
0xf9: {  	_ = 	snop  }
0xfa: {  	[tilespmem:s13], [sflag:$0x1] =	stream.indirect_vreg.gather [hbm4b:s5+s3], $0x80, v4, vm1, $0xb8;
	[tilespmem:$0x10080] =	vst v63  }
0xfb: {  	_ = 	snop  }
0xfc: {  	[tilespmem:s14], [sflag:$0x1] =	stream.indirect_vreg.gather [hbm4b:s4+s3], $0x80, v3, vm0, $0xb8;
	[tilespmem:$0x10080] =	vst v63  }
0xfd: {  	_ = 	snop  }
0xfe: {  	[tilespmem:s19], [sflag:$0x1] =	stream.indirect_vreg.gather [hbm4b:s5+s3], $0x80, v3, vm1, $0xb8;
	[tilespmem:$0x10080] =	vst v63  }
0xff: {  	v3 =	vld [tilespmem:$0x30];
	_ =	sdelay $0x4  }
0x100: {  	v59 =	vshrl.u32 v3, $0x3  }
0x101: {  	v4 =	vmul.u32 $0x18, v59  }
0x102: {  	v3 =	vand.u32 $0x7, v3  }
0x103: {  	v3 =	vor.u32 v3, v4  }
0x104: {  	v4 =	vperm.xlane v3, v0;
	_ =	sdelay $0x1  }
0x105: {  	v4 =	vadd.s32 v1, v4;
	_ =	sdelay $0x1  }
0x106: {  	v3 =	vperm.xlane v3, v2;
	_ =	sdelay $0x1  }
0x107: {  	v3 =	vadd.s32 v1, v3  }
0x108: {  	[tilespmem:s20], [sflag:$0x1] =	stream.indirect_vreg.gather [hbm4b:s4+s3], $0x80, v4, vm0, $0xb8;
	[tilespmem:$0x10080] =	vst v63  }
0x109: {  	_ = 	snop  }
0x10a: {  	[tilespmem:s21], [sflag:$0x1] =	stream.indirect_vreg.gather [hbm4b:s5+s3], $0x80, v4, vm1, $0xb8;
	[tilespmem:$0x10080] =	vst v63  }
0x10b: {  	_ = 	snop  }
0x10c: {  	[tilespmem:s22], [sflag:$0x1] =	stream.indirect_vreg.gather [hbm4b:s4+s3], $0x80, v3, vm0, $0xb8;
	[tilespmem:$0x10080] =	vst v63  }
0x10d: {  	_ = 	snop  }
0x10e: {  	[tilespmem:s23], [sflag:$0x1] =	stream.indirect_vreg.gather [hbm4b:s5+s3], $0x80, v3, vm1, $0xb8;
	[tilespmem:$0x10080] =	vst v63  }
0x10f: {  	v3 =	vld [tilespmem:$0x40];
	_ =	sdelay $0x4  }
0x110: {  	v60 =	vshrl.u32 v3, $0x3  }
0x111: {  	v4 =	vmul.u32 $0x18, v60  }
0x112: {  	v3 =	vand.u32 $0x7, v3  }
0x113: {  	v3 =	vor.u32 v3, v4  }
0x114: {  	v4 =	vperm.xlane v3, v0;
	_ =	sdelay $0x1  }
0x115: {  	v4 =	vadd.s32 v1, v4;
	_ =	sdelay $0x1  }
0x116: {  	v3 =	vperm.xlane v3, v2;
	_ =	sdelay $0x1  }
0x117: {  	v3 =	vadd.s32 v1, v3  }
0x118: {  	[tilespmem:s24], [sflag:$0x1] =	stream.indirect_vreg.gather [hbm4b:s4+s3], $0x80, v4, vm0, $0xb8;
	[tilespmem:$0x10080] =	vst v63  }
0x119: {  	_ = 	snop  }
0x11a: {  	[tilespmem:s25], [sflag:$0x1] =	stream.indirect_vreg.gather [hbm4b:s5+s3], $0x80, v4, vm1, $0xb8;
	[tilespmem:$0x10080] =	vst v63  }
0x11b: {  	_ = 	snop  }
0x11c: {  	[tilespmem:s26], [sflag:$0x1] =	stream.indirect_vreg.gather [hbm4b:s4+s3], $0x80, v3, vm0, $0xb8;
	[tilespmem:$0x10080] =	vst v63  }
0x11d: {  	s29 =	simm.s32 $0xB480  }
0x11e: {  	[tilespmem:s29], [sflag:$0x1] =	stream.indirect_vreg.gather [hbm4b:s5+s3], $0x80, v3, vm1, $0xb8;
	[tilespmem:$0x10080] =	vst v63  }
0x11f: {  	v3 =	vld [tilespmem:$0x50];
	_ =	sdelay $0x4  }
0x120: {  	v61 =	vshrl.u32 v3, $0x3  }
0x121: {  	v4 =	vmul.u32 $0x18, v61  }
0x122: {  	v3 =	vand.u32 $0x7, v3  }
0x123: {  	v3 =	vor.u32 v3, v4  }
0x124: {  	v4 =	vperm.xlane v3, v0;
	_ =	sdelay $0x1  }
0x125: {  	v4 =	vadd.s32 v1, v4;
	_ =	sdelay $0x1  }
0x126: {  	v3 =	vperm.xlane v3, v2;
	_ =	sdelay $0x1  }
0x127: {  	s30 =	simm.s32 $0xB880;
	v3 =	vadd.s32 v1, v3  }
0x128: {  	[tilespmem:s30], [sflag:$0x1] =	stream.indirect_vreg.gather [hbm4b:s4+s3], $0x80, v4, vm0, $0xb8;
	[tilespmem:$0x10080] =	vst v63  }
0x129: {  	s31 =	simm.s32 $0xC080  }
0x12a: {  	[tilespmem:s31], [sflag:$0x1] =	stream.indirect_vreg.gather [hbm4b:s5+s3], $0x80, v4, vm1, $0xb8;
	[tilespmem:$0x10080] =	vst v63  }
0x12b: {  	s2 =	simm.s32 $0xC480  }
0x12c: {  	[tilespmem:s2], [sflag:$0x1] =	stream.indirect_vreg.gather [hbm4b:s4+s3], $0x80, v3, vm0, $0xb8;
	[tilespmem:$0x10080] =	vst v63  }
0x12d: {  	s28 =	simm.s32 $0xCC80  }
0x12e: {  	[tilespmem:s28], [sflag:$0x1] =	stream.indirect_vreg.gather [hbm4b:s5+s3], $0x80, v3, vm1, $0xb8;
	[tilespmem:$0x10080] =	vst v63  }
0x12f: {  	v3 =	vld [tilespmem:$0x60];
	_ =	sdelay $0x4  }
0x130: {  	v62 =	vshrl.u32 v3, $0x3  }
0x131: {  	v4 =	vmul.u32 $0x18, v62  }
0x132: {  	v3 =	vand.u32 $0x7, v3  }
0x133: {  	v3 =	vor.u32 v3, v4  }
0x134: {  	v4 =	vperm.xlane v3, v0;
	_ =	sdelay $0x1  }
0x135: {  	v4 =	vadd.s32 v1, v4;
	_ =	sdelay $0x1  }
0x136: {  	v3 =	vperm.xlane v3, v2;
	_ =	sdelay $0x1  }
0x137: {  	s29 =	simm.s32 $0xD080;
	v3 =	vadd.s32 v1, v3  }
0x138: {  	[tilespmem:s29], [sflag:$0x1] =	stream.indirect_vreg.gather [hbm4b:s4+s3], $0x80, v4, vm0, $0xb8;
	[tilespmem:$0x10080] =	vst v63  }
0x139: {  	s30 =	simm.s32 $0xD880  }
0x13a: {  	[tilespmem:s30], [sflag:$0x1] =	stream.indirect_vreg.gather [hbm4b:s5+s3], $0x80, v4, vm1, $0xb8;
	[tilespmem:$0x10080] =	vst v63  }
0x13b: {  	s31 =	simm.s32 $0xDC80  }
0x13c: {  	[tilespmem:s31], [sflag:$0x1] =	stream.indirect_vreg.gather [hbm4b:s4+s3], $0x80, v3, vm0, $0xb8;
	[tilespmem:$0x10080] =	vst v63  }
0x13d: {  	s2 =	simm.s32 $0xE480  }
0x13e: {  	[tilespmem:s2], [sflag:$0x1] =	stream.indirect_vreg.gather [hbm4b:s5+s3], $0x80, v3, vm1, $0xb8;
	[tilespmem:$0x10080] =	vst v63  }
0x13f: {  	v3 =	vld [tilespmem:$0x70];
	_ =	sdelay $0x4  }
0x140: {  	v63 =	vshrl.u32 v3, $0x3  }
0x141: {  	v4 =	vmul.u32 $0x18, v63  }
0x142: {  	v3 =	vand.u32 $0x7, v3  }
0x143: {  	v3 =	vor.u32 v3, v4  }
0x144: {  	v4 =	vperm.xlane v3, v0;
	_ =	sdelay $0x1  }
0x145: {  	v4 =	vadd.s32 v1, v4;
	_ =	sdelay $0x1  }
0x146: {  	v3 =	vperm.xlane v3, v2;
	_ =	sdelay $0x1  }
0x147: {  	s28 =	simm.s32 $0xE880;
	v3 =	vadd.s32 v1, v3  }
0x148: {  	[tilespmem:s28], [sflag:$0x1] =	stream.indirect_vreg.gather [hbm4b:s4+s3], $0x80, v4, vm0, $0xb8;
	[tilespmem:$0x10080] =	vst v63  }
0x149: {  	s29 =	simm.s32 $0xF080  }
0x14a: {  	[tilespmem:s29], [sflag:$0x1] =	stream.indirect_vreg.gather [hbm4b:s5+s3], $0x80, v4, vm1, $0xb8;
	[tilespmem:$0x10080] =	vst v63  }
0x14b: {  	s30 =	simm.s32 $0xF480  }
0x14c: {  	[tilespmem:s30], [sflag:$0x1] =	stream.indirect_vreg.gather [hbm4b:s4+s3], $0x80, v3, vm0, $0xb8;
	[tilespmem:$0x10080] =	vst v63  }
0x14d: {  	s31 =	simm.s32 $0xFC80  }
0x14e: {  	[tilespmem:s31], [sflag:$0x1] =	stream.indirect_vreg.gather [hbm4b:s5+s3], $0x80, v3, vm1, $0xb8;
	[tilespmem:$0x10080] =	vst v63  }
0x14f: {  	_ =	swait.ge [sflag:s17], $0xC000  }
0x150: {  	[sflag:s17] =	ssyncset.done $0x0  }
0x151: {  	s0 =	rddreg [dreg:$0x9];
	[sflag:s17] =	ssyncadd.s32 $0xFFFF4000  }
0x152: {  	[hbm4b:s0+s3] =	stream.linear.scatter [tilespmem:s18], [sflag:$0x2], $0xC000, $0x38;
	[tilespmem:$0x10080] =	vst v63  }
0x153: {  	_ =	swait.ge [sflag:s15], $0xC000  }
0x154: {  	[sflag:s15] =	ssyncset.done $0x0  }
0x155: {  	s28 =	rddreg [dreg:$0xa];
	[sflag:s15] =	ssyncadd.s32 $0xFFFF4000  }
0x156: {  	[tilespmem:s3], [sflag:$0x2] =	stream.linear.gather [hbm4b:s28+s3], $0x80, $0x38;
	[tilespmem:$0x10080] =	vst v63  }
0x157: {  	_ =	swait.ge [sflag:s15], $0x80  }
0x158: {  	[sflag:s15] =	ssyncset.done $0x0  }
0x159: {  	[sflag:s15] =	ssyncadd.s32 $0xFFFFFF80  }
0x15a: {  	[tilespmem:s16], [sflag:$0x1] =	stream.indirect.gather [hbm4b:s1+s16], $0x80, s3, s16, $0xb8;
	[tilespmem:$0x10080] =	vst v63  }
0x15b: {  	_ =	swait.ge [sflag:s17], $0x4000  }
0x15c: {  	[sflag:s17] =	ssyncset.done $0x0  }
0x15d: {  	s29 =	rddreg [dreg:$0xb];
	[sflag:s17] =	ssyncadd.s32 $0xFFFFC000  }
0x15e: {  	[hbm4b:s29+s3] =	stream.linear.scatter [tilespmem:s16], [sflag:$0x2], $0x4000, $0x38;
	[tilespmem:$0x10080] =	vst v63  }
0x15f: {  	_ =	swait.ge [sflag:s15], $0x4000  }
0x160: {  	s30 =	rddreg [dreg:$0x10]  }
0x161: {  	s31 =	rddreg [dreg:$0xc];
	s0 =	sadd.s32 $0x1, s30  }
0x162: {  	p0 =	sne.s32 s0, s31  }
.Ltmp1:
0x163: {  	_ = 	snop;
	(pc) =	sbr.rel @p0 .LBB2_1-.Ltmp1, $3  }
0x164: {  	_ =	sdelay $0x1  }
0x165: {  	[sflag:s15] =	ssyncset.done $0x0  }
0x166: {  	[sflag:s15] =	ssyncadd.s32 $0xFFFFC000  }
0x167: {  	_ =	sfence.sel $0x180000  }
0x168: {  	[bflag:$0x0] =	sbarrier.arrive $0xFFFF  }
0x169: {  	_ =	strace $0x90000047  }
0x16a: {  	s0 =	stileid.u32;
	[bflag:$0x2] =	sbarrier.arrive $0xFFFF  }
0x16b: {  	p0 =	sne.s32 s0, $0x0;
	s0 =	rddreg [dreg:$0x4]  }
0x16c: {  	s0 =	sadd.s32 @!p0 $0x100000, s0  }
0x16d: {  	[sflag:s0] =	ssyncadd.tile.s32 @!p0 $0x1;
	_ =	shalt  }
.Lfunc_end2:
_tile_overlayer_lowered:
.L_overlay_start_2:
0x16e: {  	(tag) =	ssettag $0x2  }
0x16f: {  	s0 =	rddreg [dreg:$0x0];
	s2 =	stileid.u32  }
0x170: {  	s1 =	rddreg [dreg:$0x1];
	p0 =	sne.s32 s2, $0x0  }
0x171: {  	s3 =	rddreg [dreg:$0x2];
	[bflag:$0x3] =	sbarrier.arrive $0xFFFF;
	s2 =	simm.s32 @!p0 $0x1C02  }
0x172: {  	[timem:s3], [sflag:s2] =	dma.local @!p0 [hbm:s0], s1  }
0x173: {  	s0 =	simm.s32 @!p0 $0x2  }
0x174: {  	_ =	swait.ge @!p0 [sflag:s0], s1  }
0x175: {  	s1 =	ssub.s32 @!p0 $0x0, s1;
	[sflag:s0] =	ssyncset.done @!p0 $0x0  }
0x176: {  	[sflag:s0] =	ssyncadd.s32 @!p0 s1  }
0x177: {  	[bflag:$0x3] =	sbarrier.arrive $0xFFFF  }
0x178: {  	_ =	shalt  }

// kernel: scatter_offload_async_start.1
scs
__scs_entry_jumppad:
0x0: {  	(pc) =	sbr.rel $0x88, $3  }
0x1: {  	(tag) =	ssettag $0x0;
	lr =	simm.s32 $0x1  }
0x2: {  	[smem:$0x3F85] =	sst lr;
	_ =	strace $0xD0000000  }
0x3: {  	_ = 	snop  }
0x4: {  	_ = 	snop  }
0x5: {  	_ = 	snop  }
0x6: {  	_ = 	snop  }
0x7: {  	_ = 	snop  }
__scs_overlays_trampoline_lowered:
0x8: {  	[smem:$0x3F94] =	sst s0  }
0x9: {  	[smem:$0x3F95] =	sst s1  }
0xa: {  	[smem:$0x3F96] =	sst s2  }
0xb: {  	[smem:$0x3F97] =	sst s3  }
0xc: {  	[smem:$0x3F98] =	sst s4  }
0xd: {  	[smem:$0x3F99] =	sst s5  }
0xe: {  	[smem:$0x3F9A] =	sst s6  }
0xf: {  	[smem:$0x3F9B] =	sst s7  }
0x10: {  	[smem:$0x3F9C] =	sst s8  }
0x11: {  	[smem:$0x3F9D] =	sst s9;
	s0 =	simm.s32 @!p0 $0x0  }
0x12: {  	s1 =	sld [smem:$0x3F83];
	s0 =	simm.s32 @p0 $0x1  }
0x13: {  	[smem:$0x3F9E] =	sst s0;
	s0 =	simm.s32 @!p1 $0x0  }
0x14: {  	s2 =	sld [smem:$0x3F82];
	s0 =	simm.s32 @p1 $0x1  }
0x15: {  	[smem:$0x3F9F] =	sst s0;
	s0 =	simm.s32 @!p2 $0x0  }
0x16: {  	s3 =	sld [smem:$0x3FDB];
	s0 =	simm.s32 @p2 $0x1  }
0x17: {  	s4 =	simm.s32 $0x1BF5;
	[smem:$0x3FA1] =	sst s0  }
0x18: {  	s0 =	sld [smem:$0x3F84];
	_ =	swait.ge [sflag:s4], $0x0  }
0x19: {  	s7 =	sld [smem:$0x3F85]  }
0x1a: {  	s8 =	sadd.s32 $0xFFFFE003, lr  }
0x1b: {  	s9 =	sadd.s32 $0xFFFFFEF7, lr;
	s5 =	simm.s32 $0xFFFFFFFF;
	p2 =	slt.u32 s8, $0xFFFFF086  }
0x1c: {  	p1 =	slt.u32 s9, $0xF7A;
	s5 =	simm.s32 @!p2 $0x0  }
0x1d: {  	s5 =	simm.s32 @p1 $0x1;
	p0 =	seq.s32 s7, s2  }
0x1e: {  	s7 =	smul.u32 @!p0 $0xF7A, s2;
	p2 =	seq.s32 @!p0 s5, $0x0  }
0x1f: {  	s9 =	smul.u32 $0xF7A, s1;
	s8 =	simm.s32 @!p0 $0x1BF5;
	p2 =	por !p2, p0  }
0x20: {  	[sflag:s8] =	ssyncset.s32 @!p0 $0xFFFFF086;
	s6 =	sadd.s32 @!p0 s3, s7;
	s7 =	simm.s32 @!p0 $0x108  }
0x21: {  	s3 =	sadd.s32 s3, s9;
	s6 =	sadd.s32 @!p0 $0x88, s6;
	s7 =	simm.s32 @p2 $0x1082  }
0x22: {  	[simem:s7], [sflag:s8] =	dma.local @!p0 [hbm:s6], $0xF7A  }
0x23: {  	s9 =	sor.u32 $0xD0000000, s2;
	s6 =	simm.s32 $0x108;
	_ =	swait.ge @!p0 [sflag:s8], $0x0  }
0x24: {  	s3 =	sadd.s32 $0x88, s3;
	s6 =	simm.s32 @!p1 $0x1082;
	[sflag:s4] =	ssyncset.s32 $0xFFFFF086  }
0x25: {  	[simem:s6], [sflag:s4] =	dma.local [hbm:s3], $0xF7A  }
0x26: {  	[smem:$0x3F85] =	sst s1;
	(tag) =	ssettag s2;
	_ =	strace s9  }
0x27: {  	s1 =	sld [smem:$0x3F95]  }
0x28: {  	s2 =	sld [smem:$0x3F96]  }
0x29: {  	s4 =	sld [smem:$0x3F98]  }
0x2a: {  	p0 =	seq.s32 s5, $0x0;
	s5 =	sld [smem:$0x3F99]  }
0x2b: {  	s6 =	sld [smem:$0x3F9A]  }
0x2c: {  	s7 =	sld [smem:$0x3F9B]  }
0x2d: {  	s3 =	simm.s32 $0x108;
	s8 =	sld [smem:$0x3F9C]  }
0x2e: {  	s3 =	simm.s32 @!p0 $0x1082;
	s9 =	sld [smem:$0x3F9D]  }
0x2f: {  	lr =	sadd.s32 s0, s3;
	s0 =	sld [smem:$0x3F94]  }
0x30: {  	s3 =	sld [smem:$0x3F97]  }
0x31: {  	[smem:$0x3FA0] =	sst s10  }
0x32: {  	s10 =	sld [smem:$0x3F9E];
	_ =	sdelay $0x3  }
0x33: {  	p0 =	seq.s32 s10, $0x1;
	s10 =	sld [smem:$0x3FA0];
	_ =	sdelay $0x3  }
0x34: {  	[smem:$0x3FA0] =	sst s10  }
0x35: {  	s10 =	sld [smem:$0x3F9F];
	_ =	sdelay $0x3  }
0x36: {  	p1 =	seq.s32 s10, $0x1;
	s10 =	sld [smem:$0x3FA0];
	_ =	sdelay $0x3  }
0x37: {  	[smem:$0x3FA0] =	sst s10  }
0x38: {  	s10 =	sld [smem:$0x3FA1]  }
0x39: {  	_ = 	snop;
	(pc) =	sbr.ind lr, $3  }
0x3a: {  	_ = 	snop  }
0x3b: {  	_ = 	snop  }
0x3c: {  	p2 =	seq.s32 s10, $0x1;
	s10 =	sld [smem:$0x3FA0]  }
0x3d: {  	_ =	shalt  }
0x3e: {  	_ =	shalt  }
0x3f: {  	_ =	shalt  }
0x40: {  	_ =	shalt  }
0x41: {  	_ =	shalt  }
0x42: {  	_ =	shalt  }
0x43: {  	_ =	shalt  }
0x44: {  	_ =	shalt  }
0x45: {  	_ =	shalt  }
0x46: {  	_ =	shalt  }
0x47: {  	_ =	shalt  }
0x48: {  	_ =	shalt  }
0x49: {  	_ =	shalt  }
0x4a: {  	_ =	shalt  }
0x4b: {  	_ =	shalt  }
0x4c: {  	_ =	shalt  }
0x4d: {  	_ =	shalt  }
0x4e: {  	_ =	shalt  }
0x4f: {  	_ =	shalt  }
0x50: {  	_ =	shalt  }
0x51: {  	_ =	shalt  }
0x52: {  	_ =	shalt  }
0x53: {  	_ =	shalt  }
0x54: {  	_ =	shalt  }
0x55: {  	_ =	shalt  }
0x56: {  	_ =	shalt  }
0x57: {  	_ =	shalt  }
0x58: {  	_ =	shalt  }
0x59: {  	_ =	shalt  }
0x5a: {  	_ =	shalt  }
0x5b: {  	_ =	shalt  }
0x5c: {  	_ =	shalt  }
0x5d: {  	_ =	shalt  }
0x5e: {  	_ =	shalt  }
0x5f: {  	_ =	shalt  }
0x60: {  	_ =	shalt  }
0x61: {  	_ =	shalt  }
0x62: {  	_ =	shalt  }
0x63: {  	_ =	shalt  }
0x64: {  	_ =	shalt  }
0x65: {  	_ =	shalt  }
0x66: {  	_ =	shalt  }
0x67: {  	_ =	shalt  }
0x68: {  	_ =	shalt  }
0x69: {  	_ =	shalt  }
0x6a: {  	_ =	shalt  }
0x6b: {  	_ =	shalt  }
0x6c: {  	_ =	shalt  }
0x6d: {  	_ =	shalt  }
0x6e: {  	_ =	shalt  }
0x6f: {  	_ =	shalt  }
0x70: {  	_ =	shalt  }
0x71: {  	_ =	shalt  }
0x72: {  	_ =	shalt  }
0x73: {  	_ =	shalt  }
0x74: {  	_ =	shalt  }
0x75: {  	_ =	shalt  }
0x76: {  	_ =	shalt  }
0x77: {  	_ =	shalt  }
0x78: {  	_ =	shalt  }
0x79: {  	_ =	shalt  }
0x7a: {  	_ =	shalt  }
0x7b: {  	_ =	shalt  }
0x7c: {  	_ =	shalt  }
0x7d: {  	_ =	shalt  }
0x7e: {  	_ =	shalt  }
0x7f: {  	_ =	shalt  }
0x80: {  	_ =	shalt  }
0x81: {  	_ =	shalt  }
0x82: {  	_ =	shalt  }
0x83: {  	_ =	shalt  }
0x84: {  	_ =	shalt  }
0x85: {  	_ =	shalt  }
0x86: {  	_ =	shalt  }
0x87: {  	_ =	shalt  }
.Lfunc_end0:
.L_simem_size_0:
called_computation.1_lowered:
.L_overlay_start_0:
0x88: {  	s2 =	sld [smem:$0x3FD9]  }
0x89: {  	s3 =	sld [smem:$0x3FFE];
	_ =	sdelay $0x1  }
0x8a: {  	s1 =	srdreg.scid  }
0x8b: {  	s0 =	sand.u32 $0x1, s1  }
0x8c: {  	s15 =	sshll.u32 s0, $0xA;
	s2 =	sadd.s32 s3, s2  }
0x8d: {  	s2 =	sadd.s32 s2, s15  }
0x8e: {  	[smem:$0x3FAC] =	sst s2  }
0x8f: {  	_ = 	snop  }
0x90: {  	s2 =	sld [smem:$0x3FD0];
	_ =	sdelay $0x2  }
0x91: {  	s16 =	simm.s32 $0xC;
	s4 =	simm.s32 $0x10  }
0x92: {  	[smem:s4], [sflag:s16] =	dma.local [hbm:s2], $0x1  }
0x93: {  	_ =	swait.eq [sflag:s16], $0x1  }
0x94: {  	[sflag:s16] =	ssyncset.done $0x0  }
0x95: {  	[sflag:s16] =	ssyncadd.s32 $0xFFFFFFFF  }
0x96: {  	s17 =	sld [smem:$0x11];
	(tm) =	ssettm $0x1  }
0x97: {  	s18 =	sld [smem:$0x3FFB];
	_ =	sdelay $0x3  }
0x98: {  	_ =	strace s18  }
0x99: {  	s2 =	sld [smem:$0x3FFC];
	_ =	sdelay $0x3  }
0x9a: {  	_ =	strace s2  }
0x9b: {  	s2 =	sld [smem:$0x3FFD];
	_ =	sdelay $0x3  }
0x9c: {  	_ =	strace s2  }
0x9d: {  	_ =	strace $0x8FFFFFFF  }
0x9e: {  	s19 =	sld [smem:$0x3FDB];
	_ =	sdelay $0x1  }
0x9f: {  	s20 =	simm.s32 $_scs_section_size  }
0xa0: {  	s5 =	simm.s32 $_size__tile_overlayer_lowered;
	s6 =	simm.s32 $_tile_overlayer_lowered  }
0xa1: {  	s7 =	simm.s32 $0x1BFF;
	s21 =	sshll.u32 s6, $0x1;
	s4 =	sadd.s32 s20, s19  }
0xa2: {  	s22 =	simm.s32 $0x0;
	s5 =	sshll.u32 s5, $0x1;
	s6 =	sadd.s32 s21, s4  }
0xa3: {  	[timem:s22], [sflag:s7] =	dma.local [hbm:s6], s5  }
0xa4: {  	_ =	swait.ge [sflag:s7], s5  }
0xa5: {  	s5 =	ssub.s32 $0x0, s5;
	[sflag:s7] =	ssyncset.done $0x0  }
0xa6: {  	[sflag:s7] =	ssyncadd.s32 s5;
	_ =	sdelay $0x1  }
0xa7: {  	s23 =	simm.s32 $0x1B8B  }
0xa8: {  	_ =	swait.ge [sflag:s23], $0x1  }
0xa9: {  	[sflag:s23] =	ssyncset.done $0x0  }
0xaa: {  	[sflag:s23] =	ssyncadd.s32 $0xFFFFFFFF  }
0xab: {  	s5 =	sld [smem:$0x0]  }
0xac: {  	s6 =	sand.u32 $0xFFFFFFFE, s1  }
0xad: {  	p0 =	sne.s32 s1, s6  }
0xae: {  	s6 =	sshll.u32 @p0 s6, $0xE  }
0xaf: {  	s6 =	sadd.s32 @p0 $0x11B8D, s6;
	s7 =	sshll.u32 @p0 s5, $0x11  }
0xb0: {  	s6 =	sor.u32 @p0 s7, s6  }
0xb1: {  	[sflag:s6] =	ssyncadd.remote.s32 @p0 $0x1;
	_ =	sdelay $0x1  }
0xb2: {  	s6 =	simm.s32 @p0 $0x1B8D  }
0xb3: {  	_ =	swait.eq @p0 [sflag:s6], $0x1  }
0xb4: {  	[sflag:s6] =	ssyncadd.s32 @p0 $0xFFFFFFFF  }
0xb5: {  	s7 =	sshll.u32 @!p0 s1, $0xE  }
0xb6: {  	s7 =	sor.u32 @!p0 $0x4000, s7;
	s6 =	simm.s32 @!p0 $0x1B8D  }
0xb7: {  	s8 =	sshll.u32 @!p0 s5, $0x11;
	s7 =	sadd.s32 @!p0 $0x11B8D, s7;
	_ =	swait.eq @!p0 [sflag:s6], $0x1  }
0xb8: {  	[sflag:s6] =	ssyncadd.s32 @!p0 $0xFFFFFFFF;
	s6 =	sor.u32 @!p0 s8, s7  }
0xb9: {  	s25 =	simm.s32 $0x1B8E;
	s24 =	sld [smem:$0x3FFE];
	[sflag:s6] =	ssyncadd.remote.s32 @!p0 $0x1  }
0xba: {  	s26 =	simm.s32 $execute0_lowered;
	[smem:$0x3FD2] =	sst s25  }
0xbb: {  	s7 =	sshll.u32 s26, $0x1;
	_ =	strace $0x8000004C;
	[dreg:$0x1] =	wrdreg $0xFFFFFFFF  }
0xbc: {  	s28 =	simm.s32 $_size_execute0_lowered;
	s4 =	sadd.s32 s4, s7;
	[dreg:$0x0] =	wrdreg $0x0  }
0xbd: {  	s7 =	sshll.u32 s28, $0x1;
	[dreg:$0x2] =	wrdreg s4  }
0xbe: {  	[dreg:$0x3] =	wrdreg s7  }
0xbf: {  	[dreg:$0x4] =	wrdreg $0xC0  }
0xc0: {  	_ =	task [dreg:s22], $0x5FFFF  }
0xc1: {  	[dreg:$0x1] =	wrdreg $0xFFFFFFFF  }
0xc2: {  	[dreg:$0x0] =	wrdreg $0x60  }
0xc3: {  	[dreg:$0x2] =	wrdreg s17  }
0xc4: {  	[dreg:$0x3] =	wrdreg s24  }
0xc5: {  	[dreg:$0x4] =	wrdreg s1  }
0xc6: {  	[dreg:$0x5] =	wrdreg s5  }
0xc7: {  	[dreg:$0x6] =	wrdreg $0xA  }
0xc8: {  	_ =	task.clear_ibuf [dreg:s22], $0x7FFFF;
	_ =	strace $0x9000004C  }
0xc9: {  	s29 =	simm.s32 $0xA;
	_ =	strace $0x8000004E  }
0xca: {  	_ =	swait.ge [sflag:s29], $0x1  }
0xcb: {  	[sflag:s29] =	ssyncadd.s32 $0xFFFFFFFF  }
0xcc: {  	_ =	strace $0x9000004E  }
0xcd: {  	_ =	sfence  }
0xce: {  	s30 =	sld [smem:$0x0];
	_ =	sdelay $0x2  }
0xcf: {  	s31 =	sshll.u32 s1, $0xD;
	s1 =	sshrl.u32 s1, $0x2  }
0xd0: {  	s4 =	sand.u32 $0x4000, s31;
	s1 =	sadd.s32 s1, s30  }
0xd1: {  	s0 =	sor.u32 s4, s0;
	s1 =	sshll.u32 s1, $0x11  }
0xd2: {  	s0 =	sor.u32 s1, s0  }
0xd3: {  	s0 =	sadd.s32 $0x8F2B, s0  }
0xd4: {  	[sflag:s0] =	ssyncadd.remote.s32 $0x1  }
0xd5: {  	_ =	sfence.sel $0xFFFF  }
0xd6: {  	[dreg:$0x0] =	wrdreg $0xFFFFFFFF;
	(pc) =	sbr.abs _section_cstart, $3  }
0xd7: {  	[dreg:$0x1] =	wrdreg $0xFFFFFFFF  }
0xd8: {  	_ =	task.clear_ibuf [dreg:s22], $0x2FFFF;
	_ =	strace $0x9FFFFFFF  }
0xd9: {  	(tm) =	ssettm $0x7FFFFFFF  }
tec
execute0_lowered:
.L_overlay_start_1:
0x0: {  	(tag) =	ssettag $0x1  }
0x1: {  	s1 =	rddreg [dreg:$0x0]  }
0x2: {  	s2 =	rddreg [dreg:$0x1]  }
0x3: {  	s4 =	rddreg [dreg:$0x2];
	_ =	strace $0x8000004D;
	s0 =	simm.s32 $0x1  }
0x4: {  	s3 =	simm.s32 $0x308;
	v0 =	vimm.s32 $0x0;
	[sflag:s0] =	ssyncpa.u1 $0x0  }
0x5: {  	[tilespmem:s3+$0x70] =	vst v0  }
0x6: {  	[tilespmem:s3+$0x60] =	vst v0  }
0x7: {  	[tilespmem:s3+$0x50] =	vst v0  }
0x8: {  	[tilespmem:s3+$0x40] =	vst v0  }
0x9: {  	[tilespmem:s3+$0x30] =	vst v0  }
0xa: {  	s0 =	sadd.s32 $0x18E2200, s2;
	s6 =	sadd.s32 $0x1DCE200, s2;
	[tilespmem:s3+$0x20] =	vst v0  }
0xb: {  	s2 =	sadd.s32 $0x18E7200, s2;
	s7 =	sand.u32 $0x1, s4;
	s4 =	simm.s32 $0x40;
	[tilespmem:s3+$0x10] =	vst v0  }
.LBB2_1:
0xc: {  	s4 =	sadd.s32 $0x40, s4;
	[tilespmem:s3+$0x0] =	vst v0;
	s3 =	sadd.s32 $0x80, s3  }
0xd: {  	p0 =	slt.u32 s4, $0x30C0;
	[tilespmem:s3+$0x70] =	vst v0  }
0xe: {  	[tilespmem:s3+$0x60] =	vst v0  }
.Ltmp0:
0xf: {  	[tilespmem:s3+$0x50] =	vst v0;
	(pc) =	sbr.rel @p0 .LBB2_1-.Ltmp0, $4  }
0x10: {  	[tilespmem:s3+$0x40] =	vst v0  }
0x11: {  	[tilespmem:s3+$0x30] =	vst v0  }
0x12: {  	[tilespmem:s3+$0x20] =	vst v0  }
0x13: {  	[tilespmem:s3+$0x10] =	vst v0  }
0x14: {  	s8 =	stileid.u32;
	s24 =	simm.s32 $0x2  }
0x15: {  	s26 =	simm.s32 $0x9;
	s28 =	simm.s32 $0xA;
	s29 =	smul.u32 $0x2710, s7  }
0x16: {  	[dreg:$0x5] =	wrdreg s7;
	s30 =	simm.s32 $0xB;
	s4 =	smul.u32 $0x4E, s8  }
0x17: {  	p1 =	por $0x0, $0x0;
	s19 =	simm.s32 $0x80;
	s5 =	smin.u32 s8, $0x2  }
0x18: {  	p0 =	slt.u32 s8, $0x2;
	s4 =	sadd.s32 s5, s4;
	s5 =	simm.s32 $0x13C0  }
0x19: {  	s20 =	simm.s32 $0x400;
	s21 =	sshll.u32 s4, $0x6;
	s5 =	simm.s32 @!p0 $0x1380  }
0x1a: {  	s17 =	simm.s32 $0xC;
	s22 =	simm.s32 $0x0;
	s25 =	sadd.s32 s5, s21  }
0x1b: {  	[tilespmem:s3+$0x0] =	vst v0;
	v0 =	vimm.s32 $0xFFFFFFFF;
	[sflag:s24] =	ssyncpa.u1 $0x0;
	s31 =	smul.u32 $0xC00, s8;
	s9 =	smin.u32 s25, $0x13880  }
0x1c: {  	s24 =	simm.s32 $0x0;
	[tilespmem:$0xC608] =	vst v0;
	[sflag:s26] =	ssyncpa.u1 $0x0;
	s3 =	ssub.s32 s9, s21  }
.Ltmp1:
0x1d: {  	s12 =	sadd.s32 s29, s2;
	p0 =	sgt.s32 s3, $0x0;
	(pc) =	sbr.rel .LBB2_3-.Ltmp1, $4  }
0x1e: {  	s0 =	sadd.s32 s29, s0;
	[sflag:s28] =	ssyncpa.u1 $0x0;
	s3 =	simm.s32 @!p0 $0x0  }
0x1f: {  	[dreg:$0x6] =	wrdreg s0;
	s18 =	sshrl.u32 s31, $0x2;
	s13 =	sshrl.u32 s3, $0x6  }
0x20: {  	[sflag:s30] =	ssyncpa.u1 $0x0;
	s23 =	smov.u32 s21;
	s16 =	sadd.s32 $0x1, s13  }
0x21: {  	v0 =	vlaneseq.u32;
	s25 =	simm.s32 $0x0;
	p0 =	por $0x1, $0x1;
	[dreg:$0x7] =	wrdreg s16  }
.LBB2_28:
0x22: {  	s2 =	sshrl.u32 s4, $0x2  }
.LBB2_30:
0x23: {  	_ =	swait.ge [sflag:s17], s2  }
0x24: {  	s0 =	ssub.s32 $0x0, s2;
	v1 =	vmov s28;
	vm0 =	veq.s32 v0, $0x0;
	[sflag:s17] =	ssyncset.done $0x0  }
0x25: {  	vm15 =	veq.s32 v0, $0x2;
	v1 =	vsel vm0, s5, v1;
	[sflag:s17] =	ssyncadd.s32 s0  }
0x26: {  	v1 =	vsel vm15, s25, v1;
	[sflag:s17] =	ssyncpa.u1 $0x1  }
0x27: {  	[tilespmem:$0xC608] =	vst v1  }
.LBB2_31:
0x28: {  	s0 =	sadd.s32 $0x40, s23  }
0x29: {  	s2 =	smov.u32 s21;
	p2 =	slt.s32 s0, s9  }
0x2a: {  	s2 =	smov.u32 @p2 s0;
	p2 =	sne.s32 s24, s16  }
.Ltmp2:
0x2b: {  	_ = 	snop;
	(pc) =	sbr.rel @!p2 .LBB2_32-.Ltmp2, $4  }
0x2c: {  	_ = 	snop  }
0x2d: {  	s25 =	smov.u32 s22  }
0x2e: {  	s31 =	sadd.s32 $0x1, s24;
	s22 =	smov.u32 s23;
	p0 =	por !p0, !p0  }
0x2f: {  	p1 =	por !p1, !p1;
	s24 =	smov.u32 s31;
	s23 =	smov.u32 s2  }
.LBB2_3:
0x30: {  	p2 =	sge.u32 s24, s13  }
0x31: {  	s0 =	smov.u32 s23;
	p3 =	sgt.s32 @!p2 s23, $0x13840  }
0x32: {  	s2 =	sshra.s32 @!p2 s23, $0x1F;
	s3 =	smulhi.u32 @!p2 $0xAAAAAAAB, s24;
	p3 =	por !p3, p2  }
0x33: {  	s2 =	sand.u32 @!p2 s2, s23;
	s0 =	simm.s32 @p3 $0x13840  }
0x34: {  	s0 =	ssub.s32 @!p2 s0, s2;
	s2 =	sshrl.u32 @!p2 s3, $0x1  }
0x35: {  	s0 =	sadd.s32 @!p2 $0xFFFEC7C0, s0;
	s2 =	smul.u32 @!p2 $0x3, s2  }
0x36: {  	s4 =	sand.u32 @!p2 $0x7, s23;
	s3 =	sshll.u32 @!p2 s0, $0x2;
	p3 =	sgt.s32 @!p2 s0, $0x3F  }
0x37: {  	s0 =	ssub.s32 @!p2 $0x100, s3;
	s2 =	ssub.s32 @!p2 s24, s2;
	p3 =	por !p3, p2  }
0x38: {  	s3 =	sshrl.u32 @!p2 s23, $0x3;
	s0 =	sshrl.u32 @!p2 s0, $0x2;
	s2 =	sshll.u32 @!p2 s2, $0x6  }
0x39: {  	s3 =	sadd.s32 @!p2 s3, s12;
	s0 =	simm.s32 @!p3 $0x0;
	s2 =	sadd.s32 @!p2 $0xF648, s2  }
0x3a: {  	[tilespmem:s2], [sflag:$0xA] =	stream.linear.gather @!p2 [hbm4b:s3+s4], s0, $0x38;
	[tilespmem:$0x1B788] =	vst v63  }
0x3b: {  	s0 =	sadd.s32 $0xFFFFFFFF, s24  }
0x3c: {  	p2 =	sge.u32 s0, s13  }
.Ltmp3:
0x3d: {  	_ = 	snop;
	(pc) =	sbr.rel @p2 .LBB2_13-.Ltmp3, $1  }
0x3e: {  	_ =	sdelay $0x3  }
0x3f: {  	p2 =	sgt.s32 s22, $0x13840;
	s2 =	smov.u32 s22;
	s3 =	sshra.s32 s22, $0x1F  }
0x40: {  	s2 =	simm.s32 @!p2 $0x13840;
	s3 =	sand.u32 s3, s22  }
0x41: {  	s2 =	ssub.s32 s2, s3  }
0x42: {  	s4 =	smulhi.u32 $0xAAAAAAAB, s0;
	s2 =	sadd.s32 $0xFFFEC7C0, s2  }
0x43: {  	s5 =	sshll.u32 s2, $0x2  }
0x44: {  	s4 =	sshrl.u32 s4, $0x1;
	s5 =	ssub.s32 $0x100, s5  }
0x45: {  	s4 =	smul.u32 $0x3, s4;
	p2 =	sgt.s32 s2, $0x3F;
	s2 =	sshrl.u32 s5, $0x2  }
0x46: {  	s30 =	sand.u32 $0x1, s0;
	s7 =	simm.s32 $0xA;
	s2 =	simm.s32 @p2 $0x0  }
0x47: {  	s10 =	sand.u32 $0x7, s22;
	s4 =	ssub.s32 s0, s4;
	_ =	swait.ge [sflag:s7], s2  }
0x48: {  	s5 =	sshll.u32 s30, $0x6;
	s31 =	ssub.s32 $0x0, s2;
	[sflag:s7] =	ssyncset.done $0x0  }
0x49: {  	s8 =	rddreg [dreg:$0x6];
	[sflag:s7] =	ssyncadd.s32 s31;
	s7 =	sshrl.u32 s22, $0x3  }
0x4a: {  	s28 =	sshll.u32 s4, $0x6;
	s5 =	sor.u32 $0xF708, s5;
	s0 =	sadd.s32 s7, s8  }
0x4b: {  	[tilespmem:s5], [sflag:$0xB] =	stream.linear.gather [hbm4b:s0+s10], s2, $0x38;
	[tilespmem:$0x1B788] =	vst v63  }
0x4c: {  	v1 =	vld.msk [tilespmem:s28+$0xF648], $0xffff;
	_ =	sdelay $0x3  }
0x4d: {  	s11 =	simm.s32 $0x0  }
0x4e: {  	(v2sf) =	vpush v1, s11;
	_ =	sdelay $0x5  }
0x4f: {  	s14 =	simm.s32 $0x1  }
0x50: {  	(v2sf) =	vpush v1, s14;
	_ =	sdelay $0x3  }
0x51: {  	s3 =	simm.s32 $0x1  }
0x52: {  	s3 =	simm.s32 @!p0 $0x0;
	s30 =	simm.s32 $0x2  }
0x53: {  	s3 =	smul.u32 $0x18000, s3;
	(v2sf) =	vpush v1, s30  }
0x54: {  	s31 =	simm.s32 $0x3  }
0x55: {  	s3 =	sshrl.u32 s3, $0x2;
	s15 =	spop (v2sf);
	(v2sf) =	vpush v1, s31  }
0x56: {  	s26 =	sadd.s32 $0x13F88, s3  }
0x57: {  	s4 =	sor.u32 $0x10F88, s3;
	s0 =	sadd.s32 $0x12788, s3;
	s29 =	sshrl.u32 s15, $0x3  }
0x58: {  	s2 =	sadd.s32 $0xF788, s3;
	s3 =	sshll.u32 s15, $0x7;
	s5 =	smul.u32 $0xC00, s29  }
0x59: {  	s3 =	sand.u32 $0x380, s3  }
0x5a: {  	s3 =	sor.u32 s3, s5  }
0x5b: {  	s3 =	sshrl.u32 s3, $0x3  }
0x5c: {  	s5 =	spop (v2sf);
	s3 =	sadd.s32 s6, s3  }
0x5d: {  	[tilespmem:s2], [sflag:$0x9] =	stream.strided.gather [hbm4b:s3+s19], $0x180, s20, s19, $0x38;
	[tilespmem:$0x1B788] =	vst v63  }
0x5e: {  	s7 =	sshrl.u32 s5, $0x3;
	s3 =	simm.s32 $0x4  }
.LBB2_5:
0x5f: {  	(v2sf) =	vpush v1, s3;
	s7 =	smul.u32 $0xC00, s7;
	s5 =	sshll.u32 s5, $0x7;
	p2 =	seq.s32 s3, $0xF  }
.Ltmp4:
0x60: {  	s3 =	sadd.s32 $0x1, s3;
	s5 =	sand.u32 $0x380, s5;
	(pc) =	sbr.rel @!p2 .LBB2_5-.Ltmp4, $4  }
0x61: {  	s7 =	sor.u32 s5, s7  }
0x62: {  	s5 =	spop (v2sf);
	s10 =	sshrl.u32 s7, $0x3  }
0x63: {  	s2 =	sadd.s32 $0x180, s2;
	s7 =	sshrl.u32 s5, $0x3;
	s10 =	sadd.s32 s6, s10  }
0x64: {  	[tilespmem:s2], [sflag:$0x9] =	stream.strided.gather [hbm4b:s10+s19], $0x180, s20, s19, $0x38;
	[tilespmem:$0x1B788] =	vst v63  }
0x65: {  	s3 =	smul.u32 $0xC00, s7;
	s5 =	sshll.u32 s5, $0x7  }
0x66: {  	s5 =	sand.u32 $0x380, s5  }
0x67: {  	s15 =	spop (v2sf);
	s2 =	sadd.s32 $0x180, s2;
	s3 =	sor.u32 s5, s3  }
0x68: {  	s29 =	sshrl.u32 s15, $0x3;
	s5 =	sshll.u32 s15, $0x7;
	s3 =	sshrl.u32 s3, $0x3  }
0x69: {  	s30 =	smul.u32 $0xC00, s29;
	s5 =	sand.u32 $0x380, s5;
	s3 =	sadd.s32 s6, s3  }
0x6a: {  	[tilespmem:s2], [sflag:$0x9] =	stream.strided.gather [hbm4b:s3+s19], $0x180, s20, s19, $0x38;
	[tilespmem:$0x1B788] =	vst v63  }
0x6b: {  	s3 =	sor.u32 s5, s30  }
0x6c: {  	s3 =	sshrl.u32 s3, $0x3  }
0x6d: {  	s2 =	sadd.s32 $0x180, s2;
	s3 =	sadd.s32 s6, s3  }
0x6e: {  	[tilespmem:s2], [sflag:$0x9] =	stream.strided.gather [hbm4b:s3+s19], $0x180, s20, s19, $0x38;
	[tilespmem:$0x1B788] =	vst v63  }
0x6f: {  	s31 =	spop (v2sf)  }
0x70: {  	s8 =	sshrl.u32 s31, $0x3  }
0x71: {  	s5 =	sshll.u32 s31, $0x7;
	s10 =	smul.u32 $0xC00, s8  }
0x72: {  	s5 =	sand.u32 $0x380, s5  }
0x73: {  	s3 =	sor.u32 s5, s10  }
0x74: {  	s3 =	sshrl.u32 s3, $0x3  }
0x75: {  	s2 =	sadd.s32 $0x180, s2;
	s3 =	sadd.s32 s6, s3  }
0x76: {  	[tilespmem:s2], [sflag:$0x9] =	stream.strided.gather [hbm4b:s3+s19], $0x180, s20, s19, $0x38;
	[tilespmem:$0x1B788] =	vst v63  }
0x77: {  	v1 =	vld.msk [tilespmem:s28+$0xF658], $0xffff;
	_ =	sdelay $0x3  }
0x78: {  	s11 =	simm.s32 $0x0  }
0x79: {  	(v2sf) =	vpush v1, s11;
	_ =	sdelay $0x7  }
0x7a: {  	s14 =	simm.s32 $0x1  }
0x7b: {  	(v2sf) =	vpush v1, s14;
	_ =	sdelay $0x4  }
0x7c: {  	s30 =	simm.s32 $0x2  }
0x7d: {  	s15 =	spop (v2sf);
	(v2sf) =	vpush v1, s30  }
0x7e: {  	s31 =	simm.s32 $0x3  }
0x7f: {  	(v2sf) =	vpush v1, s31;
	_ =	sdelay $0x1  }
0x80: {  	s29 =	sshrl.u32 s15, $0x3  }
0x81: {  	s2 =	sshll.u32 s15, $0x7;
	s3 =	smul.u32 $0xC00, s29  }
0x82: {  	s2 =	sand.u32 $0x380, s2  }
0x83: {  	s2 =	sor.u32 s2, s3  }
0x84: {  	s2 =	sshrl.u32 s2, $0x3  }
0x85: {  	s3 =	spop (v2sf);
	s2 =	sadd.s32 s6, s2  }
0x86: {  	[tilespmem:s4], [sflag:$0x9] =	stream.strided.gather [hbm4b:s2+s19], $0x180, s20, s19, $0x38;
	[tilespmem:$0x1B788] =	vst v63  }
0x87: {  	s5 =	sshrl.u32 s3, $0x3;
	s2 =	simm.s32 $0x4  }
.LBB2_7:
0x88: {  	(v2sf) =	vpush v1, s2;
	s5 =	smul.u32 $0xC00, s5;
	s3 =	sshll.u32 s3, $0x7;
	p2 =	sne.s32 s2, $0xF  }
.Ltmp5:
0x89: {  	s2 =	sadd.s32 $0x1, s2;
	s3 =	sand.u32 $0x380, s3;
	(pc) =	sbr.rel @p2 .LBB2_7-.Ltmp5, $4  }
0x8a: {  	s5 =	sor.u32 s3, s5  }
0x8b: {  	s3 =	spop (v2sf);
	s7 =	sshrl.u32 s5, $0x3  }
0x8c: {  	s4 =	sadd.s32 $0x180, s4;
	s5 =	sshrl.u32 s3, $0x3;
	s7 =	sadd.s32 s6, s7  }
0x8d: {  	[tilespmem:s4], [sflag:$0x9] =	stream.strided.gather [hbm4b:s7+s19], $0x180, s20, s19, $0x38;
	[tilespmem:$0x1B788] =	vst v63  }
0x8e: {  	s2 =	smul.u32 $0xC00, s5;
	s3 =	sshll.u32 s3, $0x7  }
0x8f: {  	s3 =	sand.u32 $0x380, s3  }
0x90: {  	s15 =	spop (v2sf);
	s4 =	sadd.s32 $0x180, s4;
	s2 =	sor.u32 s3, s2  }
0x91: {  	s29 =	sshrl.u32 s15, $0x3;
	s3 =	sshll.u32 s15, $0x7;
	s2 =	sshrl.u32 s2, $0x3  }
0x92: {  	s30 =	smul.u32 $0xC00, s29;
	s3 =	sand.u32 $0x380, s3;
	s2 =	sadd.s32 s6, s2  }
0x93: {  	[tilespmem:s4], [sflag:$0x9] =	stream.strided.gather [hbm4b:s2+s19], $0x180, s20, s19, $0x38;
	[tilespmem:$0x1B788] =	vst v63  }
0x94: {  	s2 =	sor.u32 s3, s30  }
0x95: {  	s2 =	sshrl.u32 s2, $0x3  }
0x96: {  	s4 =	sadd.s32 $0x180, s4;
	s2 =	sadd.s32 s6, s2  }
0x97: {  	[tilespmem:s4], [sflag:$0x9] =	stream.strided.gather [hbm4b:s2+s19], $0x180, s20, s19, $0x38;
	[tilespmem:$0x1B788] =	vst v63  }
0x98: {  	s31 =	spop (v2sf)  }
0x99: {  	s7 =	sshrl.u32 s31, $0x3  }
0x9a: {  	s3 =	sshll.u32 s31, $0x7;
	s8 =	smul.u32 $0xC00, s7  }
0x9b: {  	s3 =	sand.u32 $0x380, s3  }
0x9c: {  	s2 =	sor.u32 s3, s8  }
0x9d: {  	s2 =	sshrl.u32 s2, $0x3  }
0x9e: {  	s10 =	sadd.s32 $0x180, s4;
	s2 =	sadd.s32 s6, s2  }
0x9f: {  	[tilespmem:s10], [sflag:$0x9] =	stream.strided.gather [hbm4b:s2+s19], $0x180, s20, s19, $0x38;
	[tilespmem:$0x1B788] =	vst v63  }
0xa0: {  	v1 =	vld.msk [tilespmem:s28+$0xF668], $0xffff;
	_ =	sdelay $0x3  }
0xa1: {  	s11 =	simm.s32 $0x0  }
0xa2: {  	(v2sf) =	vpush v1, s11;
	_ =	sdelay $0x7  }
0xa3: {  	s14 =	simm.s32 $0x1  }
0xa4: {  	(v2sf) =	vpush v1, s14;
	_ =	sdelay $0x4  }
0xa5: {  	s30 =	simm.s32 $0x2  }
0xa6: {  	s15 =	spop (v2sf);
	(v2sf) =	vpush v1, s30  }
0xa7: {  	s31 =	simm.s32 $0x3  }
0xa8: {  	(v2sf) =	vpush v1, s31;
	_ =	sdelay $0x1  }
0xa9: {  	s29 =	sshrl.u32 s15, $0x3  }
0xaa: {  	s2 =	sshll.u32 s15, $0x7;
	s3 =	smul.u32 $0xC00, s29  }
0xab: {  	s2 =	sand.u32 $0x380, s2  }
0xac: {  	s2 =	sor.u32 s2, s3  }
0xad: {  	s2 =	sshrl.u32 s2, $0x3  }
0xae: {  	s3 =	spop (v2sf);
	s2 =	sadd.s32 s6, s2  }
0xaf: {  	[tilespmem:s0], [sflag:$0x9] =	stream.strided.gather [hbm4b:s2+s19], $0x180, s20, s19, $0x38;
	[tilespmem:$0x1B788] =	vst v63  }
0xb0: {  	s4 =	sshrl.u32 s3, $0x3;
	s2 =	simm.s32 $0x4  }
.LBB2_9:
0xb1: {  	(v2sf) =	vpush v1, s2;
	s4 =	smul.u32 $0xC00, s4;
	s3 =	sshll.u32 s3, $0x7;
	p2 =	sne.s32 s2, $0xF  }
.Ltmp6:
0xb2: {  	s2 =	sadd.s32 $0x1, s2;
	s3 =	sand.u32 $0x380, s3;
	(pc) =	sbr.rel @p2 .LBB2_9-.Ltmp6, $4  }
0xb3: {  	s4 =	sor.u32 s3, s4  }
0xb4: {  	s3 =	spop (v2sf);
	s5 =	sshrl.u32 s4, $0x3  }
0xb5: {  	s0 =	sadd.s32 $0x180, s0;
	s4 =	sshrl.u32 s3, $0x3;
	s5 =	sadd.s32 s6, s5  }
0xb6: {  	[tilespmem:s0], [sflag:$0x9] =	stream.strided.gather [hbm4b:s5+s19], $0x180, s20, s19, $0x38;
	[tilespmem:$0x1B788] =	vst v63  }
0xb7: {  	s2 =	smul.u32 $0xC00, s4;
	s3 =	sshll.u32 s3, $0x7  }
0xb8: {  	s3 =	sand.u32 $0x380, s3  }
0xb9: {  	s31 =	spop (v2sf);
	s0 =	sadd.s32 $0x180, s0;
	s2 =	sor.u32 s3, s2  }
0xba: {  	s5 =	sshrl.u32 s31, $0x3;
	s3 =	sshll.u32 s31, $0x7;
	s2 =	sshrl.u32 s2, $0x3  }
0xbb: {  	s7 =	smul.u32 $0xC00, s5;
	s3 =	sand.u32 $0x380, s3;
	s2 =	sadd.s32 s6, s2  }
0xbc: {  	[tilespmem:s0], [sflag:$0x9] =	stream.strided.gather [hbm4b:s2+s19], $0x180, s20, s19, $0x38;
	[tilespmem:$0x1B788] =	vst v63  }
0xbd: {  	s2 =	sor.u32 s3, s7  }
0xbe: {  	s2 =	sshrl.u32 s2, $0x3  }
0xbf: {  	s0 =	sadd.s32 $0x180, s0;
	s2 =	sadd.s32 s6, s2  }
0xc0: {  	[tilespmem:s0], [sflag:$0x9] =	stream.strided.gather [hbm4b:s2+s19], $0x180, s20, s19, $0x38;
	[tilespmem:$0x1B788] =	vst v63  }
0xc1: {  	s8 =	spop (v2sf)  }
0xc2: {  	s10 =	sshrl.u32 s8, $0x3  }
0xc3: {  	s3 =	sshll.u32 s8, $0x7;
	s11 =	smul.u32 $0xC00, s10  }
0xc4: {  	s3 =	sand.u32 $0x380, s3  }
0xc5: {  	s2 =	sor.u32 s3, s11  }
0xc6: {  	s2 =	sshrl.u32 s2, $0x3  }
0xc7: {  	s0 =	sadd.s32 $0x180, s0;
	s2 =	sadd.s32 s6, s2  }
0xc8: {  	[tilespmem:s0], [sflag:$0x9] =	stream.strided.gather [hbm4b:s2+s19], $0x180, s20, s19, $0x38;
	[tilespmem:$0x1B788] =	vst v63  }
0xc9: {  	v1 =	vld.msk [tilespmem:s28+$0xF678], $0xffff;
	_ =	sdelay $0x3  }
0xca: {  	s14 =	simm.s32 $0x0  }
0xcb: {  	(v2sf) =	vpush v1, s14;
	_ =	sdelay $0x7  }
0xcc: {  	s15 =	simm.s32 $0x1  }
0xcd: {  	(v2sf) =	vpush v1, s15;
	_ =	sdelay $0x4  }
0xce: {  	s30 =	simm.s32 $0x2  }
0xcf: {  	s28 =	spop (v2sf);
	(v2sf) =	vpush v1, s30  }
0xd0: {  	s31 =	simm.s32 $0x3  }
0xd1: {  	(v2sf) =	vpush v1, s31;
	_ =	sdelay $0x1  }
0xd2: {  	s29 =	sshrl.u32 s28, $0x3  }
0xd3: {  	s0 =	sshll.u32 s28, $0x7;
	s2 =	smul.u32 $0xC00, s29  }
0xd4: {  	s0 =	sand.u32 $0x380, s0  }
0xd5: {  	s0 =	sor.u32 s0, s2  }
0xd6: {  	s0 =	sshrl.u32 s0, $0x3  }
0xd7: {  	s2 =	spop (v2sf);
	s0 =	sadd.s32 s6, s0  }
0xd8: {  	[tilespmem:s26], [sflag:$0x9] =	stream.strided.gather [hbm4b:s0+s19], $0x180, s20, s19, $0x38;
	[tilespmem:$0x1B788] =	vst v63  }
0xd9: {  	s3 =	sshrl.u32 s2, $0x3;
	s0 =	simm.s32 $0x4  }
.LBB2_11:
0xda: {  	(v2sf) =	vpush v1, s0;
	s3 =	smul.u32 $0xC00, s3;
	s2 =	sshll.u32 s2, $0x7;
	p2 =	seq.s32 s0, $0xF  }
.Ltmp7:
0xdb: {  	s0 =	sadd.s32 $0x1, s0;
	s2 =	sand.u32 $0x380, s2;
	(pc) =	sbr.rel @!p2 .LBB2_11-.Ltmp7, $4  }
0xdc: {  	s3 =	sor.u32 s2, s3  }
0xdd: {  	s2 =	spop (v2sf);
	s4 =	sshrl.u32 s3, $0x3  }
0xde: {  	s26 =	sadd.s32 $0x180, s26;
	s3 =	sshrl.u32 s2, $0x3;
	s4 =	sadd.s32 s6, s4  }
0xdf: {  	[tilespmem:s26], [sflag:$0x9] =	stream.strided.gather [hbm4b:s4+s19], $0x180, s20, s19, $0x38;
	[tilespmem:$0x1B788] =	vst v63  }
0xe0: {  	s0 =	smul.u32 $0xC00, s3;
	s2 =	sshll.u32 s2, $0x7  }
0xe1: {  	s2 =	sand.u32 $0x380, s2  }
0xe2: {  	s14 =	spop (v2sf);
	s4 =	sadd.s32 $0x180, s26;
	s0 =	sor.u32 s2, s0  }
0xe3: {  	s15 =	sshrl.u32 s14, $0x3;
	s2 =	sshll.u32 s14, $0x7;
	s0 =	sshrl.u32 s0, $0x3  }
0xe4: {  	s26 =	smul.u32 $0xC00, s15;
	s2 =	sand.u32 $0x380, s2;
	s0 =	sadd.s32 s6, s0  }
0xe5: {  	[tilespmem:s4], [sflag:$0x9] =	stream.strided.gather [hbm4b:s0+s19], $0x180, s20, s19, $0x38;
	[tilespmem:$0x1B788] =	vst v63  }
0xe6: {  	s0 =	sor.u32 s2, s26  }
0xe7: {  	s0 =	sshrl.u32 s0, $0x3  }
0xe8: {  	s4 =	sadd.s32 $0x180, s4;
	s0 =	sadd.s32 s6, s0  }
0xe9: {  	[tilespmem:s4], [sflag:$0x9] =	stream.strided.gather [hbm4b:s0+s19], $0x180, s20, s19, $0x38;
	[tilespmem:$0x1B788] =	vst v63  }
0xea: {  	s28 =	spop (v2sf)  }
0xeb: {  	s29 =	sshrl.u32 s28, $0x3  }
0xec: {  	s2 =	sshll.u32 s28, $0x7;
	s30 =	smul.u32 $0xC00, s29  }
0xed: {  	s2 =	sand.u32 $0x380, s2  }
0xee: {  	s0 =	sor.u32 s2, s30  }
0xef: {  	s0 =	sshrl.u32 s0, $0x3  }
0xf0: {  	s31 =	sadd.s32 $0x180, s4;
	s0 =	sadd.s32 s6, s0  }
0xf1: {  	[tilespmem:s31], [sflag:$0x9] =	stream.strided.gather [hbm4b:s0+s19], $0x180, s20, s19, $0x38;
	[tilespmem:$0x1B788] =	vst v63  }
.LBB2_13:
0xf2: {  	p2 =	slt.u32 s24, $0x2  }
.Ltmp8:
0xf3: {  	_ = 	snop;
	(pc) =	sbr.rel @p2 .LBB2_31-.Ltmp8, $1  }
0xf4: {  	_ =	sdelay $0x3  }
0xf5: {  	p2 =	sgt.s32 s25, $0x13840;
	s0 =	smov.u32 s25;
	s2 =	sshra.s32 s25, $0x1F  }
0xf6: {  	s0 =	simm.s32 @!p2 $0x13840;
	s2 =	sand.u32 s2, s25  }
0xf7: {  	s0 =	ssub.s32 s0, s2  }
0xf8: {  	s0 =	sadd.s32 $0xFFFEC7C0, s0  }
0xf9: {  	s3 =	simm.s32 $0x9;
	s28 =	sshll.u32 s0, $0x2  }
0xfa: {  	_ =	swait.ge [sflag:s3], $0x6000;
	s2 =	ssub.s32 $0x100, s28  }
0xfb: {  	[sflag:s3] =	ssyncset.done $0x0;
	p2 =	sgt.s32 s0, $0x3F;
	s0 =	sshrl.u32 s2, $0x2  }
0xfc: {  	s30 =	simm.s32 $0xB;
	[sflag:s3] =	ssyncadd.s32 $0xFFFFA000;
	s0 =	simm.s32 @p2 $0x0  }
0xfd: {  	_ =	swait.ge [sflag:s30], s0  }
0xfe: {  	s0 =	ssub.s32 $0x0, s0;
	[sflag:s30] =	ssyncset.done $0x0  }
0xff: {  	[sflag:s30] =	ssyncadd.s32 s0  }
0x100: {  	v1 =	vld [tilespmem:$0xC608];
	_ =	sdelay $0x4  }
0x101: {  	(v2sf) =	vpush v1, $0x0  }
0x102: {  	(v2sf) =	vpush v1, $0x1  }
0x103: {  	(v2sf) =	vpush v1, $0x2;
	_ =	sdelay $0x3  }
0x104: {  	s0 =	sadd.s32 $0x40, s25  }
0x105: {  	s3 =	ssub.s32 $0x27100, s25;
	p2 =	slt.s32 s9, s0  }
0x106: {  	s0 =	smov.u32 @p2 s9;
	p2 =	sgt.s32 s3, $0x0  }
0x107: {  	s2 =	ssub.s32 s0, s25;
	s3 =	simm.s32 @!p2 $0x0  }
0x108: {  	p2 =	slt.s32 s3, s2  }
0x109: {  	s2 =	smov.u32 @p2 s3  }
0x10a: {  	p2 =	slt.s32 s2, $0x1  }
.Ltmp9:
0x10b: {  	_ = 	snop;
	(pc) =	sbr.rel @p2 .LBB2_18-.Ltmp9, $4  }
0x10c: {  	s4 =	simm.s32 $0x1  }
0x10d: {  	s4 =	simm.s32 @!p1 $0x0;
	s5 =	spop (v2sf)  }
0x10e: {  	s31 =	sshll.u32 s4, $0x6;
	s29 =	spop (v2sf)  }
0x10f: {  	s26 =	sor.u32 $0xF708, s31;
	s25 =	spop (v2sf)  }
0x110: {  	s0 =	smin.u32 s2, $0x10  }
0x111: {  	v1 =	vmov s0  }
0x112: {  	vm1 =	vgt.u32 v1, v0;
	_ =	sdelay $0x1  }
0x113: {  	p3 =	sgt.s32 s2, $0x10  }
.Ltmp10:
0x114: {  	_ = 	snop;
	(pc) =	sbr.rel @!p3 .LBB2_17-.Ltmp10, $3  }
0x115: {  	_ =	sdelay $0x1  }
0x116: {  	v1 =	vld.msk [tilespmem:s26+$0x0 ss:$0x1], vm1  }
0x117: {  	s3 =	simm.s32 $0x10;
	s15 =	sadd.s32 $0xFFFFFFF0, s2;
	s0 =	smov.u32 s26;
	vm0 =	vmmov vm1  }
.LBB2_16:
0x118: {  	s7 =	smin.u32 s15, $0x10;
	s3 =	sadd.s32 $0x10, s3  }
0x119: {  	v2 =	vmov s7;
	p3 =	slt.s32 s3, s2  }
0x11a: {  	vm1 =	vgt.u32 v2, v0  }
0x11b: {  	v2 =	vshrl.u32 v1, $0x3  }
0x11c: {  	v1 =	vshll.u32 v1, $0x4;
	v2 =	vmul.u32 $0x180, v2  }
0x11d: {  	v1 =	vand.u32 $0x70, v1  }
.Ltmp11:
0x11e: {  	v1 =	vor.u32 v1, v2;
	(pc) =	sbr.rel @p3 .LBB2_16-.Ltmp11, $3  }
0x11f: {  	[tilespmem:s0+$0x0] =	vst.msk vm0, v1;
	s0 =	sadd.s32 $0x10, s0;
	vm0 =	vmmov vm1  }
0x120: {  	v1 =	vld.msk [tilespmem:s0+$0x0 ss:$0x1], vm1;
	_ =	sdelay $0x1  }
0x121: {  	s15 =	sadd.s32 $0xFFFFFFF0, s15  }
.LBB2_17:
0x122: {  	_ =	sdelay $0x2  }
0x123: {  	v2 =	vshrl.u32 v1, $0x3  }
0x124: {  	v1 =	vshll.u32 v1, $0x4;
	v2 =	vmul.u32 $0x180, v2  }
0x125: {  	v1 =	vand.u32 $0x70, v1  }
0x126: {  	v1 =	vor.u32 v1, v2  }
0x127: {  	[tilespmem:s0+$0x0] =	vst.msk vm0, v1  }
.LBB2_18:
0x128: {  	s0 =	sand.u32 $0x1, s24  }
0x129: {  	p3 =	sne.s32 s29, $0xFFFFFFFF;
	s0 =	sshll.u32 s0, $0x6  }
0x12a: {  	v1 =	vld.msk @!p3 [tilespmem:s0+$0xF708], $0x1;
	_ =	sdelay $0x4  }
0x12b: {  	(v2sf) =	vpush @!p3 v1, $0x0;
	_ =	sdelay $0xc  }
.Ltmp12:
0x12c: {  	_ = 	snop;
	(pc) =	sbr.rel @p2 .LBB2_29-.Ltmp12, $4  }
0x12d: {  	_ = 	snop  }
0x12e: {  	s0 =	spop @!p3 (v2sf)  }
0x12f: {  	s25 =	simm.s32 @!p3 $0x0;
	s28 =	smov.u32 s0  }
0x130: {  	[sflag:s17] =	ssyncpa.u1 $0x0;
	s0 =	smov.u32 @p3 s5;
	s28 =	smov.u32 @p3 s29  }
0x131: {  	v1 =	vld.msk [tilespmem:s26+$0x0], $0x1;
	_ =	sdelay $0x4  }
0x132: {  	(v2sf) =	vpush v1, $0x0;
	_ =	sdelay $0xe  }
0x133: {  	s16 =	smov.u32 s13;
	s3 =	smul.u32 $0x18000, s4;
	s4 =	spop (v2sf)  }
0x134: {  	s13 =	smov.u32 s9;
	s9 =	smov.u32 s12;
	p2 =	seq.s32 s0, s4  }
0x135: {  	s29 =	simm.s32 $0x0;
	s30 =	ssub.s32 $0x0, s2;
	p3 =	sgt.s32 @!p2 s0, $0x0  }
0x136: {  	s7 =	smov.u32 s0;
	s5 =	smul.u32 @!p2 $0x600, s29;
	p3 =	por !p3, p2  }
0x137: {  	s2 =	sadd.s32 $0x1, s30;
	s3 =	sshrl.u32 s3, $0x2;
	s7 =	simm.s32 @p3 $0x0  }
0x138: {  	s31 =	sadd.s32 $0xF848, s3;
	s5 =	sshra.s32 @!p2 s5, $0x2;
	s7 =	smin.u32 @!p2 s7, $0x751F0  }
0x139: {  	p3 =	seq.s32 s2, $0x0;
	s10 =	sadd.s32 @!p2 $0x6488, s5;
	s15 =	sand.u32 @!p2 $0x7FFF8, s7  }
0x13a: {  	s11 =	sadd.s32 @!p2 $0x80, s7;
	s12 =	sadd.s32 @!p2 s1, s15;
	s15 =	sand.u32 @!p2 $0x7, s7  }
0x13b: {  	[tilespmem:s10], [sflag:$0x2] =	stream.linear.gather @!p2 [hbm4b:s12+s15], $0x80, $0x38;
	[tilespmem:$0x1B788] =	vst v63  }
.Ltmp13:
0x13c: {  	s3 =	simm.s32 @!p2 $0x1;
	s11 =	sand.u32 @!p2 $0xFFFF8, s11;
	(pc) =	sbr.rel @p3 .LBB2_21-.Ltmp13, $4  }
0x13d: {  	s7 =	sadd.s32 @!p2 $0x100, s7;
	s10 =	sadd.s32 @!p2 $0x6508, s5;
	s11 =	sadd.s32 @!p2 s1, s11  }
0x13e: {  	[tilespmem:s10], [sflag:$0x2] =	stream.linear.gather @!p2 [hbm4b:s11+s15], $0x80, $0x38;
	[tilespmem:$0x1B788] =	vst v63  }
0x13f: {  	s3 =	smov.u32 @p2 s29;
	s10 =	sand.u32 @!p2 $0xFFFF8, s7  }
0x140: {  	s7 =	sadd.s32 @!p2 $0x6588, s5;
	s5 =	sadd.s32 $0x1, s26;
	s10 =	sadd.s32 @!p2 s1, s10  }
.LBB2_20:
0x141: {  	s11 =	smov.u32 s3  }
0x142: {  	[tilespmem:s7], [sflag:$0x2] =	stream.linear.gather @!p2 [hbm4b:s10+s15], $0x80, $0x38;
	[tilespmem:$0x1B788] =	vst v63  }
0x143: {  	s2 =	sadd.s32 $0x1, s2;
	s7 =	smov.u32 s4  }
0x144: {  	p3 =	seq.s32 s2, $0x0;
	v1 =	vld.msk [tilespmem:s5+$0x0], $0x1;
	_ =	sdelay $0x4  }
0x145: {  	(v2sf) =	vpush v1, $0x0;
	_ =	sdelay $0xe  }
0x146: {  	s4 =	spop (v2sf)  }
0x147: {  	p2 =	seq.s32 s7, s4  }
0x148: {  	p4 =	sgt.s32 @!p2 s7, $0x0  }
0x149: {  	s10 =	smul.u32 @!p2 $0x600, s3;
	s3 =	sadd.s32 @!p2 $0x1, s3;
	p4 =	por !p4, p2  }
0x14a: {  	s3 =	smov.u32 @p2 s11;
	s7 =	simm.s32 @p4 $0x0  }
0x14b: {  	s10 =	sshra.s32 @!p2 s10, $0x2;
	s7 =	smin.u32 @!p2 s7, $0x751F0  }
0x14c: {  	s11 =	sadd.s32 @!p2 $0x6488, s10;
	s12 =	sadd.s32 @!p2 $0x6508, s10;
	s15 =	sand.u32 @!p2 $0x7FFF8, s7  }
0x14d: {  	s14 =	sadd.s32 @!p2 $0x80, s7;
	s17 =	sadd.s32 @!p2 $0x100, s7;
	s8 =	sadd.s32 @!p2 s1, s15  }
.Ltmp14:
0x14e: {  	s15 =	sand.u32 @!p2 $0x7, s7;
	s7 =	sand.u32 @!p2 $0xFFFF8, s14;
	(pc) =	sbr.rel @!p3 .LBB2_20-.Ltmp14, $4  }
0x14f: {  	[tilespmem:s11], [sflag:$0x2] =	stream.linear.gather @!p2 [hbm4b:s8+s15], $0x80, $0x38;
	[tilespmem:$0x1B788] =	vst v63  }
0x150: {  	s8 =	sadd.s32 @!p2 s1, s7;
	s11 =	sand.u32 @!p2 $0xFFFF8, s17;
	s7 =	sadd.s32 @!p2 $0x6588, s10  }
0x151: {  	[tilespmem:s12], [sflag:$0x2] =	stream.linear.gather @!p2 [hbm4b:s8+s15], $0x80, $0x38;
	[tilespmem:$0x1B788] =	vst v63  }
0x152: {  	s5 =	sadd.s32 $0x1, s5;
	s10 =	sadd.s32 @!p2 s1, s11  }
.LBB2_21:
0x153: {  	s2 =	smul.u32 $0x600, s3  }
0x154: {  	[tilespmem:s7], [sflag:$0x2] =	stream.linear.gather @!p2 [hbm4b:s10+s15], $0x80, $0x38;
	[tilespmem:$0x1B788] =	vst v63  }
.Ltmp15:
0x155: {  	s17 =	simm.s32 $0x2;
	(pc) =	sbr.rel .LBB2_22-.Ltmp15, $4  }
0x156: {  	s4 =	simm.s32 $0x0;
	s12 =	smov.u32 s9;
	s2 =	sshrl.u32 s2, $0x2  }
0x157: {  	s9 =	smov.u32 s13;
	s13 =	smov.u32 s16;
	_ =	swait.ge [sflag:s17], s2  }
0x158: {  	s10 =	simm.s32 $0x1;
	s2 =	ssub.s32 $0x0, s2;
	[sflag:s17] =	ssyncset.done $0x0  }
0x159: {  	s16 =	rddreg [dreg:$0x7];
	[sflag:s17] =	ssyncadd.s32 s2;
	s17 =	simm.s32 $0xC  }
.LBB2_23:
0x15a: {  	v1 =	vld [tilespmem:s31+$0xFFFFFF40];
	_ =	sdelay $0x4  }
0x15b: {  	[tilespmem:s2+$0x308] =	vst.add.f32.msk $0xffff, v1  }
0x15c: {  	v1 =	vld [tilespmem:s31+$0xFFFFFF50];
	_ =	sdelay $0x4  }
0x15d: {  	[tilespmem:s2+$0x318] =	vst.add.f32.msk $0xffff, v1  }
0x15e: {  	v1 =	vld [tilespmem:s31+$0xFFFFFF60];
	_ =	sdelay $0x4  }
0x15f: {  	[tilespmem:s2+$0x328] =	vst.add.f32.msk $0xffff, v1  }
0x160: {  	v1 =	vld [tilespmem:s31+$0xFFFFFF70];
	_ =	sdelay $0x4  }
0x161: {  	[tilespmem:s2+$0x338] =	vst.add.f32.msk $0xffff, v1  }
0x162: {  	v1 =	vld [tilespmem:s31+$0xFFFFFF80];
	_ =	sdelay $0x4  }
0x163: {  	[tilespmem:s2+$0x348] =	vst.add.f32.msk $0xffff, v1  }
0x164: {  	v1 =	vld [tilespmem:s31+$0xFFFFFF90];
	_ =	sdelay $0x4  }
0x165: {  	[tilespmem:s2+$0x358] =	vst.add.f32.msk $0xffff, v1  }
0x166: {  	v1 =	vld [tilespmem:s31+$0xFFFFFFA0];
	_ =	sdelay $0x4  }
0x167: {  	[tilespmem:s2+$0x368] =	vst.add.f32.msk $0xffff, v1  }
0x168: {  	v1 =	vld [tilespmem:s31+$0xFFFFFFB0];
	_ =	sdelay $0x4  }
0x169: {  	[tilespmem:s2+$0x378] =	vst.add.f32.msk $0xffff, v1  }
0x16a: {  	v1 =	vld [tilespmem:s31+$0xFFFFFFC0];
	_ =	sdelay $0x4  }
0x16b: {  	[tilespmem:s2+$0x388] =	vst.add.f32.msk $0xffff, v1  }
0x16c: {  	v1 =	vld [tilespmem:s31+$0xFFFFFFD0];
	_ =	sdelay $0x4  }
0x16d: {  	[tilespmem:s2+$0x398] =	vst.add.f32.msk $0xffff, v1  }
0x16e: {  	v1 =	vld [tilespmem:s31+$0xFFFFFFE0];
	_ =	sdelay $0x4  }
0x16f: {  	[tilespmem:s2+$0x3A8] =	vst.add.f32.msk $0xffff, v1  }
0x170: {  	v1 =	vld [tilespmem:s31+$0xFFFFFFF0];
	_ =	sdelay $0x4  }
0x171: {  	[tilespmem:s2+$0x3B8] =	vst.add.f32.msk $0xffff, v1  }
0x172: {  	v1 =	vld [tilespmem:s31+$0x0];
	_ =	sdelay $0x4  }
0x173: {  	[tilespmem:s2+$0x3C8] =	vst.add.f32.msk $0xffff, v1  }
0x174: {  	v1 =	vld [tilespmem:s31+$0x10];
	_ =	sdelay $0x4  }
0x175: {  	[tilespmem:s2+$0x3D8] =	vst.add.f32.msk $0xffff, v1  }
0x176: {  	v1 =	vld [tilespmem:s31+$0x20];
	_ =	sdelay $0x4  }
0x177: {  	[tilespmem:s2+$0x3E8] =	vst.add.f32.msk $0xffff, v1  }
0x178: {  	v1 =	vld [tilespmem:s31+$0x30];
	_ =	sdelay $0x4  }
0x179: {  	[tilespmem:s2+$0x3F8] =	vst.add.f32.msk $0xffff, v1  }
0x17a: {  	v1 =	vld [tilespmem:s31+$0x40];
	_ =	sdelay $0x4  }
0x17b: {  	[tilespmem:s2+$0x408] =	vst.add.f32.msk $0xffff, v1  }
0x17c: {  	v1 =	vld [tilespmem:s31+$0x50];
	_ =	sdelay $0x4  }
0x17d: {  	[tilespmem:s2+$0x418] =	vst.add.f32.msk $0xffff, v1  }
0x17e: {  	v1 =	vld [tilespmem:s31+$0x60];
	_ =	sdelay $0x4  }
0x17f: {  	[tilespmem:s2+$0x428] =	vst.add.f32.msk $0xffff, v1  }
0x180: {  	v1 =	vld [tilespmem:s31+$0x70];
	_ =	sdelay $0x4  }
0x181: {  	[tilespmem:s2+$0x438] =	vst.add.f32.msk $0xffff, v1  }
0x182: {  	v1 =	vld [tilespmem:s31+$0x80];
	_ =	sdelay $0x4  }
0x183: {  	[tilespmem:s2+$0x448] =	vst.add.f32.msk $0xffff, v1  }
0x184: {  	v1 =	vld [tilespmem:s31+$0x90];
	_ =	sdelay $0x4  }
0x185: {  	[tilespmem:s2+$0x458] =	vst.add.f32.msk $0xffff, v1  }
0x186: {  	v1 =	vld [tilespmem:s31+$0xA0];
	_ =	sdelay $0x4  }
0x187: {  	[tilespmem:s2+$0x468] =	vst.add.f32.msk $0xffff, v1  }
0x188: {  	v1 =	vld [tilespmem:s31+$0xB0];
	_ =	sdelay $0x4  }
0x189: {  	[tilespmem:s2+$0x478] =	vst.add.f32.msk $0xffff, v1  }
.LBB2_27:
0x18a: {  	s30 =	sadd.s32 $0x1, s30  }
0x18b: {  	p2 =	seq.s32 s30, $0x0  }
.Ltmp16:
0x18c: {  	_ = 	snop;
	(pc) =	sbr.rel @p2 .LBB2_28-.Ltmp16, $2  }
0x18d: {  	_ =	sdelay $0x2  }
0x18e: {  	s26 =	sadd.s32 $0x1, s26;
	s31 =	sadd.s32 $0x180, s31;
	s0 =	smov.u32 s5  }
.LBB2_22:
0x18f: {  	v1 =	vld.msk [tilespmem:s26+$0x0], $0x1;
	_ =	sdelay $0x4  }
0x190: {  	(v2sf) =	vpush v1, $0x0;
	_ =	sdelay $0xe  }
0x191: {  	s5 =	spop (v2sf)  }
0x192: {  	p2 =	sne.s32 s0, s5  }
.Ltmp17:
0x193: {  	_ = 	snop;
	(pc) =	sbr.rel @!p2 .LBB2_23-.Ltmp17, $3  }
0x194: {  	_ = 	snop  }
0x195: {  	s2 =	smul.u32 $0x600, s25;
	_ =	sdelay $0x1  }
0x196: {  	s2 =	sshra.s32 s2, $0x2  }
0x197: {  	p2 =	seq.s32 s0, s28  }
.Ltmp18:
0x198: {  	_ = 	snop;
	(pc) =	sbr.rel @!p2 .LBB2_25-.Ltmp18, $1  }
0x199: {  	_ =	sdelay $0x3  }
.Ltmp19:
0x19a: {  	s0 =	sadd.s32 $0x308, s2;
	(pc) =	sbr.rel .LBB2_26-.Ltmp19, $4  }
0x19b: {  	[spmem:s18] =	stream.linear.scatter [tilespmem:s0], [sflag:$0x1], $0x180, $0x38;
	[tilespmem:$0x1B788] =	vst v63  }
0x19c: {  	_ =	swait.ge [sflag:s10], $0x180  }
0x19d: {  	[sflag:s10] =	ssyncset.done $0x0  }
0x19e: {  	[sflag:s10] =	ssyncadd.s32 $0xFFFFFE80  }
.LBB2_25:
0x19f: {  	s3 =	smul.u32 $0x600, s29;
	_ =	sdelay $0x1  }
0x1a0: {  	s3 =	sshra.s32 s3, $0x2  }
0x1a1: {  	v1 =	vld [tilespmem:s3+$0x6488];
	_ =	sdelay $0x4  }
0x1a2: {  	[tilespmem:s2+$0x308] =	vst.add.f32.msk $0xffff, v1  }
0x1a3: {  	v1 =	vld [tilespmem:s3+$0x6498];
	_ =	sdelay $0x4  }
0x1a4: {  	[tilespmem:s2+$0x318] =	vst.add.f32.msk $0xffff, v1  }
0x1a5: {  	v1 =	vld [tilespmem:s3+$0x64A8];
	_ =	sdelay $0x4  }
0x1a6: {  	[tilespmem:s2+$0x328] =	vst.add.f32.msk $0xffff, v1  }
0x1a7: {  	v1 =	vld [tilespmem:s3+$0x64B8];
	_ =	sdelay $0x4  }
0x1a8: {  	[tilespmem:s2+$0x338] =	vst.add.f32.msk $0xffff, v1  }
0x1a9: {  	v1 =	vld [tilespmem:s3+$0x64C8];
	_ =	sdelay $0x4  }
0x1aa: {  	[tilespmem:s2+$0x348] =	vst.add.f32.msk $0xffff, v1  }
0x1ab: {  	v1 =	vld [tilespmem:s3+$0x64D8];
	_ =	sdelay $0x4  }
0x1ac: {  	[tilespmem:s2+$0x358] =	vst.add.f32.msk $0xffff, v1  }
0x1ad: {  	v1 =	vld [tilespmem:s3+$0x64E8];
	_ =	sdelay $0x4  }
0x1ae: {  	[tilespmem:s2+$0x368] =	vst.add.f32.msk $0xffff, v1  }
0x1af: {  	v1 =	vld [tilespmem:s3+$0x64F8];
	_ =	sdelay $0x4  }
0x1b0: {  	[tilespmem:s2+$0x378] =	vst.add.f32.msk $0xffff, v1  }
0x1b1: {  	v1 =	vld [tilespmem:s3+$0x6508];
	_ =	sdelay $0x4  }
0x1b2: {  	[tilespmem:s2+$0x388] =	vst.add.f32.msk $0xffff, v1  }
0x1b3: {  	v1 =	vld [tilespmem:s3+$0x6518];
	_ =	sdelay $0x4  }
0x1b4: {  	[tilespmem:s2+$0x398] =	vst.add.f32.msk $0xffff, v1  }
0x1b5: {  	v1 =	vld [tilespmem:s3+$0x6528];
	_ =	sdelay $0x4  }
0x1b6: {  	[tilespmem:s2+$0x3A8] =	vst.add.f32.msk $0xffff, v1  }
0x1b7: {  	v1 =	vld [tilespmem:s3+$0x6538];
	_ =	sdelay $0x4  }
0x1b8: {  	[tilespmem:s2+$0x3B8] =	vst.add.f32.msk $0xffff, v1  }
0x1b9: {  	v1 =	vld [tilespmem:s3+$0x6548];
	_ =	sdelay $0x4  }
0x1ba: {  	[tilespmem:s2+$0x3C8] =	vst.add.f32.msk $0xffff, v1  }
0x1bb: {  	v1 =	vld [tilespmem:s3+$0x6558];
	_ =	sdelay $0x4  }
0x1bc: {  	[tilespmem:s2+$0x3D8] =	vst.add.f32.msk $0xffff, v1  }
0x1bd: {  	v1 =	vld [tilespmem:s3+$0x6568];
	_ =	sdelay $0x4  }
0x1be: {  	[tilespmem:s2+$0x3E8] =	vst.add.f32.msk $0xffff, v1  }
0x1bf: {  	v1 =	vld [tilespmem:s3+$0x6578];
	_ =	sdelay $0x4  }
0x1c0: {  	[tilespmem:s2+$0x3F8] =	vst.add.f32.msk $0xffff, v1  }
0x1c1: {  	v1 =	vld [tilespmem:s3+$0x6588];
	_ =	sdelay $0x4  }
0x1c2: {  	[tilespmem:s2+$0x408] =	vst.add.f32.msk $0xffff, v1  }
0x1c3: {  	v1 =	vld [tilespmem:s3+$0x6598];
	_ =	sdelay $0x4  }
0x1c4: {  	[tilespmem:s2+$0x418] =	vst.add.f32.msk $0xffff, v1  }
0x1c5: {  	v1 =	vld [tilespmem:s3+$0x65A8];
	_ =	sdelay $0x4  }
0x1c6: {  	[tilespmem:s2+$0x428] =	vst.add.f32.msk $0xffff, v1  }
0x1c7: {  	v1 =	vld [tilespmem:s3+$0x65B8];
	_ =	sdelay $0x4  }
0x1c8: {  	[tilespmem:s2+$0x438] =	vst.add.f32.msk $0xffff, v1  }
0x1c9: {  	v1 =	vld [tilespmem:s3+$0x65C8];
	_ =	sdelay $0x4  }
0x1ca: {  	[tilespmem:s2+$0x448] =	vst.add.f32.msk $0xffff, v1  }
0x1cb: {  	v1 =	vld [tilespmem:s3+$0x65D8];
	_ =	sdelay $0x4  }
0x1cc: {  	[tilespmem:s2+$0x458] =	vst.add.f32.msk $0xffff, v1  }
0x1cd: {  	v1 =	vld [tilespmem:s3+$0x65E8];
	_ =	sdelay $0x4  }
0x1ce: {  	[tilespmem:s2+$0x468] =	vst.add.f32.msk $0xffff, v1  }
0x1cf: {  	v1 =	vld [tilespmem:s3+$0x65F8];
	_ =	sdelay $0x2  }
0x1d0: {  	p2 =	sgt.u32 s0, $0x751F0  }
0x1d1: {  	s3 =	sand.u32 @!p2 $0x7FFF8, s0  }
0x1d2: {  	s7 =	sadd.s32 $0x308, s2;
	s8 =	sand.u32 @!p2 $0x7, s0;
	s3 =	sadd.s32 @!p2 s1, s3;
	[tilespmem:s2+$0x478] =	vst.add.f32.msk $0xffff, v1  }
0x1d3: {  	[hbm4b:s3+s8] =	stream.linear.scatter @!p2 [tilespmem:s7], [sflag:$0xC], $0x80, $0x38;
	[tilespmem:$0x1B788] =	vst v63  }
0x1d4: {  	s3 =	sadd.s32 @!p2 $0x80, s0  }
0x1d5: {  	s0 =	sadd.s32 @!p2 $0x100, s0;
	s3 =	sand.u32 @!p2 $0xFFFF8, s3  }
0x1d6: {  	s7 =	sadd.s32 $0x388, s2;
	s0 =	sand.u32 @!p2 $0xFFFF8, s0;
	s3 =	sadd.s32 @!p2 s1, s3  }
0x1d7: {  	[hbm4b:s3+s8] =	stream.linear.scatter @!p2 [tilespmem:s7], [sflag:$0xC], $0x80, $0x38;
	[tilespmem:$0x1B788] =	vst v63  }
0x1d8: {  	s2 =	sadd.s32 $0x408, s2;
	s0 =	sadd.s32 @!p2 s1, s0  }
0x1d9: {  	[hbm4b:s0+s8] =	stream.linear.scatter @!p2 [tilespmem:s2], [sflag:$0xC], $0x80, $0x38;
	[tilespmem:$0x1B788] =	vst v63  }
0x1da: {  	s0 =	simm.s32 $0x0  }
0x1db: {  	s0 =	simm.s32 @!p2 $0x600  }
0x1dc: {  	s4 =	sadd.s32 s0, s4  }
.LBB2_26:
0x1dd: {  	s0 =	sadd.s32 $0x1, s25;
	v1 =	vld [tilespmem:s31+$0xFFFFFF40]  }
0x1de: {  	s25 =	sand.u32 $0x3F, s0  }
0x1df: {  	s0 =	smul.u32 $0x600, s25;
	_ =	sdelay $0x1  }
0x1e0: {  	s0 =	sshrl.u32 s0, $0x2  }
0x1e1: {  	[tilespmem:s0+$0x308] =	vst v1  }
0x1e2: {  	v1 =	vld [tilespmem:s31+$0xFFFFFF50];
	_ =	sdelay $0x4  }
0x1e3: {  	[tilespmem:s0+$0x318] =	vst v1  }
0x1e4: {  	v1 =	vld [tilespmem:s31+$0xFFFFFF60];
	_ =	sdelay $0x4  }
0x1e5: {  	[tilespmem:s0+$0x328] =	vst v1  }
0x1e6: {  	v1 =	vld [tilespmem:s31+$0xFFFFFF70];
	_ =	sdelay $0x4  }
0x1e7: {  	[tilespmem:s0+$0x338] =	vst v1  }
0x1e8: {  	v1 =	vld [tilespmem:s31+$0xFFFFFF80];
	_ =	sdelay $0x4  }
0x1e9: {  	[tilespmem:s0+$0x348] =	vst v1  }
0x1ea: {  	v1 =	vld [tilespmem:s31+$0xFFFFFF90];
	_ =	sdelay $0x4  }
0x1eb: {  	[tilespmem:s0+$0x358] =	vst v1  }
0x1ec: {  	v1 =	vld [tilespmem:s31+$0xFFFFFFA0];
	_ =	sdelay $0x4  }
0x1ed: {  	[tilespmem:s0+$0x368] =	vst v1  }
0x1ee: {  	v1 =	vld [tilespmem:s31+$0xFFFFFFB0];
	_ =	sdelay $0x4  }
0x1ef: {  	[tilespmem:s0+$0x378] =	vst v1  }
0x1f0: {  	v1 =	vld [tilespmem:s31+$0xFFFFFFC0];
	_ =	sdelay $0x4  }
0x1f1: {  	[tilespmem:s0+$0x388] =	vst v1  }
0x1f2: {  	v1 =	vld [tilespmem:s31+$0xFFFFFFD0];
	_ =	sdelay $0x4  }
0x1f3: {  	[tilespmem:s0+$0x398] =	vst v1  }
0x1f4: {  	v1 =	vld [tilespmem:s31+$0xFFFFFFE0];
	_ =	sdelay $0x4  }
0x1f5: {  	[tilespmem:s0+$0x3A8] =	vst v1  }
0x1f6: {  	v1 =	vld [tilespmem:s31+$0xFFFFFFF0];
	_ =	sdelay $0x4  }
0x1f7: {  	[tilespmem:s0+$0x3B8] =	vst v1  }
0x1f8: {  	v1 =	vld [tilespmem:s31+$0x0];
	_ =	sdelay $0x4  }
0x1f9: {  	[tilespmem:s0+$0x3C8] =	vst v1  }
0x1fa: {  	v1 =	vld [tilespmem:s31+$0x10];
	_ =	sdelay $0x4  }
0x1fb: {  	[tilespmem:s0+$0x3D8] =	vst v1  }
0x1fc: {  	v1 =	vld [tilespmem:s31+$0x20];
	_ =	sdelay $0x4  }
0x1fd: {  	[tilespmem:s0+$0x3E8] =	vst v1  }
0x1fe: {  	v1 =	vld [tilespmem:s31+$0x30];
	_ =	sdelay $0x4  }
0x1ff: {  	[tilespmem:s0+$0x3F8] =	vst v1  }
0x200: {  	v1 =	vld [tilespmem:s31+$0x40];
	_ =	sdelay $0x4  }
0x201: {  	[tilespmem:s0+$0x408] =	vst v1  }
0x202: {  	v1 =	vld [tilespmem:s31+$0x50];
	_ =	sdelay $0x4  }
0x203: {  	[tilespmem:s0+$0x418] =	vst v1  }
0x204: {  	v1 =	vld [tilespmem:s31+$0x60];
	_ =	sdelay $0x4  }
0x205: {  	[tilespmem:s0+$0x428] =	vst v1  }
0x206: {  	v1 =	vld [tilespmem:s31+$0x70];
	_ =	sdelay $0x4  }
0x207: {  	[tilespmem:s0+$0x438] =	vst v1  }
0x208: {  	v1 =	vld [tilespmem:s31+$0x80];
	_ =	sdelay $0x4  }
0x209: {  	[tilespmem:s0+$0x448] =	vst v1  }
0x20a: {  	v1 =	vld [tilespmem:s31+$0x90];
	_ =	sdelay $0x4  }
0x20b: {  	[tilespmem:s0+$0x458] =	vst v1  }
0x20c: {  	v1 =	vld [tilespmem:s31+$0xA0];
	_ =	sdelay $0x4  }
0x20d: {  	[tilespmem:s0+$0x468] =	vst v1  }
0x20e: {  	v1 =	vld [tilespmem:s31+$0xB0]  }
.Ltmp20:
0x20f: {  	_ = 	snop;
	(pc) =	sbr.rel .LBB2_27-.Ltmp20, $2  }
0x210: {  	_ =	sdelay $0x2  }
0x211: {  	s29 =	sadd.s32 $0x1, s29;
	[tilespmem:s0+$0x478] =	vst v1  }
.LBB2_29:
.Ltmp21:
0x212: {  	(pc) =	sbr.rel .LBB2_30-.Ltmp21, $4  }
0x213: {  	_ = 	snop  }
0x214: {  	s2 =	simm.s32 $0x2  }
0x215: {  	_ =	swait.ge [sflag:s2], $0x0  }
0x216: {  	s5 =	smov.u32 s0;
	[sflag:s2] =	ssyncset.done $0x0;
	s2 =	simm.s32 $0x0  }
.LBB2_32:
0x217: {  	_ =	sfence.sel $0x180000  }
0x218: {  	s0 =	simm.s32 $0x9;
	[bflag:$0x0] =	sbarrier.arrive $0xFFFF  }
0x219: {  	s24 =	simm.s32 $0xA;
	[sflag:s0] =	ssyncpa.u1 $0x1  }
0x21a: {  	s25 =	simm.s32 $0xB;
	[sflag:s24] =	ssyncpa.u1 $0x1  }
0x21b: {  	s26 =	simm.s32 $0x2;
	[sflag:s25] =	ssyncpa.u1 $0x1  }
0x21c: {  	[sflag:s26] =	ssyncpa.u1 $0x1  }
0x21d: {  	v0 =	vld [tilespmem:$0xC608];
	_ =	sdelay $0x4  }
0x21e: {  	(v2sf) =	vpush v0, $0x0  }
0x21f: {  	(v2sf) =	vpush v0, $0x1  }
0x220: {  	(v2sf) =	vpush v0, $0x2;
	_ =	sdelay $0xc  }
0x221: {  	s0 =	spop (v2sf)  }
0x222: {  	s2 =	spop (v2sf)  }
0x223: {  	s3 =	smov.u32 s0;
	p0 =	sne.s32 s0, s2;
	s4 =	spop (v2sf)  }
0x224: {  	s3 =	simm.s32 @!p0 $0xFFFFFFFF;
	p0 =	seq.s32 s4, $0xFFFFFFFF  }
0x225: {  	v2 =	vimm.s32 $0x1;
	v3 =	vlaneseq.u32;
	v1 =	vmov s3;
	p1 =	sne.s32 @!p0 s0, s2  }
0x226: {  	s16 =	stileid.u32;
	v0 =	vperm.xlane v0, v2;
	s0 =	simm.s32 @!p0 $0x1;
	v1 =	vperm.xlane v1, v3;
	p1 =	por !p1, p0  }
0x227: {  	vm0 =	vcmask $0x3F04;
	s3 =	sshll.u32 s16, $0x1;
	s2 =	smul.u32 @!p0 $0x600, s4;
	s0 =	simm.s32 @p1 $0x0  }
0x228: {  	s6 =	simm.s32 $0xC608;
	v0 =	vsel vm0, v1, v0;
	s0 =	sor.u32 @!p0 s0, s3  }
0x229: {  	s5 =	sor.u32 $0x3000, s3;
	s2 =	sshra.s32 @!p0 s2, $0x2;
	[tilespmem:$0xC608] =	vst v0;
	s0 =	smul.u32 @!p0 $0x600, s0  }
0x22a: {  	[spmem:s5] =	stream.linear.scatter [tilespmem:s6], [sflag:$0x1], $0x2, $0x38;
	[tilespmem:$0x1B788] =	vst v63  }
0x22b: {  	s2 =	sadd.s32 @!p0 $0x308, s2;
	s0 =	sshrl.u32 @!p0 s0, $0x2  }
0x22c: {  	[spmem:s0] =	stream.linear.scatter @!p0 [tilespmem:s2], [sflag:$0x1], $0x180, $0x38;
	[tilespmem:$0x1B788] =	vst v63  }
0x22d: {  	s0 =	simm.s32 @!p0 $0x182  }
0x22e: {  	s28 =	simm.s32 $0x1;
	s0 =	simm.s32 @p0 $0x2  }
0x22f: {  	_ =	swait.ge [sflag:s28], s0  }
0x230: {  	s0 =	ssub.s32 $0x0, s0;
	[sflag:s28] =	ssyncset.done $0x0  }
0x231: {  	p0 =	sne.s32 s16, $0x0;
	[sflag:s28] =	ssyncadd.s32 s0  }
.Ltmp22:
0x232: {  	_ =	sfence.stream.spmem;
	(pc) =	sbr.rel @p0 .LBB2_52-.Ltmp22, $4  }
0x233: {  	s29 =	simm.s32 $0x3;
	[bflag:$0x0] =	sbarrier.arrive $0xFFFF  }
0x234: {  	s30 =	simm.s32 $0x4;
	[sflag:s29] =	ssyncpa.u1 $0x1  }
0x235: {  	s31 =	simm.s32 $0x3C;
	[sflag:s30] =	ssyncpa.u1 $0x1  }
0x236: {  	s15 =	rddreg [dreg:$0x5];
	[sflag:s31] =	ssyncpa.u1 $0x1  }
0x237: {  	_ =	sfence.stream.spmem;
	s0 =	simm.s32 $0x5  }
0x238: {  	s2 =	simm.s32 $0x3000;
	s3 =	simm.s32 $0xC618;
	[sflag:s0] =	ssyncpa.u1 $0x0  }
0x239: {  	[tilespmem:s3], [sflag:$0x5] =	stream.linear.gather [spmem:s2], $0x20, $0x38;
	[tilespmem:$0x1B788] =	vst v63  }
0x23a: {  	s26 =	simm.s32 $0x0;
	s28 =	simm.s32 $0xC638  }
0x23b: {  	[tilespmem:s28], [sflag:$0x5] =	stream.linear.gather [spmem:s26], $0x3000, $0x38;
	[tilespmem:$0x1B788] =	vst v63  }
0x23c: {  	_ =	swait.ge [sflag:s0], $0x3020  }
0x23d: {  	[sflag:s0] =	ssyncset.done $0x0  }
0x23e: {  	s29 =	simm.s32 $0x0;
	[sflag:s0] =	ssyncadd.s32 $0xFFFFCFE0  }
0x23f: {  	v0 =	vld.msk [tilespmem:s29+$0xC618], $0x1;
	_ =	sdelay $0x1  }
0x240: {  	s30 =	simm.s32 $0x1  }
0x241: {  	v1 =	vld.msk [tilespmem:s30+$0xC618], $0x1;
	_ =	sdelay $0x1  }
0x242: {  	(v2sf) =	vpush v0, $0x0;
	_ =	sdelay $0x2  }
0x243: {  	(v2sf) =	vpush v1, $0x0;
	_ =	sdelay $0x2  }
0x244: {  	s31 =	simm.s32 $0x2  }
0x245: {  	v0 =	vld.msk [tilespmem:s31+$0xC618], $0x1;
	_ =	sdelay $0x2  }
0x246: {  	s3 =	simm.s32 $0xFFFFFFFF;
	s2 =	simm.s32 $0xFFFFFFFF;
	s0 =	simm.s32 $0xC  }
.LBB2_34:
0x247: {  	s4 =	smov.u32 s2;
	s5 =	smov.u32 s3  }
0x248: {  	s2 =	sshra.s32 s0, $0x2;
	p1 =	sne.s32 s0, $0x7C;
	s0 =	sadd.s32 $0x4, s0;
	(v2sf) =	vpush v0, $0x0  }
0x249: {  	v0 =	vld.msk [tilespmem:s2+$0xC618], $0x1  }
.Ltmp23:
0x24a: {  	(pc) =	sbr.rel @p1 .LBB2_34-.Ltmp23, $4  }
0x24b: {  	s2 =	spop (v2sf)  }
0x24c: {  	p2 =	sne.s32 s3, $0xFFFFFFFF;
	s3 =	smov.u32 s2  }
0x24d: {  	p3 =	seq.s32 s2, $0xFFFFFFFF;
	s3 =	smov.u32 @p2 s5  }
0x24e: {  	s2 =	smov.u32 @p3 s4;
	s3 =	smov.u32 @p3 s5  }
0x24f: {  	(v2sf) =	vpush v0, $0x0;
	_ =	sdelay $0x8  }
0x250: {  	s0 =	spop (v2sf);
	p1 =	sne.s32 s3, $0xFFFFFFFF  }
0x251: {  	s9 =	simm.s32 $0x6;
	s6 =	simm.s32 $0x0;
	s4 =	smov.u32 s0  }
0x252: {  	s10 =	simm.s32 $0xC488;
	p2 =	seq.s32 s0, $0xFFFFFFFF;
	s4 =	smov.u32 @p1 s3  }
0x253: {  	s11 =	simm.s32 $0xC508;
	s4 =	smov.u32 @p2 s3;
	s3 =	spop (v2sf)  }
0x254: {  	s12 =	simm.s32 $0xC588;
	p1 =	sne.s32 s4, $0xFFFFFFFF;
	s5 =	smov.u32 s3  }
.Ltmp24:
0x255: {  	s5 =	smov.u32 @p1 s4;
	p1 =	seq.s32 s3, $0xFFFFFFFF;
	(pc) =	sbr.rel .LBB2_36-.Ltmp24, $4  }
0x256: {  	s13 =	simm.s32 $0x0;
	s5 =	smov.u32 @p1 s4;
	s7 =	spop (v2sf)  }
0x257: {  	s0 =	smov.u32 @p2 s2;
	p2 =	sne.s32 s5, $0xFFFFFFFF;
	s8 =	smov.u32 s7  }
0x258: {  	s3 =	smov.u32 @p1 s0;
	p1 =	seq.s32 s7, $0xFFFFFFFF;
	s8 =	smov.u32 @p2 s5  }
0x259: {  	[sflag:s9] =	ssyncpa.u1 $0x0;
	s7 =	smov.u32 @p1 s3;
	s8 =	smov.u32 @p1 s5  }
.LBB2_41:
0x25a: {  	s0 =	smul.u32 $0x600, s13;
	_ =	sdelay $0x1  }
0x25b: {  	s0 =	sshra.s32 s0, $0x2  }
0x25c: {  	v0 =	vld [tilespmem:s0+$0xC638];
	_ =	sdelay $0x1  }
0x25d: {  	s2 =	smul.u32 $0x600, s3;
	_ =	sdelay $0x1  }
0x25e: {  	s2 =	sshra.s32 s2, $0x2  }
0x25f: {  	[tilespmem:s2+$0xC638] =	vst.add.f32.msk $0xffff, v0  }
0x260: {  	v0 =	vld [tilespmem:s0+$0xC648];
	_ =	sdelay $0x4  }
0x261: {  	[tilespmem:s2+$0xC648] =	vst.add.f32.msk $0xffff, v0  }
0x262: {  	v0 =	vld [tilespmem:s0+$0xC658];
	_ =	sdelay $0x4  }
0x263: {  	[tilespmem:s2+$0xC658] =	vst.add.f32.msk $0xffff, v0  }
0x264: {  	v0 =	vld [tilespmem:s0+$0xC668];
	_ =	sdelay $0x4  }
0x265: {  	[tilespmem:s2+$0xC668] =	vst.add.f32.msk $0xffff, v0  }
0x266: {  	v0 =	vld [tilespmem:s0+$0xC678];
	_ =	sdelay $0x4  }
0x267: {  	[tilespmem:s2+$0xC678] =	vst.add.f32.msk $0xffff, v0  }
0x268: {  	v0 =	vld [tilespmem:s0+$0xC688];
	_ =	sdelay $0x4  }
0x269: {  	[tilespmem:s2+$0xC688] =	vst.add.f32.msk $0xffff, v0  }
0x26a: {  	v0 =	vld [tilespmem:s0+$0xC698];
	_ =	sdelay $0x4  }
0x26b: {  	[tilespmem:s2+$0xC698] =	vst.add.f32.msk $0xffff, v0  }
0x26c: {  	v0 =	vld [tilespmem:s0+$0xC6A8];
	_ =	sdelay $0x4  }
0x26d: {  	[tilespmem:s2+$0xC6A8] =	vst.add.f32.msk $0xffff, v0  }
0x26e: {  	v0 =	vld [tilespmem:s0+$0xC6B8];
	_ =	sdelay $0x4  }
0x26f: {  	[tilespmem:s2+$0xC6B8] =	vst.add.f32.msk $0xffff, v0  }
0x270: {  	v0 =	vld [tilespmem:s0+$0xC6C8];
	_ =	sdelay $0x4  }
0x271: {  	[tilespmem:s2+$0xC6C8] =	vst.add.f32.msk $0xffff, v0  }
0x272: {  	v0 =	vld [tilespmem:s0+$0xC6D8];
	_ =	sdelay $0x4  }
0x273: {  	[tilespmem:s2+$0xC6D8] =	vst.add.f32.msk $0xffff, v0  }
0x274: {  	v0 =	vld [tilespmem:s0+$0xC6E8];
	_ =	sdelay $0x4  }
0x275: {  	[tilespmem:s2+$0xC6E8] =	vst.add.f32.msk $0xffff, v0  }
0x276: {  	v0 =	vld [tilespmem:s0+$0xC6F8];
	_ =	sdelay $0x4  }
0x277: {  	[tilespmem:s2+$0xC6F8] =	vst.add.f32.msk $0xffff, v0  }
0x278: {  	v0 =	vld [tilespmem:s0+$0xC708];
	_ =	sdelay $0x4  }
0x279: {  	[tilespmem:s2+$0xC708] =	vst.add.f32.msk $0xffff, v0  }
0x27a: {  	v0 =	vld [tilespmem:s0+$0xC718];
	_ =	sdelay $0x4  }
0x27b: {  	[tilespmem:s2+$0xC718] =	vst.add.f32.msk $0xffff, v0  }
0x27c: {  	v0 =	vld [tilespmem:s0+$0xC728];
	_ =	sdelay $0x4  }
0x27d: {  	[tilespmem:s2+$0xC728] =	vst.add.f32.msk $0xffff, v0  }
0x27e: {  	v0 =	vld [tilespmem:s0+$0xC738];
	_ =	sdelay $0x4  }
0x27f: {  	[tilespmem:s2+$0xC738] =	vst.add.f32.msk $0xffff, v0  }
0x280: {  	v0 =	vld [tilespmem:s0+$0xC748];
	_ =	sdelay $0x4  }
0x281: {  	[tilespmem:s2+$0xC748] =	vst.add.f32.msk $0xffff, v0  }
0x282: {  	v0 =	vld [tilespmem:s0+$0xC758];
	_ =	sdelay $0x4  }
0x283: {  	[tilespmem:s2+$0xC758] =	vst.add.f32.msk $0xffff, v0  }
0x284: {  	v0 =	vld [tilespmem:s0+$0xC768];
	_ =	sdelay $0x4  }
0x285: {  	[tilespmem:s2+$0xC768] =	vst.add.f32.msk $0xffff, v0  }
0x286: {  	v0 =	vld [tilespmem:s0+$0xC778];
	_ =	sdelay $0x4  }
0x287: {  	[tilespmem:s2+$0xC778] =	vst.add.f32.msk $0xffff, v0  }
0x288: {  	v0 =	vld [tilespmem:s0+$0xC788];
	_ =	sdelay $0x4  }
0x289: {  	[tilespmem:s2+$0xC788] =	vst.add.f32.msk $0xffff, v0  }
0x28a: {  	v0 =	vld [tilespmem:s0+$0xC798];
	_ =	sdelay $0x4  }
0x28b: {  	[tilespmem:s2+$0xC798] =	vst.add.f32.msk $0xffff, v0  }
0x28c: {  	v0 =	vld [tilespmem:s0+$0xC7A8];
	_ =	sdelay $0x4  }
0x28d: {  	[tilespmem:s2+$0xC7A8] =	vst.add.f32.msk $0xffff, v0  }
.LBB2_46:
0x28e: {  	s13 =	sadd.s32 $0x1, s13  }
0x28f: {  	p1 =	sne.s32 s13, $0x20  }
.Ltmp25:
0x290: {  	_ = 	snop;
	(pc) =	sbr.rel @!p1 .LBB2_47-.Ltmp25, $1  }
0x291: {  	_ =	sdelay $0x3  }
.LBB2_36:
0x292: {  	v0 =	vld.msk [tilespmem:s13+$0xC618], $0x1;
	_ =	sdelay $0x4  }
0x293: {  	(v2sf) =	vpush v0, $0x0;
	_ =	sdelay $0xe  }
0x294: {  	s0 =	spop (v2sf)  }
0x295: {  	p1 =	seq.s32 s0, $0xFFFFFFFF  }
.Ltmp26:
0x296: {  	_ = 	snop;
	(pc) =	sbr.rel @p1 .LBB2_46-.Ltmp26, $1  }
0x297: {  	_ =	sdelay $0x3  }
0x298: {  	p1 =	slt.s32 s6, $0x1  }
.Ltmp27:
0x299: {  	_ = 	snop;
	(pc) =	sbr.rel @p1 .LBB2_42-.Ltmp27, $1  }
0x29a: {  	_ =	sdelay $0x3  }
0x29b: {  	s2 =	simm.s32 $0xC618;
	p1 =	por $0x0, $0x0  }
0x29c: {  	v1 =	vld.msk @!p1 [tilespmem:s2+$0x0], $0x1;
	_ =	sdelay $0x4  }
0x29d: {  	(v2sf) =	vpush @!p1 v1, $0x0;
	_ =	sdelay $0xd  }
0x29e: {  	p3 =	sne.s32 s6, $0x1  }
.Ltmp28:
0x29f: {  	s3 =	spop @!p1 (v2sf);
	(pc) =	sbr.rel @!p3 .LBB2_40-.Ltmp28, $4  }
0x2a0: {  	p2 =	seq.s32 @!p1 s0, s3  }
0x2a1: {  	s3 =	simm.s32 $0x0;
	p2 =	por !p2, p1  }
0x2a2: {  	s5 =	simm.s32 $0xFFFFFFFF;
	s3 =	simm.s32 @p2 $0xFFFFFFFF  }
0x2a3: {  	s4 =	simm.s32 $0x1;
	s3 =	smov.u32 @p1 s5  }
.LBB2_39:
0x2a4: {  	s5 =	smov.u32 s3;
	p1 =	sne.s32 s3, $0xFFFFFFFF  }
0x2a5: {  	s2 =	sadd.s32 $0x1, s2;
	s3 =	smov.u32 s4;
	s4 =	sadd.s32 $0x1, s4  }
0x2a6: {  	p2 =	sne.s32 s6, s4;
	v1 =	vld.msk @!p1 [tilespmem:s2+$0x0], $0x1;
	_ =	sdelay $0x4  }
0x2a7: {  	(v2sf) =	vpush @!p1 v1, $0x0;
	_ =	sdelay $0xe  }
.Ltmp29:
0x2a8: {  	s14 =	spop @!p1 (v2sf);
	(pc) =	sbr.rel @p2 .LBB2_39-.Ltmp29, $4  }
0x2a9: {  	p3 =	seq.s32 @!p1 s0, s14  }
0x2aa: {  	p3 =	por !p3, p1  }
0x2ab: {  	s3 =	simm.s32 @p3 $0xFFFFFFFF  }
0x2ac: {  	s3 =	smov.u32 @p1 s5  }
.LBB2_40:
0x2ad: {  	p1 =	seq.s32 s3, $0xFFFFFFFF  }
.Ltmp30:
0x2ae: {  	_ = 	snop;
	(pc) =	sbr.rel @!p1 .LBB2_41-.Ltmp30, $1  }
0x2af: {  	_ =	sdelay $0x3  }
.LBB2_42:
0x2b0: {  	p1 =	sgt.u32 s0, $0x751F0  }
0x2b1: {  	p2 =	seq.s32 @!p1 s0, s8  }
0x2b2: {  	p1 =	por p1, p2  }
0x2b3: {  	p2 =	sne.s32 @!p1 s0, s7  }
0x2b4: {  	p1 =	por p1, !p2  }
.Ltmp31:
0x2b5: {  	_ = 	snop;
	(pc) =	sbr.rel @p1 .LBB2_43-.Ltmp31, $1  }
0x2b6: {  	_ =	sdelay $0x3  }
0x2b7: {  	s2 =	sand.u32 $0x7FFF8, s0  }
0x2b8: {  	s3 =	sand.u32 $0x7, s0;
	s29 =	sadd.s32 $0x80, s0;
	s2 =	sadd.s32 s1, s2  }
0x2b9: {  	[tilespmem:s10], [sflag:$0x6] =	stream.linear.gather [hbm4b:s2+s3], $0x80, $0x38;
	[tilespmem:$0x1B788] =	vst v63  }
0x2ba: {  	s30 =	sadd.s32 $0x100, s0;
	s2 =	sand.u32 $0xFFFF8, s29  }
0x2bb: {  	s0 =	sand.u32 $0xFFFF8, s30;
	s2 =	sadd.s32 s1, s2  }
0x2bc: {  	[tilespmem:s11], [sflag:$0x6] =	stream.linear.gather [hbm4b:s2+s3], $0x80, $0x38;
	[tilespmem:$0x1B788] =	vst v63  }
0x2bd: {  	s0 =	sadd.s32 s1, s0  }
0x2be: {  	[tilespmem:s12], [sflag:$0x6] =	stream.linear.gather [hbm4b:s0+s3], $0x80, $0x38;
	[tilespmem:$0x1B788] =	vst v63  }
0x2bf: {  	_ =	swait.ge [sflag:s9], $0x180  }
0x2c0: {  	[sflag:s9] =	ssyncset.done $0x0  }
0x2c1: {  	[sflag:s9] =	ssyncadd.s32 $0xFFFFFE80  }
0x2c2: {  	v1 =	vld [tilespmem:$0xC488];
	_ =	sdelay $0x1  }
0x2c3: {  	s0 =	smul.u32 $0x600, s13;
	_ =	sdelay $0x1  }
0x2c4: {  	s31 =	sshra.s32 s0, $0x2  }
0x2c5: {  	[tilespmem:s31+$0xC638] =	vst.add.f32.msk $0xffff, v1  }
0x2c6: {  	v1 =	vld [tilespmem:$0xC498];
	_ =	sdelay $0x4  }
0x2c7: {  	[tilespmem:s31+$0xC648] =	vst.add.f32.msk $0xffff, v1  }
0x2c8: {  	v1 =	vld [tilespmem:$0xC4A8];
	_ =	sdelay $0x4  }
0x2c9: {  	[tilespmem:s31+$0xC658] =	vst.add.f32.msk $0xffff, v1  }
0x2ca: {  	v1 =	vld [tilespmem:$0xC4B8];
	_ =	sdelay $0x4  }
0x2cb: {  	[tilespmem:s31+$0xC668] =	vst.add.f32.msk $0xffff, v1  }
0x2cc: {  	v1 =	vld [tilespmem:$0xC4C8];
	_ =	sdelay $0x4  }
0x2cd: {  	[tilespmem:s31+$0xC678] =	vst.add.f32.msk $0xffff, v1  }
0x2ce: {  	v1 =	vld [tilespmem:$0xC4D8];
	_ =	sdelay $0x4  }
0x2cf: {  	[tilespmem:s31+$0xC688] =	vst.add.f32.msk $0xffff, v1  }
0x2d0: {  	v1 =	vld [tilespmem:$0xC4E8];
	_ =	sdelay $0x4  }
0x2d1: {  	[tilespmem:s31+$0xC698] =	vst.add.f32.msk $0xffff, v1  }
0x2d2: {  	v1 =	vld [tilespmem:$0xC4F8];
	_ =	sdelay $0x4  }
0x2d3: {  	[tilespmem:s31+$0xC6A8] =	vst.add.f32.msk $0xffff, v1  }
0x2d4: {  	v1 =	vld [tilespmem:$0xC508];
	_ =	sdelay $0x4  }
0x2d5: {  	[tilespmem:s31+$0xC6B8] =	vst.add.f32.msk $0xffff, v1  }
0x2d6: {  	v1 =	vld [tilespmem:$0xC518];
	_ =	sdelay $0x4  }
0x2d7: {  	[tilespmem:s31+$0xC6C8] =	vst.add.f32.msk $0xffff, v1  }
0x2d8: {  	v1 =	vld [tilespmem:$0xC528];
	_ =	sdelay $0x4  }
0x2d9: {  	[tilespmem:s31+$0xC6D8] =	vst.add.f32.msk $0xffff, v1  }
0x2da: {  	v1 =	vld [tilespmem:$0xC538];
	_ =	sdelay $0x4  }
0x2db: {  	[tilespmem:s31+$0xC6E8] =	vst.add.f32.msk $0xffff, v1  }
0x2dc: {  	v1 =	vld [tilespmem:$0xC548];
	_ =	sdelay $0x4  }
0x2dd: {  	[tilespmem:s31+$0xC6F8] =	vst.add.f32.msk $0xffff, v1  }
0x2de: {  	v1 =	vld [tilespmem:$0xC558];
	_ =	sdelay $0x4  }
0x2df: {  	[tilespmem:s31+$0xC708] =	vst.add.f32.msk $0xffff, v1  }
0x2e0: {  	v1 =	vld [tilespmem:$0xC568];
	_ =	sdelay $0x4  }
0x2e1: {  	[tilespmem:s31+$0xC718] =	vst.add.f32.msk $0xffff, v1  }
0x2e2: {  	v1 =	vld [tilespmem:$0xC578];
	_ =	sdelay $0x4  }
0x2e3: {  	[tilespmem:s31+$0xC728] =	vst.add.f32.msk $0xffff, v1  }
0x2e4: {  	v1 =	vld [tilespmem:$0xC588];
	_ =	sdelay $0x4  }
0x2e5: {  	[tilespmem:s31+$0xC738] =	vst.add.f32.msk $0xffff, v1  }
0x2e6: {  	v1 =	vld [tilespmem:$0xC598];
	_ =	sdelay $0x4  }
0x2e7: {  	[tilespmem:s31+$0xC748] =	vst.add.f32.msk $0xffff, v1  }
0x2e8: {  	v1 =	vld [tilespmem:$0xC5A8];
	_ =	sdelay $0x4  }
0x2e9: {  	[tilespmem:s31+$0xC758] =	vst.add.f32.msk $0xffff, v1  }
0x2ea: {  	v1 =	vld [tilespmem:$0xC5B8];
	_ =	sdelay $0x4  }
0x2eb: {  	[tilespmem:s31+$0xC768] =	vst.add.f32.msk $0xffff, v1  }
0x2ec: {  	v1 =	vld [tilespmem:$0xC5C8];
	_ =	sdelay $0x4  }
0x2ed: {  	[tilespmem:s31+$0xC778] =	vst.add.f32.msk $0xffff, v1  }
0x2ee: {  	v1 =	vld [tilespmem:$0xC5D8];
	_ =	sdelay $0x4  }
0x2ef: {  	[tilespmem:s31+$0xC788] =	vst.add.f32.msk $0xffff, v1  }
0x2f0: {  	v1 =	vld [tilespmem:$0xC5E8];
	_ =	sdelay $0x4  }
0x2f1: {  	[tilespmem:s31+$0xC798] =	vst.add.f32.msk $0xffff, v1  }
0x2f2: {  	v1 =	vld [tilespmem:$0xC5F8];
	_ =	sdelay $0x4  }
0x2f3: {  	[tilespmem:s31+$0xC7A8] =	vst.add.f32.msk $0xffff, v1  }
.LBB2_45:
0x2f4: {  	[tilespmem:s6+$0xC618] =	vst.msk $0x1, v0;
	s0 =	sshra.s32 s0, $0x2  }
0x2f5: {  	v0 =	vld [tilespmem:s0+$0xC638];
	_ =	sdelay $0x1  }
0x2f6: {  	s2 =	smul.u32 $0x600, s6;
	_ =	sdelay $0x1  }
0x2f7: {  	s2 =	sshra.s32 s2, $0x2  }
0x2f8: {  	[tilespmem:s2+$0xC638] =	vst v0  }
0x2f9: {  	v0 =	vld [tilespmem:s0+$0xC648];
	_ =	sdelay $0x4  }
0x2fa: {  	[tilespmem:s2+$0xC648] =	vst v0  }
0x2fb: {  	v0 =	vld [tilespmem:s0+$0xC658];
	_ =	sdelay $0x4  }
0x2fc: {  	[tilespmem:s2+$0xC658] =	vst v0  }
0x2fd: {  	v0 =	vld [tilespmem:s0+$0xC668];
	_ =	sdelay $0x4  }
0x2fe: {  	[tilespmem:s2+$0xC668] =	vst v0  }
0x2ff: {  	v0 =	vld [tilespmem:s0+$0xC678];
	_ =	sdelay $0x4  }
0x300: {  	[tilespmem:s2+$0xC678] =	vst v0  }
0x301: {  	v0 =	vld [tilespmem:s0+$0xC688];
	_ =	sdelay $0x4  }
0x302: {  	[tilespmem:s2+$0xC688] =	vst v0  }
0x303: {  	v0 =	vld [tilespmem:s0+$0xC698];
	_ =	sdelay $0x4  }
0x304: {  	[tilespmem:s2+$0xC698] =	vst v0  }
0x305: {  	v0 =	vld [tilespmem:s0+$0xC6A8];
	_ =	sdelay $0x4  }
0x306: {  	[tilespmem:s2+$0xC6A8] =	vst v0  }
0x307: {  	v0 =	vld [tilespmem:s0+$0xC6B8];
	_ =	sdelay $0x4  }
0x308: {  	[tilespmem:s2+$0xC6B8] =	vst v0  }
0x309: {  	v0 =	vld [tilespmem:s0+$0xC6C8];
	_ =	sdelay $0x4  }
0x30a: {  	[tilespmem:s2+$0xC6C8] =	vst v0  }
0x30b: {  	v0 =	vld [tilespmem:s0+$0xC6D8];
	_ =	sdelay $0x4  }
0x30c: {  	[tilespmem:s2+$0xC6D8] =	vst v0  }
0x30d: {  	v0 =	vld [tilespmem:s0+$0xC6E8];
	_ =	sdelay $0x4  }
0x30e: {  	[tilespmem:s2+$0xC6E8] =	vst v0  }
0x30f: {  	v0 =	vld [tilespmem:s0+$0xC6F8];
	_ =	sdelay $0x4  }
0x310: {  	[tilespmem:s2+$0xC6F8] =	vst v0  }
0x311: {  	v0 =	vld [tilespmem:s0+$0xC708];
	_ =	sdelay $0x4  }
0x312: {  	[tilespmem:s2+$0xC708] =	vst v0  }
0x313: {  	v0 =	vld [tilespmem:s0+$0xC718];
	_ =	sdelay $0x4  }
0x314: {  	[tilespmem:s2+$0xC718] =	vst v0  }
0x315: {  	v0 =	vld [tilespmem:s0+$0xC728];
	_ =	sdelay $0x4  }
0x316: {  	[tilespmem:s2+$0xC728] =	vst v0  }
0x317: {  	v0 =	vld [tilespmem:s0+$0xC738];
	_ =	sdelay $0x4  }
0x318: {  	[tilespmem:s2+$0xC738] =	vst v0  }
0x319: {  	v0 =	vld [tilespmem:s0+$0xC748];
	_ =	sdelay $0x4  }
0x31a: {  	[tilespmem:s2+$0xC748] =	vst v0  }
0x31b: {  	v0 =	vld [tilespmem:s0+$0xC758];
	_ =	sdelay $0x4  }
0x31c: {  	[tilespmem:s2+$0xC758] =	vst v0  }
0x31d: {  	v0 =	vld [tilespmem:s0+$0xC768];
	_ =	sdelay $0x4  }
0x31e: {  	[tilespmem:s2+$0xC768] =	vst v0  }
0x31f: {  	v0 =	vld [tilespmem:s0+$0xC778];
	_ =	sdelay $0x4  }
0x320: {  	[tilespmem:s2+$0xC778] =	vst v0  }
0x321: {  	v0 =	vld [tilespmem:s0+$0xC788];
	_ =	sdelay $0x4  }
0x322: {  	[tilespmem:s2+$0xC788] =	vst v0  }
0x323: {  	v0 =	vld [tilespmem:s0+$0xC798];
	_ =	sdelay $0x4  }
0x324: {  	[tilespmem:s2+$0xC798] =	vst v0  }
0x325: {  	v0 =	vld [tilespmem:s0+$0xC7A8]  }
.Ltmp32:
0x326: {  	_ = 	snop;
	(pc) =	sbr.rel .LBB2_46-.Ltmp32, $2  }
0x327: {  	_ =	sdelay $0x2  }
0x328: {  	s6 =	sadd.s32 $0x1, s6;
	[tilespmem:s2+$0xC7A8] =	vst v0  }
.LBB2_43:
.Ltmp33:
0x329: {  	(pc) =	sbr.rel .LBB2_45-.Ltmp33, $2  }
0x32a: {  	_ =	sdelay $0x1  }
0x32b: {  	s0 =	smul.u32 $0x600, s13;
	_ =	sdelay $0x1  }
.LBB2_47:
0x32c: {  	s0 =	simm.s32 $0x6;
	p1 =	seq.s32 s6, $0x0  }
0x32d: {  	[sflag:s0] =	ssyncpa.u1 $0x1;
	v0 =	vimm.s32 @p1 $0xFFFFFFFF  }
0x32e: {  	s0 =	sadd.s32 $0xFFFFFFFF, s6;
	[tilespmem:$0xF638] =	vst @p1 v0  }
0x32f: {  	v0 =	vld.msk @!p1 [tilespmem:s0+$0xC618], $0x1;
	_ =	sdelay $0x1  }
0x330: {  	v1 =	vld.msk @!p1 [tilespmem:$0xC618], $0x1;
	_ =	sdelay $0x2  }
0x331: {  	p2 =	seq.s32 @!p1 s0, $0x0;
	v0 =	vbroadcast @!p1 v0, $0x0  }
0x332: {  	vm0 =	vmmov @!p1 $0x1;
	p3 =	por !p2, p1  }
0x333: {  	p2 =	sne.s32 @!p1 s8, s7;
	v1 =	vnsel @!p1 vm0, $0xFFFFFFFF, v1;
	vm0 =	vcmask @!p1 $0x308;
	v0 =	vpsel !p3, $0xFFFFFFFF, v0  }
0x334: {  	p3 =	por !p2, p1;
	v0 =	vsel @!p1 vm0, v1, v0  }
0x335: {  	s2 =	simm.s32 @!p1 $0xC638;
	s3 =	simm.s32 @!p1 $0x0;
	s4 =	smul.u32 @!p3 $0x600, s0;
	[tilespmem:$0xF638] =	vst @!p1 v0  }
0x336: {  	[spmem:s3] =	stream.linear.scatter @!p1 [tilespmem:s2], [sflag:$0x1], $0x180, $0x38;
	[tilespmem:$0x1B788] =	vst v63  }
0x337: {  	s2 =	sshra.s32 @!p3 s4, $0x2  }
0x338: {  	s3 =	simm.s32 @!p3 $0x180;
	s2 =	sadd.s32 @!p3 $0xC638, s2  }
0x339: {  	[spmem:s3] =	stream.linear.scatter @!p3 [tilespmem:s2], [sflag:$0x1], $0x180, $0x38;
	[tilespmem:$0x1B788] =	vst v63  }
0x33a: {  	s2 =	simm.s32 @!p3 $0x1  }
0x33b: {  	_ =	swait.ge @!p3 [sflag:s2], $0x300  }
0x33c: {  	p1 =	por p2, p1;
	[sflag:s2] =	ssyncset.done @!p3 $0x0  }
0x33d: {  	[sflag:s2] =	ssyncadd.s32 @!p3 $0xFFFFFD00;
	s2 =	simm.s32 @!p1 $0x1  }
0x33e: {  	_ =	swait.ge @!p1 [sflag:s2], $0x180  }
0x33f: {  	s29 =	simm.s32 $0xF638;
	[sflag:s2] =	ssyncset.done @!p1 $0x0  }
0x340: {  	s30 =	simm.s32 $0x3000;
	s31 =	simm.s32 $0x1;
	[sflag:s2] =	ssyncadd.s32 @!p1 $0xFFFFFE80  }
0x341: {  	[spmem:s30] =	stream.linear.scatter [tilespmem:s29], [sflag:$0x1], $0x10, $0x38;
	[tilespmem:$0x1B788] =	vst v63  }
0x342: {  	_ =	swait.ge [sflag:s31], $0x10  }
0x343: {  	[sflag:s31] =	ssyncset.done $0x0  }
0x344: {  	p1 =	seq.s32 s15, $0x0;
	s9 =	rddreg [dreg:$0x2];
	[sflag:s31] =	ssyncadd.s32 $0xFFFFFFF0  }
0x345: {  	s3 =	sshll.u32 @p1 s9, $0xE;
	s8 =	rddreg [dreg:$0x3]  }
0x346: {  	s2 =	sadd.s32 @p1 $0x15C3C, s3;
	s3 =	sshll.u32 @p1 s8, $0x11  }
0x347: {  	_ =	sfence.stream.spmem;
	s2 =	sor.u32 @p1 s3, s2  }
0x348: {  	[sflag:s2] =	ssyncadd.remote.s32 @p1 $0x1;
	s2 =	simm.s32 @p1 $0x4  }
0x349: {  	s4 =	simm.s32 @!p1 $0x3C;
	s3 =	sand.u32 $0xFFFFFFFE, s9;
	_ =	swait.ge @p1 [sflag:s2], $0x62  }
0x34a: {  	s5 =	simm.s32 @!p1 $0x0;
	s3 =	sadd.s32 @!p1 $0x4, s3;
	[sflag:s2] =	ssyncset.done @p1 $0x0  }
0x34b: {  	s7 =	simm.s32 @!p1 $0x300;
	[sflag:s2] =	ssyncadd.s32 @p1 $0xFFFFFF9E;
	s2 =	sshll.u32 @!p1 s3, $0x1A  }
0x34c: {  	s3 =	sshll.u32 @!p1 s3, $0xD;
	s2 =	sor.u32 @!p1 s2, s8;
	_ =	swait.eq @!p1 [sflag:s4], $0x1  }
0x34d: {  	s3 =	sor.u32 @!p1 $0x1C04, s3;
	s4 =	simm.s32 @!p1 $0x1C03;
	s2 =	sor.u32 @!p1 $0x80004000, s2  }
0x34e: {  	[spmem:s7], [sflag:s3] =	dma.general @!p1 [spmem:s5], [sflag:s4], length:$0x60, [dreg:$0x0], stride_count:$0x0, ici_dest:s2, dma_misc:DstOpCode:WRITE  }
0x34f: {  	p2 =	slt.s32 s0, $0x2;
	s5 =	simm.s32 @!p1 $0x600;
	s7 =	simm.s32 @!p1 $0x602  }
0x350: {  	[spmem:s7], [sflag:s3] =	dma.general @!p1 [spmem:s5], [sflag:s4], length:$0x2, [dreg:$0x0], stride_count:$0x0, ici_dest:s2, dma_misc:DstOpCode:WRITE  }
.Ltmp34:
0x351: {  	s2 =	simm.s32 @!p1 $0x3;
	(pc) =	sbr.rel @p2 .LBB2_51-.Ltmp34, $4  }
0x352: {  	s3 =	sshll.u32 @!p1 s9, $0xE;
	_ =	swait.ge @!p1 [sflag:s2], $0x62  }
0x353: {  	s4 =	sshll.u32 @!p1 s8, $0x11;
	s3 =	sadd.s32 @!p1 $0x11C3C, s3;
	[sflag:s2] =	ssyncset.done @!p1 $0x0  }
0x354: {  	[sflag:s2] =	ssyncadd.s32 @!p1 $0xFFFFFF9E;
	s2 =	sor.u32 @!p1 s4, s3  }
0x355: {  	s0 =	simm.s32 $0x0;
	[sflag:s2] =	ssyncadd.remote.s32 @!p1 $0xFFFFFFFF  }
0x356: {  	s0 =	simm.s32 $0xC619  }
0x357: {  	v0 =	vld.msk [tilespmem:s0+$0x0], $0x1;
	_ =	sdelay $0x4  }
0x358: {  	(v2sf) =	vpush v0, $0x0;
	_ =	sdelay $0xe  }
0x359: {  	s2 =	spop (v2sf)  }
0x35a: {  	s3 =	sadd.s32 $0xFFFFFFFE, s6;
	s0 =	simm.s32 $0xC7B8;
	p1 =	sgt.u32 s2, $0x751F0  }
0x35b: {  	s4 =	sand.u32 @!p1 $0x7FFF8, s2;
	s5 =	sadd.s32 @!p1 $0x80, s2;
	s6 =	sadd.s32 @!p1 $0x100, s2  }
0x35c: {  	s7 =	sand.u32 @!p1 $0x7, s2;
	s4 =	sadd.s32 @!p1 s1, s4;
	s2 =	sand.u32 @!p1 $0xFFFF8, s5  }
0x35d: {  	[hbm4b:s4+s7] =	stream.linear.scatter @!p1 [tilespmem:s0], [sflag:$0x5], $0x80, $0x38;
	[tilespmem:$0x1B788] =	vst v63  }
0x35e: {  	s4 =	simm.s32 @!p1 $0xC838;
	s2 =	sadd.s32 @!p1 s1, s2  }
0x35f: {  	[hbm4b:s2+s7] =	stream.linear.scatter @!p1 [tilespmem:s4], [sflag:$0x5], $0x80, $0x38;
	[tilespmem:$0x1B788] =	vst v63  }
0x360: {  	s2 =	sadd.s32 $0xFFFFFFFF, s3  }
0x361: {  	p2 =	sne.s32 s2, $0x0  }
.Ltmp35:
0x362: {  	_ = 	snop;
	(pc) =	sbr.rel @!p2 .LBB2_50-.Ltmp35, $4  }
0x363: {  	s5 =	sand.u32 @!p1 $0xFFFF8, s6  }
0x364: {  	s3 =	simm.s32 @!p1 $0xC8B8;
	s4 =	sadd.s32 @!p1 s1, s5  }
0x365: {  	[hbm4b:s4+s7] =	stream.linear.scatter @!p1 [tilespmem:s3], [sflag:$0x5], $0x80, $0x38;
	[tilespmem:$0x1B788] =	vst v63  }
0x366: {  	s6 =	simm.s32 $0xC61A;
	s5 =	simm.s32 $0x0;
	s4 =	simm.s32 $0x0  }
.LBB2_49:
0x367: {  	s3 =	simm.s32 $0x0  }
0x368: {  	v0 =	vld.msk [tilespmem:s6+$0x0], $0x1;
	s2 =	sadd.s32 $0xFFFFFFFF, s2;
	s3 =	simm.s32 @!p1 $0x600  }
0x369: {  	p2 =	sne.s32 s2, $0x0;
	s5 =	sadd.s32 s5, s3;
	_ =	sdelay $0x3  }
0x36a: {  	(v2sf) =	vpush v0, $0x0;
	_ =	sdelay $0xe  }
0x36b: {  	s3 =	spop (v2sf)  }
0x36c: {  	s0 =	sadd.s32 $0x180, s0;
	p1 =	sgt.u32 s3, $0x751F0  }
0x36d: {  	s7 =	sand.u32 @!p1 $0x7FFF8, s3;
	s8 =	sadd.s32 @!p1 $0x80, s3;
	s9 =	sadd.s32 @!p1 $0x100, s3  }
0x36e: {  	s3 =	sand.u32 @!p1 $0x7, s3;
	s7 =	sadd.s32 @!p1 s1, s7;
	s8 =	sand.u32 @!p1 $0xFFFF8, s8  }
0x36f: {  	[hbm4b:s7+s3] =	stream.linear.scatter @!p1 [tilespmem:s0], [sflag:$0x5], $0x80, $0x38;
	[tilespmem:$0x1B788] =	vst v63  }
.Ltmp36:
0x370: {  	_ = 	snop;
	(pc) =	sbr.rel @p2 .LBB2_49-.Ltmp36, $4  }
0x371: {  	s9 =	sand.u32 @!p1 $0xFFFF8, s9;
	s7 =	sadd.s32 @!p1 $0x80, s0;
	s8 =	sadd.s32 @!p1 s1, s8  }
0x372: {  	[hbm4b:s8+s3] =	stream.linear.scatter @!p1 [tilespmem:s7], [sflag:$0x5], $0x80, $0x38;
	[tilespmem:$0x1B788] =	vst v63  }
0x373: {  	s6 =	sadd.s32 $0x1, s6;
	s7 =	sadd.s32 @!p1 $0x100, s0;
	s8 =	sadd.s32 @!p1 s1, s9  }
0x374: {  	[hbm4b:s8+s3] =	stream.linear.scatter @!p1 [tilespmem:s7], [sflag:$0x5], $0x80, $0x38;
	[tilespmem:$0x1B788] =	vst v63  }
.LBB2_50:
0x375: {  	s4 =	simm.s32 @!p1 $0x600  }
0x376: {  	s0 =	sadd.s32 s5, s4  }
0x377: {  	s0 =	sshrl.u32 s0, $0x2  }
.LBB2_51:
0x378: {  	s2 =	simm.s32 $0x5  }
0x379: {  	_ =	swait.ge [sflag:s2], s0  }
0x37a: {  	s31 =	ssub.s32 $0x0, s0;
	[sflag:s2] =	ssyncset.done $0x0  }
0x37b: {  	[sflag:s2] =	ssyncadd.s32 s31  }
0x37c: {  	[sflag:s2] =	ssyncpa.u1 $0x1  }
.LBB2_52:
0x37d: {  	s0 =	sor.u32 s15, s16  }
0x37e: {  	p1 =	sne.s32 s0, $0x0  }
.Ltmp37:
0x37f: {  	_ = 	snop;
	(pc) =	sbr.rel @p1 .LBB2_70-.Ltmp37, $3  }
0x380: {  	_ =	sdelay $0x1  }
0x381: {  	[bflag:$0x0] =	sbarrier.arrive $0xFFFF  }
0x382: {  	_ =	sfence  }
0x383: {  	s0 =	simm.s32 $0x7  }
0x384: {  	s2 =	simm.s32 $0x3000;
	s3 =	simm.s32 $0xC618;
	[sflag:s0] =	ssyncpa.u1 $0x0  }
0x385: {  	[tilespmem:s3], [sflag:$0x7] =	stream.linear.gather [spmem:s2], $0x20, $0x38;
	[tilespmem:$0x1B788] =	vst v63  }
0x386: {  	s31 =	simm.s32 $0xC638;
	s2 =	simm.s32 $0x0  }
0x387: {  	[tilespmem:s31], [sflag:$0x7] =	stream.linear.gather [spmem:s2], $0x3000, $0x38;
	[tilespmem:$0x1B788] =	vst v63  }
.Ltmp38:
0x388: {  	_ = 	snop;
	(pc) =	sbr.rel .LBB2_54-.Ltmp38, $4  }
0x389: {  	_ =	swait.ge [sflag:s0], $0x3020  }
0x38a: {  	s4 =	simm.s32 $0xC488;
	[sflag:s0] =	ssyncset.done $0x0  }
0x38b: {  	s5 =	simm.s32 $0xC508;
	s3 =	simm.s32 $0x8;
	[sflag:s0] =	ssyncadd.s32 $0xFFFFCFE0  }
0x38c: {  	s6 =	simm.s32 $0xC588;
	s7 =	simm.s32 $0x0;
	[sflag:s3] =	ssyncpa.u1 $0x0  }
.LBB2_62:
0x38d: {  	s8 =	sand.u32 $0x7FFF8, s0  }
0x38e: {  	s9 =	sand.u32 $0x7, s0;
	s29 =	sadd.s32 $0x80, s0;
	s8 =	sadd.s32 s1, s8  }
0x38f: {  	[tilespmem:s4], [sflag:$0x8] =	stream.linear.gather [hbm4b:s8+s9], $0x80, $0x38;
	[tilespmem:$0x1B788] =	vst v63  }
0x390: {  	s30 =	sadd.s32 $0x100, s0;
	s8 =	sand.u32 $0xFFFF8, s29  }
0x391: {  	s0 =	sand.u32 $0xFFFF8, s30;
	s8 =	sadd.s32 s1, s8  }
0x392: {  	[tilespmem:s5], [sflag:$0x8] =	stream.linear.gather [hbm4b:s8+s9], $0x80, $0x38;
	[tilespmem:$0x1B788] =	vst v63  }
0x393: {  	s0 =	sadd.s32 s1, s0  }
0x394: {  	[tilespmem:s6], [sflag:$0x8] =	stream.linear.gather [hbm4b:s0+s9], $0x80, $0x38;
	[tilespmem:$0x1B788] =	vst v63  }
0x395: {  	_ =	swait.ge [sflag:s3], $0x180  }
0x396: {  	[sflag:s3] =	ssyncset.done $0x0  }
0x397: {  	[sflag:s3] =	ssyncadd.s32 $0xFFFFFE80  }
0x398: {  	v1 =	vld [tilespmem:$0xC488];
	_ =	sdelay $0x1  }
0x399: {  	s0 =	smul.u32 $0x600, s7;
	_ =	sdelay $0x1  }
0x39a: {  	s31 =	sshra.s32 s0, $0x2  }
0x39b: {  	[tilespmem:s31+$0xC638] =	vst.add.f32.msk $0xffff, v1  }
0x39c: {  	v1 =	vld [tilespmem:$0xC498];
	_ =	sdelay $0x4  }
0x39d: {  	[tilespmem:s31+$0xC648] =	vst.add.f32.msk $0xffff, v1  }
0x39e: {  	v1 =	vld [tilespmem:$0xC4A8];
	_ =	sdelay $0x4  }
0x39f: {  	[tilespmem:s31+$0xC658] =	vst.add.f32.msk $0xffff, v1  }
0x3a0: {  	v1 =	vld [tilespmem:$0xC4B8];
	_ =	sdelay $0x4  }
0x3a1: {  	[tilespmem:s31+$0xC668] =	vst.add.f32.msk $0xffff, v1  }
0x3a2: {  	v1 =	vld [tilespmem:$0xC4C8];
	_ =	sdelay $0x4  }
0x3a3: {  	[tilespmem:s31+$0xC678] =	vst.add.f32.msk $0xffff, v1  }
0x3a4: {  	v1 =	vld [tilespmem:$0xC4D8];
	_ =	sdelay $0x4  }
0x3a5: {  	[tilespmem:s31+$0xC688] =	vst.add.f32.msk $0xffff, v1  }
0x3a6: {  	v1 =	vld [tilespmem:$0xC4E8];
	_ =	sdelay $0x4  }
0x3a7: {  	[tilespmem:s31+$0xC698] =	vst.add.f32.msk $0xffff, v1  }
0x3a8: {  	v1 =	vld [tilespmem:$0xC4F8];
	_ =	sdelay $0x4  }
0x3a9: {  	[tilespmem:s31+$0xC6A8] =	vst.add.f32.msk $0xffff, v1  }
0x3aa: {  	v1 =	vld [tilespmem:$0xC508];
	_ =	sdelay $0x4  }
0x3ab: {  	[tilespmem:s31+$0xC6B8] =	vst.add.f32.msk $0xffff, v1  }
0x3ac: {  	v1 =	vld [tilespmem:$0xC518];
	_ =	sdelay $0x4  }
0x3ad: {  	[tilespmem:s31+$0xC6C8] =	vst.add.f32.msk $0xffff, v1  }
0x3ae: {  	v1 =	vld [tilespmem:$0xC528];
	_ =	sdelay $0x4  }
0x3af: {  	[tilespmem:s31+$0xC6D8] =	vst.add.f32.msk $0xffff, v1  }
0x3b0: {  	v1 =	vld [tilespmem:$0xC538];
	_ =	sdelay $0x4  }
0x3b1: {  	[tilespmem:s31+$0xC6E8] =	vst.add.f32.msk $0xffff, v1  }
0x3b2: {  	v1 =	vld [tilespmem:$0xC548];
	_ =	sdelay $0x4  }
0x3b3: {  	[tilespmem:s31+$0xC6F8] =	vst.add.f32.msk $0xffff, v1  }
0x3b4: {  	v1 =	vld [tilespmem:$0xC558];
	_ =	sdelay $0x4  }
0x3b5: {  	[tilespmem:s31+$0xC708] =	vst.add.f32.msk $0xffff, v1  }
0x3b6: {  	v1 =	vld [tilespmem:$0xC568];
	_ =	sdelay $0x4  }
0x3b7: {  	[tilespmem:s31+$0xC718] =	vst.add.f32.msk $0xffff, v1  }
0x3b8: {  	v1 =	vld [tilespmem:$0xC578];
	_ =	sdelay $0x4  }
0x3b9: {  	[tilespmem:s31+$0xC728] =	vst.add.f32.msk $0xffff, v1  }
0x3ba: {  	v1 =	vld [tilespmem:$0xC588];
	_ =	sdelay $0x4  }
0x3bb: {  	[tilespmem:s31+$0xC738] =	vst.add.f32.msk $0xffff, v1  }
0x3bc: {  	v1 =	vld [tilespmem:$0xC598];
	_ =	sdelay $0x4  }
0x3bd: {  	[tilespmem:s31+$0xC748] =	vst.add.f32.msk $0xffff, v1  }
0x3be: {  	v1 =	vld [tilespmem:$0xC5A8];
	_ =	sdelay $0x4  }
0x3bf: {  	[tilespmem:s31+$0xC758] =	vst.add.f32.msk $0xffff, v1  }
0x3c0: {  	v1 =	vld [tilespmem:$0xC5B8];
	_ =	sdelay $0x4  }
0x3c1: {  	[tilespmem:s31+$0xC768] =	vst.add.f32.msk $0xffff, v1  }
0x3c2: {  	v1 =	vld [tilespmem:$0xC5C8];
	_ =	sdelay $0x4  }
0x3c3: {  	[tilespmem:s31+$0xC778] =	vst.add.f32.msk $0xffff, v1  }
0x3c4: {  	v1 =	vld [tilespmem:$0xC5D8];
	_ =	sdelay $0x4  }
0x3c5: {  	[tilespmem:s31+$0xC788] =	vst.add.f32.msk $0xffff, v1  }
0x3c6: {  	v1 =	vld [tilespmem:$0xC5E8];
	_ =	sdelay $0x4  }
0x3c7: {  	[tilespmem:s31+$0xC798] =	vst.add.f32.msk $0xffff, v1  }
0x3c8: {  	v1 =	vld [tilespmem:$0xC5F8];
	_ =	sdelay $0x4  }
0x3c9: {  	[tilespmem:s31+$0xC7A8] =	vst.add.f32.msk $0xffff, v1  }
.LBB2_63:
0x3ca: {  	[tilespmem:s2+$0xC618] =	vst.msk $0x1, v0;
	s0 =	sshra.s32 s0, $0x2  }
0x3cb: {  	v0 =	vld [tilespmem:s0+$0xC638];
	_ =	sdelay $0x1  }
0x3cc: {  	s8 =	smul.u32 $0x600, s2;
	_ =	sdelay $0x1  }
0x3cd: {  	s8 =	sshra.s32 s8, $0x2  }
0x3ce: {  	[tilespmem:s8+$0xC638] =	vst v0  }
0x3cf: {  	v0 =	vld [tilespmem:s0+$0xC648];
	_ =	sdelay $0x4  }
0x3d0: {  	[tilespmem:s8+$0xC648] =	vst v0  }
0x3d1: {  	v0 =	vld [tilespmem:s0+$0xC658];
	_ =	sdelay $0x4  }
0x3d2: {  	[tilespmem:s8+$0xC658] =	vst v0  }
0x3d3: {  	v0 =	vld [tilespmem:s0+$0xC668];
	_ =	sdelay $0x4  }
0x3d4: {  	[tilespmem:s8+$0xC668] =	vst v0  }
0x3d5: {  	v0 =	vld [tilespmem:s0+$0xC678];
	_ =	sdelay $0x4  }
0x3d6: {  	[tilespmem:s8+$0xC678] =	vst v0  }
0x3d7: {  	v0 =	vld [tilespmem:s0+$0xC688];
	_ =	sdelay $0x4  }
0x3d8: {  	[tilespmem:s8+$0xC688] =	vst v0  }
0x3d9: {  	v0 =	vld [tilespmem:s0+$0xC698];
	_ =	sdelay $0x4  }
0x3da: {  	[tilespmem:s8+$0xC698] =	vst v0  }
0x3db: {  	v0 =	vld [tilespmem:s0+$0xC6A8];
	_ =	sdelay $0x4  }
0x3dc: {  	[tilespmem:s8+$0xC6A8] =	vst v0  }
0x3dd: {  	v0 =	vld [tilespmem:s0+$0xC6B8];
	_ =	sdelay $0x4  }
0x3de: {  	[tilespmem:s8+$0xC6B8] =	vst v0  }
0x3df: {  	v0 =	vld [tilespmem:s0+$0xC6C8];
	_ =	sdelay $0x4  }
0x3e0: {  	[tilespmem:s8+$0xC6C8] =	vst v0  }
0x3e1: {  	v0 =	vld [tilespmem:s0+$0xC6D8];
	_ =	sdelay $0x4  }
0x3e2: {  	[tilespmem:s8+$0xC6D8] =	vst v0  }
0x3e3: {  	v0 =	vld [tilespmem:s0+$0xC6E8];
	_ =	sdelay $0x4  }
0x3e4: {  	[tilespmem:s8+$0xC6E8] =	vst v0  }
0x3e5: {  	v0 =	vld [tilespmem:s0+$0xC6F8];
	_ =	sdelay $0x4  }
0x3e6: {  	[tilespmem:s8+$0xC6F8] =	vst v0  }
0x3e7: {  	v0 =	vld [tilespmem:s0+$0xC708];
	_ =	sdelay $0x4  }
0x3e8: {  	[tilespmem:s8+$0xC708] =	vst v0  }
0x3e9: {  	v0 =	vld [tilespmem:s0+$0xC718];
	_ =	sdelay $0x4  }
0x3ea: {  	[tilespmem:s8+$0xC718] =	vst v0  }
0x3eb: {  	v0 =	vld [tilespmem:s0+$0xC728];
	_ =	sdelay $0x4  }
0x3ec: {  	[tilespmem:s8+$0xC728] =	vst v0  }
0x3ed: {  	v0 =	vld [tilespmem:s0+$0xC738];
	_ =	sdelay $0x4  }
0x3ee: {  	[tilespmem:s8+$0xC738] =	vst v0  }
0x3ef: {  	v0 =	vld [tilespmem:s0+$0xC748];
	_ =	sdelay $0x4  }
0x3f0: {  	[tilespmem:s8+$0xC748] =	vst v0  }
0x3f1: {  	v0 =	vld [tilespmem:s0+$0xC758];
	_ =	sdelay $0x4  }
0x3f2: {  	[tilespmem:s8+$0xC758] =	vst v0  }
0x3f3: {  	v0 =	vld [tilespmem:s0+$0xC768];
	_ =	sdelay $0x4  }
0x3f4: {  	[tilespmem:s8+$0xC768] =	vst v0  }
0x3f5: {  	v0 =	vld [tilespmem:s0+$0xC778];
	_ =	sdelay $0x4  }
0x3f6: {  	[tilespmem:s8+$0xC778] =	vst v0  }
0x3f7: {  	v0 =	vld [tilespmem:s0+$0xC788];
	_ =	sdelay $0x4  }
0x3f8: {  	[tilespmem:s8+$0xC788] =	vst v0  }
0x3f9: {  	v0 =	vld [tilespmem:s0+$0xC798];
	_ =	sdelay $0x4  }
0x3fa: {  	[tilespmem:s8+$0xC798] =	vst v0  }
0x3fb: {  	v0 =	vld [tilespmem:s0+$0xC7A8];
	_ =	sdelay $0x4  }
0x3fc: {  	s2 =	sadd.s32 $0x1, s2;
	[tilespmem:s8+$0xC7A8] =	vst v0  }
.LBB2_64:
0x3fd: {  	s7 =	sadd.s32 $0x1, s7  }
0x3fe: {  	p1 =	sne.s32 s7, $0x20  }
.Ltmp39:
0x3ff: {  	_ = 	snop;
	(pc) =	sbr.rel @!p1 .LBB2_65-.Ltmp39, $1  }
0x400: {  	_ =	sdelay $0x3  }
.LBB2_54:
0x401: {  	v0 =	vld.msk [tilespmem:s7+$0xC618], $0x1;
	_ =	sdelay $0x4  }
0x402: {  	(v2sf) =	vpush v0, $0x0;
	_ =	sdelay $0xe  }
0x403: {  	s0 =	spop (v2sf)  }
0x404: {  	p1 =	seq.s32 s0, $0xFFFFFFFF  }
.Ltmp40:
0x405: {  	_ = 	snop;
	(pc) =	sbr.rel @p1 .LBB2_64-.Ltmp40, $1  }
0x406: {  	_ =	sdelay $0x3  }
0x407: {  	p1 =	slt.s32 s2, $0x1  }
.Ltmp41:
0x408: {  	_ = 	snop;
	(pc) =	sbr.rel @p1 .LBB2_60-.Ltmp41, $1  }
0x409: {  	_ =	sdelay $0x3  }
0x40a: {  	s8 =	simm.s32 $0xC618;
	p1 =	por $0x0, $0x0  }
0x40b: {  	v1 =	vld.msk @!p1 [tilespmem:s8+$0x0], $0x1;
	_ =	sdelay $0x4  }
0x40c: {  	(v2sf) =	vpush @!p1 v1, $0x0;
	_ =	sdelay $0xd  }
0x40d: {  	p3 =	sne.s32 s2, $0x1  }
.Ltmp42:
0x40e: {  	s9 =	spop @!p1 (v2sf);
	(pc) =	sbr.rel @!p3 .LBB2_58-.Ltmp42, $4  }
0x40f: {  	p2 =	seq.s32 @!p1 s0, s9  }
0x410: {  	s9 =	simm.s32 $0x0;
	p2 =	por !p2, p1  }
0x411: {  	s11 =	simm.s32 $0xFFFFFFFF;
	s9 =	simm.s32 @p2 $0xFFFFFFFF  }
0x412: {  	s10 =	simm.s32 $0x1;
	s9 =	smov.u32 @p1 s11  }
.LBB2_57:
0x413: {  	s11 =	smov.u32 s9;
	p1 =	sne.s32 s9, $0xFFFFFFFF  }
0x414: {  	s8 =	sadd.s32 $0x1, s8;
	s9 =	smov.u32 s10;
	s10 =	sadd.s32 $0x1, s10  }
0x415: {  	p2 =	sne.s32 s2, s10;
	v1 =	vld.msk @!p1 [tilespmem:s8+$0x0], $0x1;
	_ =	sdelay $0x4  }
0x416: {  	(v2sf) =	vpush @!p1 v1, $0x0;
	_ =	sdelay $0xe  }
.Ltmp43:
0x417: {  	s12 =	spop @!p1 (v2sf);
	(pc) =	sbr.rel @p2 .LBB2_57-.Ltmp43, $4  }
0x418: {  	p3 =	seq.s32 @!p1 s0, s12  }
0x419: {  	p3 =	por !p3, p1  }
0x41a: {  	s9 =	simm.s32 @p3 $0xFFFFFFFF  }
0x41b: {  	s9 =	smov.u32 @p1 s11  }
.LBB2_58:
0x41c: {  	p1 =	seq.s32 s9, $0xFFFFFFFF  }
.Ltmp44:
0x41d: {  	_ = 	snop;
	(pc) =	sbr.rel @p1 .LBB2_60-.Ltmp44, $1  }
0x41e: {  	_ =	sdelay $0x3  }
0x41f: {  	s0 =	smul.u32 $0x600, s7;
	_ =	sdelay $0x1  }
0x420: {  	s0 =	sshra.s32 s0, $0x2  }
0x421: {  	v0 =	vld [tilespmem:s0+$0xC638];
	_ =	sdelay $0x1  }
0x422: {  	s8 =	smul.u32 $0x600, s9;
	_ =	sdelay $0x1  }
0x423: {  	s8 =	sshra.s32 s8, $0x2  }
0x424: {  	[tilespmem:s8+$0xC638] =	vst.add.f32.msk $0xffff, v0  }
0x425: {  	v0 =	vld [tilespmem:s0+$0xC648];
	_ =	sdelay $0x4  }
0x426: {  	[tilespmem:s8+$0xC648] =	vst.add.f32.msk $0xffff, v0  }
0x427: {  	v0 =	vld [tilespmem:s0+$0xC658];
	_ =	sdelay $0x4  }
0x428: {  	[tilespmem:s8+$0xC658] =	vst.add.f32.msk $0xffff, v0  }
0x429: {  	v0 =	vld [tilespmem:s0+$0xC668];
	_ =	sdelay $0x4  }
0x42a: {  	[tilespmem:s8+$0xC668] =	vst.add.f32.msk $0xffff, v0  }
0x42b: {  	v0 =	vld [tilespmem:s0+$0xC678];
	_ =	sdelay $0x4  }
0x42c: {  	[tilespmem:s8+$0xC678] =	vst.add.f32.msk $0xffff, v0  }
0x42d: {  	v0 =	vld [tilespmem:s0+$0xC688];
	_ =	sdelay $0x4  }
0x42e: {  	[tilespmem:s8+$0xC688] =	vst.add.f32.msk $0xffff, v0  }
0x42f: {  	v0 =	vld [tilespmem:s0+$0xC698];
	_ =	sdelay $0x4  }
0x430: {  	[tilespmem:s8+$0xC698] =	vst.add.f32.msk $0xffff, v0  }
0x431: {  	v0 =	vld [tilespmem:s0+$0xC6A8];
	_ =	sdelay $0x4  }
0x432: {  	[tilespmem:s8+$0xC6A8] =	vst.add.f32.msk $0xffff, v0  }
0x433: {  	v0 =	vld [tilespmem:s0+$0xC6B8];
	_ =	sdelay $0x4  }
0x434: {  	[tilespmem:s8+$0xC6B8] =	vst.add.f32.msk $0xffff, v0  }
0x435: {  	v0 =	vld [tilespmem:s0+$0xC6C8];
	_ =	sdelay $0x4  }
0x436: {  	[tilespmem:s8+$0xC6C8] =	vst.add.f32.msk $0xffff, v0  }
0x437: {  	v0 =	vld [tilespmem:s0+$0xC6D8];
	_ =	sdelay $0x4  }
0x438: {  	[tilespmem:s8+$0xC6D8] =	vst.add.f32.msk $0xffff, v0  }
0x439: {  	v0 =	vld [tilespmem:s0+$0xC6E8];
	_ =	sdelay $0x4  }
0x43a: {  	[tilespmem:s8+$0xC6E8] =	vst.add.f32.msk $0xffff, v0  }
0x43b: {  	v0 =	vld [tilespmem:s0+$0xC6F8];
	_ =	sdelay $0x4  }
0x43c: {  	[tilespmem:s8+$0xC6F8] =	vst.add.f32.msk $0xffff, v0  }
0x43d: {  	v0 =	vld [tilespmem:s0+$0xC708];
	_ =	sdelay $0x4  }
0x43e: {  	[tilespmem:s8+$0xC708] =	vst.add.f32.msk $0xffff, v0  }
0x43f: {  	v0 =	vld [tilespmem:s0+$0xC718];
	_ =	sdelay $0x4  }
0x440: {  	[tilespmem:s8+$0xC718] =	vst.add.f32.msk $0xffff, v0  }
0x441: {  	v0 =	vld [tilespmem:s0+$0xC728];
	_ =	sdelay $0x4  }
0x442: {  	[tilespmem:s8+$0xC728] =	vst.add.f32.msk $0xffff, v0  }
0x443: {  	v0 =	vld [tilespmem:s0+$0xC738];
	_ =	sdelay $0x4  }
0x444: {  	[tilespmem:s8+$0xC738] =	vst.add.f32.msk $0xffff, v0  }
0x445: {  	v0 =	vld [tilespmem:s0+$0xC748];
	_ =	sdelay $0x4  }
0x446: {  	[tilespmem:s8+$0xC748] =	vst.add.f32.msk $0xffff, v0  }
0x447: {  	v0 =	vld [tilespmem:s0+$0xC758];
	_ =	sdelay $0x4  }
0x448: {  	[tilespmem:s8+$0xC758] =	vst.add.f32.msk $0xffff, v0  }
0x449: {  	v0 =	vld [tilespmem:s0+$0xC768];
	_ =	sdelay $0x4  }
0x44a: {  	[tilespmem:s8+$0xC768] =	vst.add.f32.msk $0xffff, v0  }
0x44b: {  	v0 =	vld [tilespmem:s0+$0xC778];
	_ =	sdelay $0x4  }
0x44c: {  	[tilespmem:s8+$0xC778] =	vst.add.f32.msk $0xffff, v0  }
0x44d: {  	v0 =	vld [tilespmem:s0+$0xC788];
	_ =	sdelay $0x4  }
0x44e: {  	[tilespmem:s8+$0xC788] =	vst.add.f32.msk $0xffff, v0  }
0x44f: {  	v0 =	vld [tilespmem:s0+$0xC798];
	_ =	sdelay $0x4  }
0x450: {  	[tilespmem:s8+$0xC798] =	vst.add.f32.msk $0xffff, v0  }
0x451: {  	v0 =	vld [tilespmem:s0+$0xC7A8]  }
.Ltmp45:
0x452: {  	_ = 	snop;
	(pc) =	sbr.rel .LBB2_64-.Ltmp45, $2  }
0x453: {  	_ =	sdelay $0x2  }
0x454: {  	[tilespmem:s8+$0xC7A8] =	vst.add.f32.msk $0xffff, v0  }
.LBB2_60:
0x455: {  	p1 =	slt.u32 s0, $0x751F1  }
.Ltmp46:
0x456: {  	_ = 	snop;
	(pc) =	sbr.rel @p1 .LBB2_62-.Ltmp46, $1  }
0x457: {  	_ =	sdelay $0x3  }
.Ltmp47:
0x458: {  	(pc) =	sbr.rel .LBB2_63-.Ltmp47, $2  }
0x459: {  	_ =	sdelay $0x1  }
0x45a: {  	s0 =	smul.u32 $0x600, s7;
	_ =	sdelay $0x1  }
.LBB2_65:
0x45b: {  	p1 =	slt.s32 s2, $0x1  }
.Ltmp48:
0x45c: {  	_ = 	snop;
	(pc) =	sbr.rel @p1 .LBB2_69-.Ltmp48, $3  }
0x45d: {  	_ =	sdelay $0x1  }
0x45e: {  	s0 =	simm.s32 $0x8  }
0x45f: {  	[sflag:s0] =	ssyncpa.u1 $0x1;
	s0 =	simm.s32 $0x0  }
0x460: {  	s3 =	simm.s32 $0xC618  }
0x461: {  	v0 =	vld.msk [tilespmem:s3+$0x0], $0x1;
	_ =	sdelay $0x4  }
0x462: {  	(v2sf) =	vpush v0, $0x0;
	_ =	sdelay $0xe  }
0x463: {  	s4 =	spop (v2sf)  }
0x464: {  	s2 =	sadd.s32 $0xFFFFFFFF, s2;
	p1 =	sgt.u32 s4, $0x751F0  }
0x465: {  	s3 =	simm.s32 $0xC638;
	p2 =	sne.s32 s2, $0x0;
	s5 =	sand.u32 @!p1 $0x7FFF8, s4  }
0x466: {  	s6 =	sadd.s32 @!p1 $0x80, s4;
	s7 =	sadd.s32 @!p1 $0x100, s4;
	s4 =	sand.u32 @!p1 $0x7, s4  }
0x467: {  	s5 =	sadd.s32 @!p1 s1, s5;
	s6 =	sand.u32 @!p1 $0xFFFF8, s6;
	s7 =	sand.u32 @!p1 $0xFFFF8, s7  }
0x468: {  	[hbm4b:s5+s4] =	stream.linear.scatter @!p1 [tilespmem:s3], [sflag:$0x7], $0x80, $0x38;
	[tilespmem:$0x1B788] =	vst v63  }
.Ltmp49:
0x469: {  	s5 =	simm.s32 @!p1 $0xC6B8;
	s6 =	sadd.s32 @!p1 s1, s6;
	(pc) =	sbr.rel @!p2 .LBB2_68-.Ltmp49, $4  }
0x46a: {  	[hbm4b:s6+s4] =	stream.linear.scatter @!p1 [tilespmem:s5], [sflag:$0x7], $0x80, $0x38;
	[tilespmem:$0x1B788] =	vst v63  }
0x46b: {  	s5 =	simm.s32 @!p1 $0xC738;
	s6 =	sadd.s32 @!p1 s1, s7  }
0x46c: {  	[hbm4b:s6+s4] =	stream.linear.scatter @!p1 [tilespmem:s5], [sflag:$0x7], $0x80, $0x38;
	[tilespmem:$0x1B788] =	vst v63  }
0x46d: {  	s4 =	simm.s32 $0x0;
	s5 =	simm.s32 $0xC619  }
.LBB2_67:
0x46e: {  	s6 =	simm.s32 $0x0  }
0x46f: {  	v0 =	vld.msk [tilespmem:s5+$0x0], $0x1;
	s2 =	sadd.s32 $0xFFFFFFFF, s2;
	s6 =	simm.s32 @!p1 $0x600  }
0x470: {  	p2 =	sne.s32 s2, $0x0;
	s0 =	sadd.s32 s0, s6;
	_ =	sdelay $0x3  }
0x471: {  	(v2sf) =	vpush v0, $0x0;
	_ =	sdelay $0xe  }
0x472: {  	s6 =	spop (v2sf)  }
0x473: {  	s3 =	sadd.s32 $0x180, s3;
	p1 =	sgt.u32 s6, $0x751F0  }
0x474: {  	s7 =	sand.u32 @!p1 $0x7FFF8, s6;
	s8 =	sadd.s32 @!p1 $0x80, s6;
	s9 =	sadd.s32 @!p1 $0x100, s6  }
0x475: {  	s6 =	sand.u32 @!p1 $0x7, s6;
	s7 =	sadd.s32 @!p1 s1, s7;
	s8 =	sand.u32 @!p1 $0xFFFF8, s8  }
0x476: {  	[hbm4b:s7+s6] =	stream.linear.scatter @!p1 [tilespmem:s3], [sflag:$0x7], $0x80, $0x38;
	[tilespmem:$0x1B788] =	vst v63  }
.Ltmp50:
0x477: {  	_ = 	snop;
	(pc) =	sbr.rel @p2 .LBB2_67-.Ltmp50, $4  }
0x478: {  	s9 =	sand.u32 @!p1 $0xFFFF8, s9;
	s7 =	sadd.s32 @!p1 $0x80, s3;
	s8 =	sadd.s32 @!p1 s1, s8  }
0x479: {  	[hbm4b:s8+s6] =	stream.linear.scatter @!p1 [tilespmem:s7], [sflag:$0x7], $0x80, $0x38;
	[tilespmem:$0x1B788] =	vst v63  }
0x47a: {  	s5 =	sadd.s32 $0x1, s5;
	s7 =	sadd.s32 @!p1 $0x100, s3;
	s8 =	sadd.s32 @!p1 s1, s9  }
0x47b: {  	[hbm4b:s8+s6] =	stream.linear.scatter @!p1 [tilespmem:s7], [sflag:$0x7], $0x80, $0x38;
	[tilespmem:$0x1B788] =	vst v63  }
.LBB2_68:
0x47c: {  	s4 =	simm.s32 @!p1 $0x600  }
0x47d: {  	s0 =	sadd.s32 s0, s4  }
0x47e: {  	s0 =	sshrl.u32 s0, $0x2  }
.LBB2_69:
0x47f: {  	s1 =	simm.s32 $0x7  }
0x480: {  	_ =	swait.ge [sflag:s1], s0  }
0x481: {  	s31 =	ssub.s32 $0x0, s0;
	[sflag:s1] =	ssyncset.done $0x0  }
0x482: {  	[sflag:s1] =	ssyncadd.s32 s31  }
0x483: {  	[sflag:s1] =	ssyncpa.u1 $0x1  }
.LBB2_70:
0x484: {  	_ =	sfence;
	s0 =	simm.s32 $0x1  }
0x485: {  	[sflag:s0] =	ssyncpa.u1 $0x1  }
0x486: {  	_ =	strace $0x9000004D  }
0x487: {  	[bflag:$0x2] =	sbarrier.arrive $0xFFFF  }
0x488: {  	s0 =	rddreg [dreg:$0x4]  }
0x489: {  	s0 =	sadd.s32 @!p0 $0x100000, s0  }
0x48a: {  	[sflag:s0] =	ssyncadd.tile.s32 @!p0 $0x1;
	_ =	shalt  }
.Lfunc_end2:
_tile_overlayer_lowered:
.L_overlay_start_2:
0x48b: {  	(tag) =	ssettag $0x2  }
0x48c: {  	s0 =	rddreg [dreg:$0x0];
	s2 =	stileid.u32  }
0x48d: {  	s1 =	rddreg [dreg:$0x1];
	p0 =	sne.s32 s2, $0x0  }
0x48e: {  	s3 =	rddreg [dreg:$0x2];
	[bflag:$0x3] =	sbarrier.arrive $0xFFFF;
	s2 =	simm.s32 @!p0 $0x1C01  }
0x48f: {  	[timem:s3], [sflag:s2] =	dma.local @!p0 [hbm:s0], s1  }
0x490: {  	s0 =	simm.s32 @!p0 $0x1  }
0x491: {  	_ =	swait.ge @!p0 [sflag:s0], s1  }
0x492: {  	s1 =	ssub.s32 @!p0 $0x0, s1;
	[sflag:s0] =	ssyncset.done @!p0 $0x0  }
0x493: {  	[sflag:s0] =	ssyncadd.s32 @!p0 s1  }
0x494: {  	[bflag:$0x3] =	sbarrier.arrive $0xFFFF  }
0x495: {  	_ =	shalt  }

// kernel: scatter_offload_async_start
scs
__scs_entry_jumppad:
0x0: {  	(pc) =	sbr.rel $0x88, $3  }
0x1: {  	(tag) =	ssettag $0x0;
	lr =	simm.s32 $0x1  }
0x2: {  	[smem:$0x3F85] =	sst lr;
	_ =	strace $0xD0000000  }
0x3: {  	_ = 	snop  }
0x4: {  	_ = 	snop  }
0x5: {  	_ = 	snop  }
0x6: {  	_ = 	snop  }
0x7: {  	_ = 	snop  }
__scs_overlays_trampoline_lowered:
0x8: {  	[smem:$0x3F94] =	sst s0  }
0x9: {  	[smem:$0x3F95] =	sst s1  }
0xa: {  	[smem:$0x3F96] =	sst s2  }
0xb: {  	[smem:$0x3F97] =	sst s3  }
0xc: {  	[smem:$0x3F98] =	sst s4  }
0xd: {  	[smem:$0x3F99] =	sst s5  }
0xe: {  	[smem:$0x3F9A] =	sst s6  }
0xf: {  	[smem:$0x3F9B] =	sst s7  }
0x10: {  	[smem:$0x3F9C] =	sst s8  }
0x11: {  	[smem:$0x3F9D] =	sst s9;
	s0 =	simm.s32 @!p0 $0x0  }
0x12: {  	s1 =	sld [smem:$0x3F83];
	s0 =	simm.s32 @p0 $0x1  }
0x13: {  	[smem:$0x3F9E] =	sst s0;
	s0 =	simm.s32 @!p1 $0x0  }
0x14: {  	s2 =	sld [smem:$0x3F82];
	s0 =	simm.s32 @p1 $0x1  }
0x15: {  	[smem:$0x3F9F] =	sst s0;
	s0 =	simm.s32 @!p2 $0x0  }
0x16: {  	s3 =	sld [smem:$0x3FDB];
	s0 =	simm.s32 @p2 $0x1  }
0x17: {  	s4 =	simm.s32 $0x1BF5;
	[smem:$0x3FA1] =	sst s0  }
0x18: {  	s0 =	sld [smem:$0x3F84];
	_ =	swait.ge [sflag:s4], $0x0  }
0x19: {  	s7 =	sld [smem:$0x3F85]  }
0x1a: {  	s8 =	sadd.s32 $0xFFFFE003, lr  }
0x1b: {  	s9 =	sadd.s32 $0xFFFFFEF7, lr;
	s5 =	simm.s32 $0xFFFFFFFF;
	p2 =	slt.u32 s8, $0xFFFFF086  }
0x1c: {  	p1 =	slt.u32 s9, $0xF7A;
	s5 =	simm.s32 @!p2 $0x0  }
0x1d: {  	s5 =	simm.s32 @p1 $0x1;
	p0 =	seq.s32 s7, s2  }
0x1e: {  	s7 =	smul.u32 @!p0 $0xF7A, s2;
	p2 =	seq.s32 @!p0 s5, $0x0  }
0x1f: {  	s9 =	smul.u32 $0xF7A, s1;
	s8 =	simm.s32 @!p0 $0x1BF5;
	p2 =	por !p2, p0  }
0x20: {  	[sflag:s8] =	ssyncset.s32 @!p0 $0xFFFFF086;
	s6 =	sadd.s32 @!p0 s3, s7;
	s7 =	simm.s32 @!p0 $0x108  }
0x21: {  	s3 =	sadd.s32 s3, s9;
	s6 =	sadd.s32 @!p0 $0x88, s6;
	s7 =	simm.s32 @p2 $0x1082  }
0x22: {  	[simem:s7], [sflag:s8] =	dma.local @!p0 [hbm:s6], $0xF7A  }
0x23: {  	s9 =	sor.u32 $0xD0000000, s2;
	s6 =	simm.s32 $0x108;
	_ =	swait.ge @!p0 [sflag:s8], $0x0  }
0x24: {  	s3 =	sadd.s32 $0x88, s3;
	s6 =	simm.s32 @!p1 $0x1082;
	[sflag:s4] =	ssyncset.s32 $0xFFFFF086  }
0x25: {  	[simem:s6], [sflag:s4] =	dma.local [hbm:s3], $0xF7A  }
0x26: {  	[smem:$0x3F85] =	sst s1;
	(tag) =	ssettag s2;
	_ =	strace s9  }
0x27: {  	s1 =	sld [smem:$0x3F95]  }
0x28: {  	s2 =	sld [smem:$0x3F96]  }
0x29: {  	s4 =	sld [smem:$0x3F98]  }
0x2a: {  	p0 =	seq.s32 s5, $0x0;
	s5 =	sld [smem:$0x3F99]  }
0x2b: {  	s6 =	sld [smem:$0x3F9A]  }
0x2c: {  	s7 =	sld [smem:$0x3F9B]  }
0x2d: {  	s3 =	simm.s32 $0x108;
	s8 =	sld [smem:$0x3F9C]  }
0x2e: {  	s3 =	simm.s32 @!p0 $0x1082;
	s9 =	sld [smem:$0x3F9D]  }
0x2f: {  	lr =	sadd.s32 s0, s3;
	s0 =	sld [smem:$0x3F94]  }
0x30: {  	s3 =	sld [smem:$0x3F97]  }
0x31: {  	[smem:$0x3FA0] =	sst s10  }
0x32: {  	s10 =	sld [smem:$0x3F9E];
	_ =	sdelay $0x3  }
0x33: {  	p0 =	seq.s32 s10, $0x1;
	s10 =	sld [smem:$0x3FA0];
	_ =	sdelay $0x3  }
0x34: {  	[smem:$0x3FA0] =	sst s10  }
0x35: {  	s10 =	sld [smem:$0x3F9F];
	_ =	sdelay $0x3  }
0x36: {  	p1 =	seq.s32 s10, $0x1;
	s10 =	sld [smem:$0x3FA0];
	_ =	sdelay $0x3  }
0x37: {  	[smem:$0x3FA0] =	sst s10  }
0x38: {  	s10 =	sld [smem:$0x3FA1]  }
0x39: {  	_ = 	snop;
	(pc) =	sbr.ind lr, $3  }
0x3a: {  	_ = 	snop  }
0x3b: {  	_ = 	snop  }
0x3c: {  	p2 =	seq.s32 s10, $0x1;
	s10 =	sld [smem:$0x3FA0]  }
0x3d: {  	_ =	shalt  }
0x3e: {  	_ =	shalt  }
0x3f: {  	_ =	shalt  }
0x40: {  	_ =	shalt  }
0x41: {  	_ =	shalt  }
0x42: {  	_ =	shalt  }
0x43: {  	_ =	shalt  }
0x44: {  	_ =	shalt  }
0x45: {  	_ =	shalt  }
0x46: {  	_ =	shalt  }
0x47: {  	_ =	shalt  }
0x48: {  	_ =	shalt  }
0x49: {  	_ =	shalt  }
0x4a: {  	_ =	shalt  }
0x4b: {  	_ =	shalt  }
0x4c: {  	_ =	shalt  }
0x4d: {  	_ =	shalt  }
0x4e: {  	_ =	shalt  }
0x4f: {  	_ =	shalt  }
0x50: {  	_ =	shalt  }
0x51: {  	_ =	shalt  }
0x52: {  	_ =	shalt  }
0x53: {  	_ =	shalt  }
0x54: {  	_ =	shalt  }
0x55: {  	_ =	shalt  }
0x56: {  	_ =	shalt  }
0x57: {  	_ =	shalt  }
0x58: {  	_ =	shalt  }
0x59: {  	_ =	shalt  }
0x5a: {  	_ =	shalt  }
0x5b: {  	_ =	shalt  }
0x5c: {  	_ =	shalt  }
0x5d: {  	_ =	shalt  }
0x5e: {  	_ =	shalt  }
0x5f: {  	_ =	shalt  }
0x60: {  	_ =	shalt  }
0x61: {  	_ =	shalt  }
0x62: {  	_ =	shalt  }
0x63: {  	_ =	shalt  }
0x64: {  	_ =	shalt  }
0x65: {  	_ =	shalt  }
0x66: {  	_ =	shalt  }
0x67: {  	_ =	shalt  }
0x68: {  	_ =	shalt  }
0x69: {  	_ =	shalt  }
0x6a: {  	_ =	shalt  }
0x6b: {  	_ =	shalt  }
0x6c: {  	_ =	shalt  }
0x6d: {  	_ =	shalt  }
0x6e: {  	_ =	shalt  }
0x6f: {  	_ =	shalt  }
0x70: {  	_ =	shalt  }
0x71: {  	_ =	shalt  }
0x72: {  	_ =	shalt  }
0x73: {  	_ =	shalt  }
0x74: {  	_ =	shalt  }
0x75: {  	_ =	shalt  }
0x76: {  	_ =	shalt  }
0x77: {  	_ =	shalt  }
0x78: {  	_ =	shalt  }
0x79: {  	_ =	shalt  }
0x7a: {  	_ =	shalt  }
0x7b: {  	_ =	shalt  }
0x7c: {  	_ =	shalt  }
0x7d: {  	_ =	shalt  }
0x7e: {  	_ =	shalt  }
0x7f: {  	_ =	shalt  }
0x80: {  	_ =	shalt  }
0x81: {  	_ =	shalt  }
0x82: {  	_ =	shalt  }
0x83: {  	_ =	shalt  }
0x84: {  	_ =	shalt  }
0x85: {  	_ =	shalt  }
0x86: {  	_ =	shalt  }
0x87: {  	_ =	shalt  }
.Lfunc_end0:
.L_simem_size_0:
called_computation_lowered:
.L_overlay_start_0:
0x88: {  	s2 =	sld [smem:$0x3FD9]  }
0x89: {  	s3 =	sld [smem:$0x3FFE];
	_ =	sdelay $0x1  }
0x8a: {  	s1 =	srdreg.scid  }
0x8b: {  	s0 =	sand.u32 $0x1, s1  }
0x8c: {  	s15 =	sshll.u32 s0, $0xA;
	s2 =	sadd.s32 s3, s2  }
0x8d: {  	s2 =	sadd.s32 s2, s15  }
0x8e: {  	[smem:$0x3FAC] =	sst s2  }
0x8f: {  	_ = 	snop  }
0x90: {  	(tm) =	ssettm $0x1  }
0x91: {  	s16 =	sld [smem:$0x3FFB];
	_ =	sdelay $0x3  }
0x92: {  	_ =	strace s16  }
0x93: {  	s2 =	sld [smem:$0x3FFC];
	_ =	sdelay $0x3  }
0x94: {  	_ =	strace s2  }
0x95: {  	s2 =	sld [smem:$0x3FFD];
	_ =	sdelay $0x3  }
0x96: {  	_ =	strace s2  }
0x97: {  	_ =	strace $0x8FFFFFFF  }
0x98: {  	s17 =	sld [smem:$0x3FDB];
	_ =	sdelay $0x1  }
0x99: {  	s18 =	simm.s32 $_scs_section_size  }
0x9a: {  	s4 =	simm.s32 $_size__tile_overlayer_lowered;
	s5 =	simm.s32 $_tile_overlayer_lowered  }
0x9b: {  	s21 =	simm.s32 $0x1BFF;
	s20 =	sshll.u32 s5, $0x1;
	s2 =	sadd.s32 s18, s17  }
0x9c: {  	s6 =	simm.s32 $0x0;
	s19 =	sshll.u32 s4, $0x1;
	s4 =	sadd.s32 s20, s2  }
0x9d: {  	[timem:s6], [sflag:s21] =	dma.local [hbm:s4], s19  }
0x9e: {  	_ =	swait.ge [sflag:s21], s19  }
0x9f: {  	s3 =	ssub.s32 $0x0, s19;
	[sflag:s21] =	ssyncset.done $0x0  }
0xa0: {  	[sflag:s21] =	ssyncadd.s32 s3;
	_ =	sdelay $0x1  }
0xa1: {  	s22 =	simm.s32 $0x1B8B  }
0xa2: {  	_ =	swait.ge [sflag:s22], $0x1  }
0xa3: {  	[sflag:s22] =	ssyncset.done $0x0  }
0xa4: {  	s23 =	sld [smem:$0x3FFE];
	[sflag:s22] =	ssyncadd.s32 $0xFFFFFFFF  }
0xa5: {  	s25 =	simm.s32 $0x1B8E;
	s24 =	sld [smem:$0x0]  }
0xa6: {  	s26 =	simm.s32 $execute0_lowered;
	[smem:$0x3FD2] =	sst s25  }
0xa7: {  	s5 =	sshll.u32 s26, $0x1;
	_ =	strace $0x80000049;
	[dreg:$0x1] =	wrdreg $0xFFFFFFFF  }
0xa8: {  	s28 =	simm.s32 $_size_execute0_lowered;
	s2 =	sadd.s32 s2, s5;
	[dreg:$0x0] =	wrdreg $0x0  }
0xa9: {  	s5 =	sshll.u32 s28, $0x1;
	[dreg:$0x2] =	wrdreg s2  }
0xaa: {  	[dreg:$0x3] =	wrdreg s5  }
0xab: {  	[dreg:$0x4] =	wrdreg $0xC0  }
0xac: {  	_ =	task [dreg:s6], $0x5FFFF  }
0xad: {  	[dreg:$0x1] =	wrdreg $0xFFFFFFFF  }
0xae: {  	[dreg:$0x0] =	wrdreg $0x60  }
0xaf: {  	[dreg:$0x2] =	wrdreg s23  }
0xb0: {  	[dreg:$0x3] =	wrdreg s1  }
0xb1: {  	[dreg:$0x4] =	wrdreg s24  }
0xb2: {  	[dreg:$0x5] =	wrdreg $0x9  }
0xb3: {  	_ =	task.clear_ibuf [dreg:s6], $0x6FFFF;
	_ =	strace $0x90000049  }
0xb4: {  	s29 =	simm.s32 $0x9;
	_ =	strace $0x8000004B  }
0xb5: {  	_ =	swait.ge [sflag:s29], $0x1  }
0xb6: {  	[sflag:s29] =	ssyncadd.s32 $0xFFFFFFFF  }
0xb7: {  	_ =	strace $0x9000004B  }
0xb8: {  	_ =	sfence  }
0xb9: {  	s30 =	sld [smem:$0x0];
	_ =	sdelay $0x2  }
0xba: {  	s31 =	sshll.u32 s1, $0xD;
	s1 =	sshrl.u32 s1, $0x2  }
0xbb: {  	s3 =	sand.u32 $0x4000, s31;
	s1 =	sadd.s32 s1, s30  }
0xbc: {  	s0 =	sor.u32 s3, s0;
	s1 =	sshll.u32 s1, $0x11  }
0xbd: {  	s0 =	sor.u32 s1, s0  }
0xbe: {  	s0 =	sadd.s32 $0x8F2B, s0  }
0xbf: {  	[sflag:s0] =	ssyncadd.remote.s32 $0x1  }
0xc0: {  	_ =	sfence.sel $0xFFFF  }
0xc1: {  	[dreg:$0x0] =	wrdreg $0xFFFFFFFF;
	(pc) =	sbr.abs _section_cstart, $3  }
0xc2: {  	[dreg:$0x1] =	wrdreg $0xFFFFFFFF  }
0xc3: {  	_ =	task.clear_ibuf [dreg:s6], $0x2FFFF;
	_ =	strace $0x9FFFFFFF  }
0xc4: {  	(tm) =	ssettm $0x7FFFFFFF  }
0xc5: {  	_ =	shalt  }
tec
execute0_lowered:
.L_overlay_start_1:
0x0: {  	(tag) =	ssettag $0x1  }
0x1: {  	s2 =	rddreg [dreg:$0x0]  }
0x2: {  	s3 =	rddreg [dreg:$0x1];
	_ =	strace $0x8000004A;
	s0 =	simm.s32 $0x1  }
0x3: {  	s5 =	simm.s32 $0x208;
	v0 =	vimm.s32 $0x0;
	[sflag:s0] =	ssyncpa.u1 $0x0  }
0x4: {  	[tilespmem:s5+$0x70] =	vst v0  }
0x5: {  	[tilespmem:s5+$0x60] =	vst v0  }
0x6: {  	[tilespmem:s5+$0x50] =	vst v0  }
0x7: {  	[tilespmem:s5+$0x40] =	vst v0  }
0x8: {  	s1 =	sadd.s32 $0x78200, s2;
	[tilespmem:s5+$0x30] =	vst v0  }
0x9: {  	s0 =	sadd.s32 $0x18E2200, s2;
	s6 =	sadd.s32 $0x18EC200, s2;
	[tilespmem:s5+$0x20] =	vst v0  }
0xa: {  	s4 =	sadd.s32 $0x18E7200, s2;
	s10 =	sand.u32 $0x1, s3;
	s2 =	simm.s32 $0x40;
	[tilespmem:s5+$0x10] =	vst v0  }
.LBB2_1:
0xb: {  	s2 =	sadd.s32 $0x40, s2;
	[tilespmem:s5+$0x0] =	vst v0;
	s5 =	sadd.s32 $0x80, s5  }
0xc: {  	p0 =	slt.u32 s2, $0x3880;
	[tilespmem:s5+$0x70] =	vst v0  }
0xd: {  	[tilespmem:s5+$0x60] =	vst v0  }
.Ltmp0:
0xe: {  	[tilespmem:s5+$0x50] =	vst v0;
	(pc) =	sbr.rel @p0 .LBB2_1-.Ltmp0, $4  }
0xf: {  	[tilespmem:s5+$0x40] =	vst v0  }
0x10: {  	[tilespmem:s5+$0x30] =	vst v0  }
0x11: {  	[tilespmem:s5+$0x20] =	vst v0  }
0x12: {  	[tilespmem:s5+$0x10] =	vst v0  }
0x13: {  	s11 =	stileid.u32  }
0x14: {  	s2 =	smul.u32 $0x2C, s11  }
0x15: {  	s3 =	smin.u32 s11, $0xB  }
0x16: {  	s2 =	sadd.s32 s3, s2  }
0x17: {  	p0 =	slt.u32 s11, $0xB;
	s20 =	smul.u32 $0x70, s2;
	s2 =	simm.s32 $0x13B0  }
0x18: {  	s2 =	simm.s32 @!p0 $0x1340  }
0x19: {  	s2 =	sadd.s32 s2, s20  }
0x1a: {  	s8 =	smin.u32 s2, $0x13880  }
0x1b: {  	s26 =	simm.s32 $0x2;
	s2 =	ssub.s32 s8, s20  }
0x1c: {  	s9 =	simm.s32 $0x9;
	s29 =	simm.s32 $0xA;
	p0 =	sgt.s32 s2, $0x0  }
0x1d: {  	s30 =	simm.s32 $0xB;
	s31 =	smul.u32 $0x2710, s10;
	s2 =	simm.s32 @!p0 $0x0  }
0x1e: {  	[dreg:$0x4] =	wrdreg s10;
	s12 =	simm.s32 $0x1;
	s25 =	smulhi.u32 $0x92492493, s2  }
0x1f: {  	s24 =	simm.s32 $0x0;
	p1 =	por $0x0, $0x0;
	s18 =	simm.s32 $0x80  }
0x20: {  	s19 =	simm.s32 $0x400;
	s17 =	simm.s32 $0xC;
	s3 =	sshrl.u32 s25, $0x6  }
0x21: {  	s21 =	simm.s32 $0x0;
	s23 =	simm.s32 $0x0;
	s28 =	smul.u32 $0x70, s3  }
.Ltmp1:
0x22: {  	[tilespmem:s5+$0x0] =	vst v0;
	v0 =	vimm.s32 $0xFFFFFFFF;
	[sflag:s26] =	ssyncpa.u1 $0x0;
	s16 =	sshll.u32 s11, $0x9;
	(pc) =	sbr.rel .LBB2_3-.Ltmp1, $4  }
0x23: {  	[tilespmem:$0xE408] =	vst v0;
	[sflag:s9] =	ssyncpa.u1 $0x0;
	p0 =	sne.s32 s2, s28;
	s2 =	simm.s32 $0x1  }
0x24: {  	s14 =	sadd.s32 s31, s4;
	[sflag:s29] =	ssyncpa.u1 $0x0;
	s2 =	simm.s32 @!p0 $0x0  }
0x25: {  	s15 =	sadd.s32 s31, s0;
	[sflag:s30] =	ssyncpa.u1 $0x0;
	s13 =	sadd.s32 s2, s3  }
0x26: {  	v0 =	vlaneseq.u32;
	s22 =	smov.u32 s20;
	p0 =	por $0x1, $0x1;
	s11 =	sadd.s32 $0x1, s13  }
.LBB2_24:
0x27: {  	s2 =	sshrl.u32 s4, $0x2  }
.LBB2_26:
0x28: {  	_ =	swait.ge [sflag:s17], s2  }
0x29: {  	s31 =	ssub.s32 $0x0, s2;
	v1 =	vmov s26;
	vm0 =	veq.s32 v0, $0x0;
	[sflag:s17] =	ssyncset.done $0x0  }
0x2a: {  	vm15 =	veq.s32 v0, $0x2;
	v1 =	vsel vm0, s0, v1;
	[sflag:s17] =	ssyncadd.s32 s31  }
0x2b: {  	v1 =	vsel vm15, s24, v1;
	[sflag:s17] =	ssyncpa.u1 $0x1  }
0x2c: {  	[tilespmem:$0xE408] =	vst v1  }
.LBB2_27:
0x2d: {  	s0 =	sadd.s32 $0x70, s22  }
0x2e: {  	s2 =	smov.u32 s20;
	p2 =	slt.s32 s0, s8  }
0x2f: {  	s2 =	smov.u32 @p2 s0;
	p2 =	sne.s32 s23, s11  }
.Ltmp2:
0x30: {  	_ = 	snop;
	(pc) =	sbr.rel @!p2 .LBB2_28-.Ltmp2, $4  }
0x31: {  	_ = 	snop  }
0x32: {  	s24 =	smov.u32 s21  }
0x33: {  	s31 =	sadd.s32 $0x1, s23;
	s21 =	smov.u32 s22;
	p0 =	por !p0, !p0  }
0x34: {  	p1 =	por !p1, !p1;
	s23 =	smov.u32 s31;
	s22 =	smov.u32 s2  }
.LBB2_3:
0x35: {  	p2 =	sge.u32 s23, s13  }
0x36: {  	s0 =	smulhi.u32 @!p2 $0xAAAAAAAB, s23  }
0x37: {  	s2 =	smov.u32 s22;
	p3 =	sgt.s32 @!p2 s22, $0x13810  }
0x38: {  	s3 =	sshra.s32 @!p2 s22, $0x1F;
	p3 =	por !p3, p2;
	s0 =	sshrl.u32 @!p2 s0, $0x1  }
0x39: {  	s3 =	sand.u32 @!p2 s3, s22;
	s2 =	simm.s32 @p3 $0x13810;
	s0 =	smul.u32 @!p2 $0x3, s0  }
0x3a: {  	s2 =	ssub.s32 @!p2 s2, s3  }
0x3b: {  	s2 =	sadd.s32 @!p2 $0xFFFEC7F0, s2;
	s0 =	ssub.s32 @!p2 s23, s0  }
0x3c: {  	s3 =	sshll.u32 @!p2 s2, $0x2;
	p3 =	sgt.s32 @!p2 s2, $0x6F;
	s0 =	smul.u32 @!p2 $0x1C0, s0  }
0x3d: {  	s4 =	sand.u32 @!p2 $0x7, s22;
	s2 =	ssub.s32 @!p2 $0x1C0, s3;
	p3 =	por !p3, p2  }
0x3e: {  	s3 =	sshrl.u32 @!p2 s22, $0x3;
	s2 =	sshrl.u32 @!p2 s2, $0x2;
	s0 =	sshrl.u32 @!p2 s0, $0x2  }
0x3f: {  	s3 =	sadd.s32 @!p2 s3, s14;
	s2 =	simm.s32 @!p3 $0x0;
	s0 =	sadd.s32 @!p2 $0x10448, s0  }
0x40: {  	[tilespmem:s0], [sflag:$0xA] =	stream.linear.gather @!p2 [hbm4b:s3+s4], s2, $0x38;
	[tilespmem:$0x1E678] =	vst v63  }
0x41: {  	s2 =	sadd.s32 $0xFFFFFFFF, s23  }
0x42: {  	p2 =	sge.u32 s2, s13  }
0x43: {  	p3 =	sgt.s32 @!p2 s21, $0x13810  }
0x44: {  	s0 =	smov.u32 s21;
	s3 =	sshra.s32 @!p2 s21, $0x1F;
	p3 =	por !p3, p2  }
0x45: {  	s3 =	sand.u32 @!p2 s3, s21;
	s0 =	simm.s32 @p3 $0x13810  }
0x46: {  	s0 =	ssub.s32 @!p2 s0, s3  }
0x47: {  	s0 =	sadd.s32 @!p2 $0xFFFEC7F0, s0  }
0x48: {  	s3 =	sshll.u32 @!p2 s0, $0x2  }
0x49: {  	p3 =	sgt.s32 @!p2 s0, $0x6F;
	s0 =	ssub.s32 @!p2 $0x1C0, s3  }
0x4a: {  	p3 =	por !p3, p2;
	s0 =	sshrl.u32 @!p2 s0, $0x2  }
0x4b: {  	s4 =	simm.s32 @!p2 $0xA;
	s3 =	sand.u32 @!p2 $0x1, s2;
	s0 =	simm.s32 @!p3 $0x0  }
0x4c: {  	s3 =	smul.u32 @!p2 $0x1C0, s3;
	_ =	swait.ge @!p2 [sflag:s4], s0  }
0x4d: {  	s5 =	ssub.s32 @!p2 $0x0, s0;
	[sflag:s4] =	ssyncset.done @!p2 $0x0  }
0x4e: {  	s3 =	sshrl.u32 @!p2 s3, $0x2;
	[sflag:s4] =	ssyncadd.s32 @!p2 s5;
	s4 =	sshrl.u32 @!p2 s21, $0x3  }
0x4f: {  	s3 =	sadd.s32 @!p2 $0x10598, s3;
	s5 =	sand.u32 @!p2 $0x7, s21;
	s4 =	sadd.s32 @!p2 s4, s15  }
0x50: {  	[tilespmem:s3], [sflag:$0xB] =	stream.linear.gather @!p2 [hbm4b:s4+s5], s0, $0x38;
	[tilespmem:$0x1E678] =	vst v63  }
0x51: {  	s0 =	ssub.s32 @!p2 $0x13880, s21  }
0x52: {  	p3 =	slt.s32 @!p2 s0, $0x1  }
0x53: {  	p3 =	por p2, p3  }
.Ltmp3:
0x54: {  	_ = 	snop;
	(pc) =	sbr.rel @p3 .LBB2_9-.Ltmp3, $1  }
0x55: {  	_ =	sdelay $0x3  }
0x56: {  	s3 =	smulhi.u32 $0xAAAAAAAB, s2;
	_ =	sdelay $0x1  }
0x57: {  	s3 =	sshrl.u32 s3, $0x1  }
0x58: {  	s3 =	smul.u32 $0x3, s3;
	_ =	sdelay $0x1  }
0x59: {  	s30 =	ssub.s32 s2, s3  }
0x5a: {  	s4 =	simm.s32 $0x1;
	s2 =	smul.u32 $0x1C0, s30  }
.Ltmp4:
0x5b: {  	s4 =	simm.s32 @!p0 $0x0;
	(pc) =	sbr.rel .LBB2_6-.Ltmp4, $4  }
0x5c: {  	s31 =	smul.u32 $0x1C000, s4  }
0x5d: {  	p3 =	slt.s32 @!p2 s0, $0x70;
	s2 =	sshrl.u32 s2, $0x2  }
0x5e: {  	p2 =	por !p3, p2;
	s3 =	sshrl.u32 s31, $0x2;
	s5 =	sadd.s32 $0x10448, s2  }
0x5f: {  	s0 =	simm.s32 @p2 $0x70;
	s4 =	sor.u32 $0x10678, s3;
	s2 =	simm.s32 $0x0;
	v1 =	vmov s5  }
.LBB2_5:
0x60: {  	p2 =	sge.s32 s2, s0  }
.Ltmp5:
0x61: {  	_ = 	snop;
	(pc) =	sbr.rel @p2 .LBB2_9-.Ltmp5, $2  }
0x62: {  	_ =	sdelay $0x2  }
0x63: {  	s4 =	sadd.s32 $0x1000, s4  }
.LBB2_6:
0x64: {  	p2 =	sle.s32 s0, s2  }
.Ltmp6:
0x65: {  	_ = 	snop;
	(pc) =	sbr.rel @p2 .LBB2_5-.Ltmp6, $2  }
0x66: {  	_ =	sdelay $0x2  }
0x67: {  	s5 =	smov.u32 s2;
	s2 =	sadd.s32 $0x10, s2  }
0x68: {  	s3 =	ssub.s32 s0, s5  }
0x69: {  	p2 =	slt.s32 s3, $0x10  }
0x6a: {  	s3 =	simm.s32 @!p2 $0x10  }
0x6b: {  	v2 =	vmov s3  }
0x6c: {  	vm0 =	vgt.s32 v2, v0;
	_ =	sdelay $0x5  }
0x6d: {  	v2 =	vld.idx.msk [tilespmem:v1+s5+$0x0 ss:$0x1], vm0;
	_ =	sdelay $0x2  }
0x6e: {  	p2 =	slt.s32 s2, s0;
	s3 =	smov.u32 s0  }
0x6f: {  	s9 =	smov.u32 s4;
	s25 =	simm.s32 $0x0;
	s3 =	smov.u32 @p2 s2  }
.LBB2_8:
0x70: {  	(v2sf) =	vpush v2, s25;
	_ =	sdelay $0xe  }
0x71: {  	s25 =	sadd.s32 $0x1, s25;
	s10 =	spop (v2sf)  }
0x72: {  	s31 =	sadd.s32 s25, s5;
	s26 =	sshll.u32 s10, $0x8;
	s10 =	sshll.u32 s10, $0x7  }
0x73: {  	p2 =	slt.s32 s31, s3;
	s26 =	sand.u32 $0xFFFFF800, s26;
	s10 =	sand.u32 $0x380, s10  }
.Ltmp7:
0x74: {  	s10 =	sor.u32 s10, s26;
	(pc) =	sbr.rel @p2 .LBB2_8-.Ltmp7, $4  }
0x75: {  	s10 =	sshrl.u32 s10, $0x3  }
0x76: {  	s10 =	sadd.s32 s6, s10  }
0x77: {  	[tilespmem:s9], [sflag:$0x9] =	stream.strided.gather [hbm4b:s10+s18], $0x100, s19, s18, $0x38;
	[tilespmem:$0x1E678] =	vst v63  }
0x78: {  	s9 =	sadd.s32 $0x100, s9  }
.Ltmp8:
0x79: {  	_ = 	snop;
	(pc) =	sbr.rel .LBB2_5-.Ltmp8, $1  }
0x7a: {  	_ =	sdelay $0x3  }
.LBB2_9:
0x7b: {  	p2 =	slt.u32 s23, $0x2  }
.Ltmp9:
0x7c: {  	_ = 	snop;
	(pc) =	sbr.rel @p2 .LBB2_27-.Ltmp9, $1  }
0x7d: {  	_ =	sdelay $0x3  }
0x7e: {  	p2 =	sgt.s32 s24, $0x13810  }
0x7f: {  	s0 =	smov.u32 s24;
	s2 =	sshra.s32 s24, $0x1F;
	s3 =	ssub.s32 $0x13880, s24  }
0x80: {  	s0 =	simm.s32 @!p2 $0x13810;
	s2 =	sand.u32 s2, s24;
	p2 =	slt.s32 s3, $0x70  }
0x81: {  	s0 =	ssub.s32 s0, s2;
	s3 =	simm.s32 @!p2 $0x70  }
0x82: {  	s0 =	sadd.s32 $0xFFFEC7F0, s0;
	s9 =	sshll.u32 s3, $0x8  }
0x83: {  	s26 =	simm.s32 $0x9;
	s10 =	sshll.u32 s0, $0x2;
	s2 =	sand.u32 $0x3FFFFF00, s9  }
0x84: {  	p2 =	sgt.s32 s0, $0x6F;
	s25 =	ssub.s32 $0x1C0, s10;
	_ =	swait.ge [sflag:s26], s2  }
0x85: {  	s2 =	ssub.s32 $0x0, s2;
	[sflag:s26] =	ssyncset.done $0x0;
	s0 =	sshrl.u32 s25, $0x2  }
0x86: {  	s29 =	simm.s32 $0xB;
	[sflag:s26] =	ssyncadd.s32 s2;
	s0 =	simm.s32 @p2 $0x0  }
0x87: {  	_ =	swait.ge [sflag:s29], s0  }
0x88: {  	s0 =	ssub.s32 $0x0, s0;
	[sflag:s29] =	ssyncset.done $0x0  }
0x89: {  	[sflag:s29] =	ssyncadd.s32 s0  }
0x8a: {  	v1 =	vld [tilespmem:$0xE408];
	_ =	sdelay $0x4  }
0x8b: {  	(v2sf) =	vpush v1, $0x0  }
0x8c: {  	(v2sf) =	vpush v1, $0x1  }
0x8d: {  	(v2sf) =	vpush v1, $0x2;
	_ =	sdelay $0x3  }
0x8e: {  	s0 =	sadd.s32 $0x70, s24  }
0x8f: {  	s2 =	ssub.s32 $0x27100, s24;
	p2 =	slt.s32 s8, s0  }
0x90: {  	s0 =	smov.u32 @p2 s8;
	p2 =	sgt.s32 s2, $0x0  }
0x91: {  	s0 =	ssub.s32 s0, s24;
	s2 =	simm.s32 @!p2 $0x0  }
0x92: {  	p2 =	slt.s32 s2, s0  }
0x93: {  	s0 =	smov.u32 @p2 s2  }
0x94: {  	s4 =	simm.s32 $0x1;
	p2 =	slt.s32 s0, $0x1  }
.Ltmp10:
0x95: {  	s4 =	simm.s32 @!p1 $0x0;
	(pc) =	sbr.rel @p2 .LBB2_14-.Ltmp10, $4  }
0x96: {  	s30 =	smul.u32 $0x1C0, s4  }
0x97: {  	s5 =	spop (v2sf)  }
0x98: {  	s31 =	sshrl.u32 s30, $0x2;
	s28 =	spop (v2sf)  }
0x99: {  	s25 =	sadd.s32 $0x10598, s31;
	s24 =	spop (v2sf)  }
0x9a: {  	s2 =	smin.u32 s0, $0x10  }
0x9b: {  	v1 =	vmov s2  }
0x9c: {  	vm1 =	vgt.u32 v1, v0  }
0x9d: {  	p3 =	sgt.s32 s0, $0x10  }
.Ltmp11:
0x9e: {  	_ = 	snop;
	(pc) =	sbr.rel @!p3 .LBB2_13-.Ltmp11, $2  }
0x9f: {  	_ =	sdelay $0x2  }
0xa0: {  	s26 =	simm.s32 $0x10;
	s29 =	sadd.s32 $0xFFFFFFF0, s0;
	s2 =	smov.u32 s25;
	vm0 =	vmmov vm1;
	v1 =	vld.msk [tilespmem:s25+$0x0 ss:$0x1], vm1  }
.LBB2_12:
0xa1: {  	s3 =	smin.u32 s29, $0x10;
	s26 =	sadd.s32 $0x10, s26  }
0xa2: {  	v2 =	vmov s3;
	p3 =	slt.s32 s26, s0  }
0xa3: {  	vm1 =	vgt.u32 v2, v0;
	_ =	sdelay $0x1  }
0xa4: {  	v2 =	vshll.u32 v1, $0x5;
	v1 =	vshll.u32 v1, $0x4  }
.Ltmp12:
0xa5: {  	v2 =	vand.u32 $0xFFFFFF00, v2;
	v1 =	vand.u32 $0x70, v1;
	(pc) =	sbr.rel @p3 .LBB2_12-.Ltmp12, $4  }
0xa6: {  	v1 =	vor.u32 v1, v2  }
0xa7: {  	[tilespmem:s2+$0x0] =	vst.msk vm0, v1;
	s2 =	sadd.s32 $0x10, s2;
	vm0 =	vmmov vm1  }
0xa8: {  	v1 =	vld.msk [tilespmem:s2+$0x0 ss:$0x1], vm1  }
0xa9: {  	s29 =	sadd.s32 $0xFFFFFFF0, s29  }
.LBB2_13:
0xaa: {  	_ =	sdelay $0x3  }
0xab: {  	v2 =	vshll.u32 v1, $0x5;
	v1 =	vshll.u32 v1, $0x4  }
0xac: {  	v2 =	vand.u32 $0xFFFFFF00, v2;
	v1 =	vand.u32 $0x70, v1  }
0xad: {  	v1 =	vor.u32 v1, v2  }
0xae: {  	[tilespmem:s2+$0x0] =	vst.msk vm0, v1  }
.LBB2_14:
0xaf: {  	s2 =	sand.u32 $0x1, s23  }
0xb0: {  	s2 =	smul.u32 $0x70, s2  }
0xb1: {  	p3 =	sne.s32 s28, $0xFFFFFFFF  }
0xb2: {  	v1 =	vld.msk @!p3 [tilespmem:s2+$0x10598], $0x1;
	_ =	sdelay $0x4  }
0xb3: {  	(v2sf) =	vpush @!p3 v1, $0x0;
	_ =	sdelay $0xc  }
.Ltmp13:
0xb4: {  	_ = 	snop;
	(pc) =	sbr.rel @p2 .LBB2_25-.Ltmp13, $4  }
0xb5: {  	_ = 	snop  }
0xb6: {  	s31 =	spop @!p3 (v2sf)  }
0xb7: {  	s24 =	simm.s32 @!p3 $0x0;
	s26 =	smov.u32 s31  }
0xb8: {  	[sflag:s17] =	ssyncpa.u1 $0x0;
	s31 =	smov.u32 @p3 s5;
	s26 =	smov.u32 @p3 s28  }
0xb9: {  	v1 =	vld.msk [tilespmem:s25+$0x0], $0x1;
	_ =	sdelay $0x4  }
0xba: {  	(v2sf) =	vpush v1, $0x0;
	_ =	sdelay $0xe  }
0xbb: {  	s7 =	smov.u32 s11;
	s5 =	spop (v2sf)  }
0xbc: {  	s17 =	smov.u32 s15;
	s2 =	smul.u32 $0x1C000, s4;
	p2 =	seq.s32 s31, s5  }
0xbd: {  	s3 =	smov.u32 s31;
	s29 =	ssub.s32 $0x0, s0;
	p3 =	sgt.s32 @!p2 s31, $0x0  }
0xbe: {  	s30 =	simm.s32 $0x0;
	s2 =	sshrl.u32 s2, $0x2;
	p3 =	por !p3, p2  }
0xbf: {  	s0 =	sadd.s32 $0x1, s29;
	s28 =	sor.u32 $0x106F8, s2;
	s3 =	simm.s32 @p3 $0x0  }
0xc0: {  	s2 =	simm.s32 @!p2 $0x1;
	p3 =	seq.s32 s0, $0x0;
	s3 =	smin.u32 @!p2 s3, $0x4E170  }
.Ltmp14:
0xc1: {  	s4 =	simm.s32 @!p2 $0x7308;
	s9 =	sand.u32 @!p2 $0x7FFF8, s3;
	(pc) =	sbr.rel @p3 .LBB2_17-.Ltmp14, $4  }
0xc2: {  	s10 =	sadd.s32 @!p2 $0x80, s3;
	s11 =	sadd.s32 @!p2 s1, s9;
	s9 =	sand.u32 @!p2 $0x7, s3  }
0xc3: {  	[tilespmem:s4], [sflag:$0x2] =	stream.linear.gather @!p2 [hbm4b:s11+s9], $0x80, $0x38;
	[tilespmem:$0x1E678] =	vst v63  }
0xc4: {  	s15 =	smov.u32 s14;
	s2 =	smov.u32 @p2 s30;
	s4 =	sand.u32 @!p2 $0xFFFF8, s10  }
0xc5: {  	s3 =	simm.s32 @!p2 $0x7388;
	s10 =	sadd.s32 @!p2 s1, s4;
	s4 =	sadd.s32 $0x1, s25  }
.LBB2_16:
0xc6: {  	s11 =	smov.u32 s2  }
0xc7: {  	[tilespmem:s3], [sflag:$0x2] =	stream.linear.gather @!p2 [hbm4b:s10+s9], $0x80, $0x38;
	[tilespmem:$0x1E678] =	vst v63  }
0xc8: {  	s0 =	sadd.s32 $0x1, s0;
	s9 =	smov.u32 s5;
	v1 =	vld.msk [tilespmem:s4+$0x0], $0x1  }
0xc9: {  	p3 =	seq.s32 s0, $0x0;
	_ =	sdelay $0x3  }
0xca: {  	(v2sf) =	vpush v1, $0x0;
	_ =	sdelay $0xe  }
0xcb: {  	s5 =	spop (v2sf)  }
0xcc: {  	p2 =	seq.s32 s9, s5  }
0xcd: {  	p4 =	sgt.s32 @!p2 s9, $0x0;
	s3 =	sshll.u32 @!p2 s2, $0xA;
	s2 =	sadd.s32 @!p2 $0x1, s2  }
0xce: {  	p4 =	por !p4, p2;
	s3 =	sshra.s32 @!p2 s3, $0x2;
	s2 =	smov.u32 @p2 s11  }
0xcf: {  	s9 =	simm.s32 @p4 $0x0;
	s10 =	sadd.s32 @!p2 $0x7308, s3;
	s3 =	sadd.s32 @!p2 $0x7388, s3  }
.Ltmp15:
0xd0: {  	s9 =	smin.u32 @!p2 s9, $0x4E170;
	(pc) =	sbr.rel @!p3 .LBB2_16-.Ltmp15, $4  }
0xd1: {  	s11 =	sand.u32 @!p2 $0x7FFF8, s9;
	s14 =	sadd.s32 @!p2 $0x80, s9  }
0xd2: {  	s9 =	sand.u32 @!p2 $0x7, s9;
	s11 =	sadd.s32 @!p2 s1, s11;
	s14 =	sand.u32 @!p2 $0xFFFF8, s14  }
0xd3: {  	[tilespmem:s10], [sflag:$0x2] =	stream.linear.gather @!p2 [hbm4b:s11+s9], $0x80, $0x38;
	[tilespmem:$0x1E678] =	vst v63  }
0xd4: {  	s4 =	sadd.s32 $0x1, s4;
	s10 =	sadd.s32 @!p2 s1, s14  }
.LBB2_17:
0xd5: {  	[tilespmem:s3], [sflag:$0x2] =	stream.linear.gather @!p2 [hbm4b:s10+s9], $0x80, $0x38;
	[tilespmem:$0x1E678] =	vst v63  }
0xd6: {  	s0 =	sshll.u32 s2, $0x8  }
.Ltmp16:
0xd7: {  	s14 =	simm.s32 $0x2;
	s0 =	sand.u32 $0x3FFFFF00, s0;
	(pc) =	sbr.rel .LBB2_18-.Ltmp16, $4  }
0xd8: {  	_ =	swait.ge [sflag:s14], s0  }
0xd9: {  	s0 =	ssub.s32 $0x0, s0;
	[sflag:s14] =	ssyncset.done $0x0  }
0xda: {  	s4 =	simm.s32 $0x0;
	s11 =	smov.u32 s7;
	[sflag:s14] =	ssyncadd.s32 s0  }
0xdb: {  	s14 =	smov.u32 s15;
	s15 =	smov.u32 s17;
	s17 =	simm.s32 $0xC  }
.LBB2_19:
0xdc: {  	v1 =	vld [tilespmem:s28+$0xFFFFFF80];
	_ =	sdelay $0x4  }
0xdd: {  	[tilespmem:s5+$0x208] =	vst.add.f32.msk $0xffff, v1  }
0xde: {  	v1 =	vld [tilespmem:s28+$0xFFFFFF90];
	_ =	sdelay $0x4  }
0xdf: {  	[tilespmem:s5+$0x218] =	vst.add.f32.msk $0xffff, v1  }
0xe0: {  	v1 =	vld [tilespmem:s28+$0xFFFFFFA0];
	_ =	sdelay $0x4  }
0xe1: {  	[tilespmem:s5+$0x228] =	vst.add.f32.msk $0xffff, v1  }
0xe2: {  	v1 =	vld [tilespmem:s28+$0xFFFFFFB0];
	_ =	sdelay $0x4  }
0xe3: {  	[tilespmem:s5+$0x238] =	vst.add.f32.msk $0xffff, v1  }
0xe4: {  	v1 =	vld [tilespmem:s28+$0xFFFFFFC0];
	_ =	sdelay $0x4  }
0xe5: {  	[tilespmem:s5+$0x248] =	vst.add.f32.msk $0xffff, v1  }
0xe6: {  	v1 =	vld [tilespmem:s28+$0xFFFFFFD0];
	_ =	sdelay $0x4  }
0xe7: {  	[tilespmem:s5+$0x258] =	vst.add.f32.msk $0xffff, v1  }
0xe8: {  	v1 =	vld [tilespmem:s28+$0xFFFFFFE0];
	_ =	sdelay $0x4  }
0xe9: {  	[tilespmem:s5+$0x268] =	vst.add.f32.msk $0xffff, v1  }
0xea: {  	v1 =	vld [tilespmem:s28+$0xFFFFFFF0];
	_ =	sdelay $0x4  }
0xeb: {  	[tilespmem:s5+$0x278] =	vst.add.f32.msk $0xffff, v1  }
0xec: {  	v1 =	vld [tilespmem:s28+$0x0];
	_ =	sdelay $0x4  }
0xed: {  	[tilespmem:s5+$0x288] =	vst.add.f32.msk $0xffff, v1  }
0xee: {  	v1 =	vld [tilespmem:s28+$0x10];
	_ =	sdelay $0x4  }
0xef: {  	[tilespmem:s5+$0x298] =	vst.add.f32.msk $0xffff, v1  }
0xf0: {  	v1 =	vld [tilespmem:s28+$0x20];
	_ =	sdelay $0x4  }
0xf1: {  	[tilespmem:s5+$0x2A8] =	vst.add.f32.msk $0xffff, v1  }
0xf2: {  	v1 =	vld [tilespmem:s28+$0x30];
	_ =	sdelay $0x4  }
0xf3: {  	[tilespmem:s5+$0x2B8] =	vst.add.f32.msk $0xffff, v1  }
0xf4: {  	v1 =	vld [tilespmem:s28+$0x40];
	_ =	sdelay $0x4  }
0xf5: {  	[tilespmem:s5+$0x2C8] =	vst.add.f32.msk $0xffff, v1  }
0xf6: {  	v1 =	vld [tilespmem:s28+$0x50];
	_ =	sdelay $0x4  }
0xf7: {  	[tilespmem:s5+$0x2D8] =	vst.add.f32.msk $0xffff, v1  }
0xf8: {  	v1 =	vld [tilespmem:s28+$0x60];
	_ =	sdelay $0x4  }
0xf9: {  	[tilespmem:s5+$0x2E8] =	vst.add.f32.msk $0xffff, v1  }
0xfa: {  	v1 =	vld [tilespmem:s28+$0x70];
	_ =	sdelay $0x4  }
0xfb: {  	[tilespmem:s5+$0x2F8] =	vst.add.f32.msk $0xffff, v1  }
.LBB2_23:
0xfc: {  	s29 =	sadd.s32 $0x1, s29  }
0xfd: {  	p2 =	seq.s32 s29, $0x0  }
.Ltmp17:
0xfe: {  	_ = 	snop;
	(pc) =	sbr.rel @p2 .LBB2_24-.Ltmp17, $2  }
0xff: {  	_ =	sdelay $0x2  }
0x100: {  	s25 =	sadd.s32 $0x1, s25;
	s28 =	sadd.s32 $0x100, s28;
	s31 =	smov.u32 s0  }
.LBB2_18:
0x101: {  	v1 =	vld.msk [tilespmem:s25+$0x0], $0x1;
	_ =	sdelay $0x4  }
0x102: {  	(v2sf) =	vpush v1, $0x0;
	_ =	sdelay $0xe  }
0x103: {  	s0 =	spop (v2sf)  }
0x104: {  	p2 =	sne.s32 s31, s0  }
.Ltmp18:
0x105: {  	_ = 	snop;
	(pc) =	sbr.rel @!p2 .LBB2_19-.Ltmp18, $3  }
0x106: {  	_ =	sdelay $0x1  }
0x107: {  	s2 =	sshll.u32 s24, $0xA  }
0x108: {  	s5 =	sshra.s32 s2, $0x2  }
0x109: {  	p2 =	seq.s32 s31, s26  }
.Ltmp19:
0x10a: {  	_ = 	snop;
	(pc) =	sbr.rel @!p2 .LBB2_21-.Ltmp19, $1  }
0x10b: {  	_ =	sdelay $0x3  }
.Ltmp20:
0x10c: {  	s2 =	sadd.s32 $0x208, s5;
	(pc) =	sbr.rel .LBB2_22-.Ltmp20, $4  }
0x10d: {  	[spmem:s16] =	stream.linear.scatter [tilespmem:s2], [sflag:$0x1], $0x100, $0x38;
	[tilespmem:$0x1E678] =	vst v63  }
0x10e: {  	_ =	swait.ge [sflag:s12], $0x100  }
0x10f: {  	[sflag:s12] =	ssyncset.done $0x0  }
0x110: {  	[sflag:s12] =	ssyncadd.s32 $0xFFFFFF00  }
.LBB2_21:
0x111: {  	s2 =	sshll.u32 s30, $0xA  }
0x112: {  	s2 =	sshra.s32 s2, $0x2  }
0x113: {  	v1 =	vld [tilespmem:s2+$0x7308];
	_ =	sdelay $0x4  }
0x114: {  	[tilespmem:s5+$0x208] =	vst.add.f32.msk $0xffff, v1  }
0x115: {  	v1 =	vld [tilespmem:s2+$0x7318];
	_ =	sdelay $0x4  }
0x116: {  	[tilespmem:s5+$0x218] =	vst.add.f32.msk $0xffff, v1  }
0x117: {  	v1 =	vld [tilespmem:s2+$0x7328];
	_ =	sdelay $0x4  }
0x118: {  	[tilespmem:s5+$0x228] =	vst.add.f32.msk $0xffff, v1  }
0x119: {  	v1 =	vld [tilespmem:s2+$0x7338];
	_ =	sdelay $0x4  }
0x11a: {  	[tilespmem:s5+$0x238] =	vst.add.f32.msk $0xffff, v1  }
0x11b: {  	v1 =	vld [tilespmem:s2+$0x7348];
	_ =	sdelay $0x4  }
0x11c: {  	[tilespmem:s5+$0x248] =	vst.add.f32.msk $0xffff, v1  }
0x11d: {  	v1 =	vld [tilespmem:s2+$0x7358];
	_ =	sdelay $0x4  }
0x11e: {  	[tilespmem:s5+$0x258] =	vst.add.f32.msk $0xffff, v1  }
0x11f: {  	v1 =	vld [tilespmem:s2+$0x7368];
	_ =	sdelay $0x4  }
0x120: {  	[tilespmem:s5+$0x268] =	vst.add.f32.msk $0xffff, v1  }
0x121: {  	v1 =	vld [tilespmem:s2+$0x7378];
	_ =	sdelay $0x4  }
0x122: {  	[tilespmem:s5+$0x278] =	vst.add.f32.msk $0xffff, v1  }
0x123: {  	v1 =	vld [tilespmem:s2+$0x7388];
	_ =	sdelay $0x4  }
0x124: {  	[tilespmem:s5+$0x288] =	vst.add.f32.msk $0xffff, v1  }
0x125: {  	v1 =	vld [tilespmem:s2+$0x7398];
	_ =	sdelay $0x4  }
0x126: {  	[tilespmem:s5+$0x298] =	vst.add.f32.msk $0xffff, v1  }
0x127: {  	v1 =	vld [tilespmem:s2+$0x73A8];
	_ =	sdelay $0x4  }
0x128: {  	[tilespmem:s5+$0x2A8] =	vst.add.f32.msk $0xffff, v1  }
0x129: {  	v1 =	vld [tilespmem:s2+$0x73B8];
	_ =	sdelay $0x4  }
0x12a: {  	[tilespmem:s5+$0x2B8] =	vst.add.f32.msk $0xffff, v1  }
0x12b: {  	v1 =	vld [tilespmem:s2+$0x73C8];
	_ =	sdelay $0x4  }
0x12c: {  	[tilespmem:s5+$0x2C8] =	vst.add.f32.msk $0xffff, v1  }
0x12d: {  	v1 =	vld [tilespmem:s2+$0x73D8];
	_ =	sdelay $0x4  }
0x12e: {  	[tilespmem:s5+$0x2D8] =	vst.add.f32.msk $0xffff, v1  }
0x12f: {  	v1 =	vld [tilespmem:s2+$0x73E8];
	_ =	sdelay $0x4  }
0x130: {  	[tilespmem:s5+$0x2E8] =	vst.add.f32.msk $0xffff, v1  }
0x131: {  	v1 =	vld [tilespmem:s2+$0x73F8];
	_ =	sdelay $0x2  }
0x132: {  	p2 =	sgt.u32 s31, $0x4E170  }
0x133: {  	s2 =	sand.u32 @!p2 $0x7FFF8, s31  }
0x134: {  	s3 =	sadd.s32 $0x208, s5;
	s9 =	sand.u32 @!p2 $0x7, s31;
	s2 =	sadd.s32 @!p2 s1, s2;
	[tilespmem:s5+$0x2F8] =	vst.add.f32.msk $0xffff, v1  }
0x135: {  	[hbm4b:s2+s9] =	stream.linear.scatter @!p2 [tilespmem:s3], [sflag:$0xC], $0x80, $0x38;
	[tilespmem:$0x1E678] =	vst v63  }
0x136: {  	s2 =	sadd.s32 @!p2 $0x80, s31  }
0x137: {  	s2 =	sand.u32 @!p2 $0xFFFF8, s2  }
0x138: {  	s3 =	sadd.s32 $0x288, s5;
	s2 =	sadd.s32 @!p2 s1, s2  }
0x139: {  	[hbm4b:s2+s9] =	stream.linear.scatter @!p2 [tilespmem:s3], [sflag:$0xC], $0x80, $0x38;
	[tilespmem:$0x1E678] =	vst v63  }
0x13a: {  	s2 =	simm.s32 $0x0  }
0x13b: {  	s2 =	simm.s32 @!p2 $0x400  }
0x13c: {  	s4 =	sadd.s32 s2, s4  }
.LBB2_22:
0x13d: {  	s2 =	sadd.s32 $0x1, s24  }
0x13e: {  	s3 =	sshrl.u32 s2, $0x4  }
0x13f: {  	s3 =	smulhi.u32 $0x24924925, s3  }
0x140: {  	v1 =	vld [tilespmem:s28+$0xFFFFFF80]  }
0x141: {  	s3 =	smul.u32 $0x70, s3;
	_ =	sdelay $0x1  }
0x142: {  	s24 =	ssub.s32 s2, s3  }
0x143: {  	s2 =	sshll.u32 s24, $0x8  }
0x144: {  	[tilespmem:s2+$0x208] =	vst v1  }
0x145: {  	v1 =	vld [tilespmem:s28+$0xFFFFFF90];
	_ =	sdelay $0x4  }
0x146: {  	[tilespmem:s2+$0x218] =	vst v1  }
0x147: {  	v1 =	vld [tilespmem:s28+$0xFFFFFFA0];
	_ =	sdelay $0x4  }
0x148: {  	[tilespmem:s2+$0x228] =	vst v1  }
0x149: {  	v1 =	vld [tilespmem:s28+$0xFFFFFFB0];
	_ =	sdelay $0x4  }
0x14a: {  	[tilespmem:s2+$0x238] =	vst v1  }
0x14b: {  	v1 =	vld [tilespmem:s28+$0xFFFFFFC0];
	_ =	sdelay $0x4  }
0x14c: {  	[tilespmem:s2+$0x248] =	vst v1  }
0x14d: {  	v1 =	vld [tilespmem:s28+$0xFFFFFFD0];
	_ =	sdelay $0x4  }
0x14e: {  	[tilespmem:s2+$0x258] =	vst v1  }
0x14f: {  	v1 =	vld [tilespmem:s28+$0xFFFFFFE0];
	_ =	sdelay $0x4  }
0x150: {  	[tilespmem:s2+$0x268] =	vst v1  }
0x151: {  	v1 =	vld [tilespmem:s28+$0xFFFFFFF0];
	_ =	sdelay $0x4  }
0x152: {  	[tilespmem:s2+$0x278] =	vst v1  }
0x153: {  	v1 =	vld [tilespmem:s28+$0x0];
	_ =	sdelay $0x4  }
0x154: {  	[tilespmem:s2+$0x288] =	vst v1  }
0x155: {  	v1 =	vld [tilespmem:s28+$0x10];
	_ =	sdelay $0x4  }
0x156: {  	[tilespmem:s2+$0x298] =	vst v1  }
0x157: {  	v1 =	vld [tilespmem:s28+$0x20];
	_ =	sdelay $0x4  }
0x158: {  	[tilespmem:s2+$0x2A8] =	vst v1  }
0x159: {  	v1 =	vld [tilespmem:s28+$0x30];
	_ =	sdelay $0x4  }
0x15a: {  	[tilespmem:s2+$0x2B8] =	vst v1  }
0x15b: {  	v1 =	vld [tilespmem:s28+$0x40];
	_ =	sdelay $0x4  }
0x15c: {  	[tilespmem:s2+$0x2C8] =	vst v1  }
0x15d: {  	v1 =	vld [tilespmem:s28+$0x50];
	_ =	sdelay $0x4  }
0x15e: {  	[tilespmem:s2+$0x2D8] =	vst v1  }
0x15f: {  	v1 =	vld [tilespmem:s28+$0x60];
	_ =	sdelay $0x4  }
0x160: {  	[tilespmem:s2+$0x2E8] =	vst v1  }
0x161: {  	v1 =	vld [tilespmem:s28+$0x70]  }
.Ltmp21:
0x162: {  	_ = 	snop;
	(pc) =	sbr.rel .LBB2_23-.Ltmp21, $2  }
0x163: {  	_ =	sdelay $0x2  }
0x164: {  	s30 =	sadd.s32 $0x1, s30;
	[tilespmem:s2+$0x2F8] =	vst v1  }
.LBB2_25:
.Ltmp22:
0x165: {  	(pc) =	sbr.rel .LBB2_26-.Ltmp22, $4  }
0x166: {  	_ = 	snop  }
0x167: {  	s0 =	simm.s32 $0x2  }
0x168: {  	_ =	swait.ge [sflag:s0], $0x0  }
0x169: {  	s2 =	simm.s32 $0x0;
	[sflag:s0] =	ssyncset.done $0x0;
	s0 =	smov.u32 s31  }
.LBB2_28:
0x16a: {  	_ =	sfence.sel $0x180000  }
0x16b: {  	s0 =	simm.s32 $0x9;
	[bflag:$0x0] =	sbarrier.arrive $0xFFFF  }
0x16c: {  	s24 =	simm.s32 $0xA;
	[sflag:s0] =	ssyncpa.u1 $0x1  }
0x16d: {  	s25 =	simm.s32 $0xB;
	[sflag:s24] =	ssyncpa.u1 $0x1  }
0x16e: {  	s26 =	simm.s32 $0x2;
	[sflag:s25] =	ssyncpa.u1 $0x1  }
0x16f: {  	[sflag:s26] =	ssyncpa.u1 $0x1  }
0x170: {  	v0 =	vld [tilespmem:$0xE408];
	_ =	sdelay $0x4  }
0x171: {  	(v2sf) =	vpush v0, $0x0  }
0x172: {  	(v2sf) =	vpush v0, $0x1;
	_ =	sdelay $0x1  }
0x173: {  	(v2sf) =	vpush v0, $0x2;
	_ =	sdelay $0xb  }
0x174: {  	s0 =	spop (v2sf)  }
0x175: {  	s2 =	spop (v2sf)  }
0x176: {  	s3 =	smov.u32 s0;
	p0 =	sne.s32 s0, s2  }
0x177: {  	s4 =	spop (v2sf);
	s3 =	simm.s32 @!p0 $0xFFFFFFFF  }
0x178: {  	v2 =	vimm.s32 $0x1;
	v3 =	vlaneseq.u32;
	p0 =	seq.s32 s4, $0xFFFFFFFF;
	v1 =	vmov s3  }
0x179: {  	s15 =	stileid.u32;
	v0 =	vperm.xlane v0, v2;
	p1 =	sne.s32 @!p0 s0, s2;
	v1 =	vperm.xlane v1, v3  }
0x17a: {  	vm0 =	vcmask $0x3F04;
	s6 =	simm.s32 $0xE408;
	s0 =	simm.s32 @!p0 $0x1;
	p1 =	por !p1, p0  }
0x17b: {  	s3 =	sshll.u32 s15, $0x1;
	s2 =	sshll.u32 @!p0 s4, $0xA;
	s0 =	simm.s32 @p1 $0x0;
	v0 =	vsel vm0, v1, v0  }
0x17c: {  	s5 =	sor.u32 $0x2000, s3;
	s2 =	sshra.s32 @!p0 s2, $0x2;
	s0 =	sor.u32 @!p0 s0, s3;
	[tilespmem:$0xE408] =	vst v0  }
0x17d: {  	[spmem:s5] =	stream.linear.scatter [tilespmem:s6], [sflag:$0x1], $0x2, $0x38;
	[tilespmem:$0x1E678] =	vst v63  }
0x17e: {  	s2 =	sadd.s32 @!p0 $0x208, s2;
	s0 =	sshll.u32 @!p0 s0, $0x8  }
0x17f: {  	[spmem:s0] =	stream.linear.scatter @!p0 [tilespmem:s2], [sflag:$0x1], $0x100, $0x38;
	[tilespmem:$0x1E678] =	vst v63  }
0x180: {  	s0 =	simm.s32 @!p0 $0x102  }
0x181: {  	s28 =	simm.s32 $0x1;
	s0 =	simm.s32 @p0 $0x2  }
0x182: {  	_ =	swait.ge [sflag:s28], s0  }
0x183: {  	s0 =	ssub.s32 $0x0, s0;
	[sflag:s28] =	ssyncset.done $0x0  }
0x184: {  	p0 =	sne.s32 s15, $0x0;
	[sflag:s28] =	ssyncadd.s32 s0  }
.Ltmp23:
0x185: {  	_ =	sfence.stream.spmem;
	(pc) =	sbr.rel @p0 .LBB2_45-.Ltmp23, $4  }
0x186: {  	s29 =	simm.s32 $0x3;
	[bflag:$0x0] =	sbarrier.arrive $0xFFFF  }
0x187: {  	s30 =	simm.s32 $0x4;
	[sflag:s29] =	ssyncpa.u1 $0x1  }
0x188: {  	s31 =	simm.s32 $0x3C;
	[sflag:s30] =	ssyncpa.u1 $0x1  }
0x189: {  	s14 =	rddreg [dreg:$0x4];
	[sflag:s31] =	ssyncpa.u1 $0x1  }
0x18a: {  	_ =	sfence.stream.spmem;
	s0 =	simm.s32 $0x5  }
0x18b: {  	s2 =	simm.s32 $0x2000;
	s3 =	simm.s32 $0xE418;
	[sflag:s0] =	ssyncpa.u1 $0x0  }
0x18c: {  	[tilespmem:s3], [sflag:$0x5] =	stream.linear.gather [spmem:s2], $0x20, $0x38;
	[tilespmem:$0x1E678] =	vst v63  }
0x18d: {  	s26 =	simm.s32 $0x0;
	s28 =	simm.s32 $0xE438  }
0x18e: {  	[tilespmem:s28], [sflag:$0x5] =	stream.linear.gather [spmem:s26], $0x2000, $0x38;
	[tilespmem:$0x1E678] =	vst v63  }
0x18f: {  	_ =	swait.ge [sflag:s0], $0x2020  }
0x190: {  	[sflag:s0] =	ssyncset.done $0x0  }
0x191: {  	s29 =	simm.s32 $0x0;
	[sflag:s0] =	ssyncadd.s32 $0xFFFFDFE0  }
0x192: {  	v0 =	vld.msk [tilespmem:s29+$0xE418], $0x1;
	_ =	sdelay $0x1  }
0x193: {  	s30 =	simm.s32 $0x1  }
0x194: {  	v1 =	vld.msk [tilespmem:s30+$0xE418], $0x1;
	_ =	sdelay $0x1  }
0x195: {  	(v2sf) =	vpush v0, $0x0;
	_ =	sdelay $0x2  }
0x196: {  	(v2sf) =	vpush v1, $0x0;
	_ =	sdelay $0x2  }
0x197: {  	s31 =	simm.s32 $0x2  }
0x198: {  	v0 =	vld.msk [tilespmem:s31+$0xE418], $0x1;
	_ =	sdelay $0x2  }
0x199: {  	s2 =	simm.s32 $0xFFFFFFFF;
	s3 =	simm.s32 $0xFFFFFFFF;
	s0 =	simm.s32 $0xC  }
.LBB2_30:
0x19a: {  	s4 =	smov.u32 s3;
	s5 =	smov.u32 s2  }
0x19b: {  	s2 =	sshra.s32 s0, $0x2;
	p1 =	sne.s32 s0, $0x7C;
	s0 =	sadd.s32 $0x4, s0;
	(v2sf) =	vpush v0, $0x0  }
0x19c: {  	v0 =	vld.msk [tilespmem:s2+$0xE418], $0x1  }
.Ltmp24:
0x19d: {  	(pc) =	sbr.rel @p1 .LBB2_30-.Ltmp24, $4  }
0x19e: {  	s3 =	spop (v2sf)  }
0x19f: {  	p2 =	sne.s32 s5, $0xFFFFFFFF;
	s2 =	smov.u32 s3  }
0x1a0: {  	p3 =	seq.s32 s3, $0xFFFFFFFF;
	s2 =	smov.u32 @p2 s5  }
0x1a1: {  	s3 =	smov.u32 @p3 s4;
	s2 =	smov.u32 @p3 s5  }
0x1a2: {  	(v2sf) =	vpush v0, $0x0;
	_ =	sdelay $0x8  }
0x1a3: {  	s0 =	spop (v2sf)  }
0x1a4: {  	p1 =	sne.s32 s2, $0xFFFFFFFF;
	s9 =	simm.s32 $0x6;
	s4 =	smov.u32 s0  }
0x1a5: {  	s6 =	simm.s32 $0x0;
	p2 =	seq.s32 s0, $0xFFFFFFFF;
	s4 =	smov.u32 @p1 s2  }
0x1a6: {  	s10 =	simm.s32 $0xE308;
	s4 =	smov.u32 @p2 s2;
	s2 =	spop (v2sf)  }
0x1a7: {  	s0 =	smov.u32 @p2 s3;
	p1 =	sne.s32 s4, $0xFFFFFFFF;
	s5 =	smov.u32 s2  }
.Ltmp25:
0x1a8: {  	p2 =	seq.s32 s2, $0xFFFFFFFF;
	s5 =	smov.u32 @p1 s4;
	(pc) =	sbr.rel .LBB2_32-.Ltmp25, $4  }
0x1a9: {  	s11 =	simm.s32 $0xE388;
	s5 =	smov.u32 @p2 s4;
	s7 =	spop (v2sf)  }
0x1aa: {  	s12 =	simm.s32 $0x0;
	p1 =	sne.s32 s5, $0xFFFFFFFF;
	s8 =	smov.u32 s7  }
0x1ab: {  	s2 =	smov.u32 @p2 s0;
	p2 =	seq.s32 s7, $0xFFFFFFFF;
	s8 =	smov.u32 @p1 s5  }
0x1ac: {  	[sflag:s9] =	ssyncpa.u1 $0x0;
	s7 =	smov.u32 @p2 s2;
	s8 =	smov.u32 @p2 s5  }
.LBB2_38:
0x1ad: {  	p1 =	sgt.u32 s0, $0x4E170  }
0x1ae: {  	p2 =	seq.s32 @!p1 s0, s8  }
0x1af: {  	p1 =	por p1, p2  }
0x1b0: {  	p2 =	sne.s32 @!p1 s0, s7  }
0x1b1: {  	p1 =	por p1, !p2  }
0x1b2: {  	s0 =	sshll.u32 @p1 s12, $0xA  }
0x1b3: {  	s2 =	sand.u32 @!p1 $0x7FFF8, s0;
	s3 =	sand.u32 @!p1 $0x7, s0;
	s0 =	sadd.s32 @!p1 $0x80, s0  }
0x1b4: {  	s2 =	sadd.s32 @!p1 s1, s2;
	s0 =	sand.u32 @!p1 $0xFFFF8, s0  }
0x1b5: {  	[tilespmem:s10], [sflag:$0x6] =	stream.linear.gather @!p1 [hbm4b:s2+s3], $0x80, $0x38;
	[tilespmem:$0x1E678] =	vst v63  }
0x1b6: {  	s0 =	sadd.s32 @!p1 s1, s0  }
0x1b7: {  	[tilespmem:s11], [sflag:$0x6] =	stream.linear.gather @!p1 [hbm4b:s0+s3], $0x80, $0x38;
	[tilespmem:$0x1E678] =	vst v63  }
0x1b8: {  	_ =	swait.ge @!p1 [sflag:s9], $0x100  }
0x1b9: {  	[sflag:s9] =	ssyncset.done @!p1 $0x0  }
0x1ba: {  	[sflag:s9] =	ssyncadd.s32 @!p1 $0xFFFFFF00  }
0x1bb: {  	v1 =	vld @!p1 [tilespmem:$0xE308];
	_ =	sdelay $0x2  }
0x1bc: {  	s0 =	sshll.u32 @!p1 s12, $0xA  }
0x1bd: {  	s2 =	sshrl.u32 @!p1 s0, $0x2  }
0x1be: {  	[tilespmem:s2+$0xE438] =	vst.add.f32.msk @!p1 $0xffff, v1  }
0x1bf: {  	v1 =	vld @!p1 [tilespmem:$0xE318];
	_ =	sdelay $0x4  }
0x1c0: {  	[tilespmem:s2+$0xE448] =	vst.add.f32.msk @!p1 $0xffff, v1  }
0x1c1: {  	v1 =	vld @!p1 [tilespmem:$0xE328];
	_ =	sdelay $0x4  }
0x1c2: {  	[tilespmem:s2+$0xE458] =	vst.add.f32.msk @!p1 $0xffff, v1  }
0x1c3: {  	v1 =	vld @!p1 [tilespmem:$0xE338];
	_ =	sdelay $0x4  }
0x1c4: {  	[tilespmem:s2+$0xE468] =	vst.add.f32.msk @!p1 $0xffff, v1  }
0x1c5: {  	v1 =	vld @!p1 [tilespmem:$0xE348];
	_ =	sdelay $0x4  }
0x1c6: {  	[tilespmem:s2+$0xE478] =	vst.add.f32.msk @!p1 $0xffff, v1  }
0x1c7: {  	v1 =	vld @!p1 [tilespmem:$0xE358];
	_ =	sdelay $0x4  }
0x1c8: {  	[tilespmem:s2+$0xE488] =	vst.add.f32.msk @!p1 $0xffff, v1  }
0x1c9: {  	v1 =	vld @!p1 [tilespmem:$0xE368];
	_ =	sdelay $0x4  }
0x1ca: {  	[tilespmem:s2+$0xE498] =	vst.add.f32.msk @!p1 $0xffff, v1  }
0x1cb: {  	v1 =	vld @!p1 [tilespmem:$0xE378];
	_ =	sdelay $0x4  }
0x1cc: {  	[tilespmem:s2+$0xE4A8] =	vst.add.f32.msk @!p1 $0xffff, v1  }
0x1cd: {  	v1 =	vld @!p1 [tilespmem:$0xE388];
	_ =	sdelay $0x4  }
0x1ce: {  	[tilespmem:s2+$0xE4B8] =	vst.add.f32.msk @!p1 $0xffff, v1  }
0x1cf: {  	v1 =	vld @!p1 [tilespmem:$0xE398];
	_ =	sdelay $0x4  }
0x1d0: {  	[tilespmem:s2+$0xE4C8] =	vst.add.f32.msk @!p1 $0xffff, v1  }
0x1d1: {  	v1 =	vld @!p1 [tilespmem:$0xE3A8];
	_ =	sdelay $0x4  }
0x1d2: {  	[tilespmem:s2+$0xE4D8] =	vst.add.f32.msk @!p1 $0xffff, v1  }
0x1d3: {  	v1 =	vld @!p1 [tilespmem:$0xE3B8];
	_ =	sdelay $0x4  }
0x1d4: {  	[tilespmem:s2+$0xE4E8] =	vst.add.f32.msk @!p1 $0xffff, v1  }
0x1d5: {  	v1 =	vld @!p1 [tilespmem:$0xE3C8];
	_ =	sdelay $0x4  }
0x1d6: {  	[tilespmem:s2+$0xE4F8] =	vst.add.f32.msk @!p1 $0xffff, v1  }
0x1d7: {  	v1 =	vld @!p1 [tilespmem:$0xE3D8];
	_ =	sdelay $0x4  }
0x1d8: {  	[tilespmem:s2+$0xE508] =	vst.add.f32.msk @!p1 $0xffff, v1  }
0x1d9: {  	v1 =	vld @!p1 [tilespmem:$0xE3E8];
	_ =	sdelay $0x4  }
0x1da: {  	[tilespmem:s2+$0xE518] =	vst.add.f32.msk @!p1 $0xffff, v1  }
0x1db: {  	v1 =	vld @!p1 [tilespmem:$0xE3F8];
	_ =	sdelay $0x4  }
0x1dc: {  	[tilespmem:s2+$0xE528] =	vst.add.f32.msk @!p1 $0xffff, v1  }
0x1dd: {  	s0 =	sshrl.u32 s0, $0x2;
	[tilespmem:s6+$0xE418] =	vst.msk $0x1, v0  }
0x1de: {  	v0 =	vld [tilespmem:s0+$0xE438];
	_ =	sdelay $0x2  }
0x1df: {  	s31 =	sshll.u32 s6, $0xA  }
0x1e0: {  	s2 =	sshra.s32 s31, $0x2  }
0x1e1: {  	[tilespmem:s2+$0xE438] =	vst v0  }
0x1e2: {  	v0 =	vld [tilespmem:s0+$0xE448];
	_ =	sdelay $0x4  }
0x1e3: {  	[tilespmem:s2+$0xE448] =	vst v0  }
0x1e4: {  	v0 =	vld [tilespmem:s0+$0xE458];
	_ =	sdelay $0x4  }
0x1e5: {  	[tilespmem:s2+$0xE458] =	vst v0  }
0x1e6: {  	v0 =	vld [tilespmem:s0+$0xE468];
	_ =	sdelay $0x4  }
0x1e7: {  	[tilespmem:s2+$0xE468] =	vst v0  }
0x1e8: {  	v0 =	vld [tilespmem:s0+$0xE478];
	_ =	sdelay $0x4  }
0x1e9: {  	[tilespmem:s2+$0xE478] =	vst v0  }
0x1ea: {  	v0 =	vld [tilespmem:s0+$0xE488];
	_ =	sdelay $0x4  }
0x1eb: {  	[tilespmem:s2+$0xE488] =	vst v0  }
0x1ec: {  	v0 =	vld [tilespmem:s0+$0xE498];
	_ =	sdelay $0x4  }
0x1ed: {  	[tilespmem:s2+$0xE498] =	vst v0  }
0x1ee: {  	v0 =	vld [tilespmem:s0+$0xE4A8];
	_ =	sdelay $0x4  }
0x1ef: {  	[tilespmem:s2+$0xE4A8] =	vst v0  }
0x1f0: {  	v0 =	vld [tilespmem:s0+$0xE4B8];
	_ =	sdelay $0x4  }
0x1f1: {  	[tilespmem:s2+$0xE4B8] =	vst v0  }
0x1f2: {  	v0 =	vld [tilespmem:s0+$0xE4C8];
	_ =	sdelay $0x4  }
0x1f3: {  	[tilespmem:s2+$0xE4C8] =	vst v0  }
0x1f4: {  	v0 =	vld [tilespmem:s0+$0xE4D8];
	_ =	sdelay $0x4  }
0x1f5: {  	[tilespmem:s2+$0xE4D8] =	vst v0  }
0x1f6: {  	v0 =	vld [tilespmem:s0+$0xE4E8];
	_ =	sdelay $0x4  }
0x1f7: {  	[tilespmem:s2+$0xE4E8] =	vst v0  }
0x1f8: {  	v0 =	vld [tilespmem:s0+$0xE4F8];
	_ =	sdelay $0x4  }
0x1f9: {  	[tilespmem:s2+$0xE4F8] =	vst v0  }
0x1fa: {  	v0 =	vld [tilespmem:s0+$0xE508];
	_ =	sdelay $0x4  }
0x1fb: {  	[tilespmem:s2+$0xE508] =	vst v0  }
0x1fc: {  	v0 =	vld [tilespmem:s0+$0xE518];
	_ =	sdelay $0x4  }
0x1fd: {  	[tilespmem:s2+$0xE518] =	vst v0  }
0x1fe: {  	v0 =	vld [tilespmem:s0+$0xE528];
	_ =	sdelay $0x4  }
0x1ff: {  	s6 =	sadd.s32 $0x1, s6;
	[tilespmem:s2+$0xE528] =	vst v0  }
.LBB2_39:
0x200: {  	s12 =	sadd.s32 $0x1, s12  }
0x201: {  	p1 =	sne.s32 s12, $0x20  }
.Ltmp26:
0x202: {  	_ = 	snop;
	(pc) =	sbr.rel @!p1 .LBB2_40-.Ltmp26, $1  }
0x203: {  	_ =	sdelay $0x3  }
.LBB2_32:
0x204: {  	v0 =	vld.msk [tilespmem:s12+$0xE418], $0x1;
	_ =	sdelay $0x4  }
0x205: {  	(v2sf) =	vpush v0, $0x0;
	_ =	sdelay $0xe  }
0x206: {  	s0 =	spop (v2sf)  }
0x207: {  	p1 =	seq.s32 s0, $0xFFFFFFFF  }
.Ltmp27:
0x208: {  	_ = 	snop;
	(pc) =	sbr.rel @p1 .LBB2_39-.Ltmp27, $1  }
0x209: {  	_ =	sdelay $0x3  }
0x20a: {  	p1 =	slt.s32 s6, $0x1  }
.Ltmp28:
0x20b: {  	_ = 	snop;
	(pc) =	sbr.rel @p1 .LBB2_38-.Ltmp28, $1  }
0x20c: {  	_ =	sdelay $0x3  }
0x20d: {  	s4 =	simm.s32 $0xE418;
	p1 =	por $0x0, $0x0  }
0x20e: {  	v1 =	vld.msk @!p1 [tilespmem:s4+$0x0], $0x1;
	_ =	sdelay $0x4  }
0x20f: {  	(v2sf) =	vpush @!p1 v1, $0x0;
	_ =	sdelay $0xd  }
0x210: {  	p3 =	sne.s32 s6, $0x1  }
.Ltmp29:
0x211: {  	s2 =	spop @!p1 (v2sf);
	(pc) =	sbr.rel @!p3 .LBB2_36-.Ltmp29, $4  }
0x212: {  	p2 =	seq.s32 @!p1 s0, s2  }
0x213: {  	s5 =	simm.s32 $0x0;
	p2 =	por !p2, p1  }
0x214: {  	s2 =	simm.s32 $0xFFFFFFFF;
	s5 =	simm.s32 @p2 $0xFFFFFFFF  }
0x215: {  	s13 =	simm.s32 $0x1;
	s5 =	smov.u32 @p1 s2  }
.LBB2_35:
0x216: {  	s2 =	smov.u32 s5;
	p1 =	sne.s32 s5, $0xFFFFFFFF  }
0x217: {  	s4 =	sadd.s32 $0x1, s4;
	s5 =	smov.u32 s13;
	s13 =	sadd.s32 $0x1, s13  }
0x218: {  	p2 =	sne.s32 s6, s13;
	v1 =	vld.msk @!p1 [tilespmem:s4+$0x0], $0x1;
	_ =	sdelay $0x4  }
0x219: {  	(v2sf) =	vpush @!p1 v1, $0x0;
	_ =	sdelay $0xe  }
.Ltmp30:
0x21a: {  	s3 =	spop @!p1 (v2sf);
	(pc) =	sbr.rel @p2 .LBB2_35-.Ltmp30, $4  }
0x21b: {  	p3 =	seq.s32 @!p1 s0, s3  }
0x21c: {  	p3 =	por !p3, p1  }
0x21d: {  	s5 =	simm.s32 @p3 $0xFFFFFFFF  }
0x21e: {  	s5 =	smov.u32 @p1 s2  }
.LBB2_36:
0x21f: {  	p1 =	seq.s32 s5, $0xFFFFFFFF  }
.Ltmp31:
0x220: {  	_ = 	snop;
	(pc) =	sbr.rel @p1 .LBB2_38-.Ltmp31, $1  }
0x221: {  	_ =	sdelay $0x3  }
0x222: {  	s0 =	sshll.u32 s12, $0x8  }
0x223: {  	s0 =	sand.u32 $0x3FFFFF00, s0  }
0x224: {  	v0 =	vld [tilespmem:s0+$0xE438];
	_ =	sdelay $0x2  }
0x225: {  	s2 =	sshll.u32 s5, $0xA  }
0x226: {  	s2 =	sshra.s32 s2, $0x2  }
0x227: {  	[tilespmem:s2+$0xE438] =	vst.add.f32.msk $0xffff, v0  }
0x228: {  	v0 =	vld [tilespmem:s0+$0xE448];
	_ =	sdelay $0x4  }
0x229: {  	[tilespmem:s2+$0xE448] =	vst.add.f32.msk $0xffff, v0  }
0x22a: {  	v0 =	vld [tilespmem:s0+$0xE458];
	_ =	sdelay $0x4  }
0x22b: {  	[tilespmem:s2+$0xE458] =	vst.add.f32.msk $0xffff, v0  }
0x22c: {  	v0 =	vld [tilespmem:s0+$0xE468];
	_ =	sdelay $0x4  }
0x22d: {  	[tilespmem:s2+$0xE468] =	vst.add.f32.msk $0xffff, v0  }
0x22e: {  	v0 =	vld [tilespmem:s0+$0xE478];
	_ =	sdelay $0x4  }
0x22f: {  	[tilespmem:s2+$0xE478] =	vst.add.f32.msk $0xffff, v0  }
0x230: {  	v0 =	vld [tilespmem:s0+$0xE488];
	_ =	sdelay $0x4  }
0x231: {  	[tilespmem:s2+$0xE488] =	vst.add.f32.msk $0xffff, v0  }
0x232: {  	v0 =	vld [tilespmem:s0+$0xE498];
	_ =	sdelay $0x4  }
0x233: {  	[tilespmem:s2+$0xE498] =	vst.add.f32.msk $0xffff, v0  }
0x234: {  	v0 =	vld [tilespmem:s0+$0xE4A8];
	_ =	sdelay $0x4  }
0x235: {  	[tilespmem:s2+$0xE4A8] =	vst.add.f32.msk $0xffff, v0  }
0x236: {  	v0 =	vld [tilespmem:s0+$0xE4B8];
	_ =	sdelay $0x4  }
0x237: {  	[tilespmem:s2+$0xE4B8] =	vst.add.f32.msk $0xffff, v0  }
0x238: {  	v0 =	vld [tilespmem:s0+$0xE4C8];
	_ =	sdelay $0x4  }
0x239: {  	[tilespmem:s2+$0xE4C8] =	vst.add.f32.msk $0xffff, v0  }
0x23a: {  	v0 =	vld [tilespmem:s0+$0xE4D8];
	_ =	sdelay $0x4  }
0x23b: {  	[tilespmem:s2+$0xE4D8] =	vst.add.f32.msk $0xffff, v0  }
0x23c: {  	v0 =	vld [tilespmem:s0+$0xE4E8];
	_ =	sdelay $0x4  }
0x23d: {  	[tilespmem:s2+$0xE4E8] =	vst.add.f32.msk $0xffff, v0  }
0x23e: {  	v0 =	vld [tilespmem:s0+$0xE4F8];
	_ =	sdelay $0x4  }
0x23f: {  	[tilespmem:s2+$0xE4F8] =	vst.add.f32.msk $0xffff, v0  }
0x240: {  	v0 =	vld [tilespmem:s0+$0xE508];
	_ =	sdelay $0x4  }
0x241: {  	[tilespmem:s2+$0xE508] =	vst.add.f32.msk $0xffff, v0  }
0x242: {  	v0 =	vld [tilespmem:s0+$0xE518];
	_ =	sdelay $0x4  }
0x243: {  	[tilespmem:s2+$0xE518] =	vst.add.f32.msk $0xffff, v0  }
0x244: {  	v0 =	vld [tilespmem:s0+$0xE528]  }
.Ltmp32:
0x245: {  	_ = 	snop;
	(pc) =	sbr.rel .LBB2_39-.Ltmp32, $2  }
0x246: {  	_ =	sdelay $0x2  }
0x247: {  	[tilespmem:s2+$0xE528] =	vst.add.f32.msk $0xffff, v0  }
.LBB2_40:
0x248: {  	s0 =	simm.s32 $0x6;
	p1 =	seq.s32 s6, $0x0  }
0x249: {  	[sflag:s0] =	ssyncpa.u1 $0x1;
	v0 =	vimm.s32 @p1 $0xFFFFFFFF  }
0x24a: {  	s0 =	sadd.s32 $0xFFFFFFFF, s6;
	[tilespmem:$0x10438] =	vst @p1 v0  }
0x24b: {  	v0 =	vld.msk @!p1 [tilespmem:s0+$0xE418], $0x1;
	_ =	sdelay $0x1  }
0x24c: {  	v1 =	vld.msk @!p1 [tilespmem:$0xE418], $0x1;
	_ =	sdelay $0x2  }
0x24d: {  	p2 =	seq.s32 @!p1 s0, $0x0;
	v0 =	vbroadcast @!p1 v0, $0x0  }
0x24e: {  	vm0 =	vmmov @!p1 $0x1;
	p2 =	por !p2, p1  }
0x24f: {  	v1 =	vnsel @!p1 vm0, $0xFFFFFFFF, v1;
	vm0 =	vcmask @!p1 $0x308;
	v0 =	vpsel !p2, $0xFFFFFFFF, v0  }
0x250: {  	p2 =	sne.s32 @!p1 s8, s7;
	v0 =	vsel @!p1 vm0, v1, v0  }
0x251: {  	s2 =	simm.s32 @!p1 $0xE438;
	s3 =	simm.s32 @!p1 $0x0;
	p3 =	por !p2, p1;
	[tilespmem:$0x10438] =	vst @!p1 v0  }
0x252: {  	[spmem:s3] =	stream.linear.scatter @!p1 [tilespmem:s2], [sflag:$0x1], $0x100, $0x38;
	[tilespmem:$0x1E678] =	vst v63  }
0x253: {  	s2 =	sshll.u32 @!p3 s0, $0xA  }
0x254: {  	s2 =	sshra.s32 @!p3 s2, $0x2  }
0x255: {  	s3 =	simm.s32 @!p3 $0x100;
	s2 =	sadd.s32 @!p3 $0xE438, s2  }
0x256: {  	[spmem:s3] =	stream.linear.scatter @!p3 [tilespmem:s2], [sflag:$0x1], $0x100, $0x38;
	[tilespmem:$0x1E678] =	vst v63  }
0x257: {  	s2 =	simm.s32 @!p3 $0x1  }
0x258: {  	_ =	swait.ge @!p3 [sflag:s2], $0x200  }
0x259: {  	p1 =	por p2, p1;
	[sflag:s2] =	ssyncset.done @!p3 $0x0  }
0x25a: {  	[sflag:s2] =	ssyncadd.s32 @!p3 $0xFFFFFE00;
	s2 =	simm.s32 @!p1 $0x1  }
0x25b: {  	_ =	swait.ge @!p1 [sflag:s2], $0x100  }
0x25c: {  	s29 =	simm.s32 $0x10438;
	[sflag:s2] =	ssyncset.done @!p1 $0x0  }
0x25d: {  	s30 =	simm.s32 $0x2000;
	s31 =	simm.s32 $0x1;
	[sflag:s2] =	ssyncadd.s32 @!p1 $0xFFFFFF00  }
0x25e: {  	[spmem:s30] =	stream.linear.scatter [tilespmem:s29], [sflag:$0x1], $0x10, $0x38;
	[tilespmem:$0x1E678] =	vst v63  }
0x25f: {  	_ =	swait.ge [sflag:s31], $0x10  }
0x260: {  	[sflag:s31] =	ssyncset.done $0x0  }
0x261: {  	p1 =	seq.s32 s14, $0x0;
	s9 =	rddreg [dreg:$0x1];
	[sflag:s31] =	ssyncadd.s32 $0xFFFFFFF0  }
0x262: {  	s3 =	sshll.u32 @p1 s9, $0xE;
	s8 =	rddreg [dreg:$0x2]  }
0x263: {  	s2 =	sadd.s32 @p1 $0x15C3C, s3;
	s3 =	sshll.u32 @p1 s8, $0x11  }
0x264: {  	_ =	sfence.stream.spmem;
	s2 =	sor.u32 @p1 s3, s2  }
0x265: {  	[sflag:s2] =	ssyncadd.remote.s32 @p1 $0x1;
	s2 =	simm.s32 @p1 $0x4  }
0x266: {  	s4 =	simm.s32 @!p1 $0x3C;
	s3 =	sand.u32 $0xFFFFFFFE, s9;
	_ =	swait.ge @p1 [sflag:s2], $0x42  }
0x267: {  	s5 =	simm.s32 @!p1 $0x0;
	s3 =	sadd.s32 @!p1 $0x4, s3;
	[sflag:s2] =	ssyncset.done @p1 $0x0  }
0x268: {  	s7 =	simm.s32 @!p1 $0x200;
	[sflag:s2] =	ssyncadd.s32 @p1 $0xFFFFFFBE;
	s2 =	sshll.u32 @!p1 s3, $0x1A  }
0x269: {  	s3 =	sshll.u32 @!p1 s3, $0xD;
	s2 =	sor.u32 @!p1 s2, s8;
	_ =	swait.eq @!p1 [sflag:s4], $0x1  }
0x26a: {  	s3 =	sor.u32 @!p1 $0x1C04, s3;
	s4 =	simm.s32 @!p1 $0x1C03;
	s2 =	sor.u32 @!p1 $0x80004000, s2  }
0x26b: {  	[spmem:s7], [sflag:s3] =	dma.general @!p1 [spmem:s5], [sflag:s4], length:$0x40, [dreg:$0x0], stride_count:$0x0, ici_dest:s2, dma_misc:DstOpCode:WRITE  }
0x26c: {  	p2 =	slt.s32 s0, $0x2;
	s5 =	simm.s32 @!p1 $0x400;
	s7 =	simm.s32 @!p1 $0x402  }
0x26d: {  	[spmem:s7], [sflag:s3] =	dma.general @!p1 [spmem:s5], [sflag:s4], length:$0x2, [dreg:$0x0], stride_count:$0x0, ici_dest:s2, dma_misc:DstOpCode:WRITE  }
.Ltmp33:
0x26e: {  	s2 =	simm.s32 @!p1 $0x3;
	(pc) =	sbr.rel @p2 .LBB2_44-.Ltmp33, $4  }
0x26f: {  	s3 =	sshll.u32 @!p1 s9, $0xE;
	_ =	swait.ge @!p1 [sflag:s2], $0x42  }
0x270: {  	s4 =	sshll.u32 @!p1 s8, $0x11;
	s3 =	sadd.s32 @!p1 $0x11C3C, s3;
	[sflag:s2] =	ssyncset.done @!p1 $0x0  }
0x271: {  	[sflag:s2] =	ssyncadd.s32 @!p1 $0xFFFFFFBE;
	s2 =	sor.u32 @!p1 s4, s3  }
0x272: {  	s0 =	simm.s32 $0x0;
	[sflag:s2] =	ssyncadd.remote.s32 @!p1 $0xFFFFFFFF  }
0x273: {  	s0 =	simm.s32 $0xE419  }
0x274: {  	v0 =	vld.msk [tilespmem:s0+$0x0], $0x1;
	_ =	sdelay $0x4  }
0x275: {  	(v2sf) =	vpush v0, $0x0;
	_ =	sdelay $0xd  }
0x276: {  	s31 =	sadd.s32 $0xFFFFFFFE, s6  }
0x277: {  	s6 =	simm.s32 $0x0;
	s0 =	sadd.s32 $0xFFFFFFFF, s31;
	s2 =	spop (v2sf)  }
0x278: {  	s3 =	simm.s32 $0xE538;
	p1 =	sne.s32 s0, $0x0;
	p2 =	sgt.u32 s2, $0x4E170  }
.Ltmp34:
0x279: {  	s4 =	simm.s32 $0xE638;
	s5 =	sand.u32 @!p2 $0x7FFF8, s2;
	(pc) =	sbr.rel @!p1 .LBB2_43-.Ltmp34, $4  }
0x27a: {  	s7 =	sadd.s32 @!p2 $0x80, s2;
	s2 =	sand.u32 @!p2 $0x7, s2;
	s6 =	simm.s32 @!p2 $0x400  }
0x27b: {  	s5 =	sadd.s32 @!p2 s1, s5;
	s7 =	sand.u32 @!p2 $0xFFFF8, s7;
	s6 =	sadd.s32 $0x0, s6  }
0x27c: {  	[hbm4b:s5+s2] =	stream.linear.scatter @!p2 [tilespmem:s3], [sflag:$0x5], $0x80, $0x38;
	[tilespmem:$0x1E678] =	vst v63  }
0x27d: {  	s5 =	simm.s32 $0xE41A;
	s3 =	simm.s32 @!p2 $0xE5B8;
	s7 =	sadd.s32 @!p2 s1, s7  }
.LBB2_42:
0x27e: {  	[hbm4b:s7+s2] =	stream.linear.scatter @!p2 [tilespmem:s3], [sflag:$0x5], $0x80, $0x38;
	[tilespmem:$0x1E678] =	vst v63  }
0x27f: {  	s0 =	sadd.s32 $0xFFFFFFFF, s0;
	s3 =	smov.u32 s4;
	v0 =	vld.msk [tilespmem:s5+$0x0], $0x1  }
0x280: {  	p1 =	sne.s32 s0, $0x0;
	_ =	sdelay $0x3  }
0x281: {  	(v2sf) =	vpush v0, $0x0;
	_ =	sdelay $0xe  }
0x282: {  	s4 =	sadd.s32 $0x100, s4;
	s8 =	simm.s32 $0x0;
	s2 =	spop (v2sf)  }
.Ltmp35:
0x283: {  	s5 =	sadd.s32 $0x1, s5;
	p2 =	sgt.u32 s2, $0x4E170;
	(pc) =	sbr.rel @p1 .LBB2_42-.Ltmp35, $4  }
0x284: {  	s8 =	simm.s32 @!p2 $0x400;
	s7 =	sand.u32 @!p2 $0x7FFF8, s2;
	s9 =	sadd.s32 @!p2 $0x80, s2  }
0x285: {  	s2 =	sand.u32 @!p2 $0x7, s2;
	s7 =	sadd.s32 @!p2 s1, s7;
	s9 =	sand.u32 @!p2 $0xFFFF8, s9  }
0x286: {  	[hbm4b:s7+s2] =	stream.linear.scatter @!p2 [tilespmem:s3], [sflag:$0x5], $0x80, $0x38;
	[tilespmem:$0x1E678] =	vst v63  }
0x287: {  	s6 =	sadd.s32 s6, s8;
	s3 =	sadd.s32 @!p2 $0x80, s3;
	s7 =	sadd.s32 @!p2 s1, s9  }
.LBB2_43:
0x288: {  	[hbm4b:s7+s2] =	stream.linear.scatter @!p2 [tilespmem:s3], [sflag:$0x5], $0x80, $0x38;
	[tilespmem:$0x1E678] =	vst v63  }
0x289: {  	s0 =	sshrl.u32 s6, $0x2  }
.LBB2_44:
0x28a: {  	s2 =	simm.s32 $0x5  }
0x28b: {  	_ =	swait.ge [sflag:s2], s0  }
0x28c: {  	s31 =	ssub.s32 $0x0, s0;
	[sflag:s2] =	ssyncset.done $0x0  }
0x28d: {  	[sflag:s2] =	ssyncadd.s32 s31  }
0x28e: {  	[sflag:s2] =	ssyncpa.u1 $0x1  }
.LBB2_45:
0x28f: {  	s0 =	sor.u32 s14, s15  }
0x290: {  	p1 =	sne.s32 s0, $0x0  }
.Ltmp36:
0x291: {  	_ = 	snop;
	(pc) =	sbr.rel @p1 .LBB2_60-.Ltmp36, $3  }
0x292: {  	_ =	sdelay $0x1  }
0x293: {  	[bflag:$0x0] =	sbarrier.arrive $0xFFFF  }
0x294: {  	_ =	sfence  }
0x295: {  	s0 =	simm.s32 $0x7  }
0x296: {  	s2 =	simm.s32 $0x2000;
	s3 =	simm.s32 $0xE418;
	[sflag:s0] =	ssyncpa.u1 $0x0  }
0x297: {  	[tilespmem:s3], [sflag:$0x7] =	stream.linear.gather [spmem:s2], $0x20, $0x38;
	[tilespmem:$0x1E678] =	vst v63  }
0x298: {  	s30 =	simm.s32 $0xE438;
	s2 =	simm.s32 $0x0  }
0x299: {  	[tilespmem:s30], [sflag:$0x7] =	stream.linear.gather [spmem:s2], $0x2000, $0x38;
	[tilespmem:$0x1E678] =	vst v63  }
.Ltmp37:
0x29a: {  	_ = 	snop;
	(pc) =	sbr.rel .LBB2_47-.Ltmp37, $4  }
0x29b: {  	_ =	swait.ge [sflag:s0], $0x2020  }
0x29c: {  	[sflag:s0] =	ssyncset.done $0x0  }
0x29d: {  	s31 =	simm.s32 $0x8;
	[sflag:s0] =	ssyncadd.s32 $0xFFFFDFE0  }
0x29e: {  	s3 =	simm.s32 $0x0;
	[sflag:s31] =	ssyncpa.u1 $0x0  }
.LBB2_53:
0x29f: {  	p1 =	slt.u32 s0, $0x4E171  }
0x2a0: {  	s4 =	sand.u32 @p1 $0x7FFF8, s0;
	s5 =	sand.u32 @p1 $0x7, s0;
	s0 =	sadd.s32 @p1 $0x80, s0  }
0x2a1: {  	s6 =	simm.s32 @p1 $0xE308;
	s4 =	sadd.s32 @p1 s1, s4;
	s0 =	sand.u32 @p1 $0xFFFF8, s0  }
0x2a2: {  	[tilespmem:s6], [sflag:$0x8] =	stream.linear.gather @p1 [hbm4b:s4+s5], $0x80, $0x38;
	[tilespmem:$0x1E678] =	vst v63  }
0x2a3: {  	s0 =	sadd.s32 @p1 s1, s0;
	s4 =	simm.s32 @p1 $0xE388  }
0x2a4: {  	[tilespmem:s4], [sflag:$0x8] =	stream.linear.gather @p1 [hbm4b:s0+s5], $0x80, $0x38;
	[tilespmem:$0x1E678] =	vst v63  }
0x2a5: {  	s0 =	simm.s32 @p1 $0x8  }
0x2a6: {  	_ =	swait.ge @p1 [sflag:s0], $0x100  }
0x2a7: {  	[sflag:s0] =	ssyncset.done @p1 $0x0  }
0x2a8: {  	[sflag:s0] =	ssyncadd.s32 @p1 $0xFFFFFF00  }
0x2a9: {  	v1 =	vld @p1 [tilespmem:$0xE308];
	_ =	sdelay $0x2  }
0x2aa: {  	s0 =	sshll.u32 @p1 s3, $0xA  }
0x2ab: {  	s4 =	sshrl.u32 @p1 s0, $0x2  }
0x2ac: {  	[tilespmem:s4+$0xE438] =	vst.add.f32.msk @p1 $0xffff, v1  }
0x2ad: {  	v1 =	vld @p1 [tilespmem:$0xE318];
	_ =	sdelay $0x4  }
0x2ae: {  	[tilespmem:s4+$0xE448] =	vst.add.f32.msk @p1 $0xffff, v1  }
0x2af: {  	v1 =	vld @p1 [tilespmem:$0xE328];
	_ =	sdelay $0x4  }
0x2b0: {  	[tilespmem:s4+$0xE458] =	vst.add.f32.msk @p1 $0xffff, v1  }
0x2b1: {  	v1 =	vld @p1 [tilespmem:$0xE338];
	_ =	sdelay $0x4  }
0x2b2: {  	[tilespmem:s4+$0xE468] =	vst.add.f32.msk @p1 $0xffff, v1  }
0x2b3: {  	v1 =	vld @p1 [tilespmem:$0xE348];
	_ =	sdelay $0x4  }
0x2b4: {  	[tilespmem:s4+$0xE478] =	vst.add.f32.msk @p1 $0xffff, v1  }
0x2b5: {  	v1 =	vld @p1 [tilespmem:$0xE358];
	_ =	sdelay $0x4  }
0x2b6: {  	[tilespmem:s4+$0xE488] =	vst.add.f32.msk @p1 $0xffff, v1  }
0x2b7: {  	v1 =	vld @p1 [tilespmem:$0xE368];
	_ =	sdelay $0x4  }
0x2b8: {  	[tilespmem:s4+$0xE498] =	vst.add.f32.msk @p1 $0xffff, v1  }
0x2b9: {  	v1 =	vld @p1 [tilespmem:$0xE378];
	_ =	sdelay $0x4  }
0x2ba: {  	[tilespmem:s4+$0xE4A8] =	vst.add.f32.msk @p1 $0xffff, v1  }
0x2bb: {  	v1 =	vld @p1 [tilespmem:$0xE388];
	_ =	sdelay $0x4  }
0x2bc: {  	[tilespmem:s4+$0xE4B8] =	vst.add.f32.msk @p1 $0xffff, v1  }
0x2bd: {  	v1 =	vld @p1 [tilespmem:$0xE398];
	_ =	sdelay $0x4  }
0x2be: {  	[tilespmem:s4+$0xE4C8] =	vst.add.f32.msk @p1 $0xffff, v1  }
0x2bf: {  	v1 =	vld @p1 [tilespmem:$0xE3A8];
	_ =	sdelay $0x4  }
0x2c0: {  	[tilespmem:s4+$0xE4D8] =	vst.add.f32.msk @p1 $0xffff, v1  }
0x2c1: {  	v1 =	vld @p1 [tilespmem:$0xE3B8];
	_ =	sdelay $0x4  }
0x2c2: {  	[tilespmem:s4+$0xE4E8] =	vst.add.f32.msk @p1 $0xffff, v1  }
0x2c3: {  	v1 =	vld @p1 [tilespmem:$0xE3C8];
	_ =	sdelay $0x4  }
0x2c4: {  	[tilespmem:s4+$0xE4F8] =	vst.add.f32.msk @p1 $0xffff, v1  }
0x2c5: {  	v1 =	vld @p1 [tilespmem:$0xE3D8];
	_ =	sdelay $0x4  }
0x2c6: {  	[tilespmem:s4+$0xE508] =	vst.add.f32.msk @p1 $0xffff, v1  }
0x2c7: {  	v1 =	vld @p1 [tilespmem:$0xE3E8];
	_ =	sdelay $0x4  }
0x2c8: {  	[tilespmem:s4+$0xE518] =	vst.add.f32.msk @p1 $0xffff, v1  }
0x2c9: {  	v1 =	vld @p1 [tilespmem:$0xE3F8];
	_ =	sdelay $0x3  }
0x2ca: {  	s5 =	sshll.u32 @!p1 s3, $0xA  }
0x2cb: {  	s5 =	smov.u32 @p1 s0;
	[tilespmem:s4+$0xE528] =	vst.add.f32.msk @p1 $0xffff, v1  }
0x2cc: {  	s0 =	sshrl.u32 s5, $0x2;
	[tilespmem:s2+$0xE418] =	vst.msk $0x1, v0  }
0x2cd: {  	v0 =	vld [tilespmem:s0+$0xE438];
	_ =	sdelay $0x2  }
0x2ce: {  	s31 =	sshll.u32 s2, $0xA  }
0x2cf: {  	s4 =	sshra.s32 s31, $0x2  }
0x2d0: {  	[tilespmem:s4+$0xE438] =	vst v0  }
0x2d1: {  	v0 =	vld [tilespmem:s0+$0xE448];
	_ =	sdelay $0x4  }
0x2d2: {  	[tilespmem:s4+$0xE448] =	vst v0  }
0x2d3: {  	v0 =	vld [tilespmem:s0+$0xE458];
	_ =	sdelay $0x4  }
0x2d4: {  	[tilespmem:s4+$0xE458] =	vst v0  }
0x2d5: {  	v0 =	vld [tilespmem:s0+$0xE468];
	_ =	sdelay $0x4  }
0x2d6: {  	[tilespmem:s4+$0xE468] =	vst v0  }
0x2d7: {  	v0 =	vld [tilespmem:s0+$0xE478];
	_ =	sdelay $0x4  }
0x2d8: {  	[tilespmem:s4+$0xE478] =	vst v0  }
0x2d9: {  	v0 =	vld [tilespmem:s0+$0xE488];
	_ =	sdelay $0x4  }
0x2da: {  	[tilespmem:s4+$0xE488] =	vst v0  }
0x2db: {  	v0 =	vld [tilespmem:s0+$0xE498];
	_ =	sdelay $0x4  }
0x2dc: {  	[tilespmem:s4+$0xE498] =	vst v0  }
0x2dd: {  	v0 =	vld [tilespmem:s0+$0xE4A8];
	_ =	sdelay $0x4  }
0x2de: {  	[tilespmem:s4+$0xE4A8] =	vst v0  }
0x2df: {  	v0 =	vld [tilespmem:s0+$0xE4B8];
	_ =	sdelay $0x4  }
0x2e0: {  	[tilespmem:s4+$0xE4B8] =	vst v0  }
0x2e1: {  	v0 =	vld [tilespmem:s0+$0xE4C8];
	_ =	sdelay $0x4  }
0x2e2: {  	[tilespmem:s4+$0xE4C8] =	vst v0  }
0x2e3: {  	v0 =	vld [tilespmem:s0+$0xE4D8];
	_ =	sdelay $0x4  }
0x2e4: {  	[tilespmem:s4+$0xE4D8] =	vst v0  }
0x2e5: {  	v0 =	vld [tilespmem:s0+$0xE4E8];
	_ =	sdelay $0x4  }
0x2e6: {  	[tilespmem:s4+$0xE4E8] =	vst v0  }
0x2e7: {  	v0 =	vld [tilespmem:s0+$0xE4F8];
	_ =	sdelay $0x4  }
0x2e8: {  	[tilespmem:s4+$0xE4F8] =	vst v0  }
0x2e9: {  	v0 =	vld [tilespmem:s0+$0xE508];
	_ =	sdelay $0x4  }
0x2ea: {  	[tilespmem:s4+$0xE508] =	vst v0  }
0x2eb: {  	v0 =	vld [tilespmem:s0+$0xE518];
	_ =	sdelay $0x4  }
0x2ec: {  	[tilespmem:s4+$0xE518] =	vst v0  }
0x2ed: {  	v0 =	vld [tilespmem:s0+$0xE528];
	_ =	sdelay $0x4  }
0x2ee: {  	s2 =	sadd.s32 $0x1, s2;
	[tilespmem:s4+$0xE528] =	vst v0  }
.LBB2_54:
0x2ef: {  	s3 =	sadd.s32 $0x1, s3  }
0x2f0: {  	p1 =	sne.s32 s3, $0x20  }
.Ltmp38:
0x2f1: {  	_ = 	snop;
	(pc) =	sbr.rel @!p1 .LBB2_55-.Ltmp38, $1  }
0x2f2: {  	_ =	sdelay $0x3  }
.LBB2_47:
0x2f3: {  	v0 =	vld.msk [tilespmem:s3+$0xE418], $0x1;
	_ =	sdelay $0x4  }
0x2f4: {  	(v2sf) =	vpush v0, $0x0;
	_ =	sdelay $0xe  }
0x2f5: {  	s0 =	spop (v2sf)  }
0x2f6: {  	p1 =	seq.s32 s0, $0xFFFFFFFF  }
.Ltmp39:
0x2f7: {  	_ = 	snop;
	(pc) =	sbr.rel @p1 .LBB2_54-.Ltmp39, $1  }
0x2f8: {  	_ =	sdelay $0x3  }
0x2f9: {  	p1 =	slt.s32 s2, $0x1  }
.Ltmp40:
0x2fa: {  	_ = 	snop;
	(pc) =	sbr.rel @p1 .LBB2_53-.Ltmp40, $1  }
0x2fb: {  	_ =	sdelay $0x3  }
0x2fc: {  	s4 =	simm.s32 $0xE418;
	p1 =	por $0x0, $0x0  }
0x2fd: {  	v1 =	vld.msk @!p1 [tilespmem:s4+$0x0], $0x1;
	_ =	sdelay $0x4  }
0x2fe: {  	(v2sf) =	vpush @!p1 v1, $0x0;
	_ =	sdelay $0xd  }
0x2ff: {  	p3 =	sne.s32 s2, $0x1  }
.Ltmp41:
0x300: {  	s5 =	spop @!p1 (v2sf);
	(pc) =	sbr.rel @!p3 .LBB2_51-.Ltmp41, $4  }
0x301: {  	p2 =	seq.s32 @!p1 s0, s5  }
0x302: {  	s5 =	simm.s32 $0x0;
	p2 =	por !p2, p1  }
0x303: {  	s7 =	simm.s32 $0xFFFFFFFF;
	s5 =	simm.s32 @p2 $0xFFFFFFFF  }
0x304: {  	s6 =	simm.s32 $0x1;
	s5 =	smov.u32 @p1 s7  }
.LBB2_50:
0x305: {  	s7 =	smov.u32 s5;
	p1 =	sne.s32 s5, $0xFFFFFFFF  }
0x306: {  	s4 =	sadd.s32 $0x1, s4;
	s5 =	smov.u32 s6;
	s6 =	sadd.s32 $0x1, s6  }
0x307: {  	p2 =	sne.s32 s2, s6;
	v1 =	vld.msk @!p1 [tilespmem:s4+$0x0], $0x1;
	_ =	sdelay $0x4  }
0x308: {  	(v2sf) =	vpush @!p1 v1, $0x0;
	_ =	sdelay $0xe  }
.Ltmp42:
0x309: {  	s8 =	spop @!p1 (v2sf);
	(pc) =	sbr.rel @p2 .LBB2_50-.Ltmp42, $4  }
0x30a: {  	p3 =	seq.s32 @!p1 s0, s8  }
0x30b: {  	p3 =	por !p3, p1  }
0x30c: {  	s5 =	simm.s32 @p3 $0xFFFFFFFF  }
0x30d: {  	s5 =	smov.u32 @p1 s7  }
.LBB2_51:
0x30e: {  	p1 =	seq.s32 s5, $0xFFFFFFFF  }
.Ltmp43:
0x30f: {  	_ = 	snop;
	(pc) =	sbr.rel @p1 .LBB2_53-.Ltmp43, $1  }
0x310: {  	_ =	sdelay $0x3  }
0x311: {  	s0 =	sshll.u32 s3, $0x8  }
0x312: {  	s0 =	sand.u32 $0x3FFFFF00, s0  }
0x313: {  	v0 =	vld [tilespmem:s0+$0xE438];
	_ =	sdelay $0x2  }
0x314: {  	s4 =	sshll.u32 s5, $0xA  }
0x315: {  	s4 =	sshra.s32 s4, $0x2  }
0x316: {  	[tilespmem:s4+$0xE438] =	vst.add.f32.msk $0xffff, v0  }
0x317: {  	v0 =	vld [tilespmem:s0+$0xE448];
	_ =	sdelay $0x4  }
0x318: {  	[tilespmem:s4+$0xE448] =	vst.add.f32.msk $0xffff, v0  }
0x319: {  	v0 =	vld [tilespmem:s0+$0xE458];
	_ =	sdelay $0x4  }
0x31a: {  	[tilespmem:s4+$0xE458] =	vst.add.f32.msk $0xffff, v0  }
0x31b: {  	v0 =	vld [tilespmem:s0+$0xE468];
	_ =	sdelay $0x4  }
0x31c: {  	[tilespmem:s4+$0xE468] =	vst.add.f32.msk $0xffff, v0  }
0x31d: {  	v0 =	vld [tilespmem:s0+$0xE478];
	_ =	sdelay $0x4  }
0x31e: {  	[tilespmem:s4+$0xE478] =	vst.add.f32.msk $0xffff, v0  }
0x31f: {  	v0 =	vld [tilespmem:s0+$0xE488];
	_ =	sdelay $0x4  }
0x320: {  	[tilespmem:s4+$0xE488] =	vst.add.f32.msk $0xffff, v0  }
0x321: {  	v0 =	vld [tilespmem:s0+$0xE498];
	_ =	sdelay $0x4  }
0x322: {  	[tilespmem:s4+$0xE498] =	vst.add.f32.msk $0xffff, v0  }
0x323: {  	v0 =	vld [tilespmem:s0+$0xE4A8];
	_ =	sdelay $0x4  }
0x324: {  	[tilespmem:s4+$0xE4A8] =	vst.add.f32.msk $0xffff, v0  }
0x325: {  	v0 =	vld [tilespmem:s0+$0xE4B8];
	_ =	sdelay $0x4  }
0x326: {  	[tilespmem:s4+$0xE4B8] =	vst.add.f32.msk $0xffff, v0  }
0x327: {  	v0 =	vld [tilespmem:s0+$0xE4C8];
	_ =	sdelay $0x4  }
0x328: {  	[tilespmem:s4+$0xE4C8] =	vst.add.f32.msk $0xffff, v0  }
0x329: {  	v0 =	vld [tilespmem:s0+$0xE4D8];
	_ =	sdelay $0x4  }
0x32a: {  	[tilespmem:s4+$0xE4D8] =	vst.add.f32.msk $0xffff, v0  }
0x32b: {  	v0 =	vld [tilespmem:s0+$0xE4E8];
	_ =	sdelay $0x4  }
0x32c: {  	[tilespmem:s4+$0xE4E8] =	vst.add.f32.msk $0xffff, v0  }
0x32d: {  	v0 =	vld [tilespmem:s0+$0xE4F8];
	_ =	sdelay $0x4  }
0x32e: {  	[tilespmem:s4+$0xE4F8] =	vst.add.f32.msk $0xffff, v0  }
0x32f: {  	v0 =	vld [tilespmem:s0+$0xE508];
	_ =	sdelay $0x4  }
0x330: {  	[tilespmem:s4+$0xE508] =	vst.add.f32.msk $0xffff, v0  }
0x331: {  	v0 =	vld [tilespmem:s0+$0xE518];
	_ =	sdelay $0x4  }
0x332: {  	[tilespmem:s4+$0xE518] =	vst.add.f32.msk $0xffff, v0  }
0x333: {  	v0 =	vld [tilespmem:s0+$0xE528]  }
.Ltmp44:
0x334: {  	_ = 	snop;
	(pc) =	sbr.rel .LBB2_54-.Ltmp44, $2  }
0x335: {  	_ =	sdelay $0x2  }
0x336: {  	[tilespmem:s4+$0xE528] =	vst.add.f32.msk $0xffff, v0  }
.LBB2_55:
0x337: {  	p1 =	slt.s32 s2, $0x1  }
.Ltmp45:
0x338: {  	_ = 	snop;
	(pc) =	sbr.rel @p1 .LBB2_59-.Ltmp45, $3  }
0x339: {  	_ =	sdelay $0x1  }
0x33a: {  	s0 =	simm.s32 $0x8  }
0x33b: {  	s4 =	simm.s32 $0x0;
	[sflag:s0] =	ssyncpa.u1 $0x1  }
0x33c: {  	s0 =	simm.s32 $0xE418  }
0x33d: {  	v0 =	vld.msk [tilespmem:s0+$0x0], $0x1;
	_ =	sdelay $0x4  }
0x33e: {  	(v2sf) =	vpush v0, $0x0;
	_ =	sdelay $0xe  }
0x33f: {  	s0 =	sadd.s32 $0xFFFFFFFF, s2;
	s3 =	spop (v2sf)  }
0x340: {  	s6 =	simm.s32 $0xE438;
	p1 =	sne.s32 s0, $0x0;
	p2 =	sgt.u32 s3, $0x4E170  }
.Ltmp46:
0x341: {  	s2 =	simm.s32 $0xE538;
	s5 =	sand.u32 @!p2 $0x7FFF8, s3;
	(pc) =	sbr.rel @!p1 .LBB2_58-.Ltmp46, $4  }
0x342: {  	s7 =	sadd.s32 @!p2 $0x80, s3;
	s4 =	simm.s32 @!p2 $0x400;
	s8 =	sadd.s32 @!p2 s1, s5  }
0x343: {  	s5 =	sand.u32 @!p2 $0x7, s3;
	s3 =	simm.s32 $0xE419;
	s7 =	sand.u32 @!p2 $0xFFFF8, s7  }
0x344: {  	[hbm4b:s8+s5] =	stream.linear.scatter @!p2 [tilespmem:s6], [sflag:$0x7], $0x80, $0x38;
	[tilespmem:$0x1E678] =	vst v63  }
0x345: {  	s4 =	sadd.s32 $0x0, s4;
	s6 =	simm.s32 @!p2 $0xE4B8;
	s7 =	sadd.s32 @!p2 s1, s7  }
.LBB2_57:
0x346: {  	[hbm4b:s7+s5] =	stream.linear.scatter @!p2 [tilespmem:s6], [sflag:$0x7], $0x80, $0x38;
	[tilespmem:$0x1E678] =	vst v63  }
0x347: {  	s0 =	sadd.s32 $0xFFFFFFFF, s0;
	s6 =	smov.u32 s2;
	v0 =	vld.msk [tilespmem:s3+$0x0], $0x1  }
0x348: {  	p1 =	sne.s32 s0, $0x0;
	_ =	sdelay $0x3  }
0x349: {  	(v2sf) =	vpush v0, $0x0;
	_ =	sdelay $0xe  }
0x34a: {  	s2 =	sadd.s32 $0x100, s2;
	s8 =	simm.s32 $0x0;
	s5 =	spop (v2sf)  }
.Ltmp47:
0x34b: {  	s3 =	sadd.s32 $0x1, s3;
	p2 =	sgt.u32 s5, $0x4E170;
	(pc) =	sbr.rel @p1 .LBB2_57-.Ltmp47, $4  }
0x34c: {  	s8 =	simm.s32 @!p2 $0x400;
	s7 =	sand.u32 @!p2 $0x7FFF8, s5;
	s9 =	sadd.s32 @!p2 $0x80, s5  }
0x34d: {  	s5 =	sand.u32 @!p2 $0x7, s5;
	s7 =	sadd.s32 @!p2 s1, s7;
	s9 =	sand.u32 @!p2 $0xFFFF8, s9  }
0x34e: {  	[hbm4b:s7+s5] =	stream.linear.scatter @!p2 [tilespmem:s6], [sflag:$0x7], $0x80, $0x38;
	[tilespmem:$0x1E678] =	vst v63  }
0x34f: {  	s4 =	sadd.s32 s4, s8;
	s6 =	sadd.s32 @!p2 $0x80, s6;
	s7 =	sadd.s32 @!p2 s1, s9  }
.LBB2_58:
0x350: {  	[hbm4b:s7+s5] =	stream.linear.scatter @!p2 [tilespmem:s6], [sflag:$0x7], $0x80, $0x38;
	[tilespmem:$0x1E678] =	vst v63  }
0x351: {  	s4 =	sshrl.u32 s4, $0x2  }
.LBB2_59:
0x352: {  	s0 =	simm.s32 $0x7  }
0x353: {  	_ =	swait.ge [sflag:s0], s4  }
0x354: {  	s1 =	ssub.s32 $0x0, s4;
	[sflag:s0] =	ssyncset.done $0x0  }
0x355: {  	[sflag:s0] =	ssyncadd.s32 s1  }
0x356: {  	[sflag:s0] =	ssyncpa.u1 $0x1  }
.LBB2_60:
0x357: {  	_ =	sfence;
	s0 =	simm.s32 $0x1  }
0x358: {  	[sflag:s0] =	ssyncpa.u1 $0x1  }
0x359: {  	_ =	strace $0x9000004A  }
0x35a: {  	[bflag:$0x2] =	sbarrier.arrive $0xFFFF  }
0x35b: {  	s0 =	rddreg [dreg:$0x3]  }
0x35c: {  	s0 =	sadd.s32 @!p0 $0x100000, s0  }
0x35d: {  	[sflag:s0] =	ssyncadd.tile.s32 @!p0 $0x1;
	_ =	shalt  }
.Lfunc_end2:
_tile_overlayer_lowered:
.L_overlay_start_2:
0x35e: {  	(tag) =	ssettag $0x2  }
0x35f: {  	s0 =	rddreg [dreg:$0x0];
	s2 =	stileid.u32  }
0x360: {  	s1 =	rddreg [dreg:$0x1];
	p0 =	sne.s32 s2, $0x0  }
0x361: {  	s3 =	rddreg [dreg:$0x2];
	[bflag:$0x3] =	sbarrier.arrive $0xFFFF;
	s2 =	simm.s32 @!p0 $0x1C01  }
0x362: {  	[timem:s3], [sflag:s2] =	dma.local @!p0 [hbm:s0], s1  }
0x363: {  	s0 =	simm.s32 @!p0 $0x1  }
0x364: {  	_ =	swait.ge @!p0 [sflag:s0], s1  }
0x365: {  	s1 =	ssub.s32 @!p0 $0x0, s1;
	[sflag:s0] =	ssyncset.done @!p0 $0x0  }
0x366: {  	[sflag:s0] =	ssyncadd.s32 @!p0 s1  }
0x367: {  	[bflag:$0x3] =	sbarrier.arrive $0xFFFF  }
0x368: {  	_ =	shalt  }

// kernel: sparse-core-data-format-call.cloned.1.call-start
scs
called_computation.2_lowered:
.L_overlay_start_0:
0x0: {  	s2 =	sld [smem:$0x3FD9]  }
0x1: {  	s3 =	sld [smem:$0x3FFE];
	_ =	sdelay $0x1  }
0x2: {  	s1 =	srdreg.scid  }
0x3: {  	s0 =	sand.u32 $0x1, s1  }
0x4: {  	s16 =	sshll.u32 s0, $0xA;
	s2 =	sadd.s32 s3, s2  }
0x5: {  	s2 =	sadd.s32 s2, s16  }
0x6: {  	[smem:$0x3FAC] =	sst s2  }
0x7: {  	_ = 	snop  }
0x8: {  	s2 =	sld [smem:$0x3FD0];
	_ =	sdelay $0x2  }
0x9: {  	s17 =	simm.s32 $0xC;
	s4 =	simm.s32 $0x10  }
0xa: {  	[smem:s4], [sflag:s17] =	dma.local [hbm:s2], $0x1  }
0xb: {  	_ =	swait.eq [sflag:s17], $0x1  }
0xc: {  	[sflag:s17] =	ssyncset.done $0x0  }
0xd: {  	[sflag:s17] =	ssyncadd.s32 $0xFFFFFFFF  }
0xe: {  	s18 =	sld [smem:$0x13];
	(tm) =	ssettm $0x1  }
0xf: {  	s19 =	sld [smem:$0x3FFB];
	_ =	sdelay $0x3  }
0x10: {  	_ =	strace s19  }
0x11: {  	s2 =	sld [smem:$0x3FFC];
	_ =	sdelay $0x3  }
0x12: {  	_ =	strace s2  }
0x13: {  	s2 =	sld [smem:$0x3FFD];
	_ =	sdelay $0x3  }
0x14: {  	_ =	strace s2  }
0x15: {  	_ =	strace $0x8FFFFFFF  }
0x16: {  	s20 =	sld [smem:$0x3FDB];
	_ =	sdelay $0x1  }
0x17: {  	s21 =	simm.s32 $_scs_section_size  }
0x18: {  	s5 =	simm.s32 $_size__tile_overlayer_lowered;
	s6 =	simm.s32 $_tile_overlayer_lowered  }
0x19: {  	s7 =	simm.s32 $0x1BFF;
	s22 =	sshll.u32 s6, $0x1;
	s4 =	sadd.s32 s21, s20  }
0x1a: {  	s23 =	simm.s32 $0x0;
	s5 =	sshll.u32 s5, $0x1;
	s6 =	sadd.s32 s22, s4  }
0x1b: {  	[timem:s23], [sflag:s7] =	dma.local [hbm:s6], s5  }
0x1c: {  	_ =	swait.ge [sflag:s7], s5  }
0x1d: {  	s5 =	ssub.s32 $0x0, s5;
	[sflag:s7] =	ssyncset.done $0x0  }
0x1e: {  	[sflag:s7] =	ssyncadd.s32 s5;
	_ =	sdelay $0x1  }
0x1f: {  	s24 =	simm.s32 $0x1B8B  }
0x20: {  	_ =	swait.ge [sflag:s24], $0x1  }
0x21: {  	[sflag:s24] =	ssyncset.done $0x0  }
0x22: {  	[sflag:s24] =	ssyncadd.s32 $0xFFFFFFFF  }
0x23: {  	s5 =	sld [smem:$0x0]  }
0x24: {  	s6 =	sand.u32 $0xFFFFFFFE, s1  }
0x25: {  	p0 =	sne.s32 s1, s6  }
0x26: {  	s6 =	sshll.u32 @p0 s6, $0xE  }
0x27: {  	s6 =	sadd.s32 @p0 $0x11B8D, s6;
	s7 =	sshll.u32 @p0 s5, $0x11  }
0x28: {  	s6 =	sor.u32 @p0 s7, s6  }
0x29: {  	[sflag:s6] =	ssyncadd.remote.s32 @p0 $0x1;
	_ =	sdelay $0x1  }
0x2a: {  	s6 =	simm.s32 @p0 $0x1B8D  }
0x2b: {  	_ =	swait.eq @p0 [sflag:s6], $0x1  }
0x2c: {  	[sflag:s6] =	ssyncadd.s32 @p0 $0xFFFFFFFF  }
0x2d: {  	s7 =	sshll.u32 @!p0 s1, $0xE  }
0x2e: {  	s7 =	sor.u32 @!p0 $0x4000, s7;
	s6 =	simm.s32 @!p0 $0x1B8D  }
0x2f: {  	s5 =	sshll.u32 @!p0 s5, $0x11;
	s7 =	sadd.s32 @!p0 $0x11B8D, s7;
	_ =	swait.eq @!p0 [sflag:s6], $0x1  }
0x30: {  	s5 =	sor.u32 @!p0 s5, s7;
	[sflag:s6] =	ssyncadd.s32 @!p0 $0xFFFFFFFF  }
0x31: {  	s26 =	simm.s32 $0x1B8E;
	s25 =	sld [smem:$0x3FFE];
	[sflag:s5] =	ssyncadd.remote.s32 @!p0 $0x1  }
0x32: {  	s27 =	simm.s32 $execute0_lowered;
	[smem:$0x3FD2] =	sst s26  }
0x33: {  	s6 =	sshll.u32 s27, $0x1;
	_ =	strace $0x8000004F;
	[dreg:$0x1] =	wrdreg $0xFFFFFFFF  }
0x34: {  	s28 =	simm.s32 $_size_execute0_lowered;
	s4 =	sadd.s32 s4, s6;
	[dreg:$0x0] =	wrdreg $0x0  }
0x35: {  	s6 =	sshll.u32 s28, $0x1;
	[dreg:$0x2] =	wrdreg s4  }
0x36: {  	[dreg:$0x3] =	wrdreg s6  }
0x37: {  	[dreg:$0x4] =	wrdreg $0xC0  }
0x38: {  	_ =	task [dreg:s23], $0x5FFFF  }
0x39: {  	[dreg:$0x1] =	wrdreg $0xFFFFFFFF  }
0x3a: {  	[dreg:$0x0] =	wrdreg $0x60  }
0x3b: {  	[dreg:$0x2] =	wrdreg s25  }
0x3c: {  	[dreg:$0x3] =	wrdreg s18  }
0x3d: {  	[dreg:$0x4] =	wrdreg $0xB  }
0x3e: {  	_ =	task.clear_ibuf [dreg:s23], $0x5FFFF;
	_ =	strace $0x9000004F  }
0x3f: {  	s29 =	simm.s32 $0xB;
	_ =	strace $0x80000051  }
0x40: {  	_ =	swait.ge [sflag:s29], $0x1  }
0x41: {  	[sflag:s29] =	ssyncadd.s32 $0xFFFFFFFF  }
0x42: {  	_ =	strace $0x90000051  }
0x43: {  	_ =	sfence  }
0x44: {  	s30 =	sld [smem:$0x0];
	_ =	sdelay $0x2  }
0x45: {  	s31 =	sshll.u32 s1, $0xD;
	s1 =	sshrl.u32 s1, $0x2  }
0x46: {  	s4 =	sand.u32 $0x4000, s31;
	s1 =	sadd.s32 s1, s30  }
0x47: {  	s0 =	sor.u32 s4, s0;
	s1 =	sshll.u32 s1, $0x11  }
0x48: {  	s0 =	sor.u32 s1, s0  }
0x49: {  	s0 =	sadd.s32 $0x8F2B, s0  }
0x4a: {  	[sflag:s0] =	ssyncadd.remote.s32 $0x1  }
0x4b: {  	_ =	sfence.sel $0xFFFF  }
0x4c: {  	[dreg:$0x0] =	wrdreg $0xFFFFFFFF;
	(pc) =	sbr.abs _section_cstart, $3  }
0x4d: {  	[dreg:$0x1] =	wrdreg $0xFFFFFFFF  }
0x4e: {  	_ =	task.clear_ibuf [dreg:s23], $0x2FFFF;
	_ =	strace $0x9FFFFFFF  }
0x4f: {  	(tm) =	ssettm $0x7FFFFFFF  }
tec
execute0_lowered:
.L_overlay_start_1:
0x0: {  	(tag) =	ssettag $0x1  }
0x1: {  	s0 =	srdreg.scid  }
0x2: {  	s1 =	sshll.u32 s0, $0x4  }
0x3: {  	s0 =	stileid.u32;
	s1 =	sand.u32 $0x10, s1  }
0x4: {  	s6 =	rddreg [dreg:$0x0];
	s1 =	sor.u32 s0, s1  }
0x5: {  	s4 =	simm.s32 $0x1;
	s7 =	simm.s32 $0x2;
	s2 =	sshll.u32 s1, $0x7  }
0x6: {  	s14 =	simm.s32 $0x0;
	s12 =	simm.s32 $0x0;
	s1 =	ssub.s32 $0x27100, s2  }
0x7: {  	s13 =	simm.s32 $0x0;
	s9 =	simm.s32 $0x0;
	s3 =	sand.u32 $0xF80, s1  }
0x8: {  	s10 =	simm.s32 $0x0;
	s5 =	sshrl.u32 s1, $0xC;
	p0 =	sne.s32 s3, $0x0  }
.Ltmp0:
0x9: {  	s1 =	rddreg [dreg:$0x2];
	s4 =	simm.s32 @!p0 $0x0;
	(pc) =	sbr.rel .LBB1_1-.Ltmp0, $4  }
0xa: {  	s11 =	simm.s32 $0x0;
	s3 =	rddreg [dreg:$0x1];
	s5 =	sadd.s32 s4, s5  }
0xb: {  	_ =	strace $0x80000050;
	s4 =	simm.s32 $0x1;
	s5 =	smul.u32 $0x3, s5  }
0xc: {  	s6 =	sadd.s32 $0xC6400, s6;
	s8 =	smov.u32 s2;
	[sflag:s4] =	ssyncpa.u1 $0x0  }
0xd: {  	p0 =	por $0x0, $0x0;
	[sflag:s7] =	ssyncpa.u1 $0x0;
	s7 =	sadd.s32 $0x1, s5  }
.LBB1_4:
0xe: {  	s14 =	sshll.u32 s14, $0x7;
	s20 =	sshll.u32 s12, $0x3  }
0xf: {  	v5 =	vld [tilespmem:s18+$0xFFFFFFD0];
	[tilespmem:s17+$0x2040 ss:$0x81] =	vst.msk $0xffff, v4;
	s21 =	sand.u32 $0xFFFFFC00, s14;
	s20 =	sand.u32 $0xFFFFFC00, s20  }
0x10: {  	v58 =	vld [tilespmem:s18+$0xFFFFFFE0];
	[tilespmem:s17+$0x2850 ss:$0x81] =	vst.msk $0xffff, v2;
	s14 =	sand.u32 $0x380, s14;
	s20 =	sadd.s32 s20, s21  }
0x11: {  	s19 =	sshra.s32 s19, $0x2;
	v59 =	vld [tilespmem:s18+$0xFFFFFFF0];
	[tilespmem:s17+$0x3060 ss:$0x81] =	vst.msk $0xffff, v3;
	s14 =	sor.u32 s14, s20  }
0x12: {  	v60 =	vld [tilespmem:s18+$0x0];
	[tilespmem:s17+$0x0 ss:$0x81] =	vst.msk $0xffff, v0;
	s16 =	sadd.s32 s19, s16;
	s14 =	sshrl.u32 s14, $0x7  }
0x13: {  	v61 =	vld [tilespmem:s18+$0x10];
	[tilespmem:s16+$0x3870 ss:$0x81] =	vst.msk $0xffff, v1;
	s28 =	smulhi.u32 $0x1A36E2F, s14  }
0x14: {  	v62 =	vld [tilespmem:s18+$0x20];
	[tilespmem:s16+$0x810 ss:$0x81] =	vst.msk $0xffff, v5  }
0x15: {  	v63 =	vld [tilespmem:s18+$0xFFFFFFC0];
	s13 =	smul.u32 $0x271000, s13;
	[tilespmem:s16+$0x1020 ss:$0x81] =	vst.msk $0xffff, v58;
	s17 =	sshrl.u32 s28, $0xA  }
0x16: {  	[tilespmem:s16+$0x1830 ss:$0x81] =	vst.msk $0xffff, v59;
	s17 =	smul.u32 $0x27100, s17  }
0x17: {  	s29 =	sshrl.u32 s12, $0x3;
	[tilespmem:s16+$0x2040 ss:$0x81] =	vst.msk $0xffff, v60  }
0x18: {  	s30 =	sand.u32 $0xF, s29;
	s13 =	sadd.s32 s3, s13;
	[tilespmem:s16+$0x2850 ss:$0x81] =	vst.msk $0xffff, v61;
	s14 =	ssub.s32 s14, s17  }
0x19: {  	s13 =	sadd.s32 s30, s13;
	[tilespmem:s16+$0x3060 ss:$0x81] =	vst.msk $0xffff, v62;
	s14 =	sshll.u32 s14, $0x4  }
0x1a: {  	s31 =	sand.u32 $0x7, s12;
	[tilespmem:s16+$0x0 ss:$0x81] =	vst.msk $0xffff, v63;
	s13 =	sadd.s32 s14, s13  }
0x1b: {  	[hbm4b:s13+s31] =	stream.linear.scatter [tilespmem:s15], [sflag:$0x2], $0x4000, $0x20;
	[tilespmem:$0x10100] =	vst v63  }
.LBB1_5:
0x1c: {  	s15 =	sadd.s32 $0x1000, s8  }
0x1d: {  	s12 =	sadd.s32 $0x80, s9;
	s16 =	smov.u32 s9;
	p2 =	sgt.s32 s15, $0x270FF  }
0x1e: {  	s16 =	smov.u32 @p2 s12  }
0x1f: {  	s12 =	simm.s32 $0x1;
	p3 =	sgt.s32 s16, $0x7F  }
0x20: {  	s12 =	simm.s32 @!p3 $0x0  }
0x21: {  	s18 =	sadd.s32 s12, s10  }
0x22: {  	s15 =	smov.u32 @p2 s2;
	p2 =	sgt.s32 s18, $0x2  }
0x23: {  	p1 =	slt.u32 s11, $0x2;
	s18 =	simm.s32 @p2 $0x0;
	p2 =	sne.s32 s11, s7  }
.Ltmp1:
0x24: {  	s17 =	simm.s32 @!p1 $0x2;
	(pc) =	sbr.rel @!p2 .LBB1_6-.Ltmp1, $4  }
0x25: {  	s14 =	smov.u32 s8;
	s13 =	smov.u32 s10;
	_ =	swait.ge @!p1 [sflag:s17], $0x4000  }
0x26: {  	p0 =	por !p0, !p0;
	[sflag:s17] =	ssyncset.done @!p1 $0x0;
	s8 =	smov.u32 s15  }
0x27: {  	s16 =	simm.s32 @p3 $0x0;
	[sflag:s17] =	ssyncadd.s32 @!p1 $0xFFFFC000;
	s12 =	smov.u32 s9  }
0x28: {  	s9 =	smov.u32 s16;
	s11 =	sadd.s32 $0x1, s11;
	s10 =	smov.u32 s18  }
.LBB1_1:
0x29: {  	p1 =	sge.u32 s11, s5  }
0x2a: {  	s15 =	sshrl.u32 @!p1 s9, $0x3  }
0x2b: {  	s16 =	sshll.u32 @!p1 s8, $0x3;
	s15 =	smul.u32 @!p1 $0x138800, s15  }
0x2c: {  	s17 =	sshll.u32 @!p1 s9, $0x7;
	s16 =	sand.u32 @!p1 $0xFFFFFC00, s16  }
0x2d: {  	s15 =	sadd.s32 @!p1 s15, s16;
	s16 =	sand.u32 @!p1 $0x380, s17  }
0x2e: {  	s17 =	sand.u32 @!p1 $0x7F, s8;
	s15 =	sor.u32 @!p1 s16, s15  }
0x2f: {  	s16 =	sor.u32 @!p1 s17, s15  }
0x30: {  	s17 =	smulhi.u32 @!p1 $0xD1B71759, s16  }
0x31: {  	s15 =	smulhi.u32 @!p1 $0xD1B71759, s15  }
0x32: {  	s17 =	sshrl.u32 @!p1 s17, $0x11  }
0x33: {  	s31 =	sadd.s32 $0xFFFFFFFF, s11;
	s15 =	sshrl.u32 @!p1 s15, $0x11;
	s17 =	smul.u32 @!p1 $0x27100, s17  }
0x34: {  	s18 =	sxor.u32 @!p1 $0xFFFFFFFF, s11;
	s19 =	smul.u32 @!p1 $0x271000, s10;
	s15 =	sand.u32 @!p1 $0x7F, s15  }
0x35: {  	s18 =	sshll.u32 @!p1 s18, $0xE;
	s15 =	smul.u32 @!p1 $0x4E20, s15;
	s16 =	ssub.s32 @!p1 s16, s17  }
0x36: {  	s17 =	sand.u32 @!p1 $0x4000, s18;
	s18 =	sadd.s32 @!p1 s6, s19;
	s19 =	sand.u32 @!p1 $0x7, s16  }
0x37: {  	s16 =	sshrl.u32 @!p1 s16, $0x3;
	s15 =	sadd.s32 @!p1 s15, s18;
	s18 =	sshll.u32 @!p1 s19, $0x12  }
0x38: {  	s15 =	sadd.s32 @!p1 s16, s15;
	s16 =	sor.u32 @!p1 $0x400, s18;
	s18 =	simm.s32 @!p1 $0x138800  }
0x39: {  	[tilespmem:s17], [sflag:$0x1] =	stream.strided.gather @!p1 [hbm4b:s15+s16], $0x4000, s18, s16, $0x38;
	[tilespmem:$0x10100] =	vst v63  }
0x3a: {  	p1 =	sge.u32 s31, s5  }
.Ltmp2:
0x3b: {  	_ = 	snop;
	(pc) =	sbr.rel @p1 .LBB1_5-.Ltmp2, $1  }
0x3c: {  	_ =	sdelay $0x3  }
0x3d: {  	s15 =	simm.s32 $0x1  }
0x3e: {  	_ =	swait.ge [sflag:s4], $0x4000;
	s15 =	simm.s32 @!p0 $0x0  }
0x3f: {  	[sflag:s4] =	ssyncset.done $0x0;
	s16 =	sshll.u32 s15, $0xE  }
0x40: {  	[sflag:s4] =	ssyncadd.s32 $0xFFFFC000;
	s18 =	sor.u32 $0x40, s16  }
0x41: {  	s15 =	smul.u32 $0x10200, s15;
	v0 =	vld [tilespmem:s18+$0x30]  }
0x42: {  	v1 =	vld [tilespmem:s18+$0xFFFFFFD0]  }
0x43: {  	s15 =	sshrl.u32 s15, $0x2;
	v5 =	vld [tilespmem:s18+$0xFFFFFFE0]  }
0x44: {  	v6 =	vld [tilespmem:s18+$0xFFFFFFF0];
	s16 =	sor.u32 $0x8000, s15  }
0x45: {  	s31 =	sand.u32 $0x1, s11;
	v4 =	vld [tilespmem:s18+$0x0];
	s17 =	sadd.s32 $0x0, s16  }
0x46: {  	v2 =	vld [tilespmem:s18+$0x10];
	s15 =	smul.u32 $0x10200, s31;
	[tilespmem:s17+$0x3870 ss:$0x81] =	vst.msk $0xffff, v0  }
0x47: {  	v3 =	vld [tilespmem:s18+$0x20];
	[tilespmem:s17+$0x810 ss:$0x81] =	vst.msk $0xffff, v1  }
0x48: {  	s15 =	sshrl.u32 s15, $0x2;
	v0 =	vld [tilespmem:s18+$0xFFFFFFC0];
	[tilespmem:s17+$0x1020 ss:$0x81] =	vst.msk $0xffff, v5;
	s18 =	sadd.s32 $0x80, s18  }
0x49: {  	s19 =	simm.s32 $0x4;
	s20 =	simm.s32 $0x8;
	s15 =	sor.u32 $0x8000, s15;
	[tilespmem:s17+$0x1830 ss:$0x81] =	vst.msk $0xffff, v6;
	v1 =	vld [tilespmem:s18+$0x30]  }
.LBB1_3:
0x4a: {  	p1 =	sne.s32 s20, $0x1FC;
	v5 =	vld [tilespmem:s18+$0xFFFFFFD0];
	[tilespmem:s17+$0x2040 ss:$0x81] =	vst.msk $0xffff, v4  }
0x4b: {  	v6 =	vld [tilespmem:s18+$0xFFFFFFE0];
	[tilespmem:s17+$0x2850 ss:$0x81] =	vst.msk $0xffff, v2  }
0x4c: {  	s21 =	sshra.s32 s19, $0x2;
	s19 =	smov.u32 s20;
	v7 =	vld [tilespmem:s18+$0xFFFFFFF0];
	[tilespmem:s17+$0x3060 ss:$0x81] =	vst.msk $0xffff, v3  }
.Ltmp3:
0x4d: {  	v4 =	vld [tilespmem:s18+$0x0];
	[tilespmem:s17+$0x0 ss:$0x81] =	vst.msk $0xffff, v0;
	s17 =	sadd.s32 s21, s16;
	(pc) =	sbr.rel @p1 .LBB1_3-.Ltmp3, $4  }
0x4e: {  	v2 =	vld [tilespmem:s18+$0x10];
	[tilespmem:s17+$0x3870 ss:$0x81] =	vst.msk $0xffff, v1  }
0x4f: {  	[tilespmem:s17+$0x810 ss:$0x81] =	vst.msk $0xffff, v5;
	v3 =	vld [tilespmem:s18+$0x20]  }
0x50: {  	v0 =	vld [tilespmem:s18+$0xFFFFFFC0];
	[tilespmem:s17+$0x1020 ss:$0x81] =	vst.msk $0xffff, v6;
	s18 =	sadd.s32 $0x80, s18  }
0x51: {  	s20 =	sadd.s32 $0x4, s20;
	v1 =	vld [tilespmem:s18+$0x30];
	[tilespmem:s17+$0x1830 ss:$0x81] =	vst.msk $0xffff, v7  }
.Ltmp4:
0x52: {  	_ = 	snop;
	(pc) =	sbr.rel .LBB1_4-.Ltmp4, $1  }
0x53: {  	_ =	sdelay $0x3  }
.LBB1_6:
0x54: {  	_ =	sfence.sel $0x180000  }
0x55: {  	s2 =	simm.s32 $0x1;
	[bflag:$0x0] =	sbarrier.arrive $0xFFFF  }
0x56: {  	s31 =	simm.s32 $0x2;
	[sflag:s2] =	ssyncpa.u1 $0x1  }
0x57: {  	[sflag:s31] =	ssyncpa.u1 $0x1  }
0x58: {  	p0 =	sne.s32 s0, $0x0;
	_ =	strace $0x90000050  }
0x59: {  	s0 =	sadd.s32 @!p0 $0x100000, s1;
	[bflag:$0x2] =	sbarrier.arrive $0xFFFF  }
0x5a: {  	[sflag:s0] =	ssyncadd.tile.s32 @!p0 $0x1;
	_ =	shalt  }
.Lfunc_end1:
_tile_overlayer_lowered:
.L_overlay_start_2:
0x5b: {  	(tag) =	ssettag $0x2  }
0x5c: {  	s0 =	rddreg [dreg:$0x0];
	s2 =	stileid.u32  }
0x5d: {  	s1 =	rddreg [dreg:$0x1];
	p0 =	sne.s32 s2, $0x0  }
0x5e: {  	s3 =	rddreg [dreg:$0x2];
	[bflag:$0x3] =	sbarrier.arrive $0xFFFF;
	s2 =	simm.s32 @!p0 $0x1C01  }
0x5f: {  	[timem:s3], [sflag:s2] =	dma.local @!p0 [hbm:s0], s1  }
0x60: {  	s0 =	simm.s32 @!p0 $0x1  }
0x61: {  	_ =	swait.ge @!p0 [sflag:s0], s1  }
0x62: {  	s1 =	ssub.s32 @!p0 $0x0, s1;
	[sflag:s0] =	ssyncset.done @!p0 $0x0  }
0x63: {  	[sflag:s0] =	ssyncadd.s32 @!p0 s1  }
0x64: {  	[bflag:$0x3] =	sbarrier.arrive $0xFFFF  }
0x65: {  	_ =	shalt  }

</sc_bundles>
